<compile_context>
chip_gen: v7x
topology: tpu7x:2x2x1
jax: 0.10.2.dev20260603
libtpu: 0.0.44.dev20260713+nightly
codegen_flags: <defaults>
</compile_context>

<pallas_src>
import functools

import jax
import jax.numpy as jnp
from jax import lax
from jax.experimental import pallas as pl
from jax.experimental.pallas import tpu as pltpu
from jax.experimental.pallas import tpu_sc as plsc

N_NODES = 50000
N_EDGES = 800000
HD = 64
OUT_DIM = 128
N_LAYERS = 3

NT = 32
NSUB = 16
BLK = 256
NP = 50176
GRID = NP // BLK
HALF = NP // 2
SH = HALF + 64
ZPT = SH // NSUB
OPT = HALF // NSUB
OCH = 56
K = 64
G = 16
CPT = 784
EP = NSUB * CPT * K + G * K
GK = 112
GCH = (NP // NT) // GK
BIG = 1 << 28

_mesh = plsc.VectorSubcoreMesh(core_axis_name="c", subcore_axis_name="s")



@functools.partial(
    pl.kernel,
    out_type=jax.ShapeDtypeStruct((NP, HD), jnp.float32),
    mesh=_mesh,
    compiler_params=pltpu.CompilerParams(use_tc_tiling_on_sc=False),
    scratch_types=[
        pltpu.VMEM((GK,), jnp.int32),
        pltpu.VMEM((GK, HD), jnp.float32),
        pltpu.SemaphoreType.DMA,
    ],
)
def _sc_embed(an_hbm, emb_hbm, x_hbm, idx_v, rows_v, sem):
    wid = lax.axis_index("s") * 2 + lax.axis_index("c")

    def body(t, carry):
        base = wid * (NP // NT) + t * GK
        pltpu.sync_copy(an_hbm.at[pl.ds(base, GK)], idx_v)
        pltpu.async_copy(emb_hbm.at[idx_v], rows_v, sem).wait()
        pltpu.sync_copy(rows_v, x_hbm.at[pl.ds(base, GK)])
        return carry

    lax.fori_loop(0, GCH, body, 0)


@functools.partial(
    pl.kernel,
    out_type=jax.ShapeDtypeStruct((NP, HD), jnp.float32),
    mesh=_mesh,
    compiler_params=pltpu.CompilerParams(use_tc_tiling_on_sc=False),
    scratch_types=[
        pltpu.VMEM((G * K,), jnp.int32),
        pltpu.VMEM((G * K,), jnp.int32),
        [pltpu.VMEM((K,), jnp.int32)] * 2,
        [pltpu.VMEM((K,), jnp.int32)] * 2,
        [pltpu.VMEM((K,), jnp.int32)] * 2,
        [pltpu.VMEM((K, HD), jnp.float32)] * 2,
        [pltpu.VMEM((K, 2 * HD), jnp.float32)] * 2,
        pltpu.VMEM_SHARED((SH, HD), jnp.float32),
        [pltpu.SemaphoreType.DMA] * 2,
        [pltpu.SemaphoreType.DMA] * 2,
    ],
)
def _sc_edge(a_hbm, bc_hbm, row_hbm, col_hbm, s_hbm,
             irow_big, icol_big, ig, ick, il, ab, bc, acc, sema, semb):
    c = lax.axis_index("c")
    s = lax.axis_index("s")
    base = c * HALF
    eb = s * CPT * K

    def zero_ab(e, carry):
        for j in range(HD // 16):
            ab[0][e, pl.ds(j * 16, 16)] = jnp.zeros((16,), jnp.float32)
        return carry

    lax.fori_loop(0, K, zero_ab, 0)

    def zero_acc(t, carry):
        def mkrows(i, carry2):
            pos = t * K + i * 16 + lax.iota(jnp.int32, 16)
            il[0][pl.ds(i * 16, 16)] = jnp.where(pos < ZPT, s * ZPT + pos, HALF)
            return carry2

        lax.fori_loop(0, K // 16, mkrows, 0)
        pltpu.sync_copy(ab[0], acc.at[il[0]])
        return carry

    lax.fori_loop(0, (ZPT + K - 1) // K, zero_acc, 0)
    plsc.subcore_barrier()

    def load_group(tn):
        off = eb + tn * K
        pltpu.sync_copy(row_hbm.at[pl.ds(off, G * K)], irow_big)
        pltpu.sync_copy(col_hbm.at[pl.ds(off, G * K)], icol_big)

    def mkidx(tn, p):
        off_big = lax.rem(tn, G) * K

        def body(i, carry):
            off = pl.ds(i * 16, 16)
            r = irow_big[pl.ds(off_big + i * 16, 16)]
            cv = icol_big[pl.ds(off_big + i * 16, 16)]
            ig[p][off] = jnp.where(r < N_NODES, r, 0)
            ick[p][off] = cv
            l = r - base
            ok = (l >= 0) & (l < HALF)
            il[p][off] = jnp.where(ok, l, HALF)
            return carry

        lax.fori_loop(0, K // 16, body, 0)

    def fire(p):
        pltpu.async_copy(a_hbm.at[ig[p]], ab[p], sema[p])
        pltpu.async_copy(bc_hbm.at[ick[p]], bc[p], semb[p])

    def wait(p):
        pltpu.make_async_copy(a_hbm.at[ig[p]], ab[p], sema[p]).wait()
        pltpu.make_async_copy(bc_hbm.at[ick[p]], bc[p], semb[p]).wait()

    load_group(0)
    mkidx(0, 0)
    fire(0)

    def pair(tp, carry):
        for b in (0, 1):
            t = tp * 2 + b
            tn = t + 1
            wait(b)

            @pl.when(lax.rem(tn, G) == 0)
            def _():
                load_group(tn)

            mkidx(tn, 1 - b)
            fire(1 - b)

            def msg(e, carry2):
                for j in range(HD // 16):
                    jo = pl.ds(j * 16, 16)
                    av = ab[b][e, jo]
                    bv = bc[b][e, jo]
                    cv = bc[b][e, pl.ds(HD + j * 16, 16)]
                    g = 1.0 / (1.0 + jnp.exp(-(av + bv)))
                    ab[b][e, jo] = g * cv
                return carry2

            lax.fori_loop(0, K, msg, 0)
            pltpu.sync_copy(ab[b], acc.at[il[b]], add=True)
        return carry

    lax.fori_loop(0, CPT // 2, pair, 0)
    wait(0)
    plsc.subcore_barrier()

    def drain(t, carry):
        row0 = s * OPT + t * OCH

        def mkrows(i, carry2):
            pos = i * 16 + lax.iota(jnp.int32, 16)
            il[0][pl.ds(i * 16, 16)] = jnp.where(pos < OCH, row0 + pos, HALF)
            return carry2

        lax.fori_loop(0, K // 16, mkrows, 0)
        pltpu.async_copy(acc.at[il[0]], ab[0], sema[0]).wait()
        pltpu.sync_copy(ab[0].at[pl.ds(0, OCH)],
                        s_hbm.at[pl.ds(base + row0, OCH)])
        return carry

    lax.fori_loop(0, OPT // OCH, drain, 0)



def _dense_first_body(x_ref, wgr_ref, wgc_ref, wl_ref, bg_ref, bl_ref,
                      a_ref, bc_ref):
    x = x_ref[...]
    a_ref[...] = jnp.dot(x, wgr_ref[...], preferred_element_type=jnp.float32)
    bc_ref[:, :HD] = (jnp.dot(x, wgc_ref[...],
                              preferred_element_type=jnp.float32) + bg_ref[...])
    bc_ref[:, HD:] = (jnp.dot(x, wl_ref[...],
                              preferred_element_type=jnp.float32) + bl_ref[...])


def _dense_mid_body(s_ref, bcp_ref, wgr_ref, wgc_ref, wl_ref, bg_ref, bl_ref,
                    a_ref, bc_ref):
    x = jnp.maximum(s_ref[...] + bcp_ref[:, HD:], 0.0)
    a_ref[...] = jnp.dot(x, wgr_ref[...], preferred_element_type=jnp.float32)
    bc_ref[:, :HD] = (jnp.dot(x, wgc_ref[...],
                              preferred_element_type=jnp.float32) + bg_ref[...])
    bc_ref[:, HD:] = (jnp.dot(x, wl_ref[...],
                              preferred_element_type=jnp.float32) + bl_ref[...])


_row_spec = pl.BlockSpec((BLK, HD), lambda i: (i, 0))
_bc_spec = pl.BlockSpec((BLK, 2 * HD), lambda i: (i, 0))
_w_spec = pl.BlockSpec((HD, HD), lambda i: (0, 0))
_b_spec = pl.BlockSpec((1, HD), lambda i: (0, 0))

_dense_out = (jax.ShapeDtypeStruct((NP, HD), jnp.float32),
              jax.ShapeDtypeStruct((NP, 2 * HD), jnp.float32))
_dense_out_specs = [_row_spec, _bc_spec]

_tc_dense_first = pl.pallas_call(
    _dense_first_body,
    grid=(GRID,),
    in_specs=[_row_spec, _w_spec, _w_spec, _w_spec, _b_spec, _b_spec],
    out_specs=_dense_out_specs,
    out_shape=_dense_out,
)

_tc_dense_mid = pl.pallas_call(
    _dense_mid_body,
    grid=(GRID,),
    in_specs=[_row_spec, _bc_spec, _w_spec, _w_spec, _w_spec, _b_spec, _b_spec],
    out_specs=_dense_out_specs,
    out_shape=_dense_out,
)


def _pool_body(s_ref, bcp_ref, w1_ref, b1_ref, w2_ref, b2_ref, o_ref, acc_ref):
    pid = pl.program_id(0)
    x = jnp.maximum(s_ref[...] + bcp_ref[:, HD:], 0.0)
    gid = pid * BLK + lax.broadcasted_iota(jnp.int32, (BLK, 1), 0)
    x = jnp.where(gid < N_NODES, x, 0.0)

    @pl.when(pid == 0)
    def _():
        acc_ref[...] = x

    @pl.when(pid != 0)
    def _():
        acc_ref[...] = acc_ref[...] + x

    @pl.when(pid == GRID - 1)
    def _():
        h = jnp.sum(acc_ref[...], axis=0, keepdims=True) * (1.0 / N_NODES)
        h1 = jnp.maximum(
            jnp.dot(h, w1_ref[...], preferred_element_type=jnp.float32)
            + b1_ref[...], 0.0)
        o_ref[...] = (jnp.dot(h1, w2_ref[...],
                              preferred_element_type=jnp.float32) + b2_ref[...])


_tc_pool = pl.pallas_call(
    _pool_body,
    grid=(GRID,),
    in_specs=[_row_spec, _bc_spec, _w_spec,
              pl.BlockSpec((1, HD), lambda i: (0, 0)),
              pl.BlockSpec((HD, OUT_DIM), lambda i: (0, 0)),
              pl.BlockSpec((1, OUT_DIM), lambda i: (0, 0))],
    out_specs=pl.BlockSpec((1, OUT_DIM), lambda i: (0, 0)),
    out_shape=jax.ShapeDtypeStruct((1, OUT_DIM), jnp.float32),
    scratch_shapes=[pltpu.VMEM((BLK, HD), jnp.float32)],
)



def kernel(atomic_numbers, positions, lattice, edge_index, emb, Wl, bl,
           Wg, bg, W1, b1, W2, b2):
    an = atomic_numbers.astype(jnp.int32)
    anp = jnp.concatenate([an, jnp.zeros((NP - N_NODES,), jnp.int32)])
    row = edge_index[0].astype(jnp.int32)
    col = edge_index[1].astype(jnp.int32)
    rowp = jnp.concatenate([row, jnp.full((EP - N_EDGES,), BIG, jnp.int32)])
    colp = jnp.concatenate([col, jnp.zeros((EP - N_EDGES,), jnp.int32)])
    x0 = _sc_embed(anp, emb)
    A, BC = _tc_dense_first(x0, Wg[0, :HD], Wg[0, HD:], Wl[0],
                            bg[0].reshape(1, HD), bl[0].reshape(1, HD))
    S = _sc_edge(A, BC, rowp, colp)
    for i in range(1, N_LAYERS):
        A, BC = _tc_dense_mid(S, BC, Wg[i, :HD], Wg[i, HD:], Wl[i],
                              bg[i].reshape(1, HD), bl[i].reshape(1, HD))
        S = _sc_edge(A, BC, rowp, colp)
    out = _tc_pool(S, BC, W1, b1.reshape(1, HD), W2, b2.reshape(1, OUT_DIM))
    return out.reshape(OUT_DIM)

# --- scband reference (transcript-rebuilt; emitter-appended) ---
"""Pipeline reference for scband-crystal-graph-encoder-7275674599727 (READ-ONLY COPY).

The authoritative reference and input builder live on the scoring server;
editing this copy changes nothing except your own understanding.
"""

import jax, jax.numpy as jnp
import numpy as np

N_NODES = 50000
N_EDGES = 800000
HD = 64
OUT_DIM = 128
N_LAYERS = 3
N_ELEMENTS = 100


def setup_inputs(seed: int = 0) -> dict:
    key = jax.random.key(seed)
    ks = jax.random.split(key, 12)
    atomic_numbers = jax.random.randint(ks[0], (N_NODES,), 0, N_ELEMENTS)
    positions = jax.random.uniform(ks[1], (N_NODES, 3), dtype=jnp.float32)
    lattice = jax.random.normal(ks[2], (3, 3), dtype=jnp.float32)
    edge_index = jax.random.randint(ks[3], (2, N_EDGES), 0, N_NODES)
    emb = jax.random.normal(ks[4], (N_ELEMENTS, HD), dtype=jnp.float32) * 0.05
    Wl = jax.random.normal(ks[5], (N_LAYERS, HD, HD), dtype=jnp.float32) * 0.05
    bl = jnp.zeros((N_LAYERS, HD), dtype=jnp.float32)
    Wg = jax.random.normal(ks[6], (N_LAYERS, 2 * HD, HD), dtype=jnp.float32) * 0.05
    bg = jnp.zeros((N_LAYERS, HD), dtype=jnp.float32)
    W1 = jax.random.normal(ks[7], (HD, HD), dtype=jnp.float32) * 0.05
    b1 = jnp.zeros((HD,), dtype=jnp.float32)
    W2 = jax.random.normal(ks[8], (HD, OUT_DIM), dtype=jnp.float32) * 0.05
    b2 = jnp.zeros((OUT_DIM,), dtype=jnp.float32)
    return {
        'atomic_numbers': atomic_numbers,
        'positions': positions,
        'lattice': lattice,
        'edge_index': edge_index,
        'emb': emb,
        'Wl': Wl, 'bl': bl, 'Wg': Wg, 'bg': bg,
        'W1': W1, 'b1': b1, 'W2': W2, 'b2': b2,
    }


def reference(atomic_numbers, positions, lattice, edge_index, emb, Wl, bl, Wg, bg, W1, b1, W2, b2):
    # atom embedding lookup (gather)
    x = jnp.take(emb, atomic_numbers, axis=0)
    row = edge_index[0]
    col = edge_index[1]
    for i in range(N_LAYERS):
        # CrystalGraphConv: gated message passing
        nbr = x[col]
        gate_input = jnp.concatenate([x[row], nbr], axis=-1)
        gate = jax.nn.sigmoid(gate_input @ Wg[i] + bg[i])
        messages = gate * (nbr @ Wl[i] + bl[i])
        out = jnp.zeros_like(x).at[row].add(messages)
        out = out + (x @ Wl[i] + bl[i])
        x = jax.nn.relu(out)
    # global mean pool over atoms
    h = jnp.mean(x, axis=0)
    # output MLP
    h = jax.nn.relu(h @ W1 + b1)
    out = h @ W2 + b2
    return out

if __name__ == "__main__":
    import jax
    _d = setup_inputs()
    print(jax.jit(kernel)(*tuple(_d.values())))

</pallas_src>

<mosaic_0001>
#map = affine_map<(d0, d1) -> (0, 0)>
#map1 = affine_map<(d0, d1) -> (0)>
module attributes {stable_mosaic.version = 14 : i64} {
  func.func @_sc_edge(%arg0: i32, %arg1: i32, %arg2: memref<50176x64xf32, #tpu.memory_space<hbm>>, %arg3: memref<50176x128xf32, #tpu.memory_space<hbm>>, %arg4: memref<803840xi32, #tpu.memory_space<hbm>>, %arg5: memref<803840xi32, #tpu.memory_space<hbm>>, %arg6: memref<50176x64xf32, #tpu.memory_space<hbm>>, %arg7: memref<1024xi32, #tpu.memory_space<vmem>>, %arg8: memref<1024xi32, #tpu.memory_space<vmem>>, %arg9: memref<64xi32, #tpu.memory_space<vmem>>, %arg10: memref<64xi32, #tpu.memory_space<vmem>>, %arg11: memref<64xi32, #tpu.memory_space<vmem>>, %arg12: memref<64xi32, #tpu.memory_space<vmem>>, %arg13: memref<64xi32, #tpu.memory_space<vmem>>, %arg14: memref<64xi32, #tpu.memory_space<vmem>>, %arg15: memref<64x64xf32, #tpu.memory_space<vmem>>, %arg16: memref<64x64xf32, #tpu.memory_space<vmem>>, %arg17: memref<64x128xf32, #tpu.memory_space<vmem>>, %arg18: memref<64x128xf32, #tpu.memory_space<vmem>>, %arg19: memref<25152x64xf32, #tpu.memory_space<vmem_shared>>, %arg20: memref<!tpu.dma_semaphore, #tpu.memory_space<semaphore_mem>>, %arg21: memref<!tpu.dma_semaphore, #tpu.memory_space<semaphore_mem>>, %arg22: memref<!tpu.dma_semaphore, #tpu.memory_space<semaphore_mem>>, %arg23: memref<!tpu.dma_semaphore, #tpu.memory_space<semaphore_mem>>) attributes {dimension_semantics = [#tpu.dimension_semantics<core_parallel>, #tpu.dimension_semantics<subcore_parallel>], iteration_bounds = array<i64: 2, 16>, scalar_prefetch = 0 : i64, scratch_operands = 17 : i64, tpu.core_type = #tpu.core_type<sc_vector_subcore>, window_params = [{transform_indices = #map}, {transform_indices = #map}, {transform_indices = #map1}, {transform_indices = #map1}, {transform_indices = #map}]} {
    %mul3A = arith.constant 25088 : i32
    %mul3A_0 = arith.muli %arg0, %mul3A : i32
    %mul3A_1 = arith.constant 784 : i32
    %mul3A_2 = arith.muli %arg1, %mul3A_1 : i32
    %mul3A_3 = arith.constant 64 : i32
    %mul3A_4 = arith.muli %mul3A_2, %mul3A_3 : i32
    %scan3A = arith.constant 0 : i32
    %scan3A_5 = arith.constant 0 : i32
    %scan3A_6 = arith.constant 64 : i32
    %scan3A_7 = arith.addi %scan3A_5, %scan3A_6 : i32
    %scan3A_8 = arith.constant 1 : i32
    scf.for %scan3A_50 = %scan3A_5 to %scan3A_7 step %scan3A_8  : i32 {
      %broadcast_in_dim3A = arith.constant 0.000000e+00 : f32
      %broadcast_in_dim3A_51 = vector.broadcast %broadcast_in_dim3A : f32 to vector<16xf32>
      %swap3A = arith.index_cast %scan3A_50 : i32 to index
      %swap3A_52 = arith.constant 0 : index
      %swap3A_53 = tpu.vector_load %arg15[%swap3A, %swap3A_52] {strides = array<i32>} : memref<64x64xf32, #tpu.memory_space<vmem>>, vector<1x16xf32>,
      %swap3A_54 = vector.shape_cast %swap3A_53 : vector<1x16xf32> to vector<16xf32>
      %swap3A_55 = vector.shape_cast %broadcast_in_dim3A_51 : vector<16xf32> to vector<1x16xf32>
      tpu.vector_store %arg15[%swap3A, %swap3A_52], %swap3A_55 {strides = array<i32>} : memref<64x64xf32, #tpu.memory_space<vmem>>, vector<1x16xf32>,
      %broadcast_in_dim3A_56 = arith.constant 0.000000e+00 : f32
      %broadcast_in_dim3A_57 = vector.broadcast %broadcast_in_dim3A_56 : f32 to vector<16xf32>
      %swap3A_58 = arith.index_cast %scan3A_50 : i32 to index
      %swap3A_59 = arith.constant 16 : index
      %swap3A_60 = tpu.vector_load %arg15[%swap3A_58, %swap3A_59] {strides = array<i32>} : memref<64x64xf32, #tpu.memory_space<vmem>>, vector<1x16xf32>,
      %swap3A_61 = vector.shape_cast %swap3A_60 : vector<1x16xf32> to vector<16xf32>
      %swap3A_62 = vector.shape_cast %broadcast_in_dim3A_57 : vector<16xf32> to vector<1x16xf32>
      tpu.vector_store %arg15[%swap3A_58, %swap3A_59], %swap3A_62 {strides = array<i32>} : memref<64x64xf32, #tpu.memory_space<vmem>>, vector<1x16xf32>,
      %broadcast_in_dim3A_63 = arith.constant 0.000000e+00 : f32
      %broadcast_in_dim3A_64 = vector.broadcast %broadcast_in_dim3A_63 : f32 to vector<16xf32>
      %swap3A_65 = arith.index_cast %scan3A_50 : i32 to index
      %swap3A_66 = arith.constant 32 : index
      %swap3A_67 = tpu.vector_load %arg15[%swap3A_65, %swap3A_66] {strides = array<i32>} : memref<64x64xf32, #tpu.memory_space<vmem>>, vector<1x16xf32>,
      %swap3A_68 = vector.shape_cast %swap3A_67 : vector<1x16xf32> to vector<16xf32>
      %swap3A_69 = vector.shape_cast %broadcast_in_dim3A_64 : vector<16xf32> to vector<1x16xf32>
      tpu.vector_store %arg15[%swap3A_65, %swap3A_66], %swap3A_69 {strides = array<i32>} : memref<64x64xf32, #tpu.memory_space<vmem>>, vector<1x16xf32>,
      %broadcast_in_dim3A_70 = arith.constant 0.000000e+00 : f32
      %broadcast_in_dim3A_71 = vector.broadcast %broadcast_in_dim3A_70 : f32 to vector<16xf32>
      %swap3A_72 = arith.index_cast %scan3A_50 : i32 to index
      %swap3A_73 = arith.constant 48 : index
      %swap3A_74 = tpu.vector_load %arg15[%swap3A_72, %swap3A_73] {strides = array<i32>} : memref<64x64xf32, #tpu.memory_space<vmem>>, vector<1x16xf32>,
      %swap3A_75 = vector.shape_cast %swap3A_74 : vector<1x16xf32> to vector<16xf32>
      %swap3A_76 = vector.shape_cast %broadcast_in_dim3A_71 : vector<16xf32> to vector<1x16xf32>
      tpu.vector_store %arg15[%swap3A_72, %swap3A_73], %swap3A_76 {strides = array<i32>} : memref<64x64xf32, #tpu.memory_space<vmem>>, vector<1x16xf32>,
    }
    %scan3A_9 = arith.constant 64 : i32
    %scan3A_10 = arith.constant 0 : i32
    %scan3A_11 = arith.constant 0 : i32
    %scan3A_12 = arith.constant 25 : i32
    %scan3A_13 = arith.addi %scan3A_11, %scan3A_12 : i32
    %scan3A_14 = arith.constant 1 : i32
    scf.for %scan3A_50 = %scan3A_11 to %scan3A_13 step %scan3A_14  : i32 {
      %scan3A_51 = arith.constant 0 : i32
      %scan3A_52 = arith.constant 0 : i32
      %scan3A_53 = arith.constant 4 : i32
      %scan3A_54 = arith.addi %scan3A_52, %scan3A_53 : i32
      %scan3A_55 = arith.constant 1 : i32
      scf.for %scan3A_57 = %scan3A_52 to %scan3A_54 step %scan3A_55  : i32 {
        %mul3A_58 = arith.constant 64 : i32
        %mul3A_59 = arith.muli %scan3A_50, %mul3A_58 : i32
        %mul3A_60 = arith.constant 16 : i32
        %mul3A_61 = arith.muli %scan3A_57, %mul3A_60 : i32
        %add3A_62 = arith.addi %mul3A_59, %mul3A_61 : i32
        %iota3A = tpu.iota {dimensions = array<i32: 0>} : vector<16xi32>
        %add3A_63 = vector.broadcast %add3A_62 : i32 to vector<16xi32>
        %add3A_64 = arith.addi %add3A_63, %iota3A : vector<16xi32>
        %lt3A = arith.constant 1572 : i32
        %lt3A_65 = vector.broadcast %lt3A : i32 to vector<16xi32>
        %lt3A_66 = arith.cmpi slt, %add3A_64, %lt3A_65 : vector<16xi32>
        %mul3A_67 = arith.constant 1572 : i32
        %mul3A_68 = arith.muli %arg1, %mul3A_67 : i32
        %add3A_69 = vector.broadcast %mul3A_68 : i32 to vector<16xi32>
        %add3A_70 = arith.addi %add3A_69, %add3A_64 : vector<16xi32>
        %jit3A = arith.constant 25088 : i32
        %broadcast_in_dim3A = vector.broadcast %jit3A : i32 to vector<16xi32>
        %select_n3A = arith.select %lt3A_66, %add3A_70, %broadcast_in_dim3A : vector<16xi1>, vector<16xi32>
        %mul3A_71 = arith.constant 16 : i32
        %mul3A_72 = arith.muli %scan3A_57, %mul3A_71 : i32
        %swap3A = arith.index_cast %mul3A_72 : i32 to index
        %swap3A_73 = tpu.vector_load %arg13[%swap3A] {strides = array<i32>} : memref<64xi32, #tpu.memory_space<vmem>>, vector<16xi32>,
        %swap3A_74 = vector.shape_cast %swap3A_73 : vector<16xi32> to vector<16xi32>
        %swap3A_75 = vector.shape_cast %select_n3A : vector<16xi32> to vector<16xi32>
        tpu.vector_store %arg13[%swap3A], %swap3A_75 {strides = array<i32>} : memref<64xi32, #tpu.memory_space<vmem>>, vector<16xi32>,
      }
      %scan3A_56 = arith.constant 4 : i32
      "tpu.region"() ({
        %run_scoped3A = tpu.sem_alloc : memref<!tpu.dma_semaphore, #tpu.memory_space<semaphore_mem>>
        %dma_start3A_57 = arith.constant 0 : i32
        %dma_start3A_58 = arith.constant 0 : i32
        %dma_start3A_59 = tpu.memref_slice %arg19[%dma_start3A_57, %dma_start3A_58] : memref<25152x64xf32, #tpu.memory_space<vmem_shared>> -> memref<25152x64xf32, #tpu.memory_space<vmem_shared>>
        tpu.enqueue_indirect_dma source(%arg15 : memref<64x64xf32, #tpu.memory_space<vmem>>) target(%dma_start3A_59 : memref<25152x64xf32, #tpu.memory_space<vmem_shared>>) offsets(%arg13 : memref<64xi32, #tpu.memory_space<vmem>>) semaphore(%run_scoped3A : memref<!tpu.dma_semaphore, #tpu.memory_space<semaphore_mem>>)
        %dma_wait3A_60 = arith.constant 0 : i32
        %dma_wait3A_61 = arith.constant 0 : i32
        %dma_wait3A_62 = tpu.memref_slice %arg19[%dma_wait3A_60, %dma_wait3A_61] : memref<25152x64xf32, #tpu.memory_space<vmem_shared>> -> memref<25152x64xf32, #tpu.memory_space<vmem_shared>>
        tpu.wait_indirect_dma semaphore(%run_scoped3A : memref<!tpu.dma_semaphore, #tpu.memory_space<semaphore_mem>>) src(%arg15 : memref<64x64xf32, #tpu.memory_space<vmem>>) dst(%dma_wait3A_62 : memref<25152x64xf32, #tpu.memory_space<vmem_shared>>)
        tpu.yield
      }) : () -> ()
    }
    %scan3A_15 = arith.constant 25 : i32
    %barrier3A = arith.constant 0 : index
    tpu.barrier barrier_id(%barrier3A)
    %add3A = arith.constant 0 : i32
    %add3A_16 = arith.addi %mul3A_4, %add3A : i32
    "tpu.region"() ({
      %run_scoped3A = tpu.sem_alloc : memref<!tpu.dma_semaphore, #tpu.memory_space<semaphore_mem>>
      %dma_start3A_50 = tpu.memref_slice %arg4[%add3A_16] : memref<803840xi32, #tpu.memory_space<hbm>> -> memref<1024xi32, #tpu.memory_space<hbm>>
      %dma_start3A_51 = tpu.memref_slice %arg4[%add3A_16] : memref<803840xi32, #tpu.memory_space<hbm>> -> memref<1024xi32, #tpu.memory_space<hbm>>
      tpu.enqueue_dma source(%dma_start3A_51 : memref<1024xi32, #tpu.memory_space<hbm>>) target(%arg7 : memref<1024xi32, #tpu.memory_space<vmem>>) target_semaphore(%run_scoped3A : memref<!tpu.dma_semaphore, #tpu.memory_space<semaphore_mem>>)
      %dma_wait3A_52 = tpu.memref_slice %arg4[%add3A_16] : memref<803840xi32, #tpu.memory_space<hbm>> -> memref<1024xi32, #tpu.memory_space<hbm>>
      %dma_wait3A_53 = tpu.memref_slice %arg4[%add3A_16] : memref<803840xi32, #tpu.memory_space<hbm>> -> memref<1024xi32, #tpu.memory_space<hbm>>
      tpu.wait_dma2 semaphore(%run_scoped3A : memref<!tpu.dma_semaphore, #tpu.memory_space<semaphore_mem>>) src(%dma_wait3A_53 : memref<1024xi32, #tpu.memory_space<hbm>>) dst(%arg7 : memref<1024xi32, #tpu.memory_space<vmem>>)
      tpu.yield
    }) : () -> ()
    "tpu.region"() ({
      %run_scoped3A = tpu.sem_alloc : memref<!tpu.dma_semaphore, #tpu.memory_space<semaphore_mem>>
      %dma_start3A_50 = tpu.memref_slice %arg5[%add3A_16] : memref<803840xi32, #tpu.memory_space<hbm>> -> memref<1024xi32, #tpu.memory_space<hbm>>
      %dma_start3A_51 = tpu.memref_slice %arg5[%add3A_16] : memref<803840xi32, #tpu.memory_space<hbm>> -> memref<1024xi32, #tpu.memory_space<hbm>>
      tpu.enqueue_dma source(%dma_start3A_51 : memref<1024xi32, #tpu.memory_space<hbm>>) target(%arg8 : memref<1024xi32, #tpu.memory_space<vmem>>) target_semaphore(%run_scoped3A : memref<!tpu.dma_semaphore, #tpu.memory_space<semaphore_mem>>)
      %dma_wait3A_52 = tpu.memref_slice %arg5[%add3A_16] : memref<803840xi32, #tpu.memory_space<hbm>> -> memref<1024xi32, #tpu.memory_space<hbm>>
      %dma_wait3A_53 = tpu.memref_slice %arg5[%add3A_16] : memref<803840xi32, #tpu.memory_space<hbm>> -> memref<1024xi32, #tpu.memory_space<hbm>>
      tpu.wait_dma2 semaphore(%run_scoped3A : memref<!tpu.dma_semaphore, #tpu.memory_space<semaphore_mem>>) src(%dma_wait3A_53 : memref<1024xi32, #tpu.memory_space<hbm>>) dst(%arg8 : memref<1024xi32, #tpu.memory_space<vmem>>)
      tpu.yield
    }) : () -> ()
    %rem3A = arith.constant 0 : i32
    %rem3A_17 = arith.constant 16 : i32
    %rem3A_18 = arith.remsi %rem3A, %rem3A_17 : i32
    %mul3A_19 = arith.constant 64 : i32
    %mul3A_20 = arith.muli %rem3A_18, %mul3A_19 : i32
    %scan3A_21 = arith.constant 0 : i32
    %scan3A_22 = arith.constant 0 : i32
    %scan3A_23 = arith.constant 4 : i32
    %scan3A_24 = arith.addi %scan3A_22, %scan3A_23 : i32
    %scan3A_25 = arith.constant 1 : i32
    scf.for %scan3A_50 = %scan3A_22 to %scan3A_24 step %scan3A_25  : i32 {
      %mul3A_51 = arith.constant 16 : i32
      %mul3A_52 = arith.muli %scan3A_50, %mul3A_51 : i32
      %mul3A_53 = arith.constant 16 : i32
      %mul3A_54 = arith.muli %scan3A_50, %mul3A_53 : i32
      %add3A_55 = arith.addi %mul3A_20, %mul3A_54 : i32
      %get3A = arith.index_cast %add3A_55 : i32 to index
      %get3A_56 = tpu.vector_load %arg7[%get3A] {strides = array<i32>} : memref<1024xi32, #tpu.memory_space<vmem>>, vector<16xi32>,
      %get3A_57 = vector.shape_cast %get3A_56 : vector<16xi32> to vector<16xi32>
      %mul3A_58 = arith.constant 16 : i32
      %mul3A_59 = arith.muli %scan3A_50, %mul3A_58 : i32
      %add3A_60 = arith.addi %mul3A_20, %mul3A_59 : i32
      %get3A_61 = arith.index_cast %add3A_60 : i32 to index
      %get3A_62 = tpu.vector_load %arg8[%get3A_61] {strides = array<i32>} : memref<1024xi32, #tpu.memory_space<vmem>>, vector<16xi32>,
      %get3A_63 = vector.shape_cast %get3A_62 : vector<16xi32> to vector<16xi32>
      %lt3A = arith.constant 50000 : i32
      %lt3A_64 = vector.broadcast %lt3A : i32 to vector<16xi32>
      %lt3A_65 = arith.cmpi slt, %get3A_57, %lt3A_64 : vector<16xi32>
      %jit3A = arith.constant 0 : i32
      %broadcast_in_dim3A = vector.broadcast %jit3A : i32 to vector<16xi32>
      %select_n3A = arith.select %lt3A_65, %get3A_57, %broadcast_in_dim3A : vector<16xi1>, vector<16xi32>
      %swap3A = arith.index_cast %mul3A_52 : i32 to index
      %swap3A_66 = tpu.vector_load %arg9[%swap3A] {strides = array<i32>} : memref<64xi32, #tpu.memory_space<vmem>>, vector<16xi32>,
      %swap3A_67 = vector.shape_cast %swap3A_66 : vector<16xi32> to vector<16xi32>
      %swap3A_68 = vector.shape_cast %select_n3A : vector<16xi32> to vector<16xi32>
      tpu.vector_store %arg9[%swap3A], %swap3A_68 {strides = array<i32>} : memref<64xi32, #tpu.memory_space<vmem>>, vector<16xi32>,
      %swap3A_69 = arith.index_cast %mul3A_52 : i32 to index
      %swap3A_70 = tpu.vector_load %arg11[%swap3A_69] {strides = array<i32>} : memref<64xi32, #tpu.memory_space<vmem>>, vector<16xi32>,
      %swap3A_71 = vector.shape_cast %swap3A_70 : vector<16xi32> to vector<16xi32>
      %swap3A_72 = vector.shape_cast %get3A_63 : vector<16xi32> to vector<16xi32>
      tpu.vector_store %arg11[%swap3A_69], %swap3A_72 {strides = array<i32>} : memref<64xi32, #tpu.memory_space<vmem>>, vector<16xi32>,
      %sub3A = vector.broadcast %mul3A_0 : i32 to vector<16xi32>
      %sub3A_73 = arith.subi %get3A_57, %sub3A : vector<16xi32>
      %ge3A = arith.constant 0 : i32
      %ge3A_74 = vector.broadcast %ge3A : i32 to vector<16xi32>
      %ge3A_75 = arith.cmpi sge, %sub3A_73, %ge3A_74 : vector<16xi32>
      %lt3A_76 = arith.constant 25088 : i32
      %lt3A_77 = vector.broadcast %lt3A_76 : i32 to vector<16xi32>
      %lt3A_78 = arith.cmpi slt, %sub3A_73, %lt3A_77 : vector<16xi32>
      %and3A = arith.andi %ge3A_75, %lt3A_78 : vector<16xi1>
      %jit3A_79 = arith.constant 25088 : i32
      %broadcast_in_dim3A_80 = vector.broadcast %jit3A_79 : i32 to vector<16xi32>
      %select_n3A_81 = arith.select %and3A, %sub3A_73, %broadcast_in_dim3A_80 : vector<16xi1>, vector<16xi32>
      %swap3A_82 = arith.index_cast %mul3A_52 : i32 to index
      %swap3A_83 = tpu.vector_load %arg13[%swap3A_82] {strides = array<i32>} : memref<64xi32, #tpu.memory_space<vmem>>, vector<16xi32>,
      %swap3A_84 = vector.shape_cast %swap3A_83 : vector<16xi32> to vector<16xi32>
      %swap3A_85 = vector.shape_cast %select_n3A_81 : vector<16xi32> to vector<16xi32>
      tpu.vector_store %arg13[%swap3A_82], %swap3A_85 {strides = array<i32>} : memref<64xi32, #tpu.memory_space<vmem>>, vector<16xi32>,
    }
    %scan3A_26 = arith.constant 4 : i32
    %dma_start3A = arith.constant 0 : i32
    %dma_start3A_27 = arith.constant 0 : i32
    %dma_start3A_28 = tpu.memref_slice %arg2[%dma_start3A, %dma_start3A_27] : memref<50176x64xf32, #tpu.memory_space<hbm>> -> memref<50176x64xf32, #tpu.memory_space<hbm>>
    tpu.enqueue_indirect_dma source(%dma_start3A_28 : memref<50176x64xf32, #tpu.memory_space<hbm>>) target(%arg15 : memref<64x64xf32, #tpu.memory_space<vmem>>) offsets(%arg9 : memref<64xi32, #tpu.memory_space<vmem>>) semaphore(%arg20 : memref<!tpu.dma_semaphore, #tpu.memory_space<semaphore_mem>>)
    %dma_start3A_29 = arith.constant 0 : i32
    %dma_start3A_30 = arith.constant 0 : i32
    %dma_start3A_31 = tpu.memref_slice %arg3[%dma_start3A_29, %dma_start3A_30] : memref<50176x128xf32, #tpu.memory_space<hbm>> -> memref<50176x128xf32, #tpu.memory_space<hbm>>
    tpu.enqueue_indirect_dma source(%dma_start3A_31 : memref<50176x128xf32, #tpu.memory_space<hbm>>) target(%arg17 : memref<64x128xf32, #tpu.memory_space<vmem>>) offsets(%arg11 : memref<64xi32, #tpu.memory_space<vmem>>) semaphore(%arg22 : memref<!tpu.dma_semaphore, #tpu.memory_space<semaphore_mem>>)
    %scan3A_32 = arith.constant 0 : i32
    %scan3A_33 = arith.constant 0 : i32
    %scan3A_34 = arith.constant 392 : i32
    %scan3A_35 = arith.addi %scan3A_33, %scan3A_34 : i32
    %scan3A_36 = arith.constant 1 : i32
    scf.for %scan3A_50 = %scan3A_33 to %scan3A_35 step %scan3A_36  : i32 {
      %mul3A_51 = arith.constant 2 : i32
      %mul3A_52 = arith.muli %scan3A_50, %mul3A_51 : i32
      %add3A_53 = arith.constant 0 : i32
      %add3A_54 = arith.addi %mul3A_52, %add3A_53 : i32
      %add3A_55 = arith.constant 1 : i32
      %add3A_56 = arith.addi %add3A_54, %add3A_55 : i32
      %dma_wait3A_57 = arith.constant 0 : i32
      %dma_wait3A_58 = arith.constant 0 : i32
      %dma_wait3A_59 = tpu.memref_slice %arg2[%dma_wait3A_57, %dma_wait3A_58] : memref<50176x64xf32, #tpu.memory_space<hbm>> -> memref<50176x64xf32, #tpu.memory_space<hbm>>
      tpu.wait_indirect_dma semaphore(%arg20 : memref<!tpu.dma_semaphore, #tpu.memory_space<semaphore_mem>>) src(%dma_wait3A_59 : memref<50176x64xf32, #tpu.memory_space<hbm>>) dst(%arg15 : memref<64x64xf32, #tpu.memory_space<vmem>>)
      %dma_wait3A_60 = arith.constant 0 : i32
      %dma_wait3A_61 = arith.constant 0 : i32
      %dma_wait3A_62 = tpu.memref_slice %arg3[%dma_wait3A_60, %dma_wait3A_61] : memref<50176x128xf32, #tpu.memory_space<hbm>> -> memref<50176x128xf32, #tpu.memory_space<hbm>>
      tpu.wait_indirect_dma semaphore(%arg22 : memref<!tpu.dma_semaphore, #tpu.memory_space<semaphore_mem>>) src(%dma_wait3A_62 : memref<50176x128xf32, #tpu.memory_space<hbm>>) dst(%arg17 : memref<64x128xf32, #tpu.memory_space<vmem>>)
      %rem3A_63 = arith.constant 16 : i32
      %rem3A_64 = arith.remsi %add3A_56, %rem3A_63 : i32
      %eq3A = arith.constant 0 : i32
      %eq3A_65 = arith.cmpi eq, %rem3A_64, %eq3A : i32
      %convert_element_type3A = arith.extui %eq3A_65 : i1 to i32
      %cond3A = arith.constant 0 : i32
      %cond3A_66 = arith.cmpi ne, %convert_element_type3A, %cond3A : i32
      scf.if %cond3A_66 {
        %mul3A_130 = arith.constant 64 : i32
        %mul3A_131 = arith.muli %add3A_56, %mul3A_130 : i32
        %add3A_132 = arith.addi %mul3A_4, %mul3A_131 : i32
        "tpu.region"() ({
          %run_scoped3A = tpu.sem_alloc : memref<!tpu.dma_semaphore, #tpu.memory_space<semaphore_mem>>
          %dma_start3A_133 = tpu.memref_slice %arg4[%add3A_132] : memref<803840xi32, #tpu.memory_space<hbm>> -> memref<1024xi32, #tpu.memory_space<hbm>>
          %dma_start3A_134 = tpu.memref_slice %arg4[%add3A_132] : memref<803840xi32, #tpu.memory_space<hbm>> -> memref<1024xi32, #tpu.memory_space<hbm>>
          tpu.enqueue_dma source(%dma_start3A_134 : memref<1024xi32, #tpu.memory_space<hbm>>) target(%arg7 : memref<1024xi32, #tpu.memory_space<vmem>>) target_semaphore(%run_scoped3A : memref<!tpu.dma_semaphore, #tpu.memory_space<semaphore_mem>>)
          %dma_wait3A_135 = tpu.memref_slice %arg4[%add3A_132] : memref<803840xi32, #tpu.memory_space<hbm>> -> memref<1024xi32, #tpu.memory_space<hbm>>
          %dma_wait3A_136 = tpu.memref_slice %arg4[%add3A_132] : memref<803840xi32, #tpu.memory_space<hbm>> -> memref<1024xi32, #tpu.memory_space<hbm>>
          tpu.wait_dma2 semaphore(%run_scoped3A : memref<!tpu.dma_semaphore, #tpu.memory_space<semaphore_mem>>) src(%dma_wait3A_136 : memref<1024xi32, #tpu.memory_space<hbm>>) dst(%arg7 : memref<1024xi32, #tpu.memory_space<vmem>>)
          tpu.yield
        }) : () -> ()
        "tpu.region"() ({
          %run_scoped3A = tpu.sem_alloc : memref<!tpu.dma_semaphore, #tpu.memory_space<semaphore_mem>>
          %dma_start3A_133 = tpu.memref_slice %arg5[%add3A_132] : memref<803840xi32, #tpu.memory_space<hbm>> -> memref<1024xi32, #tpu.memory_space<hbm>>
          %dma_start3A_134 = tpu.memref_slice %arg5[%add3A_132] : memref<803840xi32, #tpu.memory_space<hbm>> -> memref<1024xi32, #tpu.memory_space<hbm>>
          tpu.enqueue_dma source(%dma_start3A_134 : memref<1024xi32, #tpu.memory_space<hbm>>) target(%arg8 : memref<1024xi32, #tpu.memory_space<vmem>>) target_semaphore(%run_scoped3A : memref<!tpu.dma_semaphore, #tpu.memory_space<semaphore_mem>>)
          %dma_wait3A_135 = tpu.memref_slice %arg5[%add3A_132] : memref<803840xi32, #tpu.memory_space<hbm>> -> memref<1024xi32, #tpu.memory_space<hbm>>
          %dma_wait3A_136 = tpu.memref_slice %arg5[%add3A_132] : memref<803840xi32, #tpu.memory_space<hbm>> -> memref<1024xi32, #tpu.memory_space<hbm>>
          tpu.wait_dma2 semaphore(%run_scoped3A : memref<!tpu.dma_semaphore, #tpu.memory_space<semaphore_mem>>) src(%dma_wait3A_136 : memref<1024xi32, #tpu.memory_space<hbm>>) dst(%arg8 : memref<1024xi32, #tpu.memory_space<vmem>>)
          tpu.yield
        }) : () -> ()
      } else {
      }
      %rem3A_67 = arith.constant 16 : i32
      %rem3A_68 = arith.remsi %add3A_56, %rem3A_67 : i32
      %mul3A_69 = arith.constant 64 : i32
      %mul3A_70 = arith.muli %rem3A_68, %mul3A_69 : i32
      %scan3A_71 = arith.constant 0 : i32
      %scan3A_72 = arith.constant 0 : i32
      %scan3A_73 = arith.constant 4 : i32
      %scan3A_74 = arith.addi %scan3A_72, %scan3A_73 : i32
      %scan3A_75 = arith.constant 1 : i32
      scf.for %scan3A_130 = %scan3A_72 to %scan3A_74 step %scan3A_75  : i32 {
        %mul3A_131 = arith.constant 16 : i32
        %mul3A_132 = arith.muli %scan3A_130, %mul3A_131 : i32
        %mul3A_133 = arith.constant 16 : i32
        %mul3A_134 = arith.muli %scan3A_130, %mul3A_133 : i32
        %add3A_135 = arith.addi %mul3A_70, %mul3A_134 : i32
        %get3A = arith.index_cast %add3A_135 : i32 to index
        %get3A_136 = tpu.vector_load %arg7[%get3A] {strides = array<i32>} : memref<1024xi32, #tpu.memory_space<vmem>>, vector<16xi32>,
        %get3A_137 = vector.shape_cast %get3A_136 : vector<16xi32> to vector<16xi32>
        %mul3A_138 = arith.constant 16 : i32
        %mul3A_139 = arith.muli %scan3A_130, %mul3A_138 : i32
        %add3A_140 = arith.addi %mul3A_70, %mul3A_139 : i32
        %get3A_141 = arith.index_cast %add3A_140 : i32 to index
        %get3A_142 = tpu.vector_load %arg8[%get3A_141] {strides = array<i32>} : memref<1024xi32, #tpu.memory_space<vmem>>, vector<16xi32>,
        %get3A_143 = vector.shape_cast %get3A_142 : vector<16xi32> to vector<16xi32>
        %lt3A = arith.constant 50000 : i32
        %lt3A_144 = vector.broadcast %lt3A : i32 to vector<16xi32>
        %lt3A_145 = arith.cmpi slt, %get3A_137, %lt3A_144 : vector<16xi32>
        %jit3A = arith.constant 0 : i32
        %broadcast_in_dim3A = vector.broadcast %jit3A : i32 to vector<16xi32>
        %select_n3A = arith.select %lt3A_145, %get3A_137, %broadcast_in_dim3A : vector<16xi1>, vector<16xi32>
        %swap3A = arith.index_cast %mul3A_132 : i32 to index
        %swap3A_146 = tpu.vector_load %arg10[%swap3A] {strides = array<i32>} : memref<64xi32, #tpu.memory_space<vmem>>, vector<16xi32>,
        %swap3A_147 = vector.shape_cast %swap3A_146 : vector<16xi32> to vector<16xi32>
        %swap3A_148 = vector.shape_cast %select_n3A : vector<16xi32> to vector<16xi32>
        tpu.vector_store %arg10[%swap3A], %swap3A_148 {strides = array<i32>} : memref<64xi32, #tpu.memory_space<vmem>>, vector<16xi32>,
        %swap3A_149 = arith.index_cast %mul3A_132 : i32 to index
        %swap3A_150 = tpu.vector_load %arg12[%swap3A_149] {strides = array<i32>} : memref<64xi32, #tpu.memory_space<vmem>>, vector<16xi32>,
        %swap3A_151 = vector.shape_cast %swap3A_150 : vector<16xi32> to vector<16xi32>
        %swap3A_152 = vector.shape_cast %get3A_143 : vector<16xi32> to vector<16xi32>
        tpu.vector_store %arg12[%swap3A_149], %swap3A_152 {strides = array<i32>} : memref<64xi32, #tpu.memory_space<vmem>>, vector<16xi32>,
        %sub3A = vector.broadcast %mul3A_0 : i32 to vector<16xi32>
        %sub3A_153 = arith.subi %get3A_137, %sub3A : vector<16xi32>
        %ge3A = arith.constant 0 : i32
        %ge3A_154 = vector.broadcast %ge3A : i32 to vector<16xi32>
        %ge3A_155 = arith.cmpi sge, %sub3A_153, %ge3A_154 : vector<16xi32>
        %lt3A_156 = arith.constant 25088 : i32
        %lt3A_157 = vector.broadcast %lt3A_156 : i32 to vector<16xi32>
        %lt3A_158 = arith.cmpi slt, %sub3A_153, %lt3A_157 : vector<16xi32>
        %and3A = arith.andi %ge3A_155, %lt3A_158 : vector<16xi1>
        %jit3A_159 = arith.constant 25088 : i32
        %broadcast_in_dim3A_160 = vector.broadcast %jit3A_159 : i32 to vector<16xi32>
        %select_n3A_161 = arith.select %and3A, %sub3A_153, %broadcast_in_dim3A_160 : vector<16xi1>, vector<16xi32>
        %swap3A_162 = arith.index_cast %mul3A_132 : i32 to index
        %swap3A_163 = tpu.vector_load %arg14[%swap3A_162] {strides = array<i32>} : memref<64xi32, #tpu.memory_space<vmem>>, vector<16xi32>,
        %swap3A_164 = vector.shape_cast %swap3A_163 : vector<16xi32> to vector<16xi32>
        %swap3A_165 = vector.shape_cast %select_n3A_161 : vector<16xi32> to vector<16xi32>
        tpu.vector_store %arg14[%swap3A_162], %swap3A_165 {strides = array<i32>} : memref<64xi32, #tpu.memory_space<vmem>>, vector<16xi32>,
      }
      %scan3A_76 = arith.constant 4 : i32
      %dma_start3A_77 = arith.constant 0 : i32
      %dma_start3A_78 = arith.constant 0 : i32
      %dma_start3A_79 = tpu.memref_slice %arg2[%dma_start3A_77, %dma_start3A_78] : memref<50176x64xf32, #tpu.memory_space<hbm>> -> memref<50176x64xf32, #tpu.memory_space<hbm>>
      tpu.enqueue_indirect_dma source(%dma_start3A_79 : memref<50176x64xf32, #tpu.memory_space<hbm>>) target(%arg16 : memref<64x64xf32, #tpu.memory_space<vmem>>) offsets(%arg10 : memref<64xi32, #tpu.memory_space<vmem>>) semaphore(%arg21 : memref<!tpu.dma_semaphore, #tpu.memory_space<semaphore_mem>>)
      %dma_start3A_80 = arith.constant 0 : i32
      %dma_start3A_81 = arith.constant 0 : i32
      %dma_start3A_82 = tpu.memref_slice %arg3[%dma_start3A_80, %dma_start3A_81] : memref<50176x128xf32, #tpu.memory_space<hbm>> -> memref<50176x128xf32, #tpu.memory_space<hbm>>
      tpu.enqueue_indirect_dma source(%dma_start3A_82 : memref<50176x128xf32, #tpu.memory_space<hbm>>) target(%arg18 : memref<64x128xf32, #tpu.memory_space<vmem>>) offsets(%arg12 : memref<64xi32, #tpu.memory_space<vmem>>) semaphore(%arg23 : memref<!tpu.dma_semaphore, #tpu.memory_space<semaphore_mem>>)
      %scan3A_83 = arith.constant 0 : i32
      %scan3A_84 = arith.constant 0 : i32
      %scan3A_85 = arith.constant 64 : i32
      %scan3A_86 = arith.addi %scan3A_84, %scan3A_85 : i32
      %scan3A_87 = arith.constant 1 : i32
      scf.for %scan3A_130 = %scan3A_84 to %scan3A_86 step %scan3A_87  : i32 {
        %get3A = arith.index_cast %scan3A_130 : i32 to index
        %get3A_131 = arith.constant 0 : index
        %get3A_132 = tpu.vector_load %arg15[%get3A, %get3A_131] {strides = array<i32>} : memref<64x64xf32, #tpu.memory_space<vmem>>, vector<1x16xf32>,
        %get3A_133 = vector.shape_cast %get3A_132 : vector<1x16xf32> to vector<16xf32>
        %get3A_134 = arith.index_cast %scan3A_130 : i32 to index
        %get3A_135 = arith.constant 0 : index
        %get3A_136 = tpu.vector_load %arg17[%get3A_134, %get3A_135] {strides = array<i32>} : memref<64x128xf32, #tpu.memory_space<vmem>>, vector<1x16xf32>,
        %get3A_137 = vector.shape_cast %get3A_136 : vector<1x16xf32> to vector<16xf32>
        %get3A_138 = arith.index_cast %scan3A_130 : i32 to index
        %get3A_139 = arith.constant 64 : index
        %get3A_140 = tpu.vector_load %arg17[%get3A_138, %get3A_139] {strides = array<i32>} : memref<64x128xf32, #tpu.memory_space<vmem>>, vector<1x16xf32>,
        %get3A_141 = vector.shape_cast %get3A_140 : vector<1x16xf32> to vector<16xf32>
        %add3A_142 = arith.addf %get3A_133, %get3A_137 : vector<16xf32>
        %neg3A = arith.constant 0.000000e+00 : f32
        %neg3A_143 = vector.broadcast %neg3A : f32 to vector<16xf32>
        %neg3A_144 = arith.subf %neg3A_143, %add3A_142 : vector<16xf32>
        %exp3A = math.exp %neg3A_144 : vector<16xf32>
        %add3A_145 = arith.constant 1.000000e+00 : f32
        %add3A_146 = vector.broadcast %add3A_145 : f32 to vector<16xf32>
        %add3A_147 = arith.addf %add3A_146, %exp3A : vector<16xf32>
        %div3A = arith.constant 1.000000e+00 : f32
        %div3A_148 = vector.broadcast %div3A : f32 to vector<16xf32>
        %div3A_149 = arith.divf %div3A_148, %add3A_147 : vector<16xf32>
        %mul3A_150 = arith.mulf %div3A_149, %get3A_141 : vector<16xf32>
        %swap3A = arith.index_cast %scan3A_130 : i32 to index
        %swap3A_151 = arith.constant 0 : index
        %swap3A_152 = tpu.vector_load %arg15[%swap3A, %swap3A_151] {strides = array<i32>} : memref<64x64xf32, #tpu.memory_space<vmem>>, vector<1x16xf32>,
        %swap3A_153 = vector.shape_cast %swap3A_152 : vector<1x16xf32> to vector<16xf32>
        %swap3A_154 = vector.shape_cast %mul3A_150 : vector<16xf32> to vector<1x16xf32>
        tpu.vector_store %arg15[%swap3A, %swap3A_151], %swap3A_154 {strides = array<i32>} : memref<64x64xf32, #tpu.memory_space<vmem>>, vector<1x16xf32>,
        %get3A_155 = arith.index_cast %scan3A_130 : i32 to index
        %get3A_156 = arith.constant 16 : index
        %get3A_157 = tpu.vector_load %arg15[%get3A_155, %get3A_156] {strides = array<i32>} : memref<64x64xf32, #tpu.memory_space<vmem>>, vector<1x16xf32>,
        %get3A_158 = vector.shape_cast %get3A_157 : vector<1x16xf32> to vector<16xf32>
        %get3A_159 = arith.index_cast %scan3A_130 : i32 to index
        %get3A_160 = arith.constant 16 : index
        %get3A_161 = tpu.vector_load %arg17[%get3A_159, %get3A_160] {strides = array<i32>} : memref<64x128xf32, #tpu.memory_space<vmem>>, vector<1x16xf32>,
        %get3A_162 = vector.shape_cast %get3A_161 : vector<1x16xf32> to vector<16xf32>
        %get3A_163 = arith.index_cast %scan3A_130 : i32 to index
        %get3A_164 = arith.constant 80 : index
        %get3A_165 = tpu.vector_load %arg17[%get3A_163, %get3A_164] {strides = array<i32>} : memref<64x128xf32, #tpu.memory_space<vmem>>, vector<1x16xf32>,
        %get3A_166 = vector.shape_cast %get3A_165 : vector<1x16xf32> to vector<16xf32>
        %add3A_167 = arith.addf %get3A_158, %get3A_162 : vector<16xf32>
        %neg3A_168 = arith.constant 0.000000e+00 : f32
        %neg3A_169 = vector.broadcast %neg3A_168 : f32 to vector<16xf32>
        %neg3A_170 = arith.subf %neg3A_169, %add3A_167 : vector<16xf32>
        %exp3A_171 = math.exp %neg3A_170 : vector<16xf32>
        %add3A_172 = arith.constant 1.000000e+00 : f32
        %add3A_173 = vector.broadcast %add3A_172 : f32 to vector<16xf32>
        %add3A_174 = arith.addf %add3A_173, %exp3A_171 : vector<16xf32>
        %div3A_175 = arith.constant 1.000000e+00 : f32
        %div3A_176 = vector.broadcast %div3A_175 : f32 to vector<16xf32>
        %div3A_177 = arith.divf %div3A_176, %add3A_174 : vector<16xf32>
        %mul3A_178 = arith.mulf %div3A_177, %get3A_166 : vector<16xf32>
        %swap3A_179 = arith.index_cast %scan3A_130 : i32 to index
        %swap3A_180 = arith.constant 16 : index
        %swap3A_181 = tpu.vector_load %arg15[%swap3A_179, %swap3A_180] {strides = array<i32>} : memref<64x64xf32, #tpu.memory_space<vmem>>, vector<1x16xf32>,
        %swap3A_182 = vector.shape_cast %swap3A_181 : vector<1x16xf32> to vector<16xf32>
        %swap3A_183 = vector.shape_cast %mul3A_178 : vector<16xf32> to vector<1x16xf32>
        tpu.vector_store %arg15[%swap3A_179, %swap3A_180], %swap3A_183 {strides = array<i32>} : memref<64x64xf32, #tpu.memory_space<vmem>>, vector<1x16xf32>,
        %get3A_184 = arith.index_cast %scan3A_130 : i32 to index
        %get3A_185 = arith.constant 32 : index
        %get3A_186 = tpu.vector_load %arg15[%get3A_184, %get3A_185] {strides = array<i32>} : memref<64x64xf32, #tpu.memory_space<vmem>>, vector<1x16xf32>,
        %get3A_187 = vector.shape_cast %get3A_186 : vector<1x16xf32> to vector<16xf32>
        %get3A_188 = arith.index_cast %scan3A_130 : i32 to index
        %get3A_189 = arith.constant 32 : index
        %get3A_190 = tpu.vector_load %arg17[%get3A_188, %get3A_189] {strides = array<i32>} : memref<64x128xf32, #tpu.memory_space<vmem>>, vector<1x16xf32>,
        %get3A_191 = vector.shape_cast %get3A_190 : vector<1x16xf32> to vector<16xf32>
        %get3A_192 = arith.index_cast %scan3A_130 : i32 to index
        %get3A_193 = arith.constant 96 : index
        %get3A_194 = tpu.vector_load %arg17[%get3A_192, %get3A_193] {strides = array<i32>} : memref<64x128xf32, #tpu.memory_space<vmem>>, vector<1x16xf32>,
        %get3A_195 = vector.shape_cast %get3A_194 : vector<1x16xf32> to vector<16xf32>
        %add3A_196 = arith.addf %get3A_187, %get3A_191 : vector<16xf32>
        %neg3A_197 = arith.constant 0.000000e+00 : f32
        %neg3A_198 = vector.broadcast %neg3A_197 : f32 to vector<16xf32>
        %neg3A_199 = arith.subf %neg3A_198, %add3A_196 : vector<16xf32>
        %exp3A_200 = math.exp %neg3A_199 : vector<16xf32>
        %add3A_201 = arith.constant 1.000000e+00 : f32
        %add3A_202 = vector.broadcast %add3A_201 : f32 to vector<16xf32>
        %add3A_203 = arith.addf %add3A_202, %exp3A_200 : vector<16xf32>
        %div3A_204 = arith.constant 1.000000e+00 : f32
        %div3A_205 = vector.broadcast %div3A_204 : f32 to vector<16xf32>
        %div3A_206 = arith.divf %div3A_205, %add3A_203 : vector<16xf32>
        %mul3A_207 = arith.mulf %div3A_206, %get3A_195 : vector<16xf32>
        %swap3A_208 = arith.index_cast %scan3A_130 : i32 to index
        %swap3A_209 = arith.constant 32 : index
        %swap3A_210 = tpu.vector_load %arg15[%swap3A_208, %swap3A_209] {strides = array<i32>} : memref<64x64xf32, #tpu.memory_space<vmem>>, vector<1x16xf32>,
        %swap3A_211 = vector.shape_cast %swap3A_210 : vector<1x16xf32> to vector<16xf32>
        %swap3A_212 = vector.shape_cast %mul3A_207 : vector<16xf32> to vector<1x16xf32>
        tpu.vector_store %arg15[%swap3A_208, %swap3A_209], %swap3A_212 {strides = array<i32>} : memref<64x64xf32, #tpu.memory_space<vmem>>, vector<1x16xf32>,
        %get3A_213 = arith.index_cast %scan3A_130 : i32 to index
        %get3A_214 = arith.constant 48 : index
        %get3A_215 = tpu.vector_load %arg15[%get3A_213, %get3A_214] {strides = array<i32>} : memref<64x64xf32, #tpu.memory_space<vmem>>, vector<1x16xf32>,
        %get3A_216 = vector.shape_cast %get3A_215 : vector<1x16xf32> to vector<16xf32>
        %get3A_217 = arith.index_cast %scan3A_130 : i32 to index
        %get3A_218 = arith.constant 48 : index
        %get3A_219 = tpu.vector_load %arg17[%get3A_217, %get3A_218] {strides = array<i32>} : memref<64x128xf32, #tpu.memory_space<vmem>>, vector<1x16xf32>,
        %get3A_220 = vector.shape_cast %get3A_219 : vector<1x16xf32> to vector<16xf32>
        %get3A_221 = arith.index_cast %scan3A_130 : i32 to index
        %get3A_222 = arith.constant 112 : index
        %get3A_223 = tpu.vector_load %arg17[%get3A_221, %get3A_222] {strides = array<i32>} : memref<64x128xf32, #tpu.memory_space<vmem>>, vector<1x16xf32>,
        %get3A_224 = vector.shape_cast %get3A_223 : vector<1x16xf32> to vector<16xf32>
        %add3A_225 = arith.addf %get3A_216, %get3A_220 : vector<16xf32>
        %neg3A_226 = arith.constant 0.000000e+00 : f32
        %neg3A_227 = vector.broadcast %neg3A_226 : f32 to vector<16xf32>
        %neg3A_228 = arith.subf %neg3A_227, %add3A_225 : vector<16xf32>
        %exp3A_229 = math.exp %neg3A_228 : vector<16xf32>
        %add3A_230 = arith.constant 1.000000e+00 : f32
        %add3A_231 = vector.broadcast %add3A_230 : f32 to vector<16xf32>
        %add3A_232 = arith.addf %add3A_231, %exp3A_229 : vector<16xf32>
        %div3A_233 = arith.constant 1.000000e+00 : f32
        %div3A_234 = vector.broadcast %div3A_233 : f32 to vector<16xf32>
        %div3A_235 = arith.divf %div3A_234, %add3A_232 : vector<16xf32>
        %mul3A_236 = arith.mulf %div3A_235, %get3A_224 : vector<16xf32>
        %swap3A_237 = arith.index_cast %scan3A_130 : i32 to index
        %swap3A_238 = arith.constant 48 : index
        %swap3A_239 = tpu.vector_load %arg15[%swap3A_237, %swap3A_238] {strides = array<i32>} : memref<64x64xf32, #tpu.memory_space<vmem>>, vector<1x16xf32>,
        %swap3A_240 = vector.shape_cast %swap3A_239 : vector<1x16xf32> to vector<16xf32>
        %swap3A_241 = vector.shape_cast %mul3A_236 : vector<16xf32> to vector<1x16xf32>
        tpu.vector_store %arg15[%swap3A_237, %swap3A_238], %swap3A_241 {strides = array<i32>} : memref<64x64xf32, #tpu.memory_space<vmem>>, vector<1x16xf32>,
      }
      %scan3A_88 = arith.constant 64 : i32
      "tpu.region"() ({
        %run_scoped3A = tpu.sem_alloc : memref<!tpu.dma_semaphore, #tpu.memory_space<semaphore_mem>>
        %dma_start3A_130 = arith.constant 0 : i32
        %dma_start3A_131 = arith.constant 0 : i32
        %dma_start3A_132 = tpu.memref_slice %arg19[%dma_start3A_130, %dma_start3A_131] : memref<25152x64xf32, #tpu.memory_space<vmem_shared>> -> memref<25152x64xf32, #tpu.memory_space<vmem_shared>>
        tpu.enqueue_indirect_dma source(%arg15 : memref<64x64xf32, #tpu.memory_space<vmem>>) target(%dma_start3A_132 : memref<25152x64xf32, #tpu.memory_space<vmem_shared>>) offsets(%arg13 : memref<64xi32, #tpu.memory_space<vmem>>) semaphore(%run_scoped3A : memref<!tpu.dma_semaphore, #tpu.memory_space<semaphore_mem>>) {add = true}
        %dma_wait3A_133 = arith.constant 0 : i32
        %dma_wait3A_134 = arith.constant 0 : i32
        %dma_wait3A_135 = tpu.memref_slice %arg19[%dma_wait3A_133, %dma_wait3A_134] : memref<25152x64xf32, #tpu.memory_space<vmem_shared>> -> memref<25152x64xf32, #tpu.memory_space<vmem_shared>>
        tpu.wait_indirect_dma semaphore(%run_scoped3A : memref<!tpu.dma_semaphore, #tpu.memory_space<semaphore_mem>>) src(%arg15 : memref<64x64xf32, #tpu.memory_space<vmem>>) dst(%dma_wait3A_135 : memref<25152x64xf32, #tpu.memory_space<vmem_shared>>)
        tpu.yield
      }) : () -> ()
      %mul3A_89 = arith.constant 2 : i32
      %mul3A_90 = arith.muli %scan3A_50, %mul3A_89 : i32
      %add3A_91 = arith.constant 1 : i32
      %add3A_92 = arith.addi %mul3A_90, %add3A_91 : i32
      %add3A_93 = arith.constant 1 : i32
      %add3A_94 = arith.addi %add3A_92, %add3A_93 : i32
      %dma_wait3A_95 = arith.constant 0 : i32
      %dma_wait3A_96 = arith.constant 0 : i32
      %dma_wait3A_97 = tpu.memref_slice %arg2[%dma_wait3A_95, %dma_wait3A_96] : memref<50176x64xf32, #tpu.memory_space<hbm>> -> memref<50176x64xf32, #tpu.memory_space<hbm>>
      tpu.wait_indirect_dma semaphore(%arg21 : memref<!tpu.dma_semaphore, #tpu.memory_space<semaphore_mem>>) src(%dma_wait3A_97 : memref<50176x64xf32, #tpu.memory_space<hbm>>) dst(%arg16 : memref<64x64xf32, #tpu.memory_space<vmem>>)
      %dma_wait3A_98 = arith.constant 0 : i32
      %dma_wait3A_99 = arith.constant 0 : i32
      %dma_wait3A_100 = tpu.memref_slice %arg3[%dma_wait3A_98, %dma_wait3A_99] : memref<50176x128xf32, #tpu.memory_space<hbm>> -> memref<50176x128xf32, #tpu.memory_space<hbm>>
      tpu.wait_indirect_dma semaphore(%arg23 : memref<!tpu.dma_semaphore, #tpu.memory_space<semaphore_mem>>) src(%dma_wait3A_100 : memref<50176x128xf32, #tpu.memory_space<hbm>>) dst(%arg18 : memref<64x128xf32, #tpu.memory_space<vmem>>)
      %rem3A_101 = arith.constant 16 : i32
      %rem3A_102 = arith.remsi %add3A_94, %rem3A_101 : i32
      %eq3A_103 = arith.constant 0 : i32
      %eq3A_104 = arith.cmpi eq, %rem3A_102, %eq3A_103 : i32
      %convert_element_type3A_105 = arith.extui %eq3A_104 : i1 to i32
      %cond3A_106 = arith.constant 0 : i32
      %cond3A_107 = arith.cmpi ne, %convert_element_type3A_105, %cond3A_106 : i32
      scf.if %cond3A_107 {
        %mul3A_130 = arith.constant 64 : i32
        %mul3A_131 = arith.muli %add3A_94, %mul3A_130 : i32
        %add3A_132 = arith.addi %mul3A_4, %mul3A_131 : i32
        "tpu.region"() ({
          %run_scoped3A = tpu.sem_alloc : memref<!tpu.dma_semaphore, #tpu.memory_space<semaphore_mem>>
          %dma_start3A_133 = tpu.memref_slice %arg4[%add3A_132] : memref<803840xi32, #tpu.memory_space<hbm>> -> memref<1024xi32, #tpu.memory_space<hbm>>
          %dma_start3A_134 = tpu.memref_slice %arg4[%add3A_132] : memref<803840xi32, #tpu.memory_space<hbm>> -> memref<1024xi32, #tpu.memory_space<hbm>>
          tpu.enqueue_dma source(%dma_start3A_134 : memref<1024xi32, #tpu.memory_space<hbm>>) target(%arg7 : memref<1024xi32, #tpu.memory_space<vmem>>) target_semaphore(%run_scoped3A : memref<!tpu.dma_semaphore, #tpu.memory_space<semaphore_mem>>)
          %dma_wait3A_135 = tpu.memref_slice %arg4[%add3A_132] : memref<803840xi32, #tpu.memory_space<hbm>> -> memref<1024xi32, #tpu.memory_space<hbm>>
          %dma_wait3A_136 = tpu.memref_slice %arg4[%add3A_132] : memref<803840xi32, #tpu.memory_space<hbm>> -> memref<1024xi32, #tpu.memory_space<hbm>>
          tpu.wait_dma2 semaphore(%run_scoped3A : memref<!tpu.dma_semaphore, #tpu.memory_space<semaphore_mem>>) src(%dma_wait3A_136 : memref<1024xi32, #tpu.memory_space<hbm>>) dst(%arg7 : memref<1024xi32, #tpu.memory_space<vmem>>)
          tpu.yield
        }) : () -> ()
        "tpu.region"() ({
          %run_scoped3A = tpu.sem_alloc : memref<!tpu.dma_semaphore, #tpu.memory_space<semaphore_mem>>
          %dma_start3A_133 = tpu.memref_slice %arg5[%add3A_132] : memref<803840xi32, #tpu.memory_space<hbm>> -> memref<1024xi32, #tpu.memory_space<hbm>>
          %dma_start3A_134 = tpu.memref_slice %arg5[%add3A_132] : memref<803840xi32, #tpu.memory_space<hbm>> -> memref<1024xi32, #tpu.memory_space<hbm>>
          tpu.enqueue_dma source(%dma_start3A_134 : memref<1024xi32, #tpu.memory_space<hbm>>) target(%arg8 : memref<1024xi32, #tpu.memory_space<vmem>>) target_semaphore(%run_scoped3A : memref<!tpu.dma_semaphore, #tpu.memory_space<semaphore_mem>>)
          %dma_wait3A_135 = tpu.memref_slice %arg5[%add3A_132] : memref<803840xi32, #tpu.memory_space<hbm>> -> memref<1024xi32, #tpu.memory_space<hbm>>
          %dma_wait3A_136 = tpu.memref_slice %arg5[%add3A_132] : memref<803840xi32, #tpu.memory_space<hbm>> -> memref<1024xi32, #tpu.memory_space<hbm>>
          tpu.wait_dma2 semaphore(%run_scoped3A : memref<!tpu.dma_semaphore, #tpu.memory_space<semaphore_mem>>) src(%dma_wait3A_136 : memref<1024xi32, #tpu.memory_space<hbm>>) dst(%arg8 : memref<1024xi32, #tpu.memory_space<vmem>>)
          tpu.yield
        }) : () -> ()
      } else {
      }
      %rem3A_108 = arith.constant 16 : i32
      %rem3A_109 = arith.remsi %add3A_94, %rem3A_108 : i32
      %mul3A_110 = arith.constant 64 : i32
      %mul3A_111 = arith.muli %rem3A_109, %mul3A_110 : i32
      %scan3A_112 = arith.constant 0 : i32
      %scan3A_113 = arith.constant 0 : i32
      %scan3A_114 = arith.constant 4 : i32
      %scan3A_115 = arith.addi %scan3A_113, %scan3A_114 : i32
      %scan3A_116 = arith.constant 1 : i32
      scf.for %scan3A_130 = %scan3A_113 to %scan3A_115 step %scan3A_116  : i32 {
        %mul3A_131 = arith.constant 16 : i32
        %mul3A_132 = arith.muli %scan3A_130, %mul3A_131 : i32
        %mul3A_133 = arith.constant 16 : i32
        %mul3A_134 = arith.muli %scan3A_130, %mul3A_133 : i32
        %add3A_135 = arith.addi %mul3A_111, %mul3A_134 : i32
        %get3A = arith.index_cast %add3A_135 : i32 to index
        %get3A_136 = tpu.vector_load %arg7[%get3A] {strides = array<i32>} : memref<1024xi32, #tpu.memory_space<vmem>>, vector<16xi32>,
        %get3A_137 = vector.shape_cast %get3A_136 : vector<16xi32> to vector<16xi32>
        %mul3A_138 = arith.constant 16 : i32
        %mul3A_139 = arith.muli %scan3A_130, %mul3A_138 : i32
        %add3A_140 = arith.addi %mul3A_111, %mul3A_139 : i32
        %get3A_141 = arith.index_cast %add3A_140 : i32 to index
        %get3A_142 = tpu.vector_load %arg8[%get3A_141] {strides = array<i32>} : memref<1024xi32, #tpu.memory_space<vmem>>, vector<16xi32>,
        %get3A_143 = vector.shape_cast %get3A_142 : vector<16xi32> to vector<16xi32>
        %lt3A = arith.constant 50000 : i32
        %lt3A_144 = vector.broadcast %lt3A : i32 to vector<16xi32>
        %lt3A_145 = arith.cmpi slt, %get3A_137, %lt3A_144 : vector<16xi32>
        %jit3A = arith.constant 0 : i32
        %broadcast_in_dim3A = vector.broadcast %jit3A : i32 to vector<16xi32>
        %select_n3A = arith.select %lt3A_145, %get3A_137, %broadcast_in_dim3A : vector<16xi1>, vector<16xi32>
        %swap3A = arith.index_cast %mul3A_132 : i32 to index
        %swap3A_146 = tpu.vector_load %arg9[%swap3A] {strides = array<i32>} : memref<64xi32, #tpu.memory_space<vmem>>, vector<16xi32>,
        %swap3A_147 = vector.shape_cast %swap3A_146 : vector<16xi32> to vector<16xi32>
        %swap3A_148 = vector.shape_cast %select_n3A : vector<16xi32> to vector<16xi32>
        tpu.vector_store %arg9[%swap3A], %swap3A_148 {strides = array<i32>} : memref<64xi32, #tpu.memory_space<vmem>>, vector<16xi32>,
        %swap3A_149 = arith.index_cast %mul3A_132 : i32 to index
        %swap3A_150 = tpu.vector_load %arg11[%swap3A_149] {strides = array<i32>} : memref<64xi32, #tpu.memory_space<vmem>>, vector<16xi32>,
        %swap3A_151 = vector.shape_cast %swap3A_150 : vector<16xi32> to vector<16xi32>
        %swap3A_152 = vector.shape_cast %get3A_143 : vector<16xi32> to vector<16xi32>
        tpu.vector_store %arg11[%swap3A_149], %swap3A_152 {strides = array<i32>} : memref<64xi32, #tpu.memory_space<vmem>>, vector<16xi32>,
        %sub3A = vector.broadcast %mul3A_0 : i32 to vector<16xi32>
        %sub3A_153 = arith.subi %get3A_137, %sub3A : vector<16xi32>
        %ge3A = arith.constant 0 : i32
        %ge3A_154 = vector.broadcast %ge3A : i32 to vector<16xi32>
        %ge3A_155 = arith.cmpi sge, %sub3A_153, %ge3A_154 : vector<16xi32>
        %lt3A_156 = arith.constant 25088 : i32
        %lt3A_157 = vector.broadcast %lt3A_156 : i32 to vector<16xi32>
        %lt3A_158 = arith.cmpi slt, %sub3A_153, %lt3A_157 : vector<16xi32>
        %and3A = arith.andi %ge3A_155, %lt3A_158 : vector<16xi1>
        %jit3A_159 = arith.constant 25088 : i32
        %broadcast_in_dim3A_160 = vector.broadcast %jit3A_159 : i32 to vector<16xi32>
        %select_n3A_161 = arith.select %and3A, %sub3A_153, %broadcast_in_dim3A_160 : vector<16xi1>, vector<16xi32>
        %swap3A_162 = arith.index_cast %mul3A_132 : i32 to index
        %swap3A_163 = tpu.vector_load %arg13[%swap3A_162] {strides = array<i32>} : memref<64xi32, #tpu.memory_space<vmem>>, vector<16xi32>,
        %swap3A_164 = vector.shape_cast %swap3A_163 : vector<16xi32> to vector<16xi32>
        %swap3A_165 = vector.shape_cast %select_n3A_161 : vector<16xi32> to vector<16xi32>
        tpu.vector_store %arg13[%swap3A_162], %swap3A_165 {strides = array<i32>} : memref<64xi32, #tpu.memory_space<vmem>>, vector<16xi32>,
      }
      %scan3A_117 = arith.constant 4 : i32
      %dma_start3A_118 = arith.constant 0 : i32
      %dma_start3A_119 = arith.constant 0 : i32
      %dma_start3A_120 = tpu.memref_slice %arg2[%dma_start3A_118, %dma_start3A_119] : memref<50176x64xf32, #tpu.memory_space<hbm>> -> memref<50176x64xf32, #tpu.memory_space<hbm>>
      tpu.enqueue_indirect_dma source(%dma_start3A_120 : memref<50176x64xf32, #tpu.memory_space<hbm>>) target(%arg15 : memref<64x64xf32, #tpu.memory_space<vmem>>) offsets(%arg9 : memref<64xi32, #tpu.memory_space<vmem>>) semaphore(%arg20 : memref<!tpu.dma_semaphore, #tpu.memory_space<semaphore_mem>>)
      %dma_start3A_121 = arith.constant 0 : i32
      %dma_start3A_122 = arith.constant 0 : i32
      %dma_start3A_123 = tpu.memref_slice %arg3[%dma_start3A_121, %dma_start3A_122] : memref<50176x128xf32, #tpu.memory_space<hbm>> -> memref<50176x128xf32, #tpu.memory_space<hbm>>
      tpu.enqueue_indirect_dma source(%dma_start3A_123 : memref<50176x128xf32, #tpu.memory_space<hbm>>) target(%arg17 : memref<64x128xf32, #tpu.memory_space<vmem>>) offsets(%arg11 : memref<64xi32, #tpu.memory_space<vmem>>) semaphore(%arg22 : memref<!tpu.dma_semaphore, #tpu.memory_space<semaphore_mem>>)
      %scan3A_124 = arith.constant 0 : i32
      %scan3A_125 = arith.constant 0 : i32
      %scan3A_126 = arith.constant 64 : i32
      %scan3A_127 = arith.addi %scan3A_125, %scan3A_126 : i32
      %scan3A_128 = arith.constant 1 : i32
      scf.for %scan3A_130 = %scan3A_125 to %scan3A_127 step %scan3A_128  : i32 {
        %get3A = arith.index_cast %scan3A_130 : i32 to index
        %get3A_131 = arith.constant 0 : index
        %get3A_132 = tpu.vector_load %arg16[%get3A, %get3A_131] {strides = array<i32>} : memref<64x64xf32, #tpu.memory_space<vmem>>, vector<1x16xf32>,
        %get3A_133 = vector.shape_cast %get3A_132 : vector<1x16xf32> to vector<16xf32>
        %get3A_134 = arith.index_cast %scan3A_130 : i32 to index
        %get3A_135 = arith.constant 0 : index
        %get3A_136 = tpu.vector_load %arg18[%get3A_134, %get3A_135] {strides = array<i32>} : memref<64x128xf32, #tpu.memory_space<vmem>>, vector<1x16xf32>,
        %get3A_137 = vector.shape_cast %get3A_136 : vector<1x16xf32> to vector<16xf32>
        %get3A_138 = arith.index_cast %scan3A_130 : i32 to index
        %get3A_139 = arith.constant 64 : index
        %get3A_140 = tpu.vector_load %arg18[%get3A_138, %get3A_139] {strides = array<i32>} : memref<64x128xf32, #tpu.memory_space<vmem>>, vector<1x16xf32>,
        %get3A_141 = vector.shape_cast %get3A_140 : vector<1x16xf32> to vector<16xf32>
        %add3A_142 = arith.addf %get3A_133, %get3A_137 : vector<16xf32>
        %neg3A = arith.constant 0.000000e+00 : f32
        %neg3A_143 = vector.broadcast %neg3A : f32 to vector<16xf32>
        %neg3A_144 = arith.subf %neg3A_143, %add3A_142 : vector<16xf32>
        %exp3A = math.exp %neg3A_144 : vector<16xf32>
        %add3A_145 = arith.constant 1.000000e+00 : f32
        %add3A_146 = vector.broadcast %add3A_145 : f32 to vector<16xf32>
        %add3A_147 = arith.addf %add3A_146, %exp3A : vector<16xf32>
        %div3A = arith.constant 1.000000e+00 : f32
        %div3A_148 = vector.broadcast %div3A : f32 to vector<16xf32>
        %div3A_149 = arith.divf %div3A_148, %add3A_147 : vector<16xf32>
        %mul3A_150 = arith.mulf %div3A_149, %get3A_141 : vector<16xf32>
        %swap3A = arith.index_cast %scan3A_130 : i32 to index
        %swap3A_151 = arith.constant 0 : index
        %swap3A_152 = tpu.vector_load %arg16[%swap3A, %swap3A_151] {strides = array<i32>} : memref<64x64xf32, #tpu.memory_space<vmem>>, vector<1x16xf32>,
        %swap3A_153 = vector.shape_cast %swap3A_152 : vector<1x16xf32> to vector<16xf32>
        %swap3A_154 = vector.shape_cast %mul3A_150 : vector<16xf32> to vector<1x16xf32>
        tpu.vector_store %arg16[%swap3A, %swap3A_151], %swap3A_154 {strides = array<i32>} : memref<64x64xf32, #tpu.memory_space<vmem>>, vector<1x16xf32>,
        %get3A_155 = arith.index_cast %scan3A_130 : i32 to index
        %get3A_156 = arith.constant 16 : index
        %get3A_157 = tpu.vector_load %arg16[%get3A_155, %get3A_156] {strides = array<i32>} : memref<64x64xf32, #tpu.memory_space<vmem>>, vector<1x16xf32>,
        %get3A_158 = vector.shape_cast %get3A_157 : vector<1x16xf32> to vector<16xf32>
        %get3A_159 = arith.index_cast %scan3A_130 : i32 to index
        %get3A_160 = arith.constant 16 : index
        %get3A_161 = tpu.vector_load %arg18[%get3A_159, %get3A_160] {strides = array<i32>} : memref<64x128xf32, #tpu.memory_space<vmem>>, vector<1x16xf32>,
        %get3A_162 = vector.shape_cast %get3A_161 : vector<1x16xf32> to vector<16xf32>
        %get3A_163 = arith.index_cast %scan3A_130 : i32 to index
        %get3A_164 = arith.constant 80 : index
        %get3A_165 = tpu.vector_load %arg18[%get3A_163, %get3A_164] {strides = array<i32>} : memref<64x128xf32, #tpu.memory_space<vmem>>, vector<1x16xf32>,
        %get3A_166 = vector.shape_cast %get3A_165 : vector<1x16xf32> to vector<16xf32>
        %add3A_167 = arith.addf %get3A_158, %get3A_162 : vector<16xf32>
        %neg3A_168 = arith.constant 0.000000e+00 : f32
        %neg3A_169 = vector.broadcast %neg3A_168 : f32 to vector<16xf32>
        %neg3A_170 = arith.subf %neg3A_169, %add3A_167 : vector<16xf32>
        %exp3A_171 = math.exp %neg3A_170 : vector<16xf32>
        %add3A_172 = arith.constant 1.000000e+00 : f32
        %add3A_173 = vector.broadcast %add3A_172 : f32 to vector<16xf32>
        %add3A_174 = arith.addf %add3A_173, %exp3A_171 : vector<16xf32>
        %div3A_175 = arith.constant 1.000000e+00 : f32
        %div3A_176 = vector.broadcast %div3A_175 : f32 to vector<16xf32>
        %div3A_177 = arith.divf %div3A_176, %add3A_174 : vector<16xf32>
        %mul3A_178 = arith.mulf %div3A_177, %get3A_166 : vector<16xf32>
        %swap3A_179 = arith.index_cast %scan3A_130 : i32 to index
        %swap3A_180 = arith.constant 16 : index
        %swap3A_181 = tpu.vector_load %arg16[%swap3A_179, %swap3A_180] {strides = array<i32>} : memref<64x64xf32, #tpu.memory_space<vmem>>, vector<1x16xf32>,
        %swap3A_182 = vector.shape_cast %swap3A_181 : vector<1x16xf32> to vector<16xf32>
        %swap3A_183 = vector.shape_cast %mul3A_178 : vector<16xf32> to vector<1x16xf32>
        tpu.vector_store %arg16[%swap3A_179, %swap3A_180], %swap3A_183 {strides = array<i32>} : memref<64x64xf32, #tpu.memory_space<vmem>>, vector<1x16xf32>,
        %get3A_184 = arith.index_cast %scan3A_130 : i32 to index
        %get3A_185 = arith.constant 32 : index
        %get3A_186 = tpu.vector_load %arg16[%get3A_184, %get3A_185] {strides = array<i32>} : memref<64x64xf32, #tpu.memory_space<vmem>>, vector<1x16xf32>,
        %get3A_187 = vector.shape_cast %get3A_186 : vector<1x16xf32> to vector<16xf32>
        %get3A_188 = arith.index_cast %scan3A_130 : i32 to index
        %get3A_189 = arith.constant 32 : index
        %get3A_190 = tpu.vector_load %arg18[%get3A_188, %get3A_189] {strides = array<i32>} : memref<64x128xf32, #tpu.memory_space<vmem>>, vector<1x16xf32>,
        %get3A_191 = vector.shape_cast %get3A_190 : vector<1x16xf32> to vector<16xf32>
        %get3A_192 = arith.index_cast %scan3A_130 : i32 to index
        %get3A_193 = arith.constant 96 : index
        %get3A_194 = tpu.vector_load %arg18[%get3A_192, %get3A_193] {strides = array<i32>} : memref<64x128xf32, #tpu.memory_space<vmem>>, vector<1x16xf32>,
        %get3A_195 = vector.shape_cast %get3A_194 : vector<1x16xf32> to vector<16xf32>
        %add3A_196 = arith.addf %get3A_187, %get3A_191 : vector<16xf32>
        %neg3A_197 = arith.constant 0.000000e+00 : f32
        %neg3A_198 = vector.broadcast %neg3A_197 : f32 to vector<16xf32>
        %neg3A_199 = arith.subf %neg3A_198, %add3A_196 : vector<16xf32>
        %exp3A_200 = math.exp %neg3A_199 : vector<16xf32>
        %add3A_201 = arith.constant 1.000000e+00 : f32
        %add3A_202 = vector.broadcast %add3A_201 : f32 to vector<16xf32>
        %add3A_203 = arith.addf %add3A_202, %exp3A_200 : vector<16xf32>
        %div3A_204 = arith.constant 1.000000e+00 : f32
        %div3A_205 = vector.broadcast %div3A_204 : f32 to vector<16xf32>
        %div3A_206 = arith.divf %div3A_205, %add3A_203 : vector<16xf32>
        %mul3A_207 = arith.mulf %div3A_206, %get3A_195 : vector<16xf32>
        %swap3A_208 = arith.index_cast %scan3A_130 : i32 to index
        %swap3A_209 = arith.constant 32 : index
        %swap3A_210 = tpu.vector_load %arg16[%swap3A_208, %swap3A_209] {strides = array<i32>} : memref<64x64xf32, #tpu.memory_space<vmem>>, vector<1x16xf32>,
        %swap3A_211 = vector.shape_cast %swap3A_210 : vector<1x16xf32> to vector<16xf32>
        %swap3A_212 = vector.shape_cast %mul3A_207 : vector<16xf32> to vector<1x16xf32>
        tpu.vector_store %arg16[%swap3A_208, %swap3A_209], %swap3A_212 {strides = array<i32>} : memref<64x64xf32, #tpu.memory_space<vmem>>, vector<1x16xf32>,
        %get3A_213 = arith.index_cast %scan3A_130 : i32 to index
        %get3A_214 = arith.constant 48 : index
        %get3A_215 = tpu.vector_load %arg16[%get3A_213, %get3A_214] {strides = array<i32>} : memref<64x64xf32, #tpu.memory_space<vmem>>, vector<1x16xf32>,
        %get3A_216 = vector.shape_cast %get3A_215 : vector<1x16xf32> to vector<16xf32>
        %get3A_217 = arith.index_cast %scan3A_130 : i32 to index
        %get3A_218 = arith.constant 48 : index
        %get3A_219 = tpu.vector_load %arg18[%get3A_217, %get3A_218] {strides = array<i32>} : memref<64x128xf32, #tpu.memory_space<vmem>>, vector<1x16xf32>,
        %get3A_220 = vector.shape_cast %get3A_219 : vector<1x16xf32> to vector<16xf32>
        %get3A_221 = arith.index_cast %scan3A_130 : i32 to index
        %get3A_222 = arith.constant 112 : index
        %get3A_223 = tpu.vector_load %arg18[%get3A_221, %get3A_222] {strides = array<i32>} : memref<64x128xf32, #tpu.memory_space<vmem>>, vector<1x16xf32>,
        %get3A_224 = vector.shape_cast %get3A_223 : vector<1x16xf32> to vector<16xf32>
        %add3A_225 = arith.addf %get3A_216, %get3A_220 : vector<16xf32>
        %neg3A_226 = arith.constant 0.000000e+00 : f32
        %neg3A_227 = vector.broadcast %neg3A_226 : f32 to vector<16xf32>
        %neg3A_228 = arith.subf %neg3A_227, %add3A_225 : vector<16xf32>
        %exp3A_229 = math.exp %neg3A_228 : vector<16xf32>
        %add3A_230 = arith.constant 1.000000e+00 : f32
        %add3A_231 = vector.broadcast %add3A_230 : f32 to vector<16xf32>
        %add3A_232 = arith.addf %add3A_231, %exp3A_229 : vector<16xf32>
        %div3A_233 = arith.constant 1.000000e+00 : f32
        %div3A_234 = vector.broadcast %div3A_233 : f32 to vector<16xf32>
        %div3A_235 = arith.divf %div3A_234, %add3A_232 : vector<16xf32>
        %mul3A_236 = arith.mulf %div3A_235, %get3A_224 : vector<16xf32>
        %swap3A_237 = arith.index_cast %scan3A_130 : i32 to index
        %swap3A_238 = arith.constant 48 : index
        %swap3A_239 = tpu.vector_load %arg16[%swap3A_237, %swap3A_238] {strides = array<i32>} : memref<64x64xf32, #tpu.memory_space<vmem>>, vector<1x16xf32>,
        %swap3A_240 = vector.shape_cast %swap3A_239 : vector<1x16xf32> to vector<16xf32>
        %swap3A_241 = vector.shape_cast %mul3A_236 : vector<16xf32> to vector<1x16xf32>
        tpu.vector_store %arg16[%swap3A_237, %swap3A_238], %swap3A_241 {strides = array<i32>} : memref<64x64xf32, #tpu.memory_space<vmem>>, vector<1x16xf32>,
      }
      %scan3A_129 = arith.constant 64 : i32
      "tpu.region"() ({
        %run_scoped3A = tpu.sem_alloc : memref<!tpu.dma_semaphore, #tpu.memory_space<semaphore_mem>>
        %dma_start3A_130 = arith.constant 0 : i32
        %dma_start3A_131 = arith.constant 0 : i32
        %dma_start3A_132 = tpu.memref_slice %arg19[%dma_start3A_130, %dma_start3A_131] : memref<25152x64xf32, #tpu.memory_space<vmem_shared>> -> memref<25152x64xf32, #tpu.memory_space<vmem_shared>>
        tpu.enqueue_indirect_dma source(%arg16 : memref<64x64xf32, #tpu.memory_space<vmem>>) target(%dma_start3A_132 : memref<25152x64xf32, #tpu.memory_space<vmem_shared>>) offsets(%arg14 : memref<64xi32, #tpu.memory_space<vmem>>) semaphore(%run_scoped3A : memref<!tpu.dma_semaphore, #tpu.memory_space<semaphore_mem>>) {add = true}
        %dma_wait3A_133 = arith.constant 0 : i32
        %dma_wait3A_134 = arith.constant 0 : i32
        %dma_wait3A_135 = tpu.memref_slice %arg19[%dma_wait3A_133, %dma_wait3A_134] : memref<25152x64xf32, #tpu.memory_space<vmem_shared>> -> memref<25152x64xf32, #tpu.memory_space<vmem_shared>>
        tpu.wait_indirect_dma semaphore(%run_scoped3A : memref<!tpu.dma_semaphore, #tpu.memory_space<semaphore_mem>>) src(%arg16 : memref<64x64xf32, #tpu.memory_space<vmem>>) dst(%dma_wait3A_135 : memref<25152x64xf32, #tpu.memory_space<vmem_shared>>)
        tpu.yield
      }) : () -> ()
    }
    %scan3A_37 = arith.constant 392 : i32
    %dma_wait3A = arith.constant 0 : i32
    %dma_wait3A_38 = arith.constant 0 : i32
    %dma_wait3A_39 = tpu.memref_slice %arg2[%dma_wait3A, %dma_wait3A_38] : memref<50176x64xf32, #tpu.memory_space<hbm>> -> memref<50176x64xf32, #tpu.memory_space<hbm>>
    tpu.wait_indirect_dma semaphore(%arg20 : memref<!tpu.dma_semaphore, #tpu.memory_space<semaphore_mem>>) src(%dma_wait3A_39 : memref<50176x64xf32, #tpu.memory_space<hbm>>) dst(%arg15 : memref<64x64xf32, #tpu.memory_space<vmem>>)
    %dma_wait3A_40 = arith.constant 0 : i32
    %dma_wait3A_41 = arith.constant 0 : i32
    %dma_wait3A_42 = tpu.memref_slice %arg3[%dma_wait3A_40, %dma_wait3A_41] : memref<50176x128xf32, #tpu.memory_space<hbm>> -> memref<50176x128xf32, #tpu.memory_space<hbm>>
    tpu.wait_indirect_dma semaphore(%arg22 : memref<!tpu.dma_semaphore, #tpu.memory_space<semaphore_mem>>) src(%dma_wait3A_42 : memref<50176x128xf32, #tpu.memory_space<hbm>>) dst(%arg17 : memref<64x128xf32, #tpu.memory_space<vmem>>)
    %barrier3A_43 = arith.constant 0 : index
    tpu.barrier barrier_id(%barrier3A_43)
    %scan3A_44 = arith.constant 0 : i32
    %scan3A_45 = arith.constant 0 : i32
    %scan3A_46 = arith.constant 28 : i32
    %scan3A_47 = arith.addi %scan3A_45, %scan3A_46 : i32
    %scan3A_48 = arith.constant 1 : i32
    scf.for %scan3A_50 = %scan3A_45 to %scan3A_47 step %scan3A_48  : i32 {
      %mul3A_51 = arith.constant 1568 : i32
      %mul3A_52 = arith.muli %arg1, %mul3A_51 : i32
      %mul3A_53 = arith.constant 56 : i32
      %mul3A_54 = arith.muli %scan3A_50, %mul3A_53 : i32
      %add3A_55 = arith.addi %mul3A_52, %mul3A_54 : i32
      %scan3A_56 = arith.constant 0 : i32
      %scan3A_57 = arith.constant 0 : i32
      %scan3A_58 = arith.constant 4 : i32
      %scan3A_59 = arith.addi %scan3A_57, %scan3A_58 : i32
      %scan3A_60 = arith.constant 1 : i32
      scf.for %scan3A_69 = %scan3A_57 to %scan3A_59 step %scan3A_60  : i32 {
        %mul3A_70 = arith.constant 16 : i32
        %mul3A_71 = arith.muli %scan3A_69, %mul3A_70 : i32
        %iota3A = tpu.iota {dimensions = array<i32: 0>} : vector<16xi32>
        %add3A_72 = vector.broadcast %mul3A_71 : i32 to vector<16xi32>
        %add3A_73 = arith.addi %add3A_72, %iota3A : vector<16xi32>
        %lt3A = arith.constant 56 : i32
        %lt3A_74 = vector.broadcast %lt3A : i32 to vector<16xi32>
        %lt3A_75 = arith.cmpi slt, %add3A_73, %lt3A_74 : vector<16xi32>
        %add3A_76 = vector.broadcast %add3A_55 : i32 to vector<16xi32>
        %add3A_77 = arith.addi %add3A_76, %add3A_73 : vector<16xi32>
        %jit3A = arith.constant 25088 : i32
        %broadcast_in_dim3A = vector.broadcast %jit3A : i32 to vector<16xi32>
        %select_n3A = arith.select %lt3A_75, %add3A_77, %broadcast_in_dim3A : vector<16xi1>, vector<16xi32>
        %mul3A_78 = arith.constant 16 : i32
        %mul3A_79 = arith.muli %scan3A_69, %mul3A_78 : i32
        %swap3A = arith.index_cast %mul3A_79 : i32 to index
        %swap3A_80 = tpu.vector_load %arg13[%swap3A] {strides = array<i32>} : memref<64xi32, #tpu.memory_space<vmem>>, vector<16xi32>,
        %swap3A_81 = vector.shape_cast %swap3A_80 : vector<16xi32> to vector<16xi32>
        %swap3A_82 = vector.shape_cast %select_n3A : vector<16xi32> to vector<16xi32>
        tpu.vector_store %arg13[%swap3A], %swap3A_82 {strides = array<i32>} : memref<64xi32, #tpu.memory_space<vmem>>, vector<16xi32>,
      }
      %scan3A_61 = arith.constant 4 : i32
      %dma_start3A_62 = arith.constant 0 : i32
      %dma_start3A_63 = arith.constant 0 : i32
      %dma_start3A_64 = tpu.memref_slice %arg19[%dma_start3A_62, %dma_start3A_63] : memref<25152x64xf32, #tpu.memory_space<vmem_shared>> -> memref<25152x64xf32, #tpu.memory_space<vmem_shared>>
      tpu.enqueue_indirect_dma source(%dma_start3A_64 : memref<25152x64xf32, #tpu.memory_space<vmem_shared>>) target(%arg15 : memref<64x64xf32, #tpu.memory_space<vmem>>) offsets(%arg13 : memref<64xi32, #tpu.memory_space<vmem>>) semaphore(%arg20 : memref<!tpu.dma_semaphore, #tpu.memory_space<semaphore_mem>>)
      %dma_wait3A_65 = arith.constant 0 : i32
      %dma_wait3A_66 = arith.constant 0 : i32
      %dma_wait3A_67 = tpu.memref_slice %arg19[%dma_wait3A_65, %dma_wait3A_66] : memref<25152x64xf32, #tpu.memory_space<vmem_shared>> -> memref<25152x64xf32, #tpu.memory_space<vmem_shared>>
      tpu.wait_indirect_dma semaphore(%arg20 : memref<!tpu.dma_semaphore, #tpu.memory_space<semaphore_mem>>) src(%dma_wait3A_67 : memref<25152x64xf32, #tpu.memory_space<vmem_shared>>) dst(%arg15 : memref<64x64xf32, #tpu.memory_space<vmem>>)
      %add3A_68 = arith.addi %mul3A_0, %add3A_55 : i32
      "tpu.region"() ({
        %run_scoped3A = tpu.sem_alloc : memref<!tpu.dma_semaphore, #tpu.memory_space<semaphore_mem>>
        %dma_start3A_69 = arith.constant 0 : i32
        %dma_start3A_70 = arith.constant 0 : i32
        %dma_start3A_71 = tpu.memref_slice %arg15[%dma_start3A_69, %dma_start3A_70] : memref<64x64xf32, #tpu.memory_space<vmem>> -> memref<56x64xf32, #tpu.memory_space<vmem>>
        %dma_start3A_72 = arith.constant 0 : i32
        %dma_start3A_73 = tpu.memref_slice %arg6[%add3A_68, %dma_start3A_72] : memref<50176x64xf32, #tpu.memory_space<hbm>> -> memref<56x64xf32, #tpu.memory_space<hbm>>
        %dma_start3A_74 = arith.constant 0 : i32
        %dma_start3A_75 = tpu.memref_slice %arg6[%add3A_68, %dma_start3A_74] : memref<50176x64xf32, #tpu.memory_space<hbm>> -> memref<56x64xf32, #tpu.memory_space<hbm>>
        %dma_start3A_76 = arith.constant 0 : i32
        %dma_start3A_77 = arith.constant 0 : i32
        %dma_start3A_78 = tpu.memref_slice %arg15[%dma_start3A_76, %dma_start3A_77] : memref<64x64xf32, #tpu.memory_space<vmem>> -> memref<56x64xf32, #tpu.memory_space<vmem>>
        tpu.enqueue_dma source(%dma_start3A_78 : memref<56x64xf32, #tpu.memory_space<vmem>>) target(%dma_start3A_75 : memref<56x64xf32, #tpu.memory_space<hbm>>) target_semaphore(%run_scoped3A : memref<!tpu.dma_semaphore, #tpu.memory_space<semaphore_mem>>)
        %dma_wait3A_79 = arith.constant 0 : i32
        %dma_wait3A_80 = arith.constant 0 : i32
        %dma_wait3A_81 = tpu.memref_slice %arg15[%dma_wait3A_79, %dma_wait3A_80] : memref<64x64xf32, #tpu.memory_space<vmem>> -> memref<56x64xf32, #tpu.memory_space<vmem>>
        %dma_wait3A_82 = arith.constant 0 : i32
        %dma_wait3A_83 = tpu.memref_slice %arg6[%add3A_68, %dma_wait3A_82] : memref<50176x64xf32, #tpu.memory_space<hbm>> -> memref<56x64xf32, #tpu.memory_space<hbm>>
        %dma_wait3A_84 = arith.constant 0 : i32
        %dma_wait3A_85 = tpu.memref_slice %arg6[%add3A_68, %dma_wait3A_84] : memref<50176x64xf32, #tpu.memory_space<hbm>> -> memref<56x64xf32, #tpu.memory_space<hbm>>
        %dma_wait3A_86 = arith.constant 0 : i32
        %dma_wait3A_87 = arith.constant 0 : i32
        %dma_wait3A_88 = tpu.memref_slice %arg15[%dma_wait3A_86, %dma_wait3A_87] : memref<64x64xf32, #tpu.memory_space<vmem>> -> memref<56x64xf32, #tpu.memory_space<vmem>>
        tpu.wait_dma2 semaphore(%run_scoped3A : memref<!tpu.dma_semaphore, #tpu.memory_space<semaphore_mem>>) src(%dma_wait3A_88 : memref<56x64xf32, #tpu.memory_space<vmem>>) dst(%dma_wait3A_85 : memref<56x64xf32, #tpu.memory_space<hbm>>)
        tpu.yield
      }) : () -> ()
    }
    %scan3A_49 = arith.constant 28 : i32
    return
  }
}

#map = affine_map<(d0, d1) -> (0)>
#map1 = affine_map<(d0, d1) -> (0, 0)>
module attributes {stable_mosaic.version = 14 : i64} {
  func.func @_sc_embed(%arg0: i32, %arg1: i32, %arg2: memref<50176xi32, #tpu.memory_space<hbm>>, %arg3: memref<100x64xf32, #tpu.memory_space<hbm>>, %arg4: memref<50176x64xf32, #tpu.memory_space<hbm>>, %arg5: memref<112xi32, #tpu.memory_space<vmem>>, %arg6: memref<112x64xf32, #tpu.memory_space<vmem>>, %arg7: memref<!tpu.dma_semaphore, #tpu.memory_space<semaphore_mem>>) attributes {dimension_semantics = [#tpu.dimension_semantics<core_parallel>, #tpu.dimension_semantics<subcore_parallel>], iteration_bounds = array<i64: 2, 16>, scalar_prefetch = 0 : i64, scratch_operands = 3 : i64, tpu.core_type = #tpu.core_type<sc_vector_subcore>, window_params = [{transform_indices = #map}, {transform_indices = #map1}, {transform_indices = #map1}]} {
    %mul3A = arith.constant 2 : i32
    %mul3A_0 = arith.muli %arg1, %mul3A : i32
    %add3A = arith.addi %mul3A_0, %arg0 : i32
    %scan3A = arith.constant 0 : i32
    %scan3A_1 = arith.constant 0 : i32
    %scan3A_2 = arith.constant 14 : i32
    %scan3A_3 = arith.addi %scan3A_1, %scan3A_2 : i32
    %scan3A_4 = arith.constant 1 : i32
    scf.for %scan3A_6 = %scan3A_1 to %scan3A_3 step %scan3A_4  : i32 {
      %mul3A_7 = arith.constant 1568 : i32
      %mul3A_8 = arith.muli %add3A, %mul3A_7 : i32
      %mul3A_9 = arith.constant 112 : i32
      %mul3A_10 = arith.muli %scan3A_6, %mul3A_9 : i32
      %add3A_11 = arith.addi %mul3A_8, %mul3A_10 : i32
      "tpu.region"() ({
        %run_scoped3A = tpu.sem_alloc : memref<!tpu.dma_semaphore, #tpu.memory_space<semaphore_mem>>
        %dma_start3A_16 = tpu.memref_slice %arg2[%add3A_11] : memref<50176xi32, #tpu.memory_space<hbm>> -> memref<112xi32, #tpu.memory_space<hbm>>
        %dma_start3A_17 = tpu.memref_slice %arg2[%add3A_11] : memref<50176xi32, #tpu.memory_space<hbm>> -> memref<112xi32, #tpu.memory_space<hbm>>
        tpu.enqueue_dma source(%dma_start3A_17 : memref<112xi32, #tpu.memory_space<hbm>>) target(%arg5 : memref<112xi32, #tpu.memory_space<vmem>>) target_semaphore(%run_scoped3A : memref<!tpu.dma_semaphore, #tpu.memory_space<semaphore_mem>>)
        %dma_wait3A_18 = tpu.memref_slice %arg2[%add3A_11] : memref<50176xi32, #tpu.memory_space<hbm>> -> memref<112xi32, #tpu.memory_space<hbm>>
        %dma_wait3A_19 = tpu.memref_slice %arg2[%add3A_11] : memref<50176xi32, #tpu.memory_space<hbm>> -> memref<112xi32, #tpu.memory_space<hbm>>
        tpu.wait_dma2 semaphore(%run_scoped3A : memref<!tpu.dma_semaphore, #tpu.memory_space<semaphore_mem>>) src(%dma_wait3A_19 : memref<112xi32, #tpu.memory_space<hbm>>) dst(%arg5 : memref<112xi32, #tpu.memory_space<vmem>>)
        tpu.yield
      }) : () -> ()
      %dma_start3A = arith.constant 0 : i32
      %dma_start3A_12 = arith.constant 0 : i32
      %dma_start3A_13 = tpu.memref_slice %arg3[%dma_start3A, %dma_start3A_12] : memref<100x64xf32, #tpu.memory_space<hbm>> -> memref<100x64xf32, #tpu.memory_space<hbm>>
      tpu.enqueue_indirect_dma source(%dma_start3A_13 : memref<100x64xf32, #tpu.memory_space<hbm>>) target(%arg6 : memref<112x64xf32, #tpu.memory_space<vmem>>) offsets(%arg5 : memref<112xi32, #tpu.memory_space<vmem>>) semaphore(%arg7 : memref<!tpu.dma_semaphore, #tpu.memory_space<semaphore_mem>>)
      %dma_wait3A = arith.constant 0 : i32
      %dma_wait3A_14 = arith.constant 0 : i32
      %dma_wait3A_15 = tpu.memref_slice %arg3[%dma_wait3A, %dma_wait3A_14] : memref<100x64xf32, #tpu.memory_space<hbm>> -> memref<100x64xf32, #tpu.memory_space<hbm>>
      tpu.wait_indirect_dma semaphore(%arg7 : memref<!tpu.dma_semaphore, #tpu.memory_space<semaphore_mem>>) src(%dma_wait3A_15 : memref<100x64xf32, #tpu.memory_space<hbm>>) dst(%arg6 : memref<112x64xf32, #tpu.memory_space<vmem>>)
      "tpu.region"() ({
        %run_scoped3A = tpu.sem_alloc : memref<!tpu.dma_semaphore, #tpu.memory_space<semaphore_mem>>
        %dma_start3A_16 = arith.constant 0 : i32
        %dma_start3A_17 = tpu.memref_slice %arg4[%add3A_11, %dma_start3A_16] : memref<50176x64xf32, #tpu.memory_space<hbm>> -> memref<112x64xf32, #tpu.memory_space<hbm>>
        %dma_start3A_18 = arith.constant 0 : i32
        %dma_start3A_19 = tpu.memref_slice %arg4[%add3A_11, %dma_start3A_18] : memref<50176x64xf32, #tpu.memory_space<hbm>> -> memref<112x64xf32, #tpu.memory_space<hbm>>
        tpu.enqueue_dma source(%arg6 : memref<112x64xf32, #tpu.memory_space<vmem>>) target(%dma_start3A_19 : memref<112x64xf32, #tpu.memory_space<hbm>>) target_semaphore(%run_scoped3A : memref<!tpu.dma_semaphore, #tpu.memory_space<semaphore_mem>>)
        %dma_wait3A_20 = arith.constant 0 : i32
        %dma_wait3A_21 = tpu.memref_slice %arg4[%add3A_11, %dma_wait3A_20] : memref<50176x64xf32, #tpu.memory_space<hbm>> -> memref<112x64xf32, #tpu.memory_space<hbm>>
        %dma_wait3A_22 = arith.constant 0 : i32
        %dma_wait3A_23 = tpu.memref_slice %arg4[%add3A_11, %dma_wait3A_22] : memref<50176x64xf32, #tpu.memory_space<hbm>> -> memref<112x64xf32, #tpu.memory_space<hbm>>
        tpu.wait_dma2 semaphore(%run_scoped3A : memref<!tpu.dma_semaphore, #tpu.memory_space<semaphore_mem>>) src(%arg6 : memref<112x64xf32, #tpu.memory_space<vmem>>) dst(%dma_wait3A_23 : memref<112x64xf32, #tpu.memory_space<hbm>>)
        tpu.yield
      }) : () -> ()
    }
    %scan3A_5 = arith.constant 14 : i32
    return
  }
}

#map = affine_map<(d0, d1) -> (0, 0)>
#map1 = affine_map<(d0, d1) -> (0)>
module attributes {stable_mosaic.version = 14 : i64} {
  func.func @_sc_edge(%arg0: i32, %arg1: i32, %arg2: memref<50176x64xf32, #tpu.memory_space<hbm>>, %arg3: memref<50176x128xf32, #tpu.memory_space<hbm>>, %arg4: memref<803840xi32, #tpu.memory_space<hbm>>, %arg5: memref<803840xi32, #tpu.memory_space<hbm>>, %arg6: memref<50176x64xf32, #tpu.memory_space<hbm>>, %arg7: memref<1024xi32, #tpu.memory_space<vmem>>, %arg8: memref<1024xi32, #tpu.memory_space<vmem>>, %arg9: memref<64xi32, #tpu.memory_space<vmem>>, %arg10: memref<64xi32, #tpu.memory_space<vmem>>, %arg11: memref<64xi32, #tpu.memory_space<vmem>>, %arg12: memref<64xi32, #tpu.memory_space<vmem>>, %arg13: memref<64xi32, #tpu.memory_space<vmem>>, %arg14: memref<64xi32, #tpu.memory_space<vmem>>, %arg15: memref<64x64xf32, #tpu.memory_space<vmem>>, %arg16: memref<64x64xf32, #tpu.memory_space<vmem>>, %arg17: memref<64x128xf32, #tpu.memory_space<vmem>>, %arg18: memref<64x128xf32, #tpu.memory_space<vmem>>, %arg19: memref<25152x64xf32, #tpu.memory_space<vmem_shared>>, %arg20: memref<!tpu.dma_semaphore, #tpu.memory_space<semaphore_mem>>, %arg21: memref<!tpu.dma_semaphore, #tpu.memory_space<semaphore_mem>>, %arg22: memref<!tpu.dma_semaphore, #tpu.memory_space<semaphore_mem>>, %arg23: memref<!tpu.dma_semaphore, #tpu.memory_space<semaphore_mem>>) attributes {dimension_semantics = [#tpu.dimension_semantics<core_parallel>, #tpu.dimension_semantics<subcore_parallel>], iteration_bounds = array<i64: 2, 16>, scalar_prefetch = 0 : i64, scratch_operands = 17 : i64, tpu.core_type = #tpu.core_type<sc_vector_subcore>, window_params = [{transform_indices = #map}, {transform_indices = #map}, {transform_indices = #map1}, {transform_indices = #map1}, {transform_indices = #map}]} {
    %mul3A = arith.constant 25088 : i32
    %mul3A_0 = arith.muli %arg0, %mul3A : i32
    %mul3A_1 = arith.constant 784 : i32
    %mul3A_2 = arith.muli %arg1, %mul3A_1 : i32
    %mul3A_3 = arith.constant 64 : i32
    %mul3A_4 = arith.muli %mul3A_2, %mul3A_3 : i32
    %scan3A = arith.constant 0 : i32
    %scan3A_5 = arith.constant 0 : i32
    %scan3A_6 = arith.constant 64 : i32
    %scan3A_7 = arith.addi %scan3A_5, %scan3A_6 : i32
    %scan3A_8 = arith.constant 1 : i32
    scf.for %scan3A_50 = %scan3A_5 to %scan3A_7 step %scan3A_8  : i32 {
      %broadcast_in_dim3A = arith.constant 0.000000e+00 : f32
      %broadcast_in_dim3A_51 = vector.broadcast %broadcast_in_dim3A : f32 to vector<16xf32>
      %swap3A = arith.index_cast %scan3A_50 : i32 to index
      %swap3A_52 = arith.constant 0 : index
      %swap3A_53 = tpu.vector_load %arg15[%swap3A, %swap3A_52] {strides = array<i32>} : memref<64x64xf32, #tpu.memory_space<vmem>>, vector<1x16xf32>,
      %swap3A_54 = vector.shape_cast %swap3A_53 : vector<1x16xf32> to vector<16xf32>
      %swap3A_55 = vector.shape_cast %broadcast_in_dim3A_51 : vector<16xf32> to vector<1x16xf32>
      tpu.vector_store %arg15[%swap3A, %swap3A_52], %swap3A_55 {strides = array<i32>} : memref<64x64xf32, #tpu.memory_space<vmem>>, vector<1x16xf32>,
      %broadcast_in_dim3A_56 = arith.constant 0.000000e+00 : f32
      %broadcast_in_dim3A_57 = vector.broadcast %broadcast_in_dim3A_56 : f32 to vector<16xf32>
      %swap3A_58 = arith.index_cast %scan3A_50 : i32 to index
      %swap3A_59 = arith.constant 16 : index
      %swap3A_60 = tpu.vector_load %arg15[%swap3A_58, %swap3A_59] {strides = array<i32>} : memref<64x64xf32, #tpu.memory_space<vmem>>, vector<1x16xf32>,
      %swap3A_61 = vector.shape_cast %swap3A_60 : vector<1x16xf32> to vector<16xf32>
      %swap3A_62 = vector.shape_cast %broadcast_in_dim3A_57 : vector<16xf32> to vector<1x16xf32>
      tpu.vector_store %arg15[%swap3A_58, %swap3A_59], %swap3A_62 {strides = array<i32>} : memref<64x64xf32, #tpu.memory_space<vmem>>, vector<1x16xf32>,
      %broadcast_in_dim3A_63 = arith.constant 0.000000e+00 : f32
      %broadcast_in_dim3A_64 = vector.broadcast %broadcast_in_dim3A_63 : f32 to vector<16xf32>
      %swap3A_65 = arith.index_cast %scan3A_50 : i32 to index
      %swap3A_66 = arith.constant 32 : index
      %swap3A_67 = tpu.vector_load %arg15[%swap3A_65, %swap3A_66] {strides = array<i32>} : memref<64x64xf32, #tpu.memory_space<vmem>>, vector<1x16xf32>,
      %swap3A_68 = vector.shape_cast %swap3A_67 : vector<1x16xf32> to vector<16xf32>
      %swap3A_69 = vector.shape_cast %broadcast_in_dim3A_64 : vector<16xf32> to vector<1x16xf32>
      tpu.vector_store %arg15[%swap3A_65, %swap3A_66], %swap3A_69 {strides = array<i32>} : memref<64x64xf32, #tpu.memory_space<vmem>>, vector<1x16xf32>,
      %broadcast_in_dim3A_70 = arith.constant 0.000000e+00 : f32
      %broadcast_in_dim3A_71 = vector.broadcast %broadcast_in_dim3A_70 : f32 to vector<16xf32>
      %swap3A_72 = arith.index_cast %scan3A_50 : i32 to index
      %swap3A_73 = arith.constant 48 : index
      %swap3A_74 = tpu.vector_load %arg15[%swap3A_72, %swap3A_73] {strides = array<i32>} : memref<64x64xf32, #tpu.memory_space<vmem>>, vector<1x16xf32>,
      %swap3A_75 = vector.shape_cast %swap3A_74 : vector<1x16xf32> to vector<16xf32>
      %swap3A_76 = vector.shape_cast %broadcast_in_dim3A_71 : vector<16xf32> to vector<1x16xf32>
      tpu.vector_store %arg15[%swap3A_72, %swap3A_73], %swap3A_76 {strides = array<i32>} : memref<64x64xf32, #tpu.memory_space<vmem>>, vector<1x16xf32>,
    }
    %scan3A_9 = arith.constant 64 : i32
    %scan3A_10 = arith.constant 0 : i32
    %scan3A_11 = arith.constant 0 : i32
    %scan3A_12 = arith.constant 25 : i32
    %scan3A_13 = arith.addi %scan3A_11, %scan3A_12 : i32
    %scan3A_14 = arith.constant 1 : i32
    scf.for %scan3A_50 = %scan3A_11 to %scan3A_13 step %scan3A_14  : i32 {
      %scan3A_51 = arith.constant 0 : i32
      %scan3A_52 = arith.constant 0 : i32
      %scan3A_53 = arith.constant 4 : i32
      %scan3A_54 = arith.addi %scan3A_52, %scan3A_53 : i32
      %scan3A_55 = arith.constant 1 : i32
      scf.for %scan3A_57 = %scan3A_52 to %scan3A_54 step %scan3A_55  : i32 {
        %mul3A_58 = arith.constant 64 : i32
        %mul3A_59 = arith.muli %scan3A_50, %mul3A_58 : i32
        %mul3A_60 = arith.constant 16 : i32
        %mul3A_61 = arith.muli %scan3A_57, %mul3A_60 : i32
        %add3A_62 = arith.addi %mul3A_59, %mul3A_61 : i32
        %iota3A = tpu.iota {dimensions = array<i32: 0>} : vector<16xi32>
        %add3A_63 = vector.broadcast %add3A_62 : i32 to vector<16xi32>
        %add3A_64 = arith.addi %add3A_63, %iota3A : vector<16xi32>
        %lt3A = arith.constant 1572 : i32
        %lt3A_65 = vector.broadcast %lt3A : i32 to vector<16xi32>
        %lt3A_66 = arith.cmpi slt, %add3A_64, %lt3A_65 : vector<16xi32>
        %mul3A_67 = arith.constant 1572 : i32
        %mul3A_68 = arith.muli %arg1, %mul3A_67 : i32
        %add3A_69 = vector.broadcast %mul3A_68 : i32 to vector<16xi32>
        %add3A_70 = arith.addi %add3A_69, %add3A_64 : vector<16xi32>
        %jit3A = arith.constant 25088 : i32
        %broadcast_in_dim3A = vector.broadcast %jit3A : i32 to vector<16xi32>
        %select_n3A = arith.select %lt3A_66, %add3A_70, %broadcast_in_dim3A : vector<16xi1>, vector<16xi32>
        %mul3A_71 = arith.constant 16 : i32
        %mul3A_72 = arith.muli %scan3A_57, %mul3A_71 : i32
        %swap3A = arith.index_cast %mul3A_72 : i32 to index
        %swap3A_73 = tpu.vector_load %arg13[%swap3A] {strides = array<i32>} : memref<64xi32, #tpu.memory_space<vmem>>, vector<16xi32>,
        %swap3A_74 = vector.shape_cast %swap3A_73 : vector<16xi32> to vector<16xi32>
        %swap3A_75 = vector.shape_cast %select_n3A : vector<16xi32> to vector<16xi32>
        tpu.vector_store %arg13[%swap3A], %swap3A_75 {strides = array<i32>} : memref<64xi32, #tpu.memory_space<vmem>>, vector<16xi32>,
      }
      %scan3A_56 = arith.constant 4 : i32
      "tpu.region"() ({
        %run_scoped3A = tpu.sem_alloc : memref<!tpu.dma_semaphore, #tpu.memory_space<semaphore_mem>>
        %dma_start3A_57 = arith.constant 0 : i32
        %dma_start3A_58 = arith.constant 0 : i32
        %dma_start3A_59 = tpu.memref_slice %arg19[%dma_start3A_57, %dma_start3A_58] : memref<25152x64xf32, #tpu.memory_space<vmem_shared>> -> memref<25152x64xf32, #tpu.memory_space<vmem_shared>>
        tpu.enqueue_indirect_dma source(%arg15 : memref<64x64xf32, #tpu.memory_space<vmem>>) target(%dma_start3A_59 : memref<25152x64xf32, #tpu.memory_space<vmem_shared>>) offsets(%arg13 : memref<64xi32, #tpu.memory_space<vmem>>) semaphore(%run_scoped3A : memref<!tpu.dma_semaphore, #tpu.memory_space<semaphore_mem>>)
        %dma_wait3A_60 = arith.constant 0 : i32
        %dma_wait3A_61 = arith.constant 0 : i32
        %dma_wait3A_62 = tpu.memref_slice %arg19[%dma_wait3A_60, %dma_wait3A_61] : memref<25152x64xf32, #tpu.memory_space<vmem_shared>> -> memref<25152x64xf32, #tpu.memory_space<vmem_shared>>
        tpu.wait_indirect_dma semaphore(%run_scoped3A : memref<!tpu.dma_semaphore, #tpu.memory_space<semaphore_mem>>) src(%arg15 : memref<64x64xf32, #tpu.memory_space<vmem>>) dst(%dma_wait3A_62 : memref<25152x64xf32, #tpu.memory_space<vmem_shared>>)
        tpu.yield
      }) : () -> ()
    }
    %scan3A_15 = arith.constant 25 : i32
    %barrier3A = arith.constant 0 : index
    tpu.barrier barrier_id(%barrier3A)
    %add3A = arith.constant 0 : i32
    %add3A_16 = arith.addi %mul3A_4, %add3A : i32
    "tpu.region"() ({
      %run_scoped3A = tpu.sem_alloc : memref<!tpu.dma_semaphore, #tpu.memory_space<semaphore_mem>>
      %dma_start3A_50 = tpu.memref_slice %arg4[%add3A_16] : memref<803840xi32, #tpu.memory_space<hbm>> -> memref<1024xi32, #tpu.memory_space<hbm>>
      %dma_start3A_51 = tpu.memref_slice %arg4[%add3A_16] : memref<803840xi32, #tpu.memory_space<hbm>> -> memref<1024xi32, #tpu.memory_space<hbm>>
      tpu.enqueue_dma source(%dma_start3A_51 : memref<1024xi32, #tpu.memory_space<hbm>>) target(%arg7 : memref<1024xi32, #tpu.memory_space<vmem>>) target_semaphore(%run_scoped3A : memref<!tpu.dma_semaphore, #tpu.memory_space<semaphore_mem>>)
      %dma_wait3A_52 = tpu.memref_slice %arg4[%add3A_16] : memref<803840xi32, #tpu.memory_space<hbm>> -> memref<1024xi32, #tpu.memory_space<hbm>>
      %dma_wait3A_53 = tpu.memref_slice %arg4[%add3A_16] : memref<803840xi32, #tpu.memory_space<hbm>> -> memref<1024xi32, #tpu.memory_space<hbm>>
      tpu.wait_dma2 semaphore(%run_scoped3A : memref<!tpu.dma_semaphore, #tpu.memory_space<semaphore_mem>>) src(%dma_wait3A_53 : memref<1024xi32, #tpu.memory_space<hbm>>) dst(%arg7 : memref<1024xi32, #tpu.memory_space<vmem>>)
      tpu.yield
    }) : () -> ()
    "tpu.region"() ({
      %run_scoped3A = tpu.sem_alloc : memref<!tpu.dma_semaphore, #tpu.memory_space<semaphore_mem>>
      %dma_start3A_50 = tpu.memref_slice %arg5[%add3A_16] : memref<803840xi32, #tpu.memory_space<hbm>> -> memref<1024xi32, #tpu.memory_space<hbm>>
      %dma_start3A_51 = tpu.memref_slice %arg5[%add3A_16] : memref<803840xi32, #tpu.memory_space<hbm>> -> memref<1024xi32, #tpu.memory_space<hbm>>
      tpu.enqueue_dma source(%dma_start3A_51 : memref<1024xi32, #tpu.memory_space<hbm>>) target(%arg8 : memref<1024xi32, #tpu.memory_space<vmem>>) target_semaphore(%run_scoped3A : memref<!tpu.dma_semaphore, #tpu.memory_space<semaphore_mem>>)
      %dma_wait3A_52 = tpu.memref_slice %arg5[%add3A_16] : memref<803840xi32, #tpu.memory_space<hbm>> -> memref<1024xi32, #tpu.memory_space<hbm>>
      %dma_wait3A_53 = tpu.memref_slice %arg5[%add3A_16] : memref<803840xi32, #tpu.memory_space<hbm>> -> memref<1024xi32, #tpu.memory_space<hbm>>
      tpu.wait_dma2 semaphore(%run_scoped3A : memref<!tpu.dma_semaphore, #tpu.memory_space<semaphore_mem>>) src(%dma_wait3A_53 : memref<1024xi32, #tpu.memory_space<hbm>>) dst(%arg8 : memref<1024xi32, #tpu.memory_space<vmem>>)
      tpu.yield
    }) : () -> ()
    %rem3A = arith.constant 0 : i32
    %rem3A_17 = arith.constant 16 : i32
    %rem3A_18 = arith.remsi %rem3A, %rem3A_17 : i32
    %mul3A_19 = arith.constant 64 : i32
    %mul3A_20 = arith.muli %rem3A_18, %mul3A_19 : i32
    %scan3A_21 = arith.constant 0 : i32
    %scan3A_22 = arith.constant 0 : i32
    %scan3A_23 = arith.constant 4 : i32
    %scan3A_24 = arith.addi %scan3A_22, %scan3A_23 : i32
    %scan3A_25 = arith.constant 1 : i32
    scf.for %scan3A_50 = %scan3A_22 to %scan3A_24 step %scan3A_25  : i32 {
      %mul3A_51 = arith.constant 16 : i32
      %mul3A_52 = arith.muli %scan3A_50, %mul3A_51 : i32
      %mul3A_53 = arith.constant 16 : i32
      %mul3A_54 = arith.muli %scan3A_50, %mul3A_53 : i32
      %add3A_55 = arith.addi %mul3A_20, %mul3A_54 : i32
      %get3A = arith.index_cast %add3A_55 : i32 to index
      %get3A_56 = tpu.vector_load %arg7[%get3A] {strides = array<i32>} : memref<1024xi32, #tpu.memory_space<vmem>>, vector<16xi32>,
      %get3A_57 = vector.shape_cast %get3A_56 : vector<16xi32> to vector<16xi32>
      %mul3A_58 = arith.constant 16 : i32
      %mul3A_59 = arith.muli %scan3A_50, %mul3A_58 : i32
      %add3A_60 = arith.addi %mul3A_20, %mul3A_59 : i32
      %get3A_61 = arith.index_cast %add3A_60 : i32 to index
      %get3A_62 = tpu.vector_load %arg8[%get3A_61] {strides = array<i32>} : memref<1024xi32, #tpu.memory_space<vmem>>, vector<16xi32>,
      %get3A_63 = vector.shape_cast %get3A_62 : vector<16xi32> to vector<16xi32>
      %lt3A = arith.constant 50000 : i32
      %lt3A_64 = vector.broadcast %lt3A : i32 to vector<16xi32>
      %lt3A_65 = arith.cmpi slt, %get3A_57, %lt3A_64 : vector<16xi32>
      %jit3A = arith.constant 0 : i32
      %broadcast_in_dim3A = vector.broadcast %jit3A : i32 to vector<16xi32>
      %select_n3A = arith.select %lt3A_65, %get3A_57, %broadcast_in_dim3A : vector<16xi1>, vector<16xi32>
      %swap3A = arith.index_cast %mul3A_52 : i32 to index
      %swap3A_66 = tpu.vector_load %arg9[%swap3A] {strides = array<i32>} : memref<64xi32, #tpu.memory_space<vmem>>, vector<16xi32>,
      %swap3A_67 = vector.shape_cast %swap3A_66 : vector<16xi32> to vector<16xi32>
      %swap3A_68 = vector.shape_cast %select_n3A : vector<16xi32> to vector<16xi32>
      tpu.vector_store %arg9[%swap3A], %swap3A_68 {strides = array<i32>} : memref<64xi32, #tpu.memory_space<vmem>>, vector<16xi32>,
      %swap3A_69 = arith.index_cast %mul3A_52 : i32 to index
      %swap3A_70 = tpu.vector_load %arg11[%swap3A_69] {strides = array<i32>} : memref<64xi32, #tpu.memory_space<vmem>>, vector<16xi32>,
      %swap3A_71 = vector.shape_cast %swap3A_70 : vector<16xi32> to vector<16xi32>
      %swap3A_72 = vector.shape_cast %get3A_63 : vector<16xi32> to vector<16xi32>
      tpu.vector_store %arg11[%swap3A_69], %swap3A_72 {strides = array<i32>} : memref<64xi32, #tpu.memory_space<vmem>>, vector<16xi32>,
      %sub3A = vector.broadcast %mul3A_0 : i32 to vector<16xi32>
      %sub3A_73 = arith.subi %get3A_57, %sub3A : vector<16xi32>
      %ge3A = arith.constant 0 : i32
      %ge3A_74 = vector.broadcast %ge3A : i32 to vector<16xi32>
      %ge3A_75 = arith.cmpi sge, %sub3A_73, %ge3A_74 : vector<16xi32>
      %lt3A_76 = arith.constant 25088 : i32
      %lt3A_77 = vector.broadcast %lt3A_76 : i32 to vector<16xi32>
      %lt3A_78 = arith.cmpi slt, %sub3A_73, %lt3A_77 : vector<16xi32>
      %and3A = arith.andi %ge3A_75, %lt3A_78 : vector<16xi1>
      %jit3A_79 = arith.constant 25088 : i32
      %broadcast_in_dim3A_80 = vector.broadcast %jit3A_79 : i32 to vector<16xi32>
      %select_n3A_81 = arith.select %and3A, %sub3A_73, %broadcast_in_dim3A_80 : vector<16xi1>, vector<16xi32>
      %swap3A_82 = arith.index_cast %mul3A_52 : i32 to index
      %swap3A_83 = tpu.vector_load %arg13[%swap3A_82] {strides = array<i32>} : memref<64xi32, #tpu.memory_space<vmem>>, vector<16xi32>,
      %swap3A_84 = vector.shape_cast %swap3A_83 : vector<16xi32> to vector<16xi32>
      %swap3A_85 = vector.shape_cast %select_n3A_81 : vector<16xi32> to vector<16xi32>
      tpu.vector_store %arg13[%swap3A_82], %swap3A_85 {strides = array<i32>} : memref<64xi32, #tpu.memory_space<vmem>>, vector<16xi32>,
    }
    %scan3A_26 = arith.constant 4 : i32
    %dma_start3A = arith.constant 0 : i32
    %dma_start3A_27 = arith.constant 0 : i32
    %dma_start3A_28 = tpu.memref_slice %arg2[%dma_start3A, %dma_start3A_27] : memref<50176x64xf32, #tpu.memory_space<hbm>> -> memref<50176x64xf32, #tpu.memory_space<hbm>>
    tpu.enqueue_indirect_dma source(%dma_start3A_28 : memref<50176x64xf32, #tpu.memory_space<hbm>>) target(%arg15 : memref<64x64xf32, #tpu.memory_space<vmem>>) offsets(%arg9 : memref<64xi32, #tpu.memory_space<vmem>>) semaphore(%arg20 : memref<!tpu.dma_semaphore, #tpu.memory_space<semaphore_mem>>)
    %dma_start3A_29 = arith.constant 0 : i32
    %dma_start3A_30 = arith.constant 0 : i32
    %dma_start3A_31 = tpu.memref_slice %arg3[%dma_start3A_29, %dma_start3A_30] : memref<50176x128xf32, #tpu.memory_space<hbm>> -> memref<50176x128xf32, #tpu.memory_space<hbm>>
    tpu.enqueue_indirect_dma source(%dma_start3A_31 : memref<50176x128xf32, #tpu.memory_space<hbm>>) target(%arg17 : memref<64x128xf32, #tpu.memory_space<vmem>>) offsets(%arg11 : memref<64xi32, #tpu.memory_space<vmem>>) semaphore(%arg22 : memref<!tpu.dma_semaphore, #tpu.memory_space<semaphore_mem>>)
    %scan3A_32 = arith.constant 0 : i32
    %scan3A_33 = arith.constant 0 : i32
    %scan3A_34 = arith.constant 392 : i32
    %scan3A_35 = arith.addi %scan3A_33, %scan3A_34 : i32
    %scan3A_36 = arith.constant 1 : i32
    scf.for %scan3A_50 = %scan3A_33 to %scan3A_35 step %scan3A_36  : i32 {
      %mul3A_51 = arith.constant 2 : i32
      %mul3A_52 = arith.muli %scan3A_50, %mul3A_51 : i32
      %add3A_53 = arith.constant 0 : i32
      %add3A_54 = arith.addi %mul3A_52, %add3A_53 : i32
      %add3A_55 = arith.constant 1 : i32
      %add3A_56 = arith.addi %add3A_54, %add3A_55 : i32
      %dma_wait3A_57 = arith.constant 0 : i32
      %dma_wait3A_58 = arith.constant 0 : i32
      %dma_wait3A_59 = tpu.memref_slice %arg2[%dma_wait3A_57, %dma_wait3A_58] : memref<50176x64xf32, #tpu.memory_space<hbm>> -> memref<50176x64xf32, #tpu.memory_space<hbm>>
      tpu.wait_indirect_dma semaphore(%arg20 : memref<!tpu.dma_semaphore, #tpu.memory_space<semaphore_mem>>) src(%dma_wait3A_59 : memref<50176x64xf32, #tpu.memory_space<hbm>>) dst(%arg15 : memref<64x64xf32, #tpu.memory_space<vmem>>)
      %dma_wait3A_60 = arith.constant 0 : i32
      %dma_wait3A_61 = arith.constant 0 : i32
      %dma_wait3A_62 = tpu.memref_slice %arg3[%dma_wait3A_60, %dma_wait3A_61] : memref<50176x128xf32, #tpu.memory_space<hbm>> -> memref<50176x128xf32, #tpu.memory_space<hbm>>
      tpu.wait_indirect_dma semaphore(%arg22 : memref<!tpu.dma_semaphore, #tpu.memory_space<semaphore_mem>>) src(%dma_wait3A_62 : memref<50176x128xf32, #tpu.memory_space<hbm>>) dst(%arg17 : memref<64x128xf32, #tpu.memory_space<vmem>>)
      %rem3A_63 = arith.constant 16 : i32
      %rem3A_64 = arith.remsi %add3A_56, %rem3A_63 : i32
      %eq3A = arith.constant 0 : i32
      %eq3A_65 = arith.cmpi eq, %rem3A_64, %eq3A : i32
      %convert_element_type3A = arith.extui %eq3A_65 : i1 to i32
      %cond3A = arith.constant 0 : i32
      %cond3A_66 = arith.cmpi ne, %convert_element_type3A, %cond3A : i32
      scf.if %cond3A_66 {
        %mul3A_130 = arith.constant 64 : i32
        %mul3A_131 = arith.muli %add3A_56, %mul3A_130 : i32
        %add3A_132 = arith.addi %mul3A_4, %mul3A_131 : i32
        "tpu.region"() ({
          %run_scoped3A = tpu.sem_alloc : memref<!tpu.dma_semaphore, #tpu.memory_space<semaphore_mem>>
          %dma_start3A_133 = tpu.memref_slice %arg4[%add3A_132] : memref<803840xi32, #tpu.memory_space<hbm>> -> memref<1024xi32, #tpu.memory_space<hbm>>
          %dma_start3A_134 = tpu.memref_slice %arg4[%add3A_132] : memref<803840xi32, #tpu.memory_space<hbm>> -> memref<1024xi32, #tpu.memory_space<hbm>>
          tpu.enqueue_dma source(%dma_start3A_134 : memref<1024xi32, #tpu.memory_space<hbm>>) target(%arg7 : memref<1024xi32, #tpu.memory_space<vmem>>) target_semaphore(%run_scoped3A : memref<!tpu.dma_semaphore, #tpu.memory_space<semaphore_mem>>)
          %dma_wait3A_135 = tpu.memref_slice %arg4[%add3A_132] : memref<803840xi32, #tpu.memory_space<hbm>> -> memref<1024xi32, #tpu.memory_space<hbm>>
          %dma_wait3A_136 = tpu.memref_slice %arg4[%add3A_132] : memref<803840xi32, #tpu.memory_space<hbm>> -> memref<1024xi32, #tpu.memory_space<hbm>>
          tpu.wait_dma2 semaphore(%run_scoped3A : memref<!tpu.dma_semaphore, #tpu.memory_space<semaphore_mem>>) src(%dma_wait3A_136 : memref<1024xi32, #tpu.memory_space<hbm>>) dst(%arg7 : memref<1024xi32, #tpu.memory_space<vmem>>)
          tpu.yield
        }) : () -> ()
        "tpu.region"() ({
          %run_scoped3A = tpu.sem_alloc : memref<!tpu.dma_semaphore, #tpu.memory_space<semaphore_mem>>
          %dma_start3A_133 = tpu.memref_slice %arg5[%add3A_132] : memref<803840xi32, #tpu.memory_space<hbm>> -> memref<1024xi32, #tpu.memory_space<hbm>>
          %dma_start3A_134 = tpu.memref_slice %arg5[%add3A_132] : memref<803840xi32, #tpu.memory_space<hbm>> -> memref<1024xi32, #tpu.memory_space<hbm>>
          tpu.enqueue_dma source(%dma_start3A_134 : memref<1024xi32, #tpu.memory_space<hbm>>) target(%arg8 : memref<1024xi32, #tpu.memory_space<vmem>>) target_semaphore(%run_scoped3A : memref<!tpu.dma_semaphore, #tpu.memory_space<semaphore_mem>>)
          %dma_wait3A_135 = tpu.memref_slice %arg5[%add3A_132] : memref<803840xi32, #tpu.memory_space<hbm>> -> memref<1024xi32, #tpu.memory_space<hbm>>
          %dma_wait3A_136 = tpu.memref_slice %arg5[%add3A_132] : memref<803840xi32, #tpu.memory_space<hbm>> -> memref<1024xi32, #tpu.memory_space<hbm>>
          tpu.wait_dma2 semaphore(%run_scoped3A : memref<!tpu.dma_semaphore, #tpu.memory_space<semaphore_mem>>) src(%dma_wait3A_136 : memref<1024xi32, #tpu.memory_space<hbm>>) dst(%arg8 : memref<1024xi32, #tpu.memory_space<vmem>>)
          tpu.yield
        }) : () -> ()
      } else {
      }
      %rem3A_67 = arith.constant 16 : i32
      %rem3A_68 = arith.remsi %add3A_56, %rem3A_67 : i32
      %mul3A_69 = arith.constant 64 : i32
      %mul3A_70 = arith.muli %rem3A_68, %mul3A_69 : i32
      %scan3A_71 = arith.constant 0 : i32
      %scan3A_72 = arith.constant 0 : i32
      %scan3A_73 = arith.constant 4 : i32
      %scan3A_74 = arith.addi %scan3A_72, %scan3A_73 : i32
      %scan3A_75 = arith.constant 1 : i32
      scf.for %scan3A_130 = %scan3A_72 to %scan3A_74 step %scan3A_75  : i32 {
        %mul3A_131 = arith.constant 16 : i32
        %mul3A_132 = arith.muli %scan3A_130, %mul3A_131 : i32
        %mul3A_133 = arith.constant 16 : i32
        %mul3A_134 = arith.muli %scan3A_130, %mul3A_133 : i32
        %add3A_135 = arith.addi %mul3A_70, %mul3A_134 : i32
        %get3A = arith.index_cast %add3A_135 : i32 to index
        %get3A_136 = tpu.vector_load %arg7[%get3A] {strides = array<i32>} : memref<1024xi32, #tpu.memory_space<vmem>>, vector<16xi32>,
        %get3A_137 = vector.shape_cast %get3A_136 : vector<16xi32> to vector<16xi32>
        %mul3A_138 = arith.constant 16 : i32
        %mul3A_139 = arith.muli %scan3A_130, %mul3A_138 : i32
        %add3A_140 = arith.addi %mul3A_70, %mul3A_139 : i32
        %get3A_141 = arith.index_cast %add3A_140 : i32 to index
        %get3A_142 = tpu.vector_load %arg8[%get3A_141] {strides = array<i32>} : memref<1024xi32, #tpu.memory_space<vmem>>, vector<16xi32>,
        %get3A_143 = vector.shape_cast %get3A_142 : vector<16xi32> to vector<16xi32>
        %lt3A = arith.constant 50000 : i32
        %lt3A_144 = vector.broadcast %lt3A : i32 to vector<16xi32>
        %lt3A_145 = arith.cmpi slt, %get3A_137, %lt3A_144 : vector<16xi32>
        %jit3A = arith.constant 0 : i32
        %broadcast_in_dim3A = vector.broadcast %jit3A : i32 to vector<16xi32>
        %select_n3A = arith.select %lt3A_145, %get3A_137, %broadcast_in_dim3A : vector<16xi1>, vector<16xi32>
        %swap3A = arith.index_cast %mul3A_132 : i32 to index
        %swap3A_146 = tpu.vector_load %arg10[%swap3A] {strides = array<i32>} : memref<64xi32, #tpu.memory_space<vmem>>, vector<16xi32>,
        %swap3A_147 = vector.shape_cast %swap3A_146 : vector<16xi32> to vector<16xi32>
        %swap3A_148 = vector.shape_cast %select_n3A : vector<16xi32> to vector<16xi32>
        tpu.vector_store %arg10[%swap3A], %swap3A_148 {strides = array<i32>} : memref<64xi32, #tpu.memory_space<vmem>>, vector<16xi32>,
        %swap3A_149 = arith.index_cast %mul3A_132 : i32 to index
        %swap3A_150 = tpu.vector_load %arg12[%swap3A_149] {strides = array<i32>} : memref<64xi32, #tpu.memory_space<vmem>>, vector<16xi32>,
        %swap3A_151 = vector.shape_cast %swap3A_150 : vector<16xi32> to vector<16xi32>
        %swap3A_152 = vector.shape_cast %get3A_143 : vector<16xi32> to vector<16xi32>
        tpu.vector_store %arg12[%swap3A_149], %swap3A_152 {strides = array<i32>} : memref<64xi32, #tpu.memory_space<vmem>>, vector<16xi32>,
        %sub3A = vector.broadcast %mul3A_0 : i32 to vector<16xi32>
        %sub3A_153 = arith.subi %get3A_137, %sub3A : vector<16xi32>
        %ge3A = arith.constant 0 : i32
        %ge3A_154 = vector.broadcast %ge3A : i32 to vector<16xi32>
        %ge3A_155 = arith.cmpi sge, %sub3A_153, %ge3A_154 : vector<16xi32>
        %lt3A_156 = arith.constant 25088 : i32
        %lt3A_157 = vector.broadcast %lt3A_156 : i32 to vector<16xi32>
        %lt3A_158 = arith.cmpi slt, %sub3A_153, %lt3A_157 : vector<16xi32>
        %and3A = arith.andi %ge3A_155, %lt3A_158 : vector<16xi1>
        %jit3A_159 = arith.constant 25088 : i32
        %broadcast_in_dim3A_160 = vector.broadcast %jit3A_159 : i32 to vector<16xi32>
        %select_n3A_161 = arith.select %and3A, %sub3A_153, %broadcast_in_dim3A_160 : vector<16xi1>, vector<16xi32>
        %swap3A_162 = arith.index_cast %mul3A_132 : i32 to index
        %swap3A_163 = tpu.vector_load %arg14[%swap3A_162] {strides = array<i32>} : memref<64xi32, #tpu.memory_space<vmem>>, vector<16xi32>,
        %swap3A_164 = vector.shape_cast %swap3A_163 : vector<16xi32> to vector<16xi32>
        %swap3A_165 = vector.shape_cast %select_n3A_161 : vector<16xi32> to vector<16xi32>
        tpu.vector_store %arg14[%swap3A_162], %swap3A_165 {strides = array<i32>} : memref<64xi32, #tpu.memory_space<vmem>>, vector<16xi32>,
      }
      %scan3A_76 = arith.constant 4 : i32
      %dma_start3A_77 = arith.constant 0 : i32
      %dma_start3A_78 = arith.constant 0 : i32
      %dma_start3A_79 = tpu.memref_slice %arg2[%dma_start3A_77, %dma_start3A_78] : memref<50176x64xf32, #tpu.memory_space<hbm>> -> memref<50176x64xf32, #tpu.memory_space<hbm>>
      tpu.enqueue_indirect_dma source(%dma_start3A_79 : memref<50176x64xf32, #tpu.memory_space<hbm>>) target(%arg16 : memref<64x64xf32, #tpu.memory_space<vmem>>) offsets(%arg10 : memref<64xi32, #tpu.memory_space<vmem>>) semaphore(%arg21 : memref<!tpu.dma_semaphore, #tpu.memory_space<semaphore_mem>>)
      %dma_start3A_80 = arith.constant 0 : i32
      %dma_start3A_81 = arith.constant 0 : i32
      %dma_start3A_82 = tpu.memref_slice %arg3[%dma_start3A_80, %dma_start3A_81] : memref<50176x128xf32, #tpu.memory_space<hbm>> -> memref<50176x128xf32, #tpu.memory_space<hbm>>
      tpu.enqueue_indirect_dma source(%dma_start3A_82 : memref<50176x128xf32, #tpu.memory_space<hbm>>) target(%arg18 : memref<64x128xf32, #tpu.memory_space<vmem>>) offsets(%arg12 : memref<64xi32, #tpu.memory_space<vmem>>) semaphore(%arg23 : memref<!tpu.dma_semaphore, #tpu.memory_space<semaphore_mem>>)
      %scan3A_83 = arith.constant 0 : i32
      %scan3A_84 = arith.constant 0 : i32
      %scan3A_85 = arith.constant 64 : i32
      %scan3A_86 = arith.addi %scan3A_84, %scan3A_85 : i32
      %scan3A_87 = arith.constant 1 : i32
      scf.for %scan3A_130 = %scan3A_84 to %scan3A_86 step %scan3A_87  : i32 {
        %get3A = arith.index_cast %scan3A_130 : i32 to index
        %get3A_131 = arith.constant 0 : index
        %get3A_132 = tpu.vector_load %arg15[%get3A, %get3A_131] {strides = array<i32>} : memref<64x64xf32, #tpu.memory_space<vmem>>, vector<1x16xf32>,
        %get3A_133 = vector.shape_cast %get3A_132 : vector<1x16xf32> to vector<16xf32>
        %get3A_134 = arith.index_cast %scan3A_130 : i32 to index
        %get3A_135 = arith.constant 0 : index
        %get3A_136 = tpu.vector_load %arg17[%get3A_134, %get3A_135] {strides = array<i32>} : memref<64x128xf32, #tpu.memory_space<vmem>>, vector<1x16xf32>,
        %get3A_137 = vector.shape_cast %get3A_136 : vector<1x16xf32> to vector<16xf32>
        %get3A_138 = arith.index_cast %scan3A_130 : i32 to index
        %get3A_139 = arith.constant 64 : index
        %get3A_140 = tpu.vector_load %arg17[%get3A_138, %get3A_139] {strides = array<i32>} : memref<64x128xf32, #tpu.memory_space<vmem>>, vector<1x16xf32>,
        %get3A_141 = vector.shape_cast %get3A_140 : vector<1x16xf32> to vector<16xf32>
        %add3A_142 = arith.addf %get3A_133, %get3A_137 : vector<16xf32>
        %neg3A = arith.constant 0.000000e+00 : f32
        %neg3A_143 = vector.broadcast %neg3A : f32 to vector<16xf32>
        %neg3A_144 = arith.subf %neg3A_143, %add3A_142 : vector<16xf32>
        %exp3A = math.exp %neg3A_144 : vector<16xf32>
        %add3A_145 = arith.constant 1.000000e+00 : f32
        %add3A_146 = vector.broadcast %add3A_145 : f32 to vector<16xf32>
        %add3A_147 = arith.addf %add3A_146, %exp3A : vector<16xf32>
        %div3A = arith.constant 1.000000e+00 : f32
        %div3A_148 = vector.broadcast %div3A : f32 to vector<16xf32>
        %div3A_149 = arith.divf %div3A_148, %add3A_147 : vector<16xf32>
        %mul3A_150 = arith.mulf %div3A_149, %get3A_141 : vector<16xf32>
        %swap3A = arith.index_cast %scan3A_130 : i32 to index
        %swap3A_151 = arith.constant 0 : index
        %swap3A_152 = tpu.vector_load %arg15[%swap3A, %swap3A_151] {strides = array<i32>} : memref<64x64xf32, #tpu.memory_space<vmem>>, vector<1x16xf32>,
        %swap3A_153 = vector.shape_cast %swap3A_152 : vector<1x16xf32> to vector<16xf32>
        %swap3A_154 = vector.shape_cast %mul3A_150 : vector<16xf32> to vector<1x16xf32>
        tpu.vector_store %arg15[%swap3A, %swap3A_151], %swap3A_154 {strides = array<i32>} : memref<64x64xf32, #tpu.memory_space<vmem>>, vector<1x16xf32>,
        %get3A_155 = arith.index_cast %scan3A_130 : i32 to index
        %get3A_156 = arith.constant 16 : index
        %get3A_157 = tpu.vector_load %arg15[%get3A_155, %get3A_156] {strides = array<i32>} : memref<64x64xf32, #tpu.memory_space<vmem>>, vector<1x16xf32>,
        %get3A_158 = vector.shape_cast %get3A_157 : vector<1x16xf32> to vector<16xf32>
        %get3A_159 = arith.index_cast %scan3A_130 : i32 to index
        %get3A_160 = arith.constant 16 : index
        %get3A_161 = tpu.vector_load %arg17[%get3A_159, %get3A_160] {strides = array<i32>} : memref<64x128xf32, #tpu.memory_space<vmem>>, vector<1x16xf32>,
        %get3A_162 = vector.shape_cast %get3A_161 : vector<1x16xf32> to vector<16xf32>
        %get3A_163 = arith.index_cast %scan3A_130 : i32 to index
        %get3A_164 = arith.constant 80 : index
        %get3A_165 = tpu.vector_load %arg17[%get3A_163, %get3A_164] {strides = array<i32>} : memref<64x128xf32, #tpu.memory_space<vmem>>, vector<1x16xf32>,
        %get3A_166 = vector.shape_cast %get3A_165 : vector<1x16xf32> to vector<16xf32>
        %add3A_167 = arith.addf %get3A_158, %get3A_162 : vector<16xf32>
        %neg3A_168 = arith.constant 0.000000e+00 : f32
        %neg3A_169 = vector.broadcast %neg3A_168 : f32 to vector<16xf32>
        %neg3A_170 = arith.subf %neg3A_169, %add3A_167 : vector<16xf32>
        %exp3A_171 = math.exp %neg3A_170 : vector<16xf32>
        %add3A_172 = arith.constant 1.000000e+00 : f32
        %add3A_173 = vector.broadcast %add3A_172 : f32 to vector<16xf32>
        %add3A_174 = arith.addf %add3A_173, %exp3A_171 : vector<16xf32>
        %div3A_175 = arith.constant 1.000000e+00 : f32
        %div3A_176 = vector.broadcast %div3A_175 : f32 to vector<16xf32>
        %div3A_177 = arith.divf %div3A_176, %add3A_174 : vector<16xf32>
        %mul3A_178 = arith.mulf %div3A_177, %get3A_166 : vector<16xf32>
        %swap3A_179 = arith.index_cast %scan3A_130 : i32 to index
        %swap3A_180 = arith.constant 16 : index
        %swap3A_181 = tpu.vector_load %arg15[%swap3A_179, %swap3A_180] {strides = array<i32>} : memref<64x64xf32, #tpu.memory_space<vmem>>, vector<1x16xf32>,
        %swap3A_182 = vector.shape_cast %swap3A_181 : vector<1x16xf32> to vector<16xf32>
        %swap3A_183 = vector.shape_cast %mul3A_178 : vector<16xf32> to vector<1x16xf32>
        tpu.vector_store %arg15[%swap3A_179, %swap3A_180], %swap3A_183 {strides = array<i32>} : memref<64x64xf32, #tpu.memory_space<vmem>>, vector<1x16xf32>,
        %get3A_184 = arith.index_cast %scan3A_130 : i32 to index
        %get3A_185 = arith.constant 32 : index
        %get3A_186 = tpu.vector_load %arg15[%get3A_184, %get3A_185] {strides = array<i32>} : memref<64x64xf32, #tpu.memory_space<vmem>>, vector<1x16xf32>,
        %get3A_187 = vector.shape_cast %get3A_186 : vector<1x16xf32> to vector<16xf32>
        %get3A_188 = arith.index_cast %scan3A_130 : i32 to index
        %get3A_189 = arith.constant 32 : index
        %get3A_190 = tpu.vector_load %arg17[%get3A_188, %get3A_189] {strides = array<i32>} : memref<64x128xf32, #tpu.memory_space<vmem>>, vector<1x16xf32>,
        %get3A_191 = vector.shape_cast %get3A_190 : vector<1x16xf32> to vector<16xf32>
        %get3A_192 = arith.index_cast %scan3A_130 : i32 to index
        %get3A_193 = arith.constant 96 : index
        %get3A_194 = tpu.vector_load %arg17[%get3A_192, %get3A_193] {strides = array<i32>} : memref<64x128xf32, #tpu.memory_space<vmem>>, vector<1x16xf32>,
        %get3A_195 = vector.shape_cast %get3A_194 : vector<1x16xf32> to vector<16xf32>
        %add3A_196 = arith.addf %get3A_187, %get3A_191 : vector<16xf32>
        %neg3A_197 = arith.constant 0.000000e+00 : f32
        %neg3A_198 = vector.broadcast %neg3A_197 : f32 to vector<16xf32>
        %neg3A_199 = arith.subf %neg3A_198, %add3A_196 : vector<16xf32>
        %exp3A_200 = math.exp %neg3A_199 : vector<16xf32>
        %add3A_201 = arith.constant 1.000000e+00 : f32
        %add3A_202 = vector.broadcast %add3A_201 : f32 to vector<16xf32>
        %add3A_203 = arith.addf %add3A_202, %exp3A_200 : vector<16xf32>
        %div3A_204 = arith.constant 1.000000e+00 : f32
        %div3A_205 = vector.broadcast %div3A_204 : f32 to vector<16xf32>
        %div3A_206 = arith.divf %div3A_205, %add3A_203 : vector<16xf32>
        %mul3A_207 = arith.mulf %div3A_206, %get3A_195 : vector<16xf32>
        %swap3A_208 = arith.index_cast %scan3A_130 : i32 to index
        %swap3A_209 = arith.constant 32 : index
        %swap3A_210 = tpu.vector_load %arg15[%swap3A_208, %swap3A_209] {strides = array<i32>} : memref<64x64xf32, #tpu.memory_space<vmem>>, vector<1x16xf32>,
        %swap3A_211 = vector.shape_cast %swap3A_210 : vector<1x16xf32> to vector<16xf32>
        %swap3A_212 = vector.shape_cast %mul3A_207 : vector<16xf32> to vector<1x16xf32>
        tpu.vector_store %arg15[%swap3A_208, %swap3A_209], %swap3A_212 {strides = array<i32>} : memref<64x64xf32, #tpu.memory_space<vmem>>, vector<1x16xf32>,
        %get3A_213 = arith.index_cast %scan3A_130 : i32 to index
        %get3A_214 = arith.constant 48 : index
        %get3A_215 = tpu.vector_load %arg15[%get3A_213, %get3A_214] {strides = array<i32>} : memref<64x64xf32, #tpu.memory_space<vmem>>, vector<1x16xf32>,
        %get3A_216 = vector.shape_cast %get3A_215 : vector<1x16xf32> to vector<16xf32>
        %get3A_217 = arith.index_cast %scan3A_130 : i32 to index
        %get3A_218 = arith.constant 48 : index
        %get3A_219 = tpu.vector_load %arg17[%get3A_217, %get3A_218] {strides = array<i32>} : memref<64x128xf32, #tpu.memory_space<vmem>>, vector<1x16xf32>,
        %get3A_220 = vector.shape_cast %get3A_219 : vector<1x16xf32> to vector<16xf32>
        %get3A_221 = arith.index_cast %scan3A_130 : i32 to index
        %get3A_222 = arith.constant 112 : index
        %get3A_223 = tpu.vector_load %arg17[%get3A_221, %get3A_222] {strides = array<i32>} : memref<64x128xf32, #tpu.memory_space<vmem>>, vector<1x16xf32>,
        %get3A_224 = vector.shape_cast %get3A_223 : vector<1x16xf32> to vector<16xf32>
        %add3A_225 = arith.addf %get3A_216, %get3A_220 : vector<16xf32>
        %neg3A_226 = arith.constant 0.000000e+00 : f32
        %neg3A_227 = vector.broadcast %neg3A_226 : f32 to vector<16xf32>
        %neg3A_228 = arith.subf %neg3A_227, %add3A_225 : vector<16xf32>
        %exp3A_229 = math.exp %neg3A_228 : vector<16xf32>
        %add3A_230 = arith.constant 1.000000e+00 : f32
        %add3A_231 = vector.broadcast %add3A_230 : f32 to vector<16xf32>
        %add3A_232 = arith.addf %add3A_231, %exp3A_229 : vector<16xf32>
        %div3A_233 = arith.constant 1.000000e+00 : f32
        %div3A_234 = vector.broadcast %div3A_233 : f32 to vector<16xf32>
        %div3A_235 = arith.divf %div3A_234, %add3A_232 : vector<16xf32>
        %mul3A_236 = arith.mulf %div3A_235, %get3A_224 : vector<16xf32>
        %swap3A_237 = arith.index_cast %scan3A_130 : i32 to index
        %swap3A_238 = arith.constant 48 : index
        %swap3A_239 = tpu.vector_load %arg15[%swap3A_237, %swap3A_238] {strides = array<i32>} : memref<64x64xf32, #tpu.memory_space<vmem>>, vector<1x16xf32>,
        %swap3A_240 = vector.shape_cast %swap3A_239 : vector<1x16xf32> to vector<16xf32>
        %swap3A_241 = vector.shape_cast %mul3A_236 : vector<16xf32> to vector<1x16xf32>
        tpu.vector_store %arg15[%swap3A_237, %swap3A_238], %swap3A_241 {strides = array<i32>} : memref<64x64xf32, #tpu.memory_space<vmem>>, vector<1x16xf32>,
      }
      %scan3A_88 = arith.constant 64 : i32
      "tpu.region"() ({
        %run_scoped3A = tpu.sem_alloc : memref<!tpu.dma_semaphore, #tpu.memory_space<semaphore_mem>>
        %dma_start3A_130 = arith.constant 0 : i32
        %dma_start3A_131 = arith.constant 0 : i32
        %dma_start3A_132 = tpu.memref_slice %arg19[%dma_start3A_130, %dma_start3A_131] : memref<25152x64xf32, #tpu.memory_space<vmem_shared>> -> memref<25152x64xf32, #tpu.memory_space<vmem_shared>>
        tpu.enqueue_indirect_dma source(%arg15 : memref<64x64xf32, #tpu.memory_space<vmem>>) target(%dma_start3A_132 : memref<25152x64xf32, #tpu.memory_space<vmem_shared>>) offsets(%arg13 : memref<64xi32, #tpu.memory_space<vmem>>) semaphore(%run_scoped3A : memref<!tpu.dma_semaphore, #tpu.memory_space<semaphore_mem>>) {add = true}
        %dma_wait3A_133 = arith.constant 0 : i32
        %dma_wait3A_134 = arith.constant 0 : i32
        %dma_wait3A_135 = tpu.memref_slice %arg19[%dma_wait3A_133, %dma_wait3A_134] : memref<25152x64xf32, #tpu.memory_space<vmem_shared>> -> memref<25152x64xf32, #tpu.memory_space<vmem_shared>>
        tpu.wait_indirect_dma semaphore(%run_scoped3A : memref<!tpu.dma_semaphore, #tpu.memory_space<semaphore_mem>>) src(%arg15 : memref<64x64xf32, #tpu.memory_space<vmem>>) dst(%dma_wait3A_135 : memref<25152x64xf32, #tpu.memory_space<vmem_shared>>)
        tpu.yield
      }) : () -> ()
      %mul3A_89 = arith.constant 2 : i32
      %mul3A_90 = arith.muli %scan3A_50, %mul3A_89 : i32
      %add3A_91 = arith.constant 1 : i32
      %add3A_92 = arith.addi %mul3A_90, %add3A_91 : i32
      %add3A_93 = arith.constant 1 : i32
      %add3A_94 = arith.addi %add3A_92, %add3A_93 : i32
      %dma_wait3A_95 = arith.constant 0 : i32
      %dma_wait3A_96 = arith.constant 0 : i32
      %dma_wait3A_97 = tpu.memref_slice %arg2[%dma_wait3A_95, %dma_wait3A_96] : memref<50176x64xf32, #tpu.memory_space<hbm>> -> memref<50176x64xf32, #tpu.memory_space<hbm>>
      tpu.wait_indirect_dma semaphore(%arg21 : memref<!tpu.dma_semaphore, #tpu.memory_space<semaphore_mem>>) src(%dma_wait3A_97 : memref<50176x64xf32, #tpu.memory_space<hbm>>) dst(%arg16 : memref<64x64xf32, #tpu.memory_space<vmem>>)
      %dma_wait3A_98 = arith.constant 0 : i32
      %dma_wait3A_99 = arith.constant 0 : i32
      %dma_wait3A_100 = tpu.memref_slice %arg3[%dma_wait3A_98, %dma_wait3A_99] : memref<50176x128xf32, #tpu.memory_space<hbm>> -> memref<50176x128xf32, #tpu.memory_space<hbm>>
      tpu.wait_indirect_dma semaphore(%arg23 : memref<!tpu.dma_semaphore, #tpu.memory_space<semaphore_mem>>) src(%dma_wait3A_100 : memref<50176x128xf32, #tpu.memory_space<hbm>>) dst(%arg18 : memref<64x128xf32, #tpu.memory_space<vmem>>)
      %rem3A_101 = arith.constant 16 : i32
      %rem3A_102 = arith.remsi %add3A_94, %rem3A_101 : i32
      %eq3A_103 = arith.constant 0 : i32
      %eq3A_104 = arith.cmpi eq, %rem3A_102, %eq3A_103 : i32
      %convert_element_type3A_105 = arith.extui %eq3A_104 : i1 to i32
      %cond3A_106 = arith.constant 0 : i32
      %cond3A_107 = arith.cmpi ne, %convert_element_type3A_105, %cond3A_106 : i32
      scf.if %cond3A_107 {
        %mul3A_130 = arith.constant 64 : i32
        %mul3A_131 = arith.muli %add3A_94, %mul3A_130 : i32
        %add3A_132 = arith.addi %mul3A_4, %mul3A_131 : i32
        "tpu.region"() ({
          %run_scoped3A = tpu.sem_alloc : memref<!tpu.dma_semaphore, #tpu.memory_space<semaphore_mem>>
          %dma_start3A_133 = tpu.memref_slice %arg4[%add3A_132] : memref<803840xi32, #tpu.memory_space<hbm>> -> memref<1024xi32, #tpu.memory_space<hbm>>
          %dma_start3A_134 = tpu.memref_slice %arg4[%add3A_132] : memref<803840xi32, #tpu.memory_space<hbm>> -> memref<1024xi32, #tpu.memory_space<hbm>>
          tpu.enqueue_dma source(%dma_start3A_134 : memref<1024xi32, #tpu.memory_space<hbm>>) target(%arg7 : memref<1024xi32, #tpu.memory_space<vmem>>) target_semaphore(%run_scoped3A : memref<!tpu.dma_semaphore, #tpu.memory_space<semaphore_mem>>)
          %dma_wait3A_135 = tpu.memref_slice %arg4[%add3A_132] : memref<803840xi32, #tpu.memory_space<hbm>> -> memref<1024xi32, #tpu.memory_space<hbm>>
          %dma_wait3A_136 = tpu.memref_slice %arg4[%add3A_132] : memref<803840xi32, #tpu.memory_space<hbm>> -> memref<1024xi32, #tpu.memory_space<hbm>>
          tpu.wait_dma2 semaphore(%run_scoped3A : memref<!tpu.dma_semaphore, #tpu.memory_space<semaphore_mem>>) src(%dma_wait3A_136 : memref<1024xi32, #tpu.memory_space<hbm>>) dst(%arg7 : memref<1024xi32, #tpu.memory_space<vmem>>)
          tpu.yield
        }) : () -> ()
        "tpu.region"() ({
          %run_scoped3A = tpu.sem_alloc : memref<!tpu.dma_semaphore, #tpu.memory_space<semaphore_mem>>
          %dma_start3A_133 = tpu.memref_slice %arg5[%add3A_132] : memref<803840xi32, #tpu.memory_space<hbm>> -> memref<1024xi32, #tpu.memory_space<hbm>>
          %dma_start3A_134 = tpu.memref_slice %arg5[%add3A_132] : memref<803840xi32, #tpu.memory_space<hbm>> -> memref<1024xi32, #tpu.memory_space<hbm>>
          tpu.enqueue_dma source(%dma_start3A_134 : memref<1024xi32, #tpu.memory_space<hbm>>) target(%arg8 : memref<1024xi32, #tpu.memory_space<vmem>>) target_semaphore(%run_scoped3A : memref<!tpu.dma_semaphore, #tpu.memory_space<semaphore_mem>>)
          %dma_wait3A_135 = tpu.memref_slice %arg5[%add3A_132] : memref<803840xi32, #tpu.memory_space<hbm>> -> memref<1024xi32, #tpu.memory_space<hbm>>
          %dma_wait3A_136 = tpu.memref_slice %arg5[%add3A_132] : memref<803840xi32, #tpu.memory_space<hbm>> -> memref<1024xi32, #tpu.memory_space<hbm>>
          tpu.wait_dma2 semaphore(%run_scoped3A : memref<!tpu.dma_semaphore, #tpu.memory_space<semaphore_mem>>) src(%dma_wait3A_136 : memref<1024xi32, #tpu.memory_space<hbm>>) dst(%arg8 : memref<1024xi32, #tpu.memory_space<vmem>>)
          tpu.yield
        }) : () -> ()
      } else {
      }
      %rem3A_108 = arith.constant 16 : i32
      %rem3A_109 = arith.remsi %add3A_94, %rem3A_108 : i32
      %mul3A_110 = arith.constant 64 : i32
      %mul3A_111 = arith.muli %rem3A_109, %mul3A_110 : i32
      %scan3A_112 = arith.constant 0 : i32
      %scan3A_113 = arith.constant 0 : i32
      %scan3A_114 = arith.constant 4 : i32
      %scan3A_115 = arith.addi %scan3A_113, %scan3A_114 : i32
      %scan3A_116 = arith.constant 1 : i32
      scf.for %scan3A_130 = %scan3A_113 to %scan3A_115 step %scan3A_116  : i32 {
        %mul3A_131 = arith.constant 16 : i32
        %mul3A_132 = arith.muli %scan3A_130, %mul3A_131 : i32
        %mul3A_133 = arith.constant 16 : i32
        %mul3A_134 = arith.muli %scan3A_130, %mul3A_133 : i32
        %add3A_135 = arith.addi %mul3A_111, %mul3A_134 : i32
        %get3A = arith.index_cast %add3A_135 : i32 to index
        %get3A_136 = tpu.vector_load %arg7[%get3A] {strides = array<i32>} : memref<1024xi32, #tpu.memory_space<vmem>>, vector<16xi32>,
        %get3A_137 = vector.shape_cast %get3A_136 : vector<16xi32> to vector<16xi32>
        %mul3A_138 = arith.constant 16 : i32
        %mul3A_139 = arith.muli %scan3A_130, %mul3A_138 : i32
        %add3A_140 = arith.addi %mul3A_111, %mul3A_139 : i32
        %get3A_141 = arith.index_cast %add3A_140 : i32 to index
        %get3A_142 = tpu.vector_load %arg8[%get3A_141] {strides = array<i32>} : memref<1024xi32, #tpu.memory_space<vmem>>, vector<16xi32>,
        %get3A_143 = vector.shape_cast %get3A_142 : vector<16xi32> to vector<16xi32>
        %lt3A = arith.constant 50000 : i32
        %lt3A_144 = vector.broadcast %lt3A : i32 to vector<16xi32>
        %lt3A_145 = arith.cmpi slt, %get3A_137, %lt3A_144 : vector<16xi32>
        %jit3A = arith.constant 0 : i32
        %broadcast_in_dim3A = vector.broadcast %jit3A : i32 to vector<16xi32>
        %select_n3A = arith.select %lt3A_145, %get3A_137, %broadcast_in_dim3A : vector<16xi1>, vector<16xi32>
        %swap3A = arith.index_cast %mul3A_132 : i32 to index
        %swap3A_146 = tpu.vector_load %arg9[%swap3A] {strides = array<i32>} : memref<64xi32, #tpu.memory_space<vmem>>, vector<16xi32>,
        %swap3A_147 = vector.shape_cast %swap3A_146 : vector<16xi32> to vector<16xi32>
        %swap3A_148 = vector.shape_cast %select_n3A : vector<16xi32> to vector<16xi32>
        tpu.vector_store %arg9[%swap3A], %swap3A_148 {strides = array<i32>} : memref<64xi32, #tpu.memory_space<vmem>>, vector<16xi32>,
        %swap3A_149 = arith.index_cast %mul3A_132 : i32 to index
        %swap3A_150 = tpu.vector_load %arg11[%swap3A_149] {strides = array<i32>} : memref<64xi32, #tpu.memory_space<vmem>>, vector<16xi32>,
        %swap3A_151 = vector.shape_cast %swap3A_150 : vector<16xi32> to vector<16xi32>
        %swap3A_152 = vector.shape_cast %get3A_143 : vector<16xi32> to vector<16xi32>
        tpu.vector_store %arg11[%swap3A_149], %swap3A_152 {strides = array<i32>} : memref<64xi32, #tpu.memory_space<vmem>>, vector<16xi32>,
        %sub3A = vector.broadcast %mul3A_0 : i32 to vector<16xi32>
        %sub3A_153 = arith.subi %get3A_137, %sub3A : vector<16xi32>
        %ge3A = arith.constant 0 : i32
        %ge3A_154 = vector.broadcast %ge3A : i32 to vector<16xi32>
        %ge3A_155 = arith.cmpi sge, %sub3A_153, %ge3A_154 : vector<16xi32>
        %lt3A_156 = arith.constant 25088 : i32
        %lt3A_157 = vector.broadcast %lt3A_156 : i32 to vector<16xi32>
        %lt3A_158 = arith.cmpi slt, %sub3A_153, %lt3A_157 : vector<16xi32>
        %and3A = arith.andi %ge3A_155, %lt3A_158 : vector<16xi1>
        %jit3A_159 = arith.constant 25088 : i32
        %broadcast_in_dim3A_160 = vector.broadcast %jit3A_159 : i32 to vector<16xi32>
        %select_n3A_161 = arith.select %and3A, %sub3A_153, %broadcast_in_dim3A_160 : vector<16xi1>, vector<16xi32>
        %swap3A_162 = arith.index_cast %mul3A_132 : i32 to index
        %swap3A_163 = tpu.vector_load %arg13[%swap3A_162] {strides = array<i32>} : memref<64xi32, #tpu.memory_space<vmem>>, vector<16xi32>,
        %swap3A_164 = vector.shape_cast %swap3A_163 : vector<16xi32> to vector<16xi32>
        %swap3A_165 = vector.shape_cast %select_n3A_161 : vector<16xi32> to vector<16xi32>
        tpu.vector_store %arg13[%swap3A_162], %swap3A_165 {strides = array<i32>} : memref<64xi32, #tpu.memory_space<vmem>>, vector<16xi32>,
      }
      %scan3A_117 = arith.constant 4 : i32
      %dma_start3A_118 = arith.constant 0 : i32
      %dma_start3A_119 = arith.constant 0 : i32
      %dma_start3A_120 = tpu.memref_slice %arg2[%dma_start3A_118, %dma_start3A_119] : memref<50176x64xf32, #tpu.memory_space<hbm>> -> memref<50176x64xf32, #tpu.memory_space<hbm>>
      tpu.enqueue_indirect_dma source(%dma_start3A_120 : memref<50176x64xf32, #tpu.memory_space<hbm>>) target(%arg15 : memref<64x64xf32, #tpu.memory_space<vmem>>) offsets(%arg9 : memref<64xi32, #tpu.memory_space<vmem>>) semaphore(%arg20 : memref<!tpu.dma_semaphore, #tpu.memory_space<semaphore_mem>>)
      %dma_start3A_121 = arith.constant 0 : i32
      %dma_start3A_122 = arith.constant 0 : i32
      %dma_start3A_123 = tpu.memref_slice %arg3[%dma_start3A_121, %dma_start3A_122] : memref<50176x128xf32, #tpu.memory_space<hbm>> -> memref<50176x128xf32, #tpu.memory_space<hbm>>
      tpu.enqueue_indirect_dma source(%dma_start3A_123 : memref<50176x128xf32, #tpu.memory_space<hbm>>) target(%arg17 : memref<64x128xf32, #tpu.memory_space<vmem>>) offsets(%arg11 : memref<64xi32, #tpu.memory_space<vmem>>) semaphore(%arg22 : memref<!tpu.dma_semaphore, #tpu.memory_space<semaphore_mem>>)
      %scan3A_124 = arith.constant 0 : i32
      %scan3A_125 = arith.constant 0 : i32
      %scan3A_126 = arith.constant 64 : i32
      %scan3A_127 = arith.addi %scan3A_125, %scan3A_126 : i32
      %scan3A_128 = arith.constant 1 : i32
      scf.for %scan3A_130 = %scan3A_125 to %scan3A_127 step %scan3A_128  : i32 {
        %get3A = arith.index_cast %scan3A_130 : i32 to index
        %get3A_131 = arith.constant 0 : index
        %get3A_132 = tpu.vector_load %arg16[%get3A, %get3A_131] {strides = array<i32>} : memref<64x64xf32, #tpu.memory_space<vmem>>, vector<1x16xf32>,
        %get3A_133 = vector.shape_cast %get3A_132 : vector<1x16xf32> to vector<16xf32>
        %get3A_134 = arith.index_cast %scan3A_130 : i32 to index
        %get3A_135 = arith.constant 0 : index
        %get3A_136 = tpu.vector_load %arg18[%get3A_134, %get3A_135] {strides = array<i32>} : memref<64x128xf32, #tpu.memory_space<vmem>>, vector<1x16xf32>,
        %get3A_137 = vector.shape_cast %get3A_136 : vector<1x16xf32> to vector<16xf32>
        %get3A_138 = arith.index_cast %scan3A_130 : i32 to index
        %get3A_139 = arith.constant 64 : index
        %get3A_140 = tpu.vector_load %arg18[%get3A_138, %get3A_139] {strides = array<i32>} : memref<64x128xf32, #tpu.memory_space<vmem>>, vector<1x16xf32>,
        %get3A_141 = vector.shape_cast %get3A_140 : vector<1x16xf32> to vector<16xf32>
        %add3A_142 = arith.addf %get3A_133, %get3A_137 : vector<16xf32>
        %neg3A = arith.constant 0.000000e+00 : f32
        %neg3A_143 = vector.broadcast %neg3A : f32 to vector<16xf32>
        %neg3A_144 = arith.subf %neg3A_143, %add3A_142 : vector<16xf32>
        %exp3A = math.exp %neg3A_144 : vector<16xf32>
        %add3A_145 = arith.constant 1.000000e+00 : f32
        %add3A_146 = vector.broadcast %add3A_145 : f32 to vector<16xf32>
        %add3A_147 = arith.addf %add3A_146, %exp3A : vector<16xf32>
        %div3A = arith.constant 1.000000e+00 : f32
        %div3A_148 = vector.broadcast %div3A : f32 to vector<16xf32>
        %div3A_149 = arith.divf %div3A_148, %add3A_147 : vector<16xf32>
        %mul3A_150 = arith.mulf %div3A_149, %get3A_141 : vector<16xf32>
        %swap3A = arith.index_cast %scan3A_130 : i32 to index
        %swap3A_151 = arith.constant 0 : index
        %swap3A_152 = tpu.vector_load %arg16[%swap3A, %swap3A_151] {strides = array<i32>} : memref<64x64xf32, #tpu.memory_space<vmem>>, vector<1x16xf32>,
        %swap3A_153 = vector.shape_cast %swap3A_152 : vector<1x16xf32> to vector<16xf32>
        %swap3A_154 = vector.shape_cast %mul3A_150 : vector<16xf32> to vector<1x16xf32>
        tpu.vector_store %arg16[%swap3A, %swap3A_151], %swap3A_154 {strides = array<i32>} : memref<64x64xf32, #tpu.memory_space<vmem>>, vector<1x16xf32>,
        %get3A_155 = arith.index_cast %scan3A_130 : i32 to index
        %get3A_156 = arith.constant 16 : index
        %get3A_157 = tpu.vector_load %arg16[%get3A_155, %get3A_156] {strides = array<i32>} : memref<64x64xf32, #tpu.memory_space<vmem>>, vector<1x16xf32>,
        %get3A_158 = vector.shape_cast %get3A_157 : vector<1x16xf32> to vector<16xf32>
        %get3A_159 = arith.index_cast %scan3A_130 : i32 to index
        %get3A_160 = arith.constant 16 : index
        %get3A_161 = tpu.vector_load %arg18[%get3A_159, %get3A_160] {strides = array<i32>} : memref<64x128xf32, #tpu.memory_space<vmem>>, vector<1x16xf32>,
        %get3A_162 = vector.shape_cast %get3A_161 : vector<1x16xf32> to vector<16xf32>
        %get3A_163 = arith.index_cast %scan3A_130 : i32 to index
        %get3A_164 = arith.constant 80 : index
        %get3A_165 = tpu.vector_load %arg18[%get3A_163, %get3A_164] {strides = array<i32>} : memref<64x128xf32, #tpu.memory_space<vmem>>, vector<1x16xf32>,
        %get3A_166 = vector.shape_cast %get3A_165 : vector<1x16xf32> to vector<16xf32>
        %add3A_167 = arith.addf %get3A_158, %get3A_162 : vector<16xf32>
        %neg3A_168 = arith.constant 0.000000e+00 : f32
        %neg3A_169 = vector.broadcast %neg3A_168 : f32 to vector<16xf32>
        %neg3A_170 = arith.subf %neg3A_169, %add3A_167 : vector<16xf32>
        %exp3A_171 = math.exp %neg3A_170 : vector<16xf32>
        %add3A_172 = arith.constant 1.000000e+00 : f32
        %add3A_173 = vector.broadcast %add3A_172 : f32 to vector<16xf32>
        %add3A_174 = arith.addf %add3A_173, %exp3A_171 : vector<16xf32>
        %div3A_175 = arith.constant 1.000000e+00 : f32
        %div3A_176 = vector.broadcast %div3A_175 : f32 to vector<16xf32>
        %div3A_177 = arith.divf %div3A_176, %add3A_174 : vector<16xf32>
        %mul3A_178 = arith.mulf %div3A_177, %get3A_166 : vector<16xf32>
        %swap3A_179 = arith.index_cast %scan3A_130 : i32 to index
        %swap3A_180 = arith.constant 16 : index
        %swap3A_181 = tpu.vector_load %arg16[%swap3A_179, %swap3A_180] {strides = array<i32>} : memref<64x64xf32, #tpu.memory_space<vmem>>, vector<1x16xf32>,
        %swap3A_182 = vector.shape_cast %swap3A_181 : vector<1x16xf32> to vector<16xf32>
        %swap3A_183 = vector.shape_cast %mul3A_178 : vector<16xf32> to vector<1x16xf32>
        tpu.vector_store %arg16[%swap3A_179, %swap3A_180], %swap3A_183 {strides = array<i32>} : memref<64x64xf32, #tpu.memory_space<vmem>>, vector<1x16xf32>,
        %get3A_184 = arith.index_cast %scan3A_130 : i32 to index
        %get3A_185 = arith.constant 32 : index
        %get3A_186 = tpu.vector_load %arg16[%get3A_184, %get3A_185] {strides = array<i32>} : memref<64x64xf32, #tpu.memory_space<vmem>>, vector<1x16xf32>,
        %get3A_187 = vector.shape_cast %get3A_186 : vector<1x16xf32> to vector<16xf32>
        %get3A_188 = arith.index_cast %scan3A_130 : i32 to index
        %get3A_189 = arith.constant 32 : index
        %get3A_190 = tpu.vector_load %arg18[%get3A_188, %get3A_189] {strides = array<i32>} : memref<64x128xf32, #tpu.memory_space<vmem>>, vector<1x16xf32>,
        %get3A_191 = vector.shape_cast %get3A_190 : vector<1x16xf32> to vector<16xf32>
        %get3A_192 = arith.index_cast %scan3A_130 : i32 to index
        %get3A_193 = arith.constant 96 : index
        %get3A_194 = tpu.vector_load %arg18[%get3A_192, %get3A_193] {strides = array<i32>} : memref<64x128xf32, #tpu.memory_space<vmem>>, vector<1x16xf32>,
        %get3A_195 = vector.shape_cast %get3A_194 : vector<1x16xf32> to vector<16xf32>
        %add3A_196 = arith.addf %get3A_187, %get3A_191 : vector<16xf32>
        %neg3A_197 = arith.constant 0.000000e+00 : f32
        %neg3A_198 = vector.broadcast %neg3A_197 : f32 to vector<16xf32>
        %neg3A_199 = arith.subf %neg3A_198, %add3A_196 : vector<16xf32>
        %exp3A_200 = math.exp %neg3A_199 : vector<16xf32>
        %add3A_201 = arith.constant 1.000000e+00 : f32
        %add3A_202 = vector.broadcast %add3A_201 : f32 to vector<16xf32>
        %add3A_203 = arith.addf %add3A_202, %exp3A_200 : vector<16xf32>
        %div3A_204 = arith.constant 1.000000e+00 : f32
        %div3A_205 = vector.broadcast %div3A_204 : f32 to vector<16xf32>
        %div3A_206 = arith.divf %div3A_205, %add3A_203 : vector<16xf32>
        %mul3A_207 = arith.mulf %div3A_206, %get3A_195 : vector<16xf32>
        %swap3A_208 = arith.index_cast %scan3A_130 : i32 to index
        %swap3A_209 = arith.constant 32 : index
        %swap3A_210 = tpu.vector_load %arg16[%swap3A_208, %swap3A_209] {strides = array<i32>} : memref<64x64xf32, #tpu.memory_space<vmem>>, vector<1x16xf32>,
        %swap3A_211 = vector.shape_cast %swap3A_210 : vector<1x16xf32> to vector<16xf32>
        %swap3A_212 = vector.shape_cast %mul3A_207 : vector<16xf32> to vector<1x16xf32>
        tpu.vector_store %arg16[%swap3A_208, %swap3A_209], %swap3A_212 {strides = array<i32>} : memref<64x64xf32, #tpu.memory_space<vmem>>, vector<1x16xf32>,
        %get3A_213 = arith.index_cast %scan3A_130 : i32 to index
        %get3A_214 = arith.constant 48 : index
        %get3A_215 = tpu.vector_load %arg16[%get3A_213, %get3A_214] {strides = array<i32>} : memref<64x64xf32, #tpu.memory_space<vmem>>, vector<1x16xf32>,
        %get3A_216 = vector.shape_cast %get3A_215 : vector<1x16xf32> to vector<16xf32>
        %get3A_217 = arith.index_cast %scan3A_130 : i32 to index
        %get3A_218 = arith.constant 48 : index
        %get3A_219 = tpu.vector_load %arg18[%get3A_217, %get3A_218] {strides = array<i32>} : memref<64x128xf32, #tpu.memory_space<vmem>>, vector<1x16xf32>,
        %get3A_220 = vector.shape_cast %get3A_219 : vector<1x16xf32> to vector<16xf32>
        %get3A_221 = arith.index_cast %scan3A_130 : i32 to index
        %get3A_222 = arith.constant 112 : index
        %get3A_223 = tpu.vector_load %arg18[%get3A_221, %get3A_222] {strides = array<i32>} : memref<64x128xf32, #tpu.memory_space<vmem>>, vector<1x16xf32>,
        %get3A_224 = vector.shape_cast %get3A_223 : vector<1x16xf32> to vector<16xf32>
        %add3A_225 = arith.addf %get3A_216, %get3A_220 : vector<16xf32>
        %neg3A_226 = arith.constant 0.000000e+00 : f32
        %neg3A_227 = vector.broadcast %neg3A_226 : f32 to vector<16xf32>
        %neg3A_228 = arith.subf %neg3A_227, %add3A_225 : vector<16xf32>
        %exp3A_229 = math.exp %neg3A_228 : vector<16xf32>
        %add3A_230 = arith.constant 1.000000e+00 : f32
        %add3A_231 = vector.broadcast %add3A_230 : f32 to vector<16xf32>
        %add3A_232 = arith.addf %add3A_231, %exp3A_229 : vector<16xf32>
        %div3A_233 = arith.constant 1.000000e+00 : f32
        %div3A_234 = vector.broadcast %div3A_233 : f32 to vector<16xf32>
        %div3A_235 = arith.divf %div3A_234, %add3A_232 : vector<16xf32>
        %mul3A_236 = arith.mulf %div3A_235, %get3A_224 : vector<16xf32>
        %swap3A_237 = arith.index_cast %scan3A_130 : i32 to index
        %swap3A_238 = arith.constant 48 : index
        %swap3A_239 = tpu.vector_load %arg16[%swap3A_237, %swap3A_238] {strides = array<i32>} : memref<64x64xf32, #tpu.memory_space<vmem>>, vector<1x16xf32>,
        %swap3A_240 = vector.shape_cast %swap3A_239 : vector<1x16xf32> to vector<16xf32>
        %swap3A_241 = vector.shape_cast %mul3A_236 : vector<16xf32> to vector<1x16xf32>
        tpu.vector_store %arg16[%swap3A_237, %swap3A_238], %swap3A_241 {strides = array<i32>} : memref<64x64xf32, #tpu.memory_space<vmem>>, vector<1x16xf32>,
      }
      %scan3A_129 = arith.constant 64 : i32
      "tpu.region"() ({
        %run_scoped3A = tpu.sem_alloc : memref<!tpu.dma_semaphore, #tpu.memory_space<semaphore_mem>>
        %dma_start3A_130 = arith.constant 0 : i32
        %dma_start3A_131 = arith.constant 0 : i32
        %dma_start3A_132 = tpu.memref_slice %arg19[%dma_start3A_130, %dma_start3A_131] : memref<25152x64xf32, #tpu.memory_space<vmem_shared>> -> memref<25152x64xf32, #tpu.memory_space<vmem_shared>>
        tpu.enqueue_indirect_dma source(%arg16 : memref<64x64xf32, #tpu.memory_space<vmem>>) target(%dma_start3A_132 : memref<25152x64xf32, #tpu.memory_space<vmem_shared>>) offsets(%arg14 : memref<64xi32, #tpu.memory_space<vmem>>) semaphore(%run_scoped3A : memref<!tpu.dma_semaphore, #tpu.memory_space<semaphore_mem>>) {add = true}
        %dma_wait3A_133 = arith.constant 0 : i32
        %dma_wait3A_134 = arith.constant 0 : i32
        %dma_wait3A_135 = tpu.memref_slice %arg19[%dma_wait3A_133, %dma_wait3A_134] : memref<25152x64xf32, #tpu.memory_space<vmem_shared>> -> memref<25152x64xf32, #tpu.memory_space<vmem_shared>>
        tpu.wait_indirect_dma semaphore(%run_scoped3A : memref<!tpu.dma_semaphore, #tpu.memory_space<semaphore_mem>>) src(%arg16 : memref<64x64xf32, #tpu.memory_space<vmem>>) dst(%dma_wait3A_135 : memref<25152x64xf32, #tpu.memory_space<vmem_shared>>)
        tpu.yield
      }) : () -> ()
    }
    %scan3A_37 = arith.constant 392 : i32
    %dma_wait3A = arith.constant 0 : i32
    %dma_wait3A_38 = arith.constant 0 : i32
    %dma_wait3A_39 = tpu.memref_slice %arg2[%dma_wait3A, %dma_wait3A_38] : memref<50176x64xf32, #tpu.memory_space<hbm>> -> memref<50176x64xf32, #tpu.memory_space<hbm>>
    tpu.wait_indirect_dma semaphore(%arg20 : memref<!tpu.dma_semaphore, #tpu.memory_space<semaphore_mem>>) src(%dma_wait3A_39 : memref<50176x64xf32, #tpu.memory_space<hbm>>) dst(%arg15 : memref<64x64xf32, #tpu.memory_space<vmem>>)
    %dma_wait3A_40 = arith.constant 0 : i32
    %dma_wait3A_41 = arith.constant 0 : i32
    %dma_wait3A_42 = tpu.memref_slice %arg3[%dma_wait3A_40, %dma_wait3A_41] : memref<50176x128xf32, #tpu.memory_space<hbm>> -> memref<50176x128xf32, #tpu.memory_space<hbm>>
    tpu.wait_indirect_dma semaphore(%arg22 : memref<!tpu.dma_semaphore, #tpu.memory_space<semaphore_mem>>) src(%dma_wait3A_42 : memref<50176x128xf32, #tpu.memory_space<hbm>>) dst(%arg17 : memref<64x128xf32, #tpu.memory_space<vmem>>)
    %barrier3A_43 = arith.constant 0 : index
    tpu.barrier barrier_id(%barrier3A_43)
    %scan3A_44 = arith.constant 0 : i32
    %scan3A_45 = arith.constant 0 : i32
    %scan3A_46 = arith.constant 28 : i32
    %scan3A_47 = arith.addi %scan3A_45, %scan3A_46 : i32
    %scan3A_48 = arith.constant 1 : i32
    scf.for %scan3A_50 = %scan3A_45 to %scan3A_47 step %scan3A_48  : i32 {
      %mul3A_51 = arith.constant 1568 : i32
      %mul3A_52 = arith.muli %arg1, %mul3A_51 : i32
      %mul3A_53 = arith.constant 56 : i32
      %mul3A_54 = arith.muli %scan3A_50, %mul3A_53 : i32
      %add3A_55 = arith.addi %mul3A_52, %mul3A_54 : i32
      %scan3A_56 = arith.constant 0 : i32
      %scan3A_57 = arith.constant 0 : i32
      %scan3A_58 = arith.constant 4 : i32
      %scan3A_59 = arith.addi %scan3A_57, %scan3A_58 : i32
      %scan3A_60 = arith.constant 1 : i32
      scf.for %scan3A_69 = %scan3A_57 to %scan3A_59 step %scan3A_60  : i32 {
        %mul3A_70 = arith.constant 16 : i32
        %mul3A_71 = arith.muli %scan3A_69, %mul3A_70 : i32
        %iota3A = tpu.iota {dimensions = array<i32: 0>} : vector<16xi32>
        %add3A_72 = vector.broadcast %mul3A_71 : i32 to vector<16xi32>
        %add3A_73 = arith.addi %add3A_72, %iota3A : vector<16xi32>
        %lt3A = arith.constant 56 : i32
        %lt3A_74 = vector.broadcast %lt3A : i32 to vector<16xi32>
        %lt3A_75 = arith.cmpi slt, %add3A_73, %lt3A_74 : vector<16xi32>
        %add3A_76 = vector.broadcast %add3A_55 : i32 to vector<16xi32>
        %add3A_77 = arith.addi %add3A_76, %add3A_73 : vector<16xi32>
        %jit3A = arith.constant 25088 : i32
        %broadcast_in_dim3A = vector.broadcast %jit3A : i32 to vector<16xi32>
        %select_n3A = arith.select %lt3A_75, %add3A_77, %broadcast_in_dim3A : vector<16xi1>, vector<16xi32>
        %mul3A_78 = arith.constant 16 : i32
        %mul3A_79 = arith.muli %scan3A_69, %mul3A_78 : i32
        %swap3A = arith.index_cast %mul3A_79 : i32 to index
        %swap3A_80 = tpu.vector_load %arg13[%swap3A] {strides = array<i32>} : memref<64xi32, #tpu.memory_space<vmem>>, vector<16xi32>,
        %swap3A_81 = vector.shape_cast %swap3A_80 : vector<16xi32> to vector<16xi32>
        %swap3A_82 = vector.shape_cast %select_n3A : vector<16xi32> to vector<16xi32>
        tpu.vector_store %arg13[%swap3A], %swap3A_82 {strides = array<i32>} : memref<64xi32, #tpu.memory_space<vmem>>, vector<16xi32>,
      }
      %scan3A_61 = arith.constant 4 : i32
      %dma_start3A_62 = arith.constant 0 : i32
      %dma_start3A_63 = arith.constant 0 : i32
      %dma_start3A_64 = tpu.memref_slice %arg19[%dma_start3A_62, %dma_start3A_63] : memref<25152x64xf32, #tpu.memory_space<vmem_shared>> -> memref<25152x64xf32, #tpu.memory_space<vmem_shared>>
      tpu.enqueue_indirect_dma source(%dma_start3A_64 : memref<25152x64xf32, #tpu.memory_space<vmem_shared>>) target(%arg15 : memref<64x64xf32, #tpu.memory_space<vmem>>) offsets(%arg13 : memref<64xi32, #tpu.memory_space<vmem>>) semaphore(%arg20 : memref<!tpu.dma_semaphore, #tpu.memory_space<semaphore_mem>>)
      %dma_wait3A_65 = arith.constant 0 : i32
      %dma_wait3A_66 = arith.constant 0 : i32
      %dma_wait3A_67 = tpu.memref_slice %arg19[%dma_wait3A_65, %dma_wait3A_66] : memref<25152x64xf32, #tpu.memory_space<vmem_shared>> -> memref<25152x64xf32, #tpu.memory_space<vmem_shared>>
      tpu.wait_indirect_dma semaphore(%arg20 : memref<!tpu.dma_semaphore, #tpu.memory_space<semaphore_mem>>) src(%dma_wait3A_67 : memref<25152x64xf32, #tpu.memory_space<vmem_shared>>) dst(%arg15 : memref<64x64xf32, #tpu.memory_space<vmem>>)
      %add3A_68 = arith.addi %mul3A_0, %add3A_55 : i32
      "tpu.region"() ({
        %run_scoped3A = tpu.sem_alloc : memref<!tpu.dma_semaphore, #tpu.memory_space<semaphore_mem>>
        %dma_start3A_69 = arith.constant 0 : i32
        %dma_start3A_70 = arith.constant 0 : i32
        %dma_start3A_71 = tpu.memref_slice %arg15[%dma_start3A_69, %dma_start3A_70] : memref<64x64xf32, #tpu.memory_space<vmem>> -> memref<56x64xf32, #tpu.memory_space<vmem>>
        %dma_start3A_72 = arith.constant 0 : i32
        %dma_start3A_73 = tpu.memref_slice %arg6[%add3A_68, %dma_start3A_72] : memref<50176x64xf32, #tpu.memory_space<hbm>> -> memref<56x64xf32, #tpu.memory_space<hbm>>
        %dma_start3A_74 = arith.constant 0 : i32
        %dma_start3A_75 = tpu.memref_slice %arg6[%add3A_68, %dma_start3A_74] : memref<50176x64xf32, #tpu.memory_space<hbm>> -> memref<56x64xf32, #tpu.memory_space<hbm>>
        %dma_start3A_76 = arith.constant 0 : i32
        %dma_start3A_77 = arith.constant 0 : i32
        %dma_start3A_78 = tpu.memref_slice %arg15[%dma_start3A_76, %dma_start3A_77] : memref<64x64xf32, #tpu.memory_space<vmem>> -> memref<56x64xf32, #tpu.memory_space<vmem>>
        tpu.enqueue_dma source(%dma_start3A_78 : memref<56x64xf32, #tpu.memory_space<vmem>>) target(%dma_start3A_75 : memref<56x64xf32, #tpu.memory_space<hbm>>) target_semaphore(%run_scoped3A : memref<!tpu.dma_semaphore, #tpu.memory_space<semaphore_mem>>)
        %dma_wait3A_79 = arith.constant 0 : i32
        %dma_wait3A_80 = arith.constant 0 : i32
        %dma_wait3A_81 = tpu.memref_slice %arg15[%dma_wait3A_79, %dma_wait3A_80] : memref<64x64xf32, #tpu.memory_space<vmem>> -> memref<56x64xf32, #tpu.memory_space<vmem>>
        %dma_wait3A_82 = arith.constant 0 : i32
        %dma_wait3A_83 = tpu.memref_slice %arg6[%add3A_68, %dma_wait3A_82] : memref<50176x64xf32, #tpu.memory_space<hbm>> -> memref<56x64xf32, #tpu.memory_space<hbm>>
        %dma_wait3A_84 = arith.constant 0 : i32
        %dma_wait3A_85 = tpu.memref_slice %arg6[%add3A_68, %dma_wait3A_84] : memref<50176x64xf32, #tpu.memory_space<hbm>> -> memref<56x64xf32, #tpu.memory_space<hbm>>
        %dma_wait3A_86 = arith.constant 0 : i32
        %dma_wait3A_87 = arith.constant 0 : i32
        %dma_wait3A_88 = tpu.memref_slice %arg15[%dma_wait3A_86, %dma_wait3A_87] : memref<64x64xf32, #tpu.memory_space<vmem>> -> memref<56x64xf32, #tpu.memory_space<vmem>>
        tpu.wait_dma2 semaphore(%run_scoped3A : memref<!tpu.dma_semaphore, #tpu.memory_space<semaphore_mem>>) src(%dma_wait3A_88 : memref<56x64xf32, #tpu.memory_space<vmem>>) dst(%dma_wait3A_85 : memref<56x64xf32, #tpu.memory_space<hbm>>)
        tpu.yield
      }) : () -> ()
    }
    %scan3A_49 = arith.constant 28 : i32
    return
  }
}

#map = affine_map<(d0, d1) -> (0, 0)>
#map1 = affine_map<(d0, d1) -> (0)>
module attributes {stable_mosaic.version = 14 : i64} {
  func.func @_sc_edge(%arg0: i32, %arg1: i32, %arg2: memref<50176x64xf32, #tpu.memory_space<hbm>>, %arg3: memref<50176x128xf32, #tpu.memory_space<hbm>>, %arg4: memref<803840xi32, #tpu.memory_space<hbm>>, %arg5: memref<803840xi32, #tpu.memory_space<hbm>>, %arg6: memref<50176x64xf32, #tpu.memory_space<hbm>>, %arg7: memref<1024xi32, #tpu.memory_space<vmem>>, %arg8: memref<1024xi32, #tpu.memory_space<vmem>>, %arg9: memref<64xi32, #tpu.memory_space<vmem>>, %arg10: memref<64xi32, #tpu.memory_space<vmem>>, %arg11: memref<64xi32, #tpu.memory_space<vmem>>, %arg12: memref<64xi32, #tpu.memory_space<vmem>>, %arg13: memref<64xi32, #tpu.memory_space<vmem>>, %arg14: memref<64xi32, #tpu.memory_space<vmem>>, %arg15: memref<64x64xf32, #tpu.memory_space<vmem>>, %arg16: memref<64x64xf32, #tpu.memory_space<vmem>>, %arg17: memref<64x128xf32, #tpu.memory_space<vmem>>, %arg18: memref<64x128xf32, #tpu.memory_space<vmem>>, %arg19: memref<25152x64xf32, #tpu.memory_space<vmem_shared>>, %arg20: memref<!tpu.dma_semaphore, #tpu.memory_space<semaphore_mem>>, %arg21: memref<!tpu.dma_semaphore, #tpu.memory_space<semaphore_mem>>, %arg22: memref<!tpu.dma_semaphore, #tpu.memory_space<semaphore_mem>>, %arg23: memref<!tpu.dma_semaphore, #tpu.memory_space<semaphore_mem>>) attributes {dimension_semantics = [#tpu.dimension_semantics<core_parallel>, #tpu.dimension_semantics<subcore_parallel>], iteration_bounds = array<i64: 2, 16>, scalar_prefetch = 0 : i64, scratch_operands = 17 : i64, tpu.core_type = #tpu.core_type<sc_vector_subcore>, window_params = [{transform_indices = #map}, {transform_indices = #map}, {transform_indices = #map1}, {transform_indices = #map1}, {transform_indices = #map}]} {
    %mul3A = arith.constant 25088 : i32
    %mul3A_0 = arith.muli %arg0, %mul3A : i32
    %mul3A_1 = arith.constant 784 : i32
    %mul3A_2 = arith.muli %arg1, %mul3A_1 : i32
    %mul3A_3 = arith.constant 64 : i32
    %mul3A_4 = arith.muli %mul3A_2, %mul3A_3 : i32
    %scan3A = arith.constant 0 : i32
    %scan3A_5 = arith.constant 0 : i32
    %scan3A_6 = arith.constant 64 : i32
    %scan3A_7 = arith.addi %scan3A_5, %scan3A_6 : i32
    %scan3A_8 = arith.constant 1 : i32
    scf.for %scan3A_50 = %scan3A_5 to %scan3A_7 step %scan3A_8  : i32 {
      %broadcast_in_dim3A = arith.constant 0.000000e+00 : f32
      %broadcast_in_dim3A_51 = vector.broadcast %broadcast_in_dim3A : f32 to vector<16xf32>
      %swap3A = arith.index_cast %scan3A_50 : i32 to index
      %swap3A_52 = arith.constant 0 : index
      %swap3A_53 = tpu.vector_load %arg15[%swap3A, %swap3A_52] {strides = array<i32>} : memref<64x64xf32, #tpu.memory_space<vmem>>, vector<1x16xf32>,
      %swap3A_54 = vector.shape_cast %swap3A_53 : vector<1x16xf32> to vector<16xf32>
      %swap3A_55 = vector.shape_cast %broadcast_in_dim3A_51 : vector<16xf32> to vector<1x16xf32>
      tpu.vector_store %arg15[%swap3A, %swap3A_52], %swap3A_55 {strides = array<i32>} : memref<64x64xf32, #tpu.memory_space<vmem>>, vector<1x16xf32>,
      %broadcast_in_dim3A_56 = arith.constant 0.000000e+00 : f32
      %broadcast_in_dim3A_57 = vector.broadcast %broadcast_in_dim3A_56 : f32 to vector<16xf32>
      %swap3A_58 = arith.index_cast %scan3A_50 : i32 to index
      %swap3A_59 = arith.constant 16 : index
      %swap3A_60 = tpu.vector_load %arg15[%swap3A_58, %swap3A_59] {strides = array<i32>} : memref<64x64xf32, #tpu.memory_space<vmem>>, vector<1x16xf32>,
      %swap3A_61 = vector.shape_cast %swap3A_60 : vector<1x16xf32> to vector<16xf32>
      %swap3A_62 = vector.shape_cast %broadcast_in_dim3A_57 : vector<16xf32> to vector<1x16xf32>
      tpu.vector_store %arg15[%swap3A_58, %swap3A_59], %swap3A_62 {strides = array<i32>} : memref<64x64xf32, #tpu.memory_space<vmem>>, vector<1x16xf32>,
      %broadcast_in_dim3A_63 = arith.constant 0.000000e+00 : f32
      %broadcast_in_dim3A_64 = vector.broadcast %broadcast_in_dim3A_63 : f32 to vector<16xf32>
      %swap3A_65 = arith.index_cast %scan3A_50 : i32 to index
      %swap3A_66 = arith.constant 32 : index
      %swap3A_67 = tpu.vector_load %arg15[%swap3A_65, %swap3A_66] {strides = array<i32>} : memref<64x64xf32, #tpu.memory_space<vmem>>, vector<1x16xf32>,
      %swap3A_68 = vector.shape_cast %swap3A_67 : vector<1x16xf32> to vector<16xf32>
      %swap3A_69 = vector.shape_cast %broadcast_in_dim3A_64 : vector<16xf32> to vector<1x16xf32>
      tpu.vector_store %arg15[%swap3A_65, %swap3A_66], %swap3A_69 {strides = array<i32>} : memref<64x64xf32, #tpu.memory_space<vmem>>, vector<1x16xf32>,
      %broadcast_in_dim3A_70 = arith.constant 0.000000e+00 : f32
      %broadcast_in_dim3A_71 = vector.broadcast %broadcast_in_dim3A_70 : f32 to vector<16xf32>
      %swap3A_72 = arith.index_cast %scan3A_50 : i32 to index
      %swap3A_73 = arith.constant 48 : index
      %swap3A_74 = tpu.vector_load %arg15[%swap3A_72, %swap3A_73] {strides = array<i32>} : memref<64x64xf32, #tpu.memory_space<vmem>>, vector<1x16xf32>,
      %swap3A_75 = vector.shape_cast %swap3A_74 : vector<1x16xf32> to vector<16xf32>
      %swap3A_76 = vector.shape_cast %broadcast_in_dim3A_71 : vector<16xf32> to vector<1x16xf32>
      tpu.vector_store %arg15[%swap3A_72, %swap3A_73], %swap3A_76 {strides = array<i32>} : memref<64x64xf32, #tpu.memory_space<vmem>>, vector<1x16xf32>,
    }
    %scan3A_9 = arith.constant 64 : i32
    %scan3A_10 = arith.constant 0 : i32
    %scan3A_11 = arith.constant 0 : i32
    %scan3A_12 = arith.constant 25 : i32
    %scan3A_13 = arith.addi %scan3A_11, %scan3A_12 : i32
    %scan3A_14 = arith.constant 1 : i32
    scf.for %scan3A_50 = %scan3A_11 to %scan3A_13 step %scan3A_14  : i32 {
      %scan3A_51 = arith.constant 0 : i32
      %scan3A_52 = arith.constant 0 : i32
      %scan3A_53 = arith.constant 4 : i32
      %scan3A_54 = arith.addi %scan3A_52, %scan3A_53 : i32
      %scan3A_55 = arith.constant 1 : i32
      scf.for %scan3A_57 = %scan3A_52 to %scan3A_54 step %scan3A_55  : i32 {
        %mul3A_58 = arith.constant 64 : i32
        %mul3A_59 = arith.muli %scan3A_50, %mul3A_58 : i32
        %mul3A_60 = arith.constant 16 : i32
        %mul3A_61 = arith.muli %scan3A_57, %mul3A_60 : i32
        %add3A_62 = arith.addi %mul3A_59, %mul3A_61 : i32
        %iota3A = tpu.iota {dimensions = array<i32: 0>} : vector<16xi32>
        %add3A_63 = vector.broadcast %add3A_62 : i32 to vector<16xi32>
        %add3A_64 = arith.addi %add3A_63, %iota3A : vector<16xi32>
        %lt3A = arith.constant 1572 : i32
        %lt3A_65 = vector.broadcast %lt3A : i32 to vector<16xi32>
        %lt3A_66 = arith.cmpi slt, %add3A_64, %lt3A_65 : vector<16xi32>
        %mul3A_67 = arith.constant 1572 : i32
        %mul3A_68 = arith.muli %arg1, %mul3A_67 : i32
        %add3A_69 = vector.broadcast %mul3A_68 : i32 to vector<16xi32>
        %add3A_70 = arith.addi %add3A_69, %add3A_64 : vector<16xi32>
        %jit3A = arith.constant 25088 : i32
        %broadcast_in_dim3A = vector.broadcast %jit3A : i32 to vector<16xi32>
        %select_n3A = arith.select %lt3A_66, %add3A_70, %broadcast_in_dim3A : vector<16xi1>, vector<16xi32>
        %mul3A_71 = arith.constant 16 : i32
        %mul3A_72 = arith.muli %scan3A_57, %mul3A_71 : i32
        %swap3A = arith.index_cast %mul3A_72 : i32 to index
        %swap3A_73 = tpu.vector_load %arg13[%swap3A] {strides = array<i32>} : memref<64xi32, #tpu.memory_space<vmem>>, vector<16xi32>,
        %swap3A_74 = vector.shape_cast %swap3A_73 : vector<16xi32> to vector<16xi32>
        %swap3A_75 = vector.shape_cast %select_n3A : vector<16xi32> to vector<16xi32>
        tpu.vector_store %arg13[%swap3A], %swap3A_75 {strides = array<i32>} : memref<64xi32, #tpu.memory_space<vmem>>, vector<16xi32>,
      }
      %scan3A_56 = arith.constant 4 : i32
      "tpu.region"() ({
        %run_scoped3A = tpu.sem_alloc : memref<!tpu.dma_semaphore, #tpu.memory_space<semaphore_mem>>
        %dma_start3A_57 = arith.constant 0 : i32
        %dma_start3A_58 = arith.constant 0 : i32
        %dma_start3A_59 = tpu.memref_slice %arg19[%dma_start3A_57, %dma_start3A_58] : memref<25152x64xf32, #tpu.memory_space<vmem_shared>> -> memref<25152x64xf32, #tpu.memory_space<vmem_shared>>
        tpu.enqueue_indirect_dma source(%arg15 : memref<64x64xf32, #tpu.memory_space<vmem>>) target(%dma_start3A_59 : memref<25152x64xf32, #tpu.memory_space<vmem_shared>>) offsets(%arg13 : memref<64xi32, #tpu.memory_space<vmem>>) semaphore(%run_scoped3A : memref<!tpu.dma_semaphore, #tpu.memory_space<semaphore_mem>>)
        %dma_wait3A_60 = arith.constant 0 : i32
        %dma_wait3A_61 = arith.constant 0 : i32
        %dma_wait3A_62 = tpu.memref_slice %arg19[%dma_wait3A_60, %dma_wait3A_61] : memref<25152x64xf32, #tpu.memory_space<vmem_shared>> -> memref<25152x64xf32, #tpu.memory_space<vmem_shared>>
        tpu.wait_indirect_dma semaphore(%run_scoped3A : memref<!tpu.dma_semaphore, #tpu.memory_space<semaphore_mem>>) src(%arg15 : memref<64x64xf32, #tpu.memory_space<vmem>>) dst(%dma_wait3A_62 : memref<25152x64xf32, #tpu.memory_space<vmem_shared>>)
        tpu.yield
      }) : () -> ()
    }
    %scan3A_15 = arith.constant 25 : i32
    %barrier3A = arith.constant 0 : index
    tpu.barrier barrier_id(%barrier3A)
    %add3A = arith.constant 0 : i32
    %add3A_16 = arith.addi %mul3A_4, %add3A : i32
    "tpu.region"() ({
      %run_scoped3A = tpu.sem_alloc : memref<!tpu.dma_semaphore, #tpu.memory_space<semaphore_mem>>
      %dma_start3A_50 = tpu.memref_slice %arg4[%add3A_16] : memref<803840xi32, #tpu.memory_space<hbm>> -> memref<1024xi32, #tpu.memory_space<hbm>>
      %dma_start3A_51 = tpu.memref_slice %arg4[%add3A_16] : memref<803840xi32, #tpu.memory_space<hbm>> -> memref<1024xi32, #tpu.memory_space<hbm>>
      tpu.enqueue_dma source(%dma_start3A_51 : memref<1024xi32, #tpu.memory_space<hbm>>) target(%arg7 : memref<1024xi32, #tpu.memory_space<vmem>>) target_semaphore(%run_scoped3A : memref<!tpu.dma_semaphore, #tpu.memory_space<semaphore_mem>>)
      %dma_wait3A_52 = tpu.memref_slice %arg4[%add3A_16] : memref<803840xi32, #tpu.memory_space<hbm>> -> memref<1024xi32, #tpu.memory_space<hbm>>
      %dma_wait3A_53 = tpu.memref_slice %arg4[%add3A_16] : memref<803840xi32, #tpu.memory_space<hbm>> -> memref<1024xi32, #tpu.memory_space<hbm>>
      tpu.wait_dma2 semaphore(%run_scoped3A : memref<!tpu.dma_semaphore, #tpu.memory_space<semaphore_mem>>) src(%dma_wait3A_53 : memref<1024xi32, #tpu.memory_space<hbm>>) dst(%arg7 : memref<1024xi32, #tpu.memory_space<vmem>>)
      tpu.yield
    }) : () -> ()
    "tpu.region"() ({
      %run_scoped3A = tpu.sem_alloc : memref<!tpu.dma_semaphore, #tpu.memory_space<semaphore_mem>>
      %dma_start3A_50 = tpu.memref_slice %arg5[%add3A_16] : memref<803840xi32, #tpu.memory_space<hbm>> -> memref<1024xi32, #tpu.memory_space<hbm>>
      %dma_start3A_51 = tpu.memref_slice %arg5[%add3A_16] : memref<803840xi32, #tpu.memory_space<hbm>> -> memref<1024xi32, #tpu.memory_space<hbm>>
      tpu.enqueue_dma source(%dma_start3A_51 : memref<1024xi32, #tpu.memory_space<hbm>>) target(%arg8 : memref<1024xi32, #tpu.memory_space<vmem>>) target_semaphore(%run_scoped3A : memref<!tpu.dma_semaphore, #tpu.memory_space<semaphore_mem>>)
      %dma_wait3A_52 = tpu.memref_slice %arg5[%add3A_16] : memref<803840xi32, #tpu.memory_space<hbm>> -> memref<1024xi32, #tpu.memory_space<hbm>>
      %dma_wait3A_53 = tpu.memref_slice %arg5[%add3A_16] : memref<803840xi32, #tpu.memory_space<hbm>> -> memref<1024xi32, #tpu.memory_space<hbm>>
      tpu.wait_dma2 semaphore(%run_scoped3A : memref<!tpu.dma_semaphore, #tpu.memory_space<semaphore_mem>>) src(%dma_wait3A_53 : memref<1024xi32, #tpu.memory_space<hbm>>) dst(%arg8 : memref<1024xi32, #tpu.memory_space<vmem>>)
      tpu.yield
    }) : () -> ()
    %rem3A = arith.constant 0 : i32
    %rem3A_17 = arith.constant 16 : i32
    %rem3A_18 = arith.remsi %rem3A, %rem3A_17 : i32
    %mul3A_19 = arith.constant 64 : i32
    %mul3A_20 = arith.muli %rem3A_18, %mul3A_19 : i32
    %scan3A_21 = arith.constant 0 : i32
    %scan3A_22 = arith.constant 0 : i32
    %scan3A_23 = arith.constant 4 : i32
    %scan3A_24 = arith.addi %scan3A_22, %scan3A_23 : i32
    %scan3A_25 = arith.constant 1 : i32
    scf.for %scan3A_50 = %scan3A_22 to %scan3A_24 step %scan3A_25  : i32 {
      %mul3A_51 = arith.constant 16 : i32
      %mul3A_52 = arith.muli %scan3A_50, %mul3A_51 : i32
      %mul3A_53 = arith.constant 16 : i32
      %mul3A_54 = arith.muli %scan3A_50, %mul3A_53 : i32
      %add3A_55 = arith.addi %mul3A_20, %mul3A_54 : i32
      %get3A = arith.index_cast %add3A_55 : i32 to index
      %get3A_56 = tpu.vector_load %arg7[%get3A] {strides = array<i32>} : memref<1024xi32, #tpu.memory_space<vmem>>, vector<16xi32>,
      %get3A_57 = vector.shape_cast %get3A_56 : vector<16xi32> to vector<16xi32>
      %mul3A_58 = arith.constant 16 : i32
      %mul3A_59 = arith.muli %scan3A_50, %mul3A_58 : i32
      %add3A_60 = arith.addi %mul3A_20, %mul3A_59 : i32
      %get3A_61 = arith.index_cast %add3A_60 : i32 to index
      %get3A_62 = tpu.vector_load %arg8[%get3A_61] {strides = array<i32>} : memref<1024xi32, #tpu.memory_space<vmem>>, vector<16xi32>,
      %get3A_63 = vector.shape_cast %get3A_62 : vector<16xi32> to vector<16xi32>
      %lt3A = arith.constant 50000 : i32
      %lt3A_64 = vector.broadcast %lt3A : i32 to vector<16xi32>
      %lt3A_65 = arith.cmpi slt, %get3A_57, %lt3A_64 : vector<16xi32>
      %jit3A = arith.constant 0 : i32
      %broadcast_in_dim3A = vector.broadcast %jit3A : i32 to vector<16xi32>
      %select_n3A = arith.select %lt3A_65, %get3A_57, %broadcast_in_dim3A : vector<16xi1>, vector<16xi32>
      %swap3A = arith.index_cast %mul3A_52 : i32 to index
      %swap3A_66 = tpu.vector_load %arg9[%swap3A] {strides = array<i32>} : memref<64xi32, #tpu.memory_space<vmem>>, vector<16xi32>,
      %swap3A_67 = vector.shape_cast %swap3A_66 : vector<16xi32> to vector<16xi32>
      %swap3A_68 = vector.shape_cast %select_n3A : vector<16xi32> to vector<16xi32>
      tpu.vector_store %arg9[%swap3A], %swap3A_68 {strides = array<i32>} : memref<64xi32, #tpu.memory_space<vmem>>, vector<16xi32>,
      %swap3A_69 = arith.index_cast %mul3A_52 : i32 to index
      %swap3A_70 = tpu.vector_load %arg11[%swap3A_69] {strides = array<i32>} : memref<64xi32, #tpu.memory_space<vmem>>, vector<16xi32>,
      %swap3A_71 = vector.shape_cast %swap3A_70 : vector<16xi32> to vector<16xi32>
      %swap3A_72 = vector.shape_cast %get3A_63 : vector<16xi32> to vector<16xi32>
      tpu.vector_store %arg11[%swap3A_69], %swap3A_72 {strides = array<i32>} : memref<64xi32, #tpu.memory_space<vmem>>, vector<16xi32>,
      %sub3A = vector.broadcast %mul3A_0 : i32 to vector<16xi32>
      %sub3A_73 = arith.subi %get3A_57, %sub3A : vector<16xi32>
      %ge3A = arith.constant 0 : i32
      %ge3A_74 = vector.broadcast %ge3A : i32 to vector<16xi32>
      %ge3A_75 = arith.cmpi sge, %sub3A_73, %ge3A_74 : vector<16xi32>
      %lt3A_76 = arith.constant 25088 : i32
      %lt3A_77 = vector.broadcast %lt3A_76 : i32 to vector<16xi32>
      %lt3A_78 = arith.cmpi slt, %sub3A_73, %lt3A_77 : vector<16xi32>
      %and3A = arith.andi %ge3A_75, %lt3A_78 : vector<16xi1>
      %jit3A_79 = arith.constant 25088 : i32
      %broadcast_in_dim3A_80 = vector.broadcast %jit3A_79 : i32 to vector<16xi32>
      %select_n3A_81 = arith.select %and3A, %sub3A_73, %broadcast_in_dim3A_80 : vector<16xi1>, vector<16xi32>
      %swap3A_82 = arith.index_cast %mul3A_52 : i32 to index
      %swap3A_83 = tpu.vector_load %arg13[%swap3A_82] {strides = array<i32>} : memref<64xi32, #tpu.memory_space<vmem>>, vector<16xi32>,
      %swap3A_84 = vector.shape_cast %swap3A_83 : vector<16xi32> to vector<16xi32>
      %swap3A_85 = vector.shape_cast %select_n3A_81 : vector<16xi32> to vector<16xi32>
      tpu.vector_store %arg13[%swap3A_82], %swap3A_85 {strides = array<i32>} : memref<64xi32, #tpu.memory_space<vmem>>, vector<16xi32>,
    }
    %scan3A_26 = arith.constant 4 : i32
    %dma_start3A = arith.constant 0 : i32
    %dma_start3A_27 = arith.constant 0 : i32
    %dma_start3A_28 = tpu.memref_slice %arg2[%dma_start3A, %dma_start3A_27] : memref<50176x64xf32, #tpu.memory_space<hbm>> -> memref<50176x64xf32, #tpu.memory_space<hbm>>
    tpu.enqueue_indirect_dma source(%dma_start3A_28 : memref<50176x64xf32, #tpu.memory_space<hbm>>) target(%arg15 : memref<64x64xf32, #tpu.memory_space<vmem>>) offsets(%arg9 : memref<64xi32, #tpu.memory_space<vmem>>) semaphore(%arg20 : memref<!tpu.dma_semaphore, #tpu.memory_space<semaphore_mem>>)
    %dma_start3A_29 = arith.constant 0 : i32
    %dma_start3A_30 = arith.constant 0 : i32
    %dma_start3A_31 = tpu.memref_slice %arg3[%dma_start3A_29, %dma_start3A_30] : memref<50176x128xf32, #tpu.memory_space<hbm>> -> memref<50176x128xf32, #tpu.memory_space<hbm>>
    tpu.enqueue_indirect_dma source(%dma_start3A_31 : memref<50176x128xf32, #tpu.memory_space<hbm>>) target(%arg17 : memref<64x128xf32, #tpu.memory_space<vmem>>) offsets(%arg11 : memref<64xi32, #tpu.memory_space<vmem>>) semaphore(%arg22 : memref<!tpu.dma_semaphore, #tpu.memory_space<semaphore_mem>>)
    %scan3A_32 = arith.constant 0 : i32
    %scan3A_33 = arith.constant 0 : i32
    %scan3A_34 = arith.constant 392 : i32
    %scan3A_35 = arith.addi %scan3A_33, %scan3A_34 : i32
    %scan3A_36 = arith.constant 1 : i32
    scf.for %scan3A_50 = %scan3A_33 to %scan3A_35 step %scan3A_36  : i32 {
      %mul3A_51 = arith.constant 2 : i32
      %mul3A_52 = arith.muli %scan3A_50, %mul3A_51 : i32
      %add3A_53 = arith.constant 0 : i32
      %add3A_54 = arith.addi %mul3A_52, %add3A_53 : i32
      %add3A_55 = arith.constant 1 : i32
      %add3A_56 = arith.addi %add3A_54, %add3A_55 : i32
      %dma_wait3A_57 = arith.constant 0 : i32
      %dma_wait3A_58 = arith.constant 0 : i32
      %dma_wait3A_59 = tpu.memref_slice %arg2[%dma_wait3A_57, %dma_wait3A_58] : memref<50176x64xf32, #tpu.memory_space<hbm>> -> memref<50176x64xf32, #tpu.memory_space<hbm>>
      tpu.wait_indirect_dma semaphore(%arg20 : memref<!tpu.dma_semaphore, #tpu.memory_space<semaphore_mem>>) src(%dma_wait3A_59 : memref<50176x64xf32, #tpu.memory_space<hbm>>) dst(%arg15 : memref<64x64xf32, #tpu.memory_space<vmem>>)
      %dma_wait3A_60 = arith.constant 0 : i32
      %dma_wait3A_61 = arith.constant 0 : i32
      %dma_wait3A_62 = tpu.memref_slice %arg3[%dma_wait3A_60, %dma_wait3A_61] : memref<50176x128xf32, #tpu.memory_space<hbm>> -> memref<50176x128xf32, #tpu.memory_space<hbm>>
      tpu.wait_indirect_dma semaphore(%arg22 : memref<!tpu.dma_semaphore, #tpu.memory_space<semaphore_mem>>) src(%dma_wait3A_62 : memref<50176x128xf32, #tpu.memory_space<hbm>>) dst(%arg17 : memref<64x128xf32, #tpu.memory_space<vmem>>)
      %rem3A_63 = arith.constant 16 : i32
      %rem3A_64 = arith.remsi %add3A_56, %rem3A_63 : i32
      %eq3A = arith.constant 0 : i32
      %eq3A_65 = arith.cmpi eq, %rem3A_64, %eq3A : i32
      %convert_element_type3A = arith.extui %eq3A_65 : i1 to i32
      %cond3A = arith.constant 0 : i32
      %cond3A_66 = arith.cmpi ne, %convert_element_type3A, %cond3A : i32
      scf.if %cond3A_66 {
        %mul3A_130 = arith.constant 64 : i32
        %mul3A_131 = arith.muli %add3A_56, %mul3A_130 : i32
        %add3A_132 = arith.addi %mul3A_4, %mul3A_131 : i32
        "tpu.region"() ({
          %run_scoped3A = tpu.sem_alloc : memref<!tpu.dma_semaphore, #tpu.memory_space<semaphore_mem>>
          %dma_start3A_133 = tpu.memref_slice %arg4[%add3A_132] : memref<803840xi32, #tpu.memory_space<hbm>> -> memref<1024xi32, #tpu.memory_space<hbm>>
          %dma_start3A_134 = tpu.memref_slice %arg4[%add3A_132] : memref<803840xi32, #tpu.memory_space<hbm>> -> memref<1024xi32, #tpu.memory_space<hbm>>
          tpu.enqueue_dma source(%dma_start3A_134 : memref<1024xi32, #tpu.memory_space<hbm>>) target(%arg7 : memref<1024xi32, #tpu.memory_space<vmem>>) target_semaphore(%run_scoped3A : memref<!tpu.dma_semaphore, #tpu.memory_space<semaphore_mem>>)
          %dma_wait3A_135 = tpu.memref_slice %arg4[%add3A_132] : memref<803840xi32, #tpu.memory_space<hbm>> -> memref<1024xi32, #tpu.memory_space<hbm>>
          %dma_wait3A_136 = tpu.memref_slice %arg4[%add3A_132] : memref<803840xi32, #tpu.memory_space<hbm>> -> memref<1024xi32, #tpu.memory_space<hbm>>
          tpu.wait_dma2 semaphore(%run_scoped3A : memref<!tpu.dma_semaphore, #tpu.memory_space<semaphore_mem>>) src(%dma_wait3A_136 : memref<1024xi32, #tpu.memory_space<hbm>>) dst(%arg7 : memref<1024xi32, #tpu.memory_space<vmem>>)
          tpu.yield
        }) : () -> ()
        "tpu.region"() ({
          %run_scoped3A = tpu.sem_alloc : memref<!tpu.dma_semaphore, #tpu.memory_space<semaphore_mem>>
          %dma_start3A_133 = tpu.memref_slice %arg5[%add3A_132] : memref<803840xi32, #tpu.memory_space<hbm>> -> memref<1024xi32, #tpu.memory_space<hbm>>
          %dma_start3A_134 = tpu.memref_slice %arg5[%add3A_132] : memref<803840xi32, #tpu.memory_space<hbm>> -> memref<1024xi32, #tpu.memory_space<hbm>>
          tpu.enqueue_dma source(%dma_start3A_134 : memref<1024xi32, #tpu.memory_space<hbm>>) target(%arg8 : memref<1024xi32, #tpu.memory_space<vmem>>) target_semaphore(%run_scoped3A : memref<!tpu.dma_semaphore, #tpu.memory_space<semaphore_mem>>)
          %dma_wait3A_135 = tpu.memref_slice %arg5[%add3A_132] : memref<803840xi32, #tpu.memory_space<hbm>> -> memref<1024xi32, #tpu.memory_space<hbm>>
          %dma_wait3A_136 = tpu.memref_slice %arg5[%add3A_132] : memref<803840xi32, #tpu.memory_space<hbm>> -> memref<1024xi32, #tpu.memory_space<hbm>>
          tpu.wait_dma2 semaphore(%run_scoped3A : memref<!tpu.dma_semaphore, #tpu.memory_space<semaphore_mem>>) src(%dma_wait3A_136 : memref<1024xi32, #tpu.memory_space<hbm>>) dst(%arg8 : memref<1024xi32, #tpu.memory_space<vmem>>)
          tpu.yield
        }) : () -> ()
      } else {
      }
      %rem3A_67 = arith.constant 16 : i32
      %rem3A_68 = arith.remsi %add3A_56, %rem3A_67 : i32
      %mul3A_69 = arith.constant 64 : i32
      %mul3A_70 = arith.muli %rem3A_68, %mul3A_69 : i32
      %scan3A_71 = arith.constant 0 : i32
      %scan3A_72 = arith.constant 0 : i32
      %scan3A_73 = arith.constant 4 : i32
      %scan3A_74 = arith.addi %scan3A_72, %scan3A_73 : i32
      %scan3A_75 = arith.constant 1 : i32
      scf.for %scan3A_130 = %scan3A_72 to %scan3A_74 step %scan3A_75  : i32 {
        %mul3A_131 = arith.constant 16 : i32
        %mul3A_132 = arith.muli %scan3A_130, %mul3A_131 : i32
        %mul3A_133 = arith.constant 16 : i32
        %mul3A_134 = arith.muli %scan3A_130, %mul3A_133 : i32
        %add3A_135 = arith.addi %mul3A_70, %mul3A_134 : i32
        %get3A = arith.index_cast %add3A_135 : i32 to index
        %get3A_136 = tpu.vector_load %arg7[%get3A] {strides = array<i32>} : memref<1024xi32, #tpu.memory_space<vmem>>, vector<16xi32>,
        %get3A_137 = vector.shape_cast %get3A_136 : vector<16xi32> to vector<16xi32>
        %mul3A_138 = arith.constant 16 : i32
        %mul3A_139 = arith.muli %scan3A_130, %mul3A_138 : i32
        %add3A_140 = arith.addi %mul3A_70, %mul3A_139 : i32
        %get3A_141 = arith.index_cast %add3A_140 : i32 to index
        %get3A_142 = tpu.vector_load %arg8[%get3A_141] {strides = array<i32>} : memref<1024xi32, #tpu.memory_space<vmem>>, vector<16xi32>,
        %get3A_143 = vector.shape_cast %get3A_142 : vector<16xi32> to vector<16xi32>
        %lt3A = arith.constant 50000 : i32
        %lt3A_144 = vector.broadcast %lt3A : i32 to vector<16xi32>
        %lt3A_145 = arith.cmpi slt, %get3A_137, %lt3A_144 : vector<16xi32>
        %jit3A = arith.constant 0 : i32
        %broadcast_in_dim3A = vector.broadcast %jit3A : i32 to vector<16xi32>
        %select_n3A = arith.select %lt3A_145, %get3A_137, %broadcast_in_dim3A : vector<16xi1>, vector<16xi32>
        %swap3A = arith.index_cast %mul3A_132 : i32 to index
        %swap3A_146 = tpu.vector_load %arg10[%swap3A] {strides = array<i32>} : memref<64xi32, #tpu.memory_space<vmem>>, vector<16xi32>,
        %swap3A_147 = vector.shape_cast %swap3A_146 : vector<16xi32> to vector<16xi32>
        %swap3A_148 = vector.shape_cast %select_n3A : vector<16xi32> to vector<16xi32>
        tpu.vector_store %arg10[%swap3A], %swap3A_148 {strides = array<i32>} : memref<64xi32, #tpu.memory_space<vmem>>, vector<16xi32>,
        %swap3A_149 = arith.index_cast %mul3A_132 : i32 to index
        %swap3A_150 = tpu.vector_load %arg12[%swap3A_149] {strides = array<i32>} : memref<64xi32, #tpu.memory_space<vmem>>, vector<16xi32>,
        %swap3A_151 = vector.shape_cast %swap3A_150 : vector<16xi32> to vector<16xi32>
        %swap3A_152 = vector.shape_cast %get3A_143 : vector<16xi32> to vector<16xi32>
        tpu.vector_store %arg12[%swap3A_149], %swap3A_152 {strides = array<i32>} : memref<64xi32, #tpu.memory_space<vmem>>, vector<16xi32>,
        %sub3A = vector.broadcast %mul3A_0 : i32 to vector<16xi32>
        %sub3A_153 = arith.subi %get3A_137, %sub3A : vector<16xi32>
        %ge3A = arith.constant 0 : i32
        %ge3A_154 = vector.broadcast %ge3A : i32 to vector<16xi32>
        %ge3A_155 = arith.cmpi sge, %sub3A_153, %ge3A_154 : vector<16xi32>
        %lt3A_156 = arith.constant 25088 : i32
        %lt3A_157 = vector.broadcast %lt3A_156 : i32 to vector<16xi32>
        %lt3A_158 = arith.cmpi slt, %sub3A_153, %lt3A_157 : vector<16xi32>
        %and3A = arith.andi %ge3A_155, %lt3A_158 : vector<16xi1>
        %jit3A_159 = arith.constant 25088 : i32
        %broadcast_in_dim3A_160 = vector.broadcast %jit3A_159 : i32 to vector<16xi32>
        %select_n3A_161 = arith.select %and3A, %sub3A_153, %broadcast_in_dim3A_160 : vector<16xi1>, vector<16xi32>
        %swap3A_162 = arith.index_cast %mul3A_132 : i32 to index
        %swap3A_163 = tpu.vector_load %arg14[%swap3A_162] {strides = array<i32>} : memref<64xi32, #tpu.memory_space<vmem>>, vector<16xi32>,
        %swap3A_164 = vector.shape_cast %swap3A_163 : vector<16xi32> to vector<16xi32>
        %swap3A_165 = vector.shape_cast %select_n3A_161 : vector<16xi32> to vector<16xi32>
        tpu.vector_store %arg14[%swap3A_162], %swap3A_165 {strides = array<i32>} : memref<64xi32, #tpu.memory_space<vmem>>, vector<16xi32>,
      }
      %scan3A_76 = arith.constant 4 : i32
      %dma_start3A_77 = arith.constant 0 : i32
      %dma_start3A_78 = arith.constant 0 : i32
      %dma_start3A_79 = tpu.memref_slice %arg2[%dma_start3A_77, %dma_start3A_78] : memref<50176x64xf32, #tpu.memory_space<hbm>> -> memref<50176x64xf32, #tpu.memory_space<hbm>>
      tpu.enqueue_indirect_dma source(%dma_start3A_79 : memref<50176x64xf32, #tpu.memory_space<hbm>>) target(%arg16 : memref<64x64xf32, #tpu.memory_space<vmem>>) offsets(%arg10 : memref<64xi32, #tpu.memory_space<vmem>>) semaphore(%arg21 : memref<!tpu.dma_semaphore, #tpu.memory_space<semaphore_mem>>)
      %dma_start3A_80 = arith.constant 0 : i32
      %dma_start3A_81 = arith.constant 0 : i32
      %dma_start3A_82 = tpu.memref_slice %arg3[%dma_start3A_80, %dma_start3A_81] : memref<50176x128xf32, #tpu.memory_space<hbm>> -> memref<50176x128xf32, #tpu.memory_space<hbm>>
      tpu.enqueue_indirect_dma source(%dma_start3A_82 : memref<50176x128xf32, #tpu.memory_space<hbm>>) target(%arg18 : memref<64x128xf32, #tpu.memory_space<vmem>>) offsets(%arg12 : memref<64xi32, #tpu.memory_space<vmem>>) semaphore(%arg23 : memref<!tpu.dma_semaphore, #tpu.memory_space<semaphore_mem>>)
      %scan3A_83 = arith.constant 0 : i32
      %scan3A_84 = arith.constant 0 : i32
      %scan3A_85 = arith.constant 64 : i32
      %scan3A_86 = arith.addi %scan3A_84, %scan3A_85 : i32
      %scan3A_87 = arith.constant 1 : i32
      scf.for %scan3A_130 = %scan3A_84 to %scan3A_86 step %scan3A_87  : i32 {
        %get3A = arith.index_cast %scan3A_130 : i32 to index
        %get3A_131 = arith.constant 0 : index
        %get3A_132 = tpu.vector_load %arg15[%get3A, %get3A_131] {strides = array<i32>} : memref<64x64xf32, #tpu.memory_space<vmem>>, vector<1x16xf32>,
        %get3A_133 = vector.shape_cast %get3A_132 : vector<1x16xf32> to vector<16xf32>
        %get3A_134 = arith.index_cast %scan3A_130 : i32 to index
        %get3A_135 = arith.constant 0 : index
        %get3A_136 = tpu.vector_load %arg17[%get3A_134, %get3A_135] {strides = array<i32>} : memref<64x128xf32, #tpu.memory_space<vmem>>, vector<1x16xf32>,
        %get3A_137 = vector.shape_cast %get3A_136 : vector<1x16xf32> to vector<16xf32>
        %get3A_138 = arith.index_cast %scan3A_130 : i32 to index
        %get3A_139 = arith.constant 64 : index
        %get3A_140 = tpu.vector_load %arg17[%get3A_138, %get3A_139] {strides = array<i32>} : memref<64x128xf32, #tpu.memory_space<vmem>>, vector<1x16xf32>,
        %get3A_141 = vector.shape_cast %get3A_140 : vector<1x16xf32> to vector<16xf32>
        %add3A_142 = arith.addf %get3A_133, %get3A_137 : vector<16xf32>
        %neg3A = arith.constant 0.000000e+00 : f32
        %neg3A_143 = vector.broadcast %neg3A : f32 to vector<16xf32>
        %neg3A_144 = arith.subf %neg3A_143, %add3A_142 : vector<16xf32>
        %exp3A = math.exp %neg3A_144 : vector<16xf32>
        %add3A_145 = arith.constant 1.000000e+00 : f32
        %add3A_146 = vector.broadcast %add3A_145 : f32 to vector<16xf32>
        %add3A_147 = arith.addf %add3A_146, %exp3A : vector<16xf32>
        %div3A = arith.constant 1.000000e+00 : f32
        %div3A_148 = vector.broadcast %div3A : f32 to vector<16xf32>
        %div3A_149 = arith.divf %div3A_148, %add3A_147 : vector<16xf32>
        %mul3A_150 = arith.mulf %div3A_149, %get3A_141 : vector<16xf32>
        %swap3A = arith.index_cast %scan3A_130 : i32 to index
        %swap3A_151 = arith.constant 0 : index
        %swap3A_152 = tpu.vector_load %arg15[%swap3A, %swap3A_151] {strides = array<i32>} : memref<64x64xf32, #tpu.memory_space<vmem>>, vector<1x16xf32>,
        %swap3A_153 = vector.shape_cast %swap3A_152 : vector<1x16xf32> to vector<16xf32>
        %swap3A_154 = vector.shape_cast %mul3A_150 : vector<16xf32> to vector<1x16xf32>
        tpu.vector_store %arg15[%swap3A, %swap3A_151], %swap3A_154 {strides = array<i32>} : memref<64x64xf32, #tpu.memory_space<vmem>>, vector<1x16xf32>,
        %get3A_155 = arith.index_cast %scan3A_130 : i32 to index
        %get3A_156 = arith.constant 16 : index
        %get3A_157 = tpu.vector_load %arg15[%get3A_155, %get3A_156] {strides = array<i32>} : memref<64x64xf32, #tpu.memory_space<vmem>>, vector<1x16xf32>,
        %get3A_158 = vector.shape_cast %get3A_157 : vector<1x16xf32> to vector<16xf32>
        %get3A_159 = arith.index_cast %scan3A_130 : i32 to index
        %get3A_160 = arith.constant 16 : index
        %get3A_161 = tpu.vector_load %arg17[%get3A_159, %get3A_160] {strides = array<i32>} : memref<64x128xf32, #tpu.memory_space<vmem>>, vector<1x16xf32>,
        %get3A_162 = vector.shape_cast %get3A_161 : vector<1x16xf32> to vector<16xf32>
        %get3A_163 = arith.index_cast %scan3A_130 : i32 to index
        %get3A_164 = arith.constant 80 : index
        %get3A_165 = tpu.vector_load %arg17[%get3A_163, %get3A_164] {strides = array<i32>} : memref<64x128xf32, #tpu.memory_space<vmem>>, vector<1x16xf32>,
        %get3A_166 = vector.shape_cast %get3A_165 : vector<1x16xf32> to vector<16xf32>
        %add3A_167 = arith.addf %get3A_158, %get3A_162 : vector<16xf32>
        %neg3A_168 = arith.constant 0.000000e+00 : f32
        %neg3A_169 = vector.broadcast %neg3A_168 : f32 to vector<16xf32>
        %neg3A_170 = arith.subf %neg3A_169, %add3A_167 : vector<16xf32>
        %exp3A_171 = math.exp %neg3A_170 : vector<16xf32>
        %add3A_172 = arith.constant 1.000000e+00 : f32
        %add3A_173 = vector.broadcast %add3A_172 : f32 to vector<16xf32>
        %add3A_174 = arith.addf %add3A_173, %exp3A_171 : vector<16xf32>
        %div3A_175 = arith.constant 1.000000e+00 : f32
        %div3A_176 = vector.broadcast %div3A_175 : f32 to vector<16xf32>
        %div3A_177 = arith.divf %div3A_176, %add3A_174 : vector<16xf32>
        %mul3A_178 = arith.mulf %div3A_177, %get3A_166 : vector<16xf32>
        %swap3A_179 = arith.index_cast %scan3A_130 : i32 to index
        %swap3A_180 = arith.constant 16 : index
        %swap3A_181 = tpu.vector_load %arg15[%swap3A_179, %swap3A_180] {strides = array<i32>} : memref<64x64xf32, #tpu.memory_space<vmem>>, vector<1x16xf32>,
        %swap3A_182 = vector.shape_cast %swap3A_181 : vector<1x16xf32> to vector<16xf32>
        %swap3A_183 = vector.shape_cast %mul3A_178 : vector<16xf32> to vector<1x16xf32>
        tpu.vector_store %arg15[%swap3A_179, %swap3A_180], %swap3A_183 {strides = array<i32>} : memref<64x64xf32, #tpu.memory_space<vmem>>, vector<1x16xf32>,
        %get3A_184 = arith.index_cast %scan3A_130 : i32 to index
        %get3A_185 = arith.constant 32 : index
        %get3A_186 = tpu.vector_load %arg15[%get3A_184, %get3A_185] {strides = array<i32>} : memref<64x64xf32, #tpu.memory_space<vmem>>, vector<1x16xf32>,
        %get3A_187 = vector.shape_cast %get3A_186 : vector<1x16xf32> to vector<16xf32>
        %get3A_188 = arith.index_cast %scan3A_130 : i32 to index
        %get3A_189 = arith.constant 32 : index
        %get3A_190 = tpu.vector_load %arg17[%get3A_188, %get3A_189] {strides = array<i32>} : memref<64x128xf32, #tpu.memory_space<vmem>>, vector<1x16xf32>,
        %get3A_191 = vector.shape_cast %get3A_190 : vector<1x16xf32> to vector<16xf32>
        %get3A_192 = arith.index_cast %scan3A_130 : i32 to index
        %get3A_193 = arith.constant 96 : index
        %get3A_194 = tpu.vector_load %arg17[%get3A_192, %get3A_193] {strides = array<i32>} : memref<64x128xf32, #tpu.memory_space<vmem>>, vector<1x16xf32>,
        %get3A_195 = vector.shape_cast %get3A_194 : vector<1x16xf32> to vector<16xf32>
        %add3A_196 = arith.addf %get3A_187, %get3A_191 : vector<16xf32>
        %neg3A_197 = arith.constant 0.000000e+00 : f32
        %neg3A_198 = vector.broadcast %neg3A_197 : f32 to vector<16xf32>
        %neg3A_199 = arith.subf %neg3A_198, %add3A_196 : vector<16xf32>
        %exp3A_200 = math.exp %neg3A_199 : vector<16xf32>
        %add3A_201 = arith.constant 1.000000e+00 : f32
        %add3A_202 = vector.broadcast %add3A_201 : f32 to vector<16xf32>
        %add3A_203 = arith.addf %add3A_202, %exp3A_200 : vector<16xf32>
        %div3A_204 = arith.constant 1.000000e+00 : f32
        %div3A_205 = vector.broadcast %div3A_204 : f32 to vector<16xf32>
        %div3A_206 = arith.divf %div3A_205, %add3A_203 : vector<16xf32>
        %mul3A_207 = arith.mulf %div3A_206, %get3A_195 : vector<16xf32>
        %swap3A_208 = arith.index_cast %scan3A_130 : i32 to index
        %swap3A_209 = arith.constant 32 : index
        %swap3A_210 = tpu.vector_load %arg15[%swap3A_208, %swap3A_209] {strides = array<i32>} : memref<64x64xf32, #tpu.memory_space<vmem>>, vector<1x16xf32>,
        %swap3A_211 = vector.shape_cast %swap3A_210 : vector<1x16xf32> to vector<16xf32>
        %swap3A_212 = vector.shape_cast %mul3A_207 : vector<16xf32> to vector<1x16xf32>
        tpu.vector_store %arg15[%swap3A_208, %swap3A_209], %swap3A_212 {strides = array<i32>} : memref<64x64xf32, #tpu.memory_space<vmem>>, vector<1x16xf32>,
        %get3A_213 = arith.index_cast %scan3A_130 : i32 to index
        %get3A_214 = arith.constant 48 : index
        %get3A_215 = tpu.vector_load %arg15[%get3A_213, %get3A_214] {strides = array<i32>} : memref<64x64xf32, #tpu.memory_space<vmem>>, vector<1x16xf32>,
        %get3A_216 = vector.shape_cast %get3A_215 : vector<1x16xf32> to vector<16xf32>
        %get3A_217 = arith.index_cast %scan3A_130 : i32 to index
        %get3A_218 = arith.constant 48 : index
        %get3A_219 = tpu.vector_load %arg17[%get3A_217, %get3A_218] {strides = array<i32>} : memref<64x128xf32, #tpu.memory_space<vmem>>, vector<1x16xf32>,
        %get3A_220 = vector.shape_cast %get3A_219 : vector<1x16xf32> to vector<16xf32>
        %get3A_221 = arith.index_cast %scan3A_130 : i32 to index
        %get3A_222 = arith.constant 112 : index
        %get3A_223 = tpu.vector_load %arg17[%get3A_221, %get3A_222] {strides = array<i32>} : memref<64x128xf32, #tpu.memory_space<vmem>>, vector<1x16xf32>,
        %get3A_224 = vector.shape_cast %get3A_223 : vector<1x16xf32> to vector<16xf32>
        %add3A_225 = arith.addf %get3A_216, %get3A_220 : vector<16xf32>
        %neg3A_226 = arith.constant 0.000000e+00 : f32
        %neg3A_227 = vector.broadcast %neg3A_226 : f32 to vector<16xf32>
        %neg3A_228 = arith.subf %neg3A_227, %add3A_225 : vector<16xf32>
        %exp3A_229 = math.exp %neg3A_228 : vector<16xf32>
        %add3A_230 = arith.constant 1.000000e+00 : f32
        %add3A_231 = vector.broadcast %add3A_230 : f32 to vector<16xf32>
        %add3A_232 = arith.addf %add3A_231, %exp3A_229 : vector<16xf32>
        %div3A_233 = arith.constant 1.000000e+00 : f32
        %div3A_234 = vector.broadcast %div3A_233 : f32 to vector<16xf32>
        %div3A_235 = arith.divf %div3A_234, %add3A_232 : vector<16xf32>
        %mul3A_236 = arith.mulf %div3A_235, %get3A_224 : vector<16xf32>
        %swap3A_237 = arith.index_cast %scan3A_130 : i32 to index
        %swap3A_238 = arith.constant 48 : index
        %swap3A_239 = tpu.vector_load %arg15[%swap3A_237, %swap3A_238] {strides = array<i32>} : memref<64x64xf32, #tpu.memory_space<vmem>>, vector<1x16xf32>,
        %swap3A_240 = vector.shape_cast %swap3A_239 : vector<1x16xf32> to vector<16xf32>
        %swap3A_241 = vector.shape_cast %mul3A_236 : vector<16xf32> to vector<1x16xf32>
        tpu.vector_store %arg15[%swap3A_237, %swap3A_238], %swap3A_241 {strides = array<i32>} : memref<64x64xf32, #tpu.memory_space<vmem>>, vector<1x16xf32>,
      }
      %scan3A_88 = arith.constant 64 : i32
      "tpu.region"() ({
        %run_scoped3A = tpu.sem_alloc : memref<!tpu.dma_semaphore, #tpu.memory_space<semaphore_mem>>
        %dma_start3A_130 = arith.constant 0 : i32
        %dma_start3A_131 = arith.constant 0 : i32
        %dma_start3A_132 = tpu.memref_slice %arg19[%dma_start3A_130, %dma_start3A_131] : memref<25152x64xf32, #tpu.memory_space<vmem_shared>> -> memref<25152x64xf32, #tpu.memory_space<vmem_shared>>
        tpu.enqueue_indirect_dma source(%arg15 : memref<64x64xf32, #tpu.memory_space<vmem>>) target(%dma_start3A_132 : memref<25152x64xf32, #tpu.memory_space<vmem_shared>>) offsets(%arg13 : memref<64xi32, #tpu.memory_space<vmem>>) semaphore(%run_scoped3A : memref<!tpu.dma_semaphore, #tpu.memory_space<semaphore_mem>>) {add = true}
        %dma_wait3A_133 = arith.constant 0 : i32
        %dma_wait3A_134 = arith.constant 0 : i32
        %dma_wait3A_135 = tpu.memref_slice %arg19[%dma_wait3A_133, %dma_wait3A_134] : memref<25152x64xf32, #tpu.memory_space<vmem_shared>> -> memref<25152x64xf32, #tpu.memory_space<vmem_shared>>
        tpu.wait_indirect_dma semaphore(%run_scoped3A : memref<!tpu.dma_semaphore, #tpu.memory_space<semaphore_mem>>) src(%arg15 : memref<64x64xf32, #tpu.memory_space<vmem>>) dst(%dma_wait3A_135 : memref<25152x64xf32, #tpu.memory_space<vmem_shared>>)
        tpu.yield
      }) : () -> ()
      %mul3A_89 = arith.constant 2 : i32
      %mul3A_90 = arith.muli %scan3A_50, %mul3A_89 : i32
      %add3A_91 = arith.constant 1 : i32
      %add3A_92 = arith.addi %mul3A_90, %add3A_91 : i32
      %add3A_93 = arith.constant 1 : i32
      %add3A_94 = arith.addi %add3A_92, %add3A_93 : i32
      %dma_wait3A_95 = arith.constant 0 : i32
      %dma_wait3A_96 = arith.constant 0 : i32
      %dma_wait3A_97 = tpu.memref_slice %arg2[%dma_wait3A_95, %dma_wait3A_96] : memref<50176x64xf32, #tpu.memory_space<hbm>> -> memref<50176x64xf32, #tpu.memory_space<hbm>>
      tpu.wait_indirect_dma semaphore(%arg21 : memref<!tpu.dma_semaphore, #tpu.memory_space<semaphore_mem>>) src(%dma_wait3A_97 : memref<50176x64xf32, #tpu.memory_space<hbm>>) dst(%arg16 : memref<64x64xf32, #tpu.memory_space<vmem>>)
      %dma_wait3A_98 = arith.constant 0 : i32
      %dma_wait3A_99 = arith.constant 0 : i32
      %dma_wait3A_100 = tpu.memref_slice %arg3[%dma_wait3A_98, %dma_wait3A_99] : memref<50176x128xf32, #tpu.memory_space<hbm>> -> memref<50176x128xf32, #tpu.memory_space<hbm>>
      tpu.wait_indirect_dma semaphore(%arg23 : memref<!tpu.dma_semaphore, #tpu.memory_space<semaphore_mem>>) src(%dma_wait3A_100 : memref<50176x128xf32, #tpu.memory_space<hbm>>) dst(%arg18 : memref<64x128xf32, #tpu.memory_space<vmem>>)
      %rem3A_101 = arith.constant 16 : i32
      %rem3A_102 = arith.remsi %add3A_94, %rem3A_101 : i32
      %eq3A_103 = arith.constant 0 : i32
      %eq3A_104 = arith.cmpi eq, %rem3A_102, %eq3A_103 : i32
      %convert_element_type3A_105 = arith.extui %eq3A_104 : i1 to i32
      %cond3A_106 = arith.constant 0 : i32
      %cond3A_107 = arith.cmpi ne, %convert_element_type3A_105, %cond3A_106 : i32
      scf.if %cond3A_107 {
        %mul3A_130 = arith.constant 64 : i32
        %mul3A_131 = arith.muli %add3A_94, %mul3A_130 : i32
        %add3A_132 = arith.addi %mul3A_4, %mul3A_131 : i32
        "tpu.region"() ({
          %run_scoped3A = tpu.sem_alloc : memref<!tpu.dma_semaphore, #tpu.memory_space<semaphore_mem>>
          %dma_start3A_133 = tpu.memref_slice %arg4[%add3A_132] : memref<803840xi32, #tpu.memory_space<hbm>> -> memref<1024xi32, #tpu.memory_space<hbm>>
          %dma_start3A_134 = tpu.memref_slice %arg4[%add3A_132] : memref<803840xi32, #tpu.memory_space<hbm>> -> memref<1024xi32, #tpu.memory_space<hbm>>
          tpu.enqueue_dma source(%dma_start3A_134 : memref<1024xi32, #tpu.memory_space<hbm>>) target(%arg7 : memref<1024xi32, #tpu.memory_space<vmem>>) target_semaphore(%run_scoped3A : memref<!tpu.dma_semaphore, #tpu.memory_space<semaphore_mem>>)
          %dma_wait3A_135 = tpu.memref_slice %arg4[%add3A_132] : memref<803840xi32, #tpu.memory_space<hbm>> -> memref<1024xi32, #tpu.memory_space<hbm>>
          %dma_wait3A_136 = tpu.memref_slice %arg4[%add3A_132] : memref<803840xi32, #tpu.memory_space<hbm>> -> memref<1024xi32, #tpu.memory_space<hbm>>
          tpu.wait_dma2 semaphore(%run_scoped3A : memref<!tpu.dma_semaphore, #tpu.memory_space<semaphore_mem>>) src(%dma_wait3A_136 : memref<1024xi32, #tpu.memory_space<hbm>>) dst(%arg7 : memref<1024xi32, #tpu.memory_space<vmem>>)
          tpu.yield
        }) : () -> ()
        "tpu.region"() ({
          %run_scoped3A = tpu.sem_alloc : memref<!tpu.dma_semaphore, #tpu.memory_space<semaphore_mem>>
          %dma_start3A_133 = tpu.memref_slice %arg5[%add3A_132] : memref<803840xi32, #tpu.memory_space<hbm>> -> memref<1024xi32, #tpu.memory_space<hbm>>
          %dma_start3A_134 = tpu.memref_slice %arg5[%add3A_132] : memref<803840xi32, #tpu.memory_space<hbm>> -> memref<1024xi32, #tpu.memory_space<hbm>>
          tpu.enqueue_dma source(%dma_start3A_134 : memref<1024xi32, #tpu.memory_space<hbm>>) target(%arg8 : memref<1024xi32, #tpu.memory_space<vmem>>) target_semaphore(%run_scoped3A : memref<!tpu.dma_semaphore, #tpu.memory_space<semaphore_mem>>)
          %dma_wait3A_135 = tpu.memref_slice %arg5[%add3A_132] : memref<803840xi32, #tpu.memory_space<hbm>> -> memref<1024xi32, #tpu.memory_space<hbm>>
          %dma_wait3A_136 = tpu.memref_slice %arg5[%add3A_132] : memref<803840xi32, #tpu.memory_space<hbm>> -> memref<1024xi32, #tpu.memory_space<hbm>>
          tpu.wait_dma2 semaphore(%run_scoped3A : memref<!tpu.dma_semaphore, #tpu.memory_space<semaphore_mem>>) src(%dma_wait3A_136 : memref<1024xi32, #tpu.memory_space<hbm>>) dst(%arg8 : memref<1024xi32, #tpu.memory_space<vmem>>)
          tpu.yield
        }) : () -> ()
      } else {
      }
      %rem3A_108 = arith.constant 16 : i32
      %rem3A_109 = arith.remsi %add3A_94, %rem3A_108 : i32
      %mul3A_110 = arith.constant 64 : i32
      %mul3A_111 = arith.muli %rem3A_109, %mul3A_110 : i32
      %scan3A_112 = arith.constant 0 : i32
      %scan3A_113 = arith.constant 0 : i32
      %scan3A_114 = arith.constant 4 : i32
      %scan3A_115 = arith.addi %scan3A_113, %scan3A_114 : i32
      %scan3A_116 = arith.constant 1 : i32
      scf.for %scan3A_130 = %scan3A_113 to %scan3A_115 step %scan3A_116  : i32 {
        %mul3A_131 = arith.constant 16 : i32
        %mul3A_132 = arith.muli %scan3A_130, %mul3A_131 : i32
        %mul3A_133 = arith.constant 16 : i32
        %mul3A_134 = arith.muli %scan3A_130, %mul3A_133 : i32
        %add3A_135 = arith.addi %mul3A_111, %mul3A_134 : i32
        %get3A = arith.index_cast %add3A_135 : i32 to index
        %get3A_136 = tpu.vector_load %arg7[%get3A] {strides = array<i32>} : memref<1024xi32, #tpu.memory_space<vmem>>, vector<16xi32>,
        %get3A_137 = vector.shape_cast %get3A_136 : vector<16xi32> to vector<16xi32>
        %mul3A_138 = arith.constant 16 : i32
        %mul3A_139 = arith.muli %scan3A_130, %mul3A_138 : i32
        %add3A_140 = arith.addi %mul3A_111, %mul3A_139 : i32
        %get3A_141 = arith.index_cast %add3A_140 : i32 to index
        %get3A_142 = tpu.vector_load %arg8[%get3A_141] {strides = array<i32>} : memref<1024xi32, #tpu.memory_space<vmem>>, vector<16xi32>,
        %get3A_143 = vector.shape_cast %get3A_142 : vector<16xi32> to vector<16xi32>
        %lt3A = arith.constant 50000 : i32
        %lt3A_144 = vector.broadcast %lt3A : i32 to vector<16xi32>
        %lt3A_145 = arith.cmpi slt, %get3A_137, %lt3A_144 : vector<16xi32>
        %jit3A = arith.constant 0 : i32
        %broadcast_in_dim3A = vector.broadcast %jit3A : i32 to vector<16xi32>
        %select_n3A = arith.select %lt3A_145, %get3A_137, %broadcast_in_dim3A : vector<16xi1>, vector<16xi32>
        %swap3A = arith.index_cast %mul3A_132 : i32 to index
        %swap3A_146 = tpu.vector_load %arg9[%swap3A] {strides = array<i32>} : memref<64xi32, #tpu.memory_space<vmem>>, vector<16xi32>,
        %swap3A_147 = vector.shape_cast %swap3A_146 : vector<16xi32> to vector<16xi32>
        %swap3A_148 = vector.shape_cast %select_n3A : vector<16xi32> to vector<16xi32>
        tpu.vector_store %arg9[%swap3A], %swap3A_148 {strides = array<i32>} : memref<64xi32, #tpu.memory_space<vmem>>, vector<16xi32>,
        %swap3A_149 = arith.index_cast %mul3A_132 : i32 to index
        %swap3A_150 = tpu.vector_load %arg11[%swap3A_149] {strides = array<i32>} : memref<64xi32, #tpu.memory_space<vmem>>, vector<16xi32>,
        %swap3A_151 = vector.shape_cast %swap3A_150 : vector<16xi32> to vector<16xi32>
        %swap3A_152 = vector.shape_cast %get3A_143 : vector<16xi32> to vector<16xi32>
        tpu.vector_store %arg11[%swap3A_149], %swap3A_152 {strides = array<i32>} : memref<64xi32, #tpu.memory_space<vmem>>, vector<16xi32>,
        %sub3A = vector.broadcast %mul3A_0 : i32 to vector<16xi32>
        %sub3A_153 = arith.subi %get3A_137, %sub3A : vector<16xi32>
        %ge3A = arith.constant 0 : i32
        %ge3A_154 = vector.broadcast %ge3A : i32 to vector<16xi32>
        %ge3A_155 = arith.cmpi sge, %sub3A_153, %ge3A_154 : vector<16xi32>
        %lt3A_156 = arith.constant 25088 : i32
        %lt3A_157 = vector.broadcast %lt3A_156 : i32 to vector<16xi32>
        %lt3A_158 = arith.cmpi slt, %sub3A_153, %lt3A_157 : vector<16xi32>
        %and3A = arith.andi %ge3A_155, %lt3A_158 : vector<16xi1>
        %jit3A_159 = arith.constant 25088 : i32
        %broadcast_in_dim3A_160 = vector.broadcast %jit3A_159 : i32 to vector<16xi32>
        %select_n3A_161 = arith.select %and3A, %sub3A_153, %broadcast_in_dim3A_160 : vector<16xi1>, vector<16xi32>
        %swap3A_162 = arith.index_cast %mul3A_132 : i32 to index
        %swap3A_163 = tpu.vector_load %arg13[%swap3A_162] {strides = array<i32>} : memref<64xi32, #tpu.memory_space<vmem>>, vector<16xi32>,
        %swap3A_164 = vector.shape_cast %swap3A_163 : vector<16xi32> to vector<16xi32>
        %swap3A_165 = vector.shape_cast %select_n3A_161 : vector<16xi32> to vector<16xi32>
        tpu.vector_store %arg13[%swap3A_162], %swap3A_165 {strides = array<i32>} : memref<64xi32, #tpu.memory_space<vmem>>, vector<16xi32>,
      }
      %scan3A_117 = arith.constant 4 : i32
      %dma_start3A_118 = arith.constant 0 : i32
      %dma_start3A_119 = arith.constant 0 : i32
      %dma_start3A_120 = tpu.memref_slice %arg2[%dma_start3A_118, %dma_start3A_119] : memref<50176x64xf32, #tpu.memory_space<hbm>> -> memref<50176x64xf32, #tpu.memory_space<hbm>>
      tpu.enqueue_indirect_dma source(%dma_start3A_120 : memref<50176x64xf32, #tpu.memory_space<hbm>>) target(%arg15 : memref<64x64xf32, #tpu.memory_space<vmem>>) offsets(%arg9 : memref<64xi32, #tpu.memory_space<vmem>>) semaphore(%arg20 : memref<!tpu.dma_semaphore, #tpu.memory_space<semaphore_mem>>)
      %dma_start3A_121 = arith.constant 0 : i32
      %dma_start3A_122 = arith.constant 0 : i32
      %dma_start3A_123 = tpu.memref_slice %arg3[%dma_start3A_121, %dma_start3A_122] : memref<50176x128xf32, #tpu.memory_space<hbm>> -> memref<50176x128xf32, #tpu.memory_space<hbm>>
      tpu.enqueue_indirect_dma source(%dma_start3A_123 : memref<50176x128xf32, #tpu.memory_space<hbm>>) target(%arg17 : memref<64x128xf32, #tpu.memory_space<vmem>>) offsets(%arg11 : memref<64xi32, #tpu.memory_space<vmem>>) semaphore(%arg22 : memref<!tpu.dma_semaphore, #tpu.memory_space<semaphore_mem>>)
      %scan3A_124 = arith.constant 0 : i32
      %scan3A_125 = arith.constant 0 : i32
      %scan3A_126 = arith.constant 64 : i32
      %scan3A_127 = arith.addi %scan3A_125, %scan3A_126 : i32
      %scan3A_128 = arith.constant 1 : i32
      scf.for %scan3A_130 = %scan3A_125 to %scan3A_127 step %scan3A_128  : i32 {
        %get3A = arith.index_cast %scan3A_130 : i32 to index
        %get3A_131 = arith.constant 0 : index
        %get3A_132 = tpu.vector_load %arg16[%get3A, %get3A_131] {strides = array<i32>} : memref<64x64xf32, #tpu.memory_space<vmem>>, vector<1x16xf32>,
        %get3A_133 = vector.shape_cast %get3A_132 : vector<1x16xf32> to vector<16xf32>
        %get3A_134 = arith.index_cast %scan3A_130 : i32 to index
        %get3A_135 = arith.constant 0 : index
        %get3A_136 = tpu.vector_load %arg18[%get3A_134, %get3A_135] {strides = array<i32>} : memref<64x128xf32, #tpu.memory_space<vmem>>, vector<1x16xf32>,
        %get3A_137 = vector.shape_cast %get3A_136 : vector<1x16xf32> to vector<16xf32>
        %get3A_138 = arith.index_cast %scan3A_130 : i32 to index
        %get3A_139 = arith.constant 64 : index
        %get3A_140 = tpu.vector_load %arg18[%get3A_138, %get3A_139] {strides = array<i32>} : memref<64x128xf32, #tpu.memory_space<vmem>>, vector<1x16xf32>,
        %get3A_141 = vector.shape_cast %get3A_140 : vector<1x16xf32> to vector<16xf32>
        %add3A_142 = arith.addf %get3A_133, %get3A_137 : vector<16xf32>
        %neg3A = arith.constant 0.000000e+00 : f32
        %neg3A_143 = vector.broadcast %neg3A : f32 to vector<16xf32>
        %neg3A_144 = arith.subf %neg3A_143, %add3A_142 : vector<16xf32>
        %exp3A = math.exp %neg3A_144 : vector<16xf32>
        %add3A_145 = arith.constant 1.000000e+00 : f32
        %add3A_146 = vector.broadcast %add3A_145 : f32 to vector<16xf32>
        %add3A_147 = arith.addf %add3A_146, %exp3A : vector<16xf32>
        %div3A = arith.constant 1.000000e+00 : f32
        %div3A_148 = vector.broadcast %div3A : f32 to vector<16xf32>
        %div3A_149 = arith.divf %div3A_148, %add3A_147 : vector<16xf32>
        %mul3A_150 = arith.mulf %div3A_149, %get3A_141 : vector<16xf32>
        %swap3A = arith.index_cast %scan3A_130 : i32 to index
        %swap3A_151 = arith.constant 0 : index
        %swap3A_152 = tpu.vector_load %arg16[%swap3A, %swap3A_151] {strides = array<i32>} : memref<64x64xf32, #tpu.memory_space<vmem>>, vector<1x16xf32>,
        %swap3A_153 = vector.shape_cast %swap3A_152 : vector<1x16xf32> to vector<16xf32>
        %swap3A_154 = vector.shape_cast %mul3A_150 : vector<16xf32> to vector<1x16xf32>
        tpu.vector_store %arg16[%swap3A, %swap3A_151], %swap3A_154 {strides = array<i32>} : memref<64x64xf32, #tpu.memory_space<vmem>>, vector<1x16xf32>,
        %get3A_155 = arith.index_cast %scan3A_130 : i32 to index
        %get3A_156 = arith.constant 16 : index
        %get3A_157 = tpu.vector_load %arg16[%get3A_155, %get3A_156] {strides = array<i32>} : memref<64x64xf32, #tpu.memory_space<vmem>>, vector<1x16xf32>,
        %get3A_158 = vector.shape_cast %get3A_157 : vector<1x16xf32> to vector<16xf32>
        %get3A_159 = arith.index_cast %scan3A_130 : i32 to index
        %get3A_160 = arith.constant 16 : index
        %get3A_161 = tpu.vector_load %arg18[%get3A_159, %get3A_160] {strides = array<i32>} : memref<64x128xf32, #tpu.memory_space<vmem>>, vector<1x16xf32>,
        %get3A_162 = vector.shape_cast %get3A_161 : vector<1x16xf32> to vector<16xf32>
        %get3A_163 = arith.index_cast %scan3A_130 : i32 to index
        %get3A_164 = arith.constant 80 : index
        %get3A_165 = tpu.vector_load %arg18[%get3A_163, %get3A_164] {strides = array<i32>} : memref<64x128xf32, #tpu.memory_space<vmem>>, vector<1x16xf32>,
        %get3A_166 = vector.shape_cast %get3A_165 : vector<1x16xf32> to vector<16xf32>
        %add3A_167 = arith.addf %get3A_158, %get3A_162 : vector<16xf32>
        %neg3A_168 = arith.constant 0.000000e+00 : f32
        %neg3A_169 = vector.broadcast %neg3A_168 : f32 to vector<16xf32>
        %neg3A_170 = arith.subf %neg3A_169, %add3A_167 : vector<16xf32>
        %exp3A_171 = math.exp %neg3A_170 : vector<16xf32>
        %add3A_172 = arith.constant 1.000000e+00 : f32
        %add3A_173 = vector.broadcast %add3A_172 : f32 to vector<16xf32>
        %add3A_174 = arith.addf %add3A_173, %exp3A_171 : vector<16xf32>
        %div3A_175 = arith.constant 1.000000e+00 : f32
        %div3A_176 = vector.broadcast %div3A_175 : f32 to vector<16xf32>
        %div3A_177 = arith.divf %div3A_176, %add3A_174 : vector<16xf32>
        %mul3A_178 = arith.mulf %div3A_177, %get3A_166 : vector<16xf32>
        %swap3A_179 = arith.index_cast %scan3A_130 : i32 to index
        %swap3A_180 = arith.constant 16 : index
        %swap3A_181 = tpu.vector_load %arg16[%swap3A_179, %swap3A_180] {strides = array<i32>} : memref<64x64xf32, #tpu.memory_space<vmem>>, vector<1x16xf32>,
        %swap3A_182 = vector.shape_cast %swap3A_181 : vector<1x16xf32> to vector<16xf32>
        %swap3A_183 = vector.shape_cast %mul3A_178 : vector<16xf32> to vector<1x16xf32>
        tpu.vector_store %arg16[%swap3A_179, %swap3A_180], %swap3A_183 {strides = array<i32>} : memref<64x64xf32, #tpu.memory_space<vmem>>, vector<1x16xf32>,
        %get3A_184 = arith.index_cast %scan3A_130 : i32 to index
        %get3A_185 = arith.constant 32 : index
        %get3A_186 = tpu.vector_load %arg16[%get3A_184, %get3A_185] {strides = array<i32>} : memref<64x64xf32, #tpu.memory_space<vmem>>, vector<1x16xf32>,
        %get3A_187 = vector.shape_cast %get3A_186 : vector<1x16xf32> to vector<16xf32>
        %get3A_188 = arith.index_cast %scan3A_130 : i32 to index
        %get3A_189 = arith.constant 32 : index
        %get3A_190 = tpu.vector_load %arg18[%get3A_188, %get3A_189] {strides = array<i32>} : memref<64x128xf32, #tpu.memory_space<vmem>>, vector<1x16xf32>,
        %get3A_191 = vector.shape_cast %get3A_190 : vector<1x16xf32> to vector<16xf32>
        %get3A_192 = arith.index_cast %scan3A_130 : i32 to index
        %get3A_193 = arith.constant 96 : index
        %get3A_194 = tpu.vector_load %arg18[%get3A_192, %get3A_193] {strides = array<i32>} : memref<64x128xf32, #tpu.memory_space<vmem>>, vector<1x16xf32>,
        %get3A_195 = vector.shape_cast %get3A_194 : vector<1x16xf32> to vector<16xf32>
        %add3A_196 = arith.addf %get3A_187, %get3A_191 : vector<16xf32>
        %neg3A_197 = arith.constant 0.000000e+00 : f32
        %neg3A_198 = vector.broadcast %neg3A_197 : f32 to vector<16xf32>
        %neg3A_199 = arith.subf %neg3A_198, %add3A_196 : vector<16xf32>
        %exp3A_200 = math.exp %neg3A_199 : vector<16xf32>
        %add3A_201 = arith.constant 1.000000e+00 : f32
        %add3A_202 = vector.broadcast %add3A_201 : f32 to vector<16xf32>
        %add3A_203 = arith.addf %add3A_202, %exp3A_200 : vector<16xf32>
        %div3A_204 = arith.constant 1.000000e+00 : f32
        %div3A_205 = vector.broadcast %div3A_204 : f32 to vector<16xf32>
        %div3A_206 = arith.divf %div3A_205, %add3A_203 : vector<16xf32>
        %mul3A_207 = arith.mulf %div3A_206, %get3A_195 : vector<16xf32>
        %swap3A_208 = arith.index_cast %scan3A_130 : i32 to index
        %swap3A_209 = arith.constant 32 : index
        %swap3A_210 = tpu.vector_load %arg16[%swap3A_208, %swap3A_209] {strides = array<i32>} : memref<64x64xf32, #tpu.memory_space<vmem>>, vector<1x16xf32>,
        %swap3A_211 = vector.shape_cast %swap3A_210 : vector<1x16xf32> to vector<16xf32>
        %swap3A_212 = vector.shape_cast %mul3A_207 : vector<16xf32> to vector<1x16xf32>
        tpu.vector_store %arg16[%swap3A_208, %swap3A_209], %swap3A_212 {strides = array<i32>} : memref<64x64xf32, #tpu.memory_space<vmem>>, vector<1x16xf32>,
        %get3A_213 = arith.index_cast %scan3A_130 : i32 to index
        %get3A_214 = arith.constant 48 : index
        %get3A_215 = tpu.vector_load %arg16[%get3A_213, %get3A_214] {strides = array<i32>} : memref<64x64xf32, #tpu.memory_space<vmem>>, vector<1x16xf32>,
        %get3A_216 = vector.shape_cast %get3A_215 : vector<1x16xf32> to vector<16xf32>
        %get3A_217 = arith.index_cast %scan3A_130 : i32 to index
        %get3A_218 = arith.constant 48 : index
        %get3A_219 = tpu.vector_load %arg18[%get3A_217, %get3A_218] {strides = array<i32>} : memref<64x128xf32, #tpu.memory_space<vmem>>, vector<1x16xf32>,
        %get3A_220 = vector.shape_cast %get3A_219 : vector<1x16xf32> to vector<16xf32>
        %get3A_221 = arith.index_cast %scan3A_130 : i32 to index
        %get3A_222 = arith.constant 112 : index
        %get3A_223 = tpu.vector_load %arg18[%get3A_221, %get3A_222] {strides = array<i32>} : memref<64x128xf32, #tpu.memory_space<vmem>>, vector<1x16xf32>,
        %get3A_224 = vector.shape_cast %get3A_223 : vector<1x16xf32> to vector<16xf32>
        %add3A_225 = arith.addf %get3A_216, %get3A_220 : vector<16xf32>
        %neg3A_226 = arith.constant 0.000000e+00 : f32
        %neg3A_227 = vector.broadcast %neg3A_226 : f32 to vector<16xf32>
        %neg3A_228 = arith.subf %neg3A_227, %add3A_225 : vector<16xf32>
        %exp3A_229 = math.exp %neg3A_228 : vector<16xf32>
        %add3A_230 = arith.constant 1.000000e+00 : f32
        %add3A_231 = vector.broadcast %add3A_230 : f32 to vector<16xf32>
        %add3A_232 = arith.addf %add3A_231, %exp3A_229 : vector<16xf32>
        %div3A_233 = arith.constant 1.000000e+00 : f32
        %div3A_234 = vector.broadcast %div3A_233 : f32 to vector<16xf32>
        %div3A_235 = arith.divf %div3A_234, %add3A_232 : vector<16xf32>
        %mul3A_236 = arith.mulf %div3A_235, %get3A_224 : vector<16xf32>
        %swap3A_237 = arith.index_cast %scan3A_130 : i32 to index
        %swap3A_238 = arith.constant 48 : index
        %swap3A_239 = tpu.vector_load %arg16[%swap3A_237, %swap3A_238] {strides = array<i32>} : memref<64x64xf32, #tpu.memory_space<vmem>>, vector<1x16xf32>,
        %swap3A_240 = vector.shape_cast %swap3A_239 : vector<1x16xf32> to vector<16xf32>
        %swap3A_241 = vector.shape_cast %mul3A_236 : vector<16xf32> to vector<1x16xf32>
        tpu.vector_store %arg16[%swap3A_237, %swap3A_238], %swap3A_241 {strides = array<i32>} : memref<64x64xf32, #tpu.memory_space<vmem>>, vector<1x16xf32>,
      }
      %scan3A_129 = arith.constant 64 : i32
      "tpu.region"() ({
        %run_scoped3A = tpu.sem_alloc : memref<!tpu.dma_semaphore, #tpu.memory_space<semaphore_mem>>
        %dma_start3A_130 = arith.constant 0 : i32
        %dma_start3A_131 = arith.constant 0 : i32
        %dma_start3A_132 = tpu.memref_slice %arg19[%dma_start3A_130, %dma_start3A_131] : memref<25152x64xf32, #tpu.memory_space<vmem_shared>> -> memref<25152x64xf32, #tpu.memory_space<vmem_shared>>
        tpu.enqueue_indirect_dma source(%arg16 : memref<64x64xf32, #tpu.memory_space<vmem>>) target(%dma_start3A_132 : memref<25152x64xf32, #tpu.memory_space<vmem_shared>>) offsets(%arg14 : memref<64xi32, #tpu.memory_space<vmem>>) semaphore(%run_scoped3A : memref<!tpu.dma_semaphore, #tpu.memory_space<semaphore_mem>>) {add = true}
        %dma_wait3A_133 = arith.constant 0 : i32
        %dma_wait3A_134 = arith.constant 0 : i32
        %dma_wait3A_135 = tpu.memref_slice %arg19[%dma_wait3A_133, %dma_wait3A_134] : memref<25152x64xf32, #tpu.memory_space<vmem_shared>> -> memref<25152x64xf32, #tpu.memory_space<vmem_shared>>
        tpu.wait_indirect_dma semaphore(%run_scoped3A : memref<!tpu.dma_semaphore, #tpu.memory_space<semaphore_mem>>) src(%arg16 : memref<64x64xf32, #tpu.memory_space<vmem>>) dst(%dma_wait3A_135 : memref<25152x64xf32, #tpu.memory_space<vmem_shared>>)
        tpu.yield
      }) : () -> ()
    }
    %scan3A_37 = arith.constant 392 : i32
    %dma_wait3A = arith.constant 0 : i32
    %dma_wait3A_38 = arith.constant 0 : i32
    %dma_wait3A_39 = tpu.memref_slice %arg2[%dma_wait3A, %dma_wait3A_38] : memref<50176x64xf32, #tpu.memory_space<hbm>> -> memref<50176x64xf32, #tpu.memory_space<hbm>>
    tpu.wait_indirect_dma semaphore(%arg20 : memref<!tpu.dma_semaphore, #tpu.memory_space<semaphore_mem>>) src(%dma_wait3A_39 : memref<50176x64xf32, #tpu.memory_space<hbm>>) dst(%arg15 : memref<64x64xf32, #tpu.memory_space<vmem>>)
    %dma_wait3A_40 = arith.constant 0 : i32
    %dma_wait3A_41 = arith.constant 0 : i32
    %dma_wait3A_42 = tpu.memref_slice %arg3[%dma_wait3A_40, %dma_wait3A_41] : memref<50176x128xf32, #tpu.memory_space<hbm>> -> memref<50176x128xf32, #tpu.memory_space<hbm>>
    tpu.wait_indirect_dma semaphore(%arg22 : memref<!tpu.dma_semaphore, #tpu.memory_space<semaphore_mem>>) src(%dma_wait3A_42 : memref<50176x128xf32, #tpu.memory_space<hbm>>) dst(%arg17 : memref<64x128xf32, #tpu.memory_space<vmem>>)
    %barrier3A_43 = arith.constant 0 : index
    tpu.barrier barrier_id(%barrier3A_43)
    %scan3A_44 = arith.constant 0 : i32
    %scan3A_45 = arith.constant 0 : i32
    %scan3A_46 = arith.constant 28 : i32
    %scan3A_47 = arith.addi %scan3A_45, %scan3A_46 : i32
    %scan3A_48 = arith.constant 1 : i32
    scf.for %scan3A_50 = %scan3A_45 to %scan3A_47 step %scan3A_48  : i32 {
      %mul3A_51 = arith.constant 1568 : i32
      %mul3A_52 = arith.muli %arg1, %mul3A_51 : i32
      %mul3A_53 = arith.constant 56 : i32
      %mul3A_54 = arith.muli %scan3A_50, %mul3A_53 : i32
      %add3A_55 = arith.addi %mul3A_52, %mul3A_54 : i32
      %scan3A_56 = arith.constant 0 : i32
      %scan3A_57 = arith.constant 0 : i32
      %scan3A_58 = arith.constant 4 : i32
      %scan3A_59 = arith.addi %scan3A_57, %scan3A_58 : i32
      %scan3A_60 = arith.constant 1 : i32
      scf.for %scan3A_69 = %scan3A_57 to %scan3A_59 step %scan3A_60  : i32 {
        %mul3A_70 = arith.constant 16 : i32
        %mul3A_71 = arith.muli %scan3A_69, %mul3A_70 : i32
        %iota3A = tpu.iota {dimensions = array<i32: 0>} : vector<16xi32>
        %add3A_72 = vector.broadcast %mul3A_71 : i32 to vector<16xi32>
        %add3A_73 = arith.addi %add3A_72, %iota3A : vector<16xi32>
        %lt3A = arith.constant 56 : i32
        %lt3A_74 = vector.broadcast %lt3A : i32 to vector<16xi32>
        %lt3A_75 = arith.cmpi slt, %add3A_73, %lt3A_74 : vector<16xi32>
        %add3A_76 = vector.broadcast %add3A_55 : i32 to vector<16xi32>
        %add3A_77 = arith.addi %add3A_76, %add3A_73 : vector<16xi32>
        %jit3A = arith.constant 25088 : i32
        %broadcast_in_dim3A = vector.broadcast %jit3A : i32 to vector<16xi32>
        %select_n3A = arith.select %lt3A_75, %add3A_77, %broadcast_in_dim3A : vector<16xi1>, vector<16xi32>
        %mul3A_78 = arith.constant 16 : i32
        %mul3A_79 = arith.muli %scan3A_69, %mul3A_78 : i32
        %swap3A = arith.index_cast %mul3A_79 : i32 to index
        %swap3A_80 = tpu.vector_load %arg13[%swap3A] {strides = array<i32>} : memref<64xi32, #tpu.memory_space<vmem>>, vector<16xi32>,
        %swap3A_81 = vector.shape_cast %swap3A_80 : vector<16xi32> to vector<16xi32>
        %swap3A_82 = vector.shape_cast %select_n3A : vector<16xi32> to vector<16xi32>
        tpu.vector_store %arg13[%swap3A], %swap3A_82 {strides = array<i32>} : memref<64xi32, #tpu.memory_space<vmem>>, vector<16xi32>,
      }
      %scan3A_61 = arith.constant 4 : i32
      %dma_start3A_62 = arith.constant 0 : i32
      %dma_start3A_63 = arith.constant 0 : i32
      %dma_start3A_64 = tpu.memref_slice %arg19[%dma_start3A_62, %dma_start3A_63] : memref<25152x64xf32, #tpu.memory_space<vmem_shared>> -> memref<25152x64xf32, #tpu.memory_space<vmem_shared>>
      tpu.enqueue_indirect_dma source(%dma_start3A_64 : memref<25152x64xf32, #tpu.memory_space<vmem_shared>>) target(%arg15 : memref<64x64xf32, #tpu.memory_space<vmem>>) offsets(%arg13 : memref<64xi32, #tpu.memory_space<vmem>>) semaphore(%arg20 : memref<!tpu.dma_semaphore, #tpu.memory_space<semaphore_mem>>)
      %dma_wait3A_65 = arith.constant 0 : i32
      %dma_wait3A_66 = arith.constant 0 : i32
      %dma_wait3A_67 = tpu.memref_slice %arg19[%dma_wait3A_65, %dma_wait3A_66] : memref<25152x64xf32, #tpu.memory_space<vmem_shared>> -> memref<25152x64xf32, #tpu.memory_space<vmem_shared>>
      tpu.wait_indirect_dma semaphore(%arg20 : memref<!tpu.dma_semaphore, #tpu.memory_space<semaphore_mem>>) src(%dma_wait3A_67 : memref<25152x64xf32, #tpu.memory_space<vmem_shared>>) dst(%arg15 : memref<64x64xf32, #tpu.memory_space<vmem>>)
      %add3A_68 = arith.addi %mul3A_0, %add3A_55 : i32
      "tpu.region"() ({
        %run_scoped3A = tpu.sem_alloc : memref<!tpu.dma_semaphore, #tpu.memory_space<semaphore_mem>>
        %dma_start3A_69 = arith.constant 0 : i32
        %dma_start3A_70 = arith.constant 0 : i32
        %dma_start3A_71 = tpu.memref_slice %arg15[%dma_start3A_69, %dma_start3A_70] : memref<64x64xf32, #tpu.memory_space<vmem>> -> memref<56x64xf32, #tpu.memory_space<vmem>>
        %dma_start3A_72 = arith.constant 0 : i32
        %dma_start3A_73 = tpu.memref_slice %arg6[%add3A_68, %dma_start3A_72] : memref<50176x64xf32, #tpu.memory_space<hbm>> -> memref<56x64xf32, #tpu.memory_space<hbm>>
        %dma_start3A_74 = arith.constant 0 : i32
        %dma_start3A_75 = tpu.memref_slice %arg6[%add3A_68, %dma_start3A_74] : memref<50176x64xf32, #tpu.memory_space<hbm>> -> memref<56x64xf32, #tpu.memory_space<hbm>>
        %dma_start3A_76 = arith.constant 0 : i32
        %dma_start3A_77 = arith.constant 0 : i32
        %dma_start3A_78 = tpu.memref_slice %arg15[%dma_start3A_76, %dma_start3A_77] : memref<64x64xf32, #tpu.memory_space<vmem>> -> memref<56x64xf32, #tpu.memory_space<vmem>>
        tpu.enqueue_dma source(%dma_start3A_78 : memref<56x64xf32, #tpu.memory_space<vmem>>) target(%dma_start3A_75 : memref<56x64xf32, #tpu.memory_space<hbm>>) target_semaphore(%run_scoped3A : memref<!tpu.dma_semaphore, #tpu.memory_space<semaphore_mem>>)
        %dma_wait3A_79 = arith.constant 0 : i32
        %dma_wait3A_80 = arith.constant 0 : i32
        %dma_wait3A_81 = tpu.memref_slice %arg15[%dma_wait3A_79, %dma_wait3A_80] : memref<64x64xf32, #tpu.memory_space<vmem>> -> memref<56x64xf32, #tpu.memory_space<vmem>>
        %dma_wait3A_82 = arith.constant 0 : i32
        %dma_wait3A_83 = tpu.memref_slice %arg6[%add3A_68, %dma_wait3A_82] : memref<50176x64xf32, #tpu.memory_space<hbm>> -> memref<56x64xf32, #tpu.memory_space<hbm>>
        %dma_wait3A_84 = arith.constant 0 : i32
        %dma_wait3A_85 = tpu.memref_slice %arg6[%add3A_68, %dma_wait3A_84] : memref<50176x64xf32, #tpu.memory_space<hbm>> -> memref<56x64xf32, #tpu.memory_space<hbm>>
        %dma_wait3A_86 = arith.constant 0 : i32
        %dma_wait3A_87 = arith.constant 0 : i32
        %dma_wait3A_88 = tpu.memref_slice %arg15[%dma_wait3A_86, %dma_wait3A_87] : memref<64x64xf32, #tpu.memory_space<vmem>> -> memref<56x64xf32, #tpu.memory_space<vmem>>
        tpu.wait_dma2 semaphore(%run_scoped3A : memref<!tpu.dma_semaphore, #tpu.memory_space<semaphore_mem>>) src(%dma_wait3A_88 : memref<56x64xf32, #tpu.memory_space<vmem>>) dst(%dma_wait3A_85 : memref<56x64xf32, #tpu.memory_space<hbm>>)
        tpu.yield
      }) : () -> ()
    }
    %scan3A_49 = arith.constant 28 : i32
    return
  }
}

module attributes {stable_mosaic.version = 14 : i64} {
  func.func @_dense_first_body(%arg0: i32, %arg1: memref<256x64xf32, #tpu.memory_space<vmem>>, %arg2: memref<64x64xf32, #tpu.memory_space<vmem>>, %arg3: memref<64x64xf32, #tpu.memory_space<vmem>>, %arg4: memref<64x64xf32, #tpu.memory_space<vmem>>, %arg5: memref<1x64xf32, #tpu.memory_space<vmem>>, %arg6: memref<1x64xf32, #tpu.memory_space<vmem>>, %arg7: memref<256x64xf32, #tpu.memory_space<vmem>>, %arg8: memref<256x128xf32, #tpu.memory_space<vmem>>) attributes {dimension_semantics = [#tpu.dimension_semantics<arbitrary>], iteration_bounds = array<i64: 196>, scalar_prefetch = 0 : i64, scratch_operands = 0 : i64, tpu.core_type = #tpu.core_type<tc>, window_params = [{transform_indices = @transform_0, window_bounds = array<i64: 256, 64>}, {pipeline_mode = #tpu.pipeline_mode<synchronous>, transform_indices = @transform_1, window_bounds = array<i64: 64, 64>}, {pipeline_mode = #tpu.pipeline_mode<synchronous>, transform_indices = @transform_2, window_bounds = array<i64: 64, 64>}, {pipeline_mode = #tpu.pipeline_mode<synchronous>, transform_indices = @transform_3, window_bounds = array<i64: 64, 64>}, {pipeline_mode = #tpu.pipeline_mode<synchronous>, transform_indices = @transform_4, window_bounds = array<i64: 1, 64>}, {pipeline_mode = #tpu.pipeline_mode<synchronous>, transform_indices = @transform_5, window_bounds = array<i64: 1, 64>}, {transform_indices = @transform_6, window_bounds = array<i64: 256, 64>}, {transform_indices = @transform_7, window_bounds = array<i64: 256, 128>}]} {
    %get3A = arith.constant 0 : index
    %get3A_0 = arith.constant 0 : index
    %get3A_1 = vector.load %arg1[%get3A, %get3A_0] : memref<256x64xf32, #tpu.memory_space<vmem>>, vector<256x64xf32>
    %get3A_2 = arith.constant 0 : index
    %get3A_3 = arith.constant 0 : index
    %get3A_4 = vector.load %arg2[%get3A_2, %get3A_3] : memref<64x64xf32, #tpu.memory_space<vmem>>, vector<64x64xf32>
    %dot_general3A = arith.constant dense<0.000000e+00> : vector<256x64xf32>
    %dot_general3A_5 = tpu.matmul %get3A_1, %get3A_4, %dot_general3A {dimension_numbers = #tpu.dot_dimension_numbers<[1], [0], [0], [1], [0, 0, 1, 1], [], []>, transpose_lhs_hint = false} : vector<256x64xf32>, vector<64x64xf32>, vector<256x64xf32> -> vector<256x64xf32>
    %swap3A = arith.constant 0 : index
    %swap3A_6 = arith.constant 0 : index
    %swap3A_7 = vector.load %arg7[%swap3A, %swap3A_6] : memref<256x64xf32, #tpu.memory_space<vmem>>, vector<256x64xf32>
    tpu.vector_store %arg7[%swap3A, %swap3A_6], %dot_general3A_5 {strides = array<i32>} : memref<256x64xf32, #tpu.memory_space<vmem>>, vector<256x64xf32>,
    %get3A_8 = arith.constant 0 : index
    %get3A_9 = arith.constant 0 : index
    %get3A_10 = vector.load %arg3[%get3A_8, %get3A_9] : memref<64x64xf32, #tpu.memory_space<vmem>>, vector<64x64xf32>
    %dot_general3A_11 = arith.constant dense<0.000000e+00> : vector<256x64xf32>
    %dot_general3A_12 = tpu.matmul %get3A_1, %get3A_10, %dot_general3A_11 {dimension_numbers = #tpu.dot_dimension_numbers<[1], [0], [0], [1], [0, 0, 1, 1], [], []>, transpose_lhs_hint = false} : vector<256x64xf32>, vector<64x64xf32>, vector<256x64xf32> -> vector<256x64xf32>
    %get3A_13 = arith.constant 0 : index
    %get3A_14 = arith.constant 0 : index
    %get3A_15 = vector.load %arg5[%get3A_13, %get3A_14] : memref<1x64xf32, #tpu.memory_space<vmem>>, vector<1x64xf32>
    %add3A = vector.broadcast %get3A_15 : vector<1x64xf32> to vector<256x64xf32>
    %add3A_16 = arith.addf %dot_general3A_12, %add3A : vector<256x64xf32>
    %swap3A_17 = arith.constant 0 : index
    %swap3A_18 = arith.constant 0 : index
    %swap3A_19 = vector.load %arg8[%swap3A_17, %swap3A_18] : memref<256x128xf32, #tpu.memory_space<vmem>>, vector<256x64xf32>
    tpu.vector_store %arg8[%swap3A_17, %swap3A_18], %add3A_16 {strides = array<i32>} : memref<256x128xf32, #tpu.memory_space<vmem>>, vector<256x64xf32>,
    %get3A_20 = arith.constant 0 : index
    %get3A_21 = arith.constant 0 : index
    %get3A_22 = vector.load %arg4[%get3A_20, %get3A_21] : memref<64x64xf32, #tpu.memory_space<vmem>>, vector<64x64xf32>
    %dot_general3A_23 = arith.constant dense<0.000000e+00> : vector<256x64xf32>
    %dot_general3A_24 = tpu.matmul %get3A_1, %get3A_22, %dot_general3A_23 {dimension_numbers = #tpu.dot_dimension_numbers<[1], [0], [0], [1], [0, 0, 1, 1], [], []>, transpose_lhs_hint = false} : vector<256x64xf32>, vector<64x64xf32>, vector<256x64xf32> -> vector<256x64xf32>
    %get3A_25 = arith.constant 0 : index
    %get3A_26 = arith.constant 0 : index
    %get3A_27 = vector.load %arg6[%get3A_25, %get3A_26] : memref<1x64xf32, #tpu.memory_space<vmem>>, vector<1x64xf32>
    %add3A_28 = vector.broadcast %get3A_27 : vector<1x64xf32> to vector<256x64xf32>
    %add3A_29 = arith.addf %dot_general3A_24, %add3A_28 : vector<256x64xf32>
    %swap3A_30 = arith.constant 0 : index
    %swap3A_31 = arith.constant 64 : index
    %swap3A_32 = vector.load %arg8[%swap3A_30, %swap3A_31] : memref<256x128xf32, #tpu.memory_space<vmem>>, vector<256x64xf32>
    tpu.vector_store %arg8[%swap3A_30, %swap3A_31], %add3A_29 {strides = array<i32>} : memref<256x128xf32, #tpu.memory_space<vmem>>, vector<256x64xf32>,
    return
  }
  func.func @transform_0(%arg0: i32) -> (i32, i32) {
    %c0_i32 = arith.constant 0 : i32
    %c0_i32_0 = arith.constant 0 : i32
    return %arg0, %c0_i32 : i32, i32
  }
  func.func @transform_1(%arg0: i32) -> (i32, i32) {
    %c0_i32 = arith.constant 0 : i32
    %c0_i32_0 = arith.constant 0 : i32
    %c0_i32_1 = arith.constant 0 : i32
    return %c0_i32, %c0_i32_0 : i32, i32
  }
  func.func @transform_2(%arg0: i32) -> (i32, i32) {
    %c0_i32 = arith.constant 0 : i32
    %c0_i32_0 = arith.constant 0 : i32
    %c0_i32_1 = arith.constant 0 : i32
    return %c0_i32, %c0_i32_0 : i32, i32
  }
  func.func @transform_3(%arg0: i32) -> (i32, i32) {
    %c0_i32 = arith.constant 0 : i32
    %c0_i32_0 = arith.constant 0 : i32
    %c0_i32_1 = arith.constant 0 : i32
    return %c0_i32, %c0_i32_0 : i32, i32
  }
  func.func @transform_4(%arg0: i32) -> (i32, i32) {
    %c0_i32 = arith.constant 0 : i32
    %c0_i32_0 = arith.constant 0 : i32
    %c0_i32_1 = arith.constant 0 : i32
    return %c0_i32, %c0_i32_0 : i32, i32
  }
  func.func @transform_5(%arg0: i32) -> (i32, i32) {
    %c0_i32 = arith.constant 0 : i32
    %c0_i32_0 = arith.constant 0 : i32
    %c0_i32_1 = arith.constant 0 : i32
    return %c0_i32, %c0_i32_0 : i32, i32
  }
  func.func @transform_6(%arg0: i32) -> (i32, i32) {
    %c0_i32 = arith.constant 0 : i32
    %c0_i32_0 = arith.constant 0 : i32
    return %arg0, %c0_i32 : i32, i32
  }
  func.func @transform_7(%arg0: i32) -> (i32, i32) {
    %c0_i32 = arith.constant 0 : i32
    %c0_i32_0 = arith.constant 0 : i32
    return %arg0, %c0_i32 : i32, i32
  }
}

module attributes {stable_mosaic.version = 14 : i64} {
  func.func @_dense_mid_body(%arg0: i32, %arg1: memref<256x64xf32, #tpu.memory_space<vmem>>, %arg2: memref<256x128xf32, #tpu.memory_space<vmem>>, %arg3: memref<64x64xf32, #tpu.memory_space<vmem>>, %arg4: memref<64x64xf32, #tpu.memory_space<vmem>>, %arg5: memref<64x64xf32, #tpu.memory_space<vmem>>, %arg6: memref<1x64xf32, #tpu.memory_space<vmem>>, %arg7: memref<1x64xf32, #tpu.memory_space<vmem>>, %arg8: memref<256x64xf32, #tpu.memory_space<vmem>>, %arg9: memref<256x128xf32, #tpu.memory_space<vmem>>) attributes {dimension_semantics = [#tpu.dimension_semantics<arbitrary>], iteration_bounds = array<i64: 196>, scalar_prefetch = 0 : i64, scratch_operands = 0 : i64, tpu.core_type = #tpu.core_type<tc>, window_params = [{transform_indices = @transform_0, window_bounds = array<i64: 256, 64>}, {transform_indices = @transform_1, window_bounds = array<i64: 256, 128>}, {pipeline_mode = #tpu.pipeline_mode<synchronous>, transform_indices = @transform_2, window_bounds = array<i64: 64, 64>}, {pipeline_mode = #tpu.pipeline_mode<synchronous>, transform_indices = @transform_3, window_bounds = array<i64: 64, 64>}, {pipeline_mode = #tpu.pipeline_mode<synchronous>, transform_indices = @transform_4, window_bounds = array<i64: 64, 64>}, {pipeline_mode = #tpu.pipeline_mode<synchronous>, transform_indices = @transform_5, window_bounds = array<i64: 1, 64>}, {pipeline_mode = #tpu.pipeline_mode<synchronous>, transform_indices = @transform_6, window_bounds = array<i64: 1, 64>}, {transform_indices = @transform_7, window_bounds = array<i64: 256, 64>}, {transform_indices = @transform_8, window_bounds = array<i64: 256, 128>}]} {
    %get3A = arith.constant 0 : index
    %get3A_0 = arith.constant 0 : index
    %get3A_1 = vector.load %arg1[%get3A, %get3A_0] : memref<256x64xf32, #tpu.memory_space<vmem>>, vector<256x64xf32>
    %get3A_2 = arith.constant 0 : index
    %get3A_3 = arith.constant 64 : index
    %get3A_4 = vector.load %arg2[%get3A_2, %get3A_3] : memref<256x128xf32, #tpu.memory_space<vmem>>, vector<256x64xf32>
    %add3A = arith.addf %get3A_1, %get3A_4 : vector<256x64xf32>
    %max3A = arith.constant 0.000000e+00 : f32
    %max3A_5 = vector.broadcast %max3A : f32 to vector<256x64xf32>
    %max3A_6 = arith.maximumf %add3A, %max3A_5 : vector<256x64xf32>
    %get3A_7 = arith.constant 0 : index
    %get3A_8 = arith.constant 0 : index
    %get3A_9 = vector.load %arg3[%get3A_7, %get3A_8] : memref<64x64xf32, #tpu.memory_space<vmem>>, vector<64x64xf32>
    %dot_general3A = arith.constant dense<0.000000e+00> : vector<256x64xf32>
    %dot_general3A_10 = tpu.matmul %max3A_6, %get3A_9, %dot_general3A {dimension_numbers = #tpu.dot_dimension_numbers<[1], [0], [0], [1], [0, 0, 1, 1], [], []>, transpose_lhs_hint = false} : vector<256x64xf32>, vector<64x64xf32>, vector<256x64xf32> -> vector<256x64xf32>
    %swap3A = arith.constant 0 : index
    %swap3A_11 = arith.constant 0 : index
    %swap3A_12 = vector.load %arg8[%swap3A, %swap3A_11] : memref<256x64xf32, #tpu.memory_space<vmem>>, vector<256x64xf32>
    tpu.vector_store %arg8[%swap3A, %swap3A_11], %dot_general3A_10 {strides = array<i32>} : memref<256x64xf32, #tpu.memory_space<vmem>>, vector<256x64xf32>,
    %get3A_13 = arith.constant 0 : index
    %get3A_14 = arith.constant 0 : index
    %get3A_15 = vector.load %arg4[%get3A_13, %get3A_14] : memref<64x64xf32, #tpu.memory_space<vmem>>, vector<64x64xf32>
    %dot_general3A_16 = arith.constant dense<0.000000e+00> : vector<256x64xf32>
    %dot_general3A_17 = tpu.matmul %max3A_6, %get3A_15, %dot_general3A_16 {dimension_numbers = #tpu.dot_dimension_numbers<[1], [0], [0], [1], [0, 0, 1, 1], [], []>, transpose_lhs_hint = false} : vector<256x64xf32>, vector<64x64xf32>, vector<256x64xf32> -> vector<256x64xf32>
    %get3A_18 = arith.constant 0 : index
    %get3A_19 = arith.constant 0 : index
    %get3A_20 = vector.load %arg6[%get3A_18, %get3A_19] : memref<1x64xf32, #tpu.memory_space<vmem>>, vector<1x64xf32>
    %add3A_21 = vector.broadcast %get3A_20 : vector<1x64xf32> to vector<256x64xf32>
    %add3A_22 = arith.addf %dot_general3A_17, %add3A_21 : vector<256x64xf32>
    %swap3A_23 = arith.constant 0 : index
    %swap3A_24 = arith.constant 0 : index
    %swap3A_25 = vector.load %arg9[%swap3A_23, %swap3A_24] : memref<256x128xf32, #tpu.memory_space<vmem>>, vector<256x64xf32>
    tpu.vector_store %arg9[%swap3A_23, %swap3A_24], %add3A_22 {strides = array<i32>} : memref<256x128xf32, #tpu.memory_space<vmem>>, vector<256x64xf32>,
    %get3A_26 = arith.constant 0 : index
    %get3A_27 = arith.constant 0 : index
    %get3A_28 = vector.load %arg5[%get3A_26, %get3A_27] : memref<64x64xf32, #tpu.memory_space<vmem>>, vector<64x64xf32>
    %dot_general3A_29 = arith.constant dense<0.000000e+00> : vector<256x64xf32>
    %dot_general3A_30 = tpu.matmul %max3A_6, %get3A_28, %dot_general3A_29 {dimension_numbers = #tpu.dot_dimension_numbers<[1], [0], [0], [1], [0, 0, 1, 1], [], []>, transpose_lhs_hint = false} : vector<256x64xf32>, vector<64x64xf32>, vector<256x64xf32> -> vector<256x64xf32>
    %get3A_31 = arith.constant 0 : index
    %get3A_32 = arith.constant 0 : index
    %get3A_33 = vector.load %arg7[%get3A_31, %get3A_32] : memref<1x64xf32, #tpu.memory_space<vmem>>, vector<1x64xf32>
    %add3A_34 = vector.broadcast %get3A_33 : vector<1x64xf32> to vector<256x64xf32>
    %add3A_35 = arith.addf %dot_general3A_30, %add3A_34 : vector<256x64xf32>
    %swap3A_36 = arith.constant 0 : index
    %swap3A_37 = arith.constant 64 : index
    %swap3A_38 = vector.load %arg9[%swap3A_36, %swap3A_37] : memref<256x128xf32, #tpu.memory_space<vmem>>, vector<256x64xf32>
    tpu.vector_store %arg9[%swap3A_36, %swap3A_37], %add3A_35 {strides = array<i32>} : memref<256x128xf32, #tpu.memory_space<vmem>>, vector<256x64xf32>,
    return
  }
  func.func @transform_0(%arg0: i32) -> (i32, i32) {
    %c0_i32 = arith.constant 0 : i32
    %c0_i32_0 = arith.constant 0 : i32
    return %arg0, %c0_i32 : i32, i32
  }
  func.func @transform_1(%arg0: i32) -> (i32, i32) {
    %c0_i32 = arith.constant 0 : i32
    %c0_i32_0 = arith.constant 0 : i32
    return %arg0, %c0_i32 : i32, i32
  }
  func.func @transform_2(%arg0: i32) -> (i32, i32) {
    %c0_i32 = arith.constant 0 : i32
    %c0_i32_0 = arith.constant 0 : i32
    %c0_i32_1 = arith.constant 0 : i32
    return %c0_i32, %c0_i32_0 : i32, i32
  }
  func.func @transform_3(%arg0: i32) -> (i32, i32) {
    %c0_i32 = arith.constant 0 : i32
    %c0_i32_0 = arith.constant 0 : i32
    %c0_i32_1 = arith.constant 0 : i32
    return %c0_i32, %c0_i32_0 : i32, i32
  }
  func.func @transform_4(%arg0: i32) -> (i32, i32) {
    %c0_i32 = arith.constant 0 : i32
    %c0_i32_0 = arith.constant 0 : i32
    %c0_i32_1 = arith.constant 0 : i32
    return %c0_i32, %c0_i32_0 : i32, i32
  }
  func.func @transform_5(%arg0: i32) -> (i32, i32) {
    %c0_i32 = arith.constant 0 : i32
    %c0_i32_0 = arith.constant 0 : i32
    %c0_i32_1 = arith.constant 0 : i32
    return %c0_i32, %c0_i32_0 : i32, i32
  }
  func.func @transform_6(%arg0: i32) -> (i32, i32) {
    %c0_i32 = arith.constant 0 : i32
    %c0_i32_0 = arith.constant 0 : i32
    %c0_i32_1 = arith.constant 0 : i32
    return %c0_i32, %c0_i32_0 : i32, i32
  }
  func.func @transform_7(%arg0: i32) -> (i32, i32) {
    %c0_i32 = arith.constant 0 : i32
    %c0_i32_0 = arith.constant 0 : i32
    return %arg0, %c0_i32 : i32, i32
  }
  func.func @transform_8(%arg0: i32) -> (i32, i32) {
    %c0_i32 = arith.constant 0 : i32
    %c0_i32_0 = arith.constant 0 : i32
    return %arg0, %c0_i32 : i32, i32
  }
}

module attributes {stable_mosaic.version = 14 : i64} {
  func.func @_pool_body(%arg0: i32, %arg1: memref<256x64xf32, #tpu.memory_space<vmem>>, %arg2: memref<256x128xf32, #tpu.memory_space<vmem>>, %arg3: memref<64x64xf32, #tpu.memory_space<vmem>>, %arg4: memref<1x64xf32, #tpu.memory_space<vmem>>, %arg5: memref<64x128xf32, #tpu.memory_space<vmem>>, %arg6: memref<1x128xf32, #tpu.memory_space<vmem>>, %arg7: memref<1x128xf32, #tpu.memory_space<vmem>>, %arg8: memref<256x64xf32, #tpu.memory_space<vmem>>) attributes {dimension_semantics = [#tpu.dimension_semantics<arbitrary>], iteration_bounds = array<i64: 196>, scalar_prefetch = 0 : i64, scratch_operands = 1 : i64, tpu.core_type = #tpu.core_type<tc>, window_params = [{transform_indices = @transform_0, window_bounds = array<i64: 256, 64>}, {transform_indices = @transform_1, window_bounds = array<i64: 256, 128>}, {pipeline_mode = #tpu.pipeline_mode<synchronous>, transform_indices = @transform_2, window_bounds = array<i64: 64, 64>}, {pipeline_mode = #tpu.pipeline_mode<synchronous>, transform_indices = @transform_3, window_bounds = array<i64: 1, 64>}, {pipeline_mode = #tpu.pipeline_mode<synchronous>, transform_indices = @transform_4, window_bounds = array<i64: 64, 128>}, {pipeline_mode = #tpu.pipeline_mode<synchronous>, transform_indices = @transform_5, window_bounds = array<i64: 1, 128>}, {pipeline_mode = #tpu.pipeline_mode<synchronous>, transform_indices = @transform_6, window_bounds = array<i64: 1, 128>}]} {
    %get3A = arith.constant 0 : index
    %get3A_0 = arith.constant 0 : index
    %get3A_1 = vector.load %arg1[%get3A, %get3A_0] : memref<256x64xf32, #tpu.memory_space<vmem>>, vector<256x64xf32>
    %get3A_2 = arith.constant 0 : index
    %get3A_3 = arith.constant 64 : index
    %get3A_4 = vector.load %arg2[%get3A_2, %get3A_3] : memref<256x128xf32, #tpu.memory_space<vmem>>, vector<256x64xf32>
    %add3A = arith.addf %get3A_1, %get3A_4 : vector<256x64xf32>
    %max3A = arith.constant 0.000000e+00 : f32
    %max3A_5 = vector.broadcast %max3A : f32 to vector<256x64xf32>
    %max3A_6 = arith.maximumf %add3A, %max3A_5 : vector<256x64xf32>
    %mul3A = arith.constant 256 : i32
    %mul3A_7 = arith.muli %arg0, %mul3A : i32
    %iota3A = tpu.iota {dimensions = array<i32: 0>} : vector<256x1xi32>
    %add3A_8 = vector.broadcast %mul3A_7 : i32 to vector<256x1xi32>
    %add3A_9 = arith.addi %add3A_8, %iota3A : vector<256x1xi32>
    %lt3A = arith.constant 50000 : i32
    %lt3A_10 = vector.broadcast %lt3A : i32 to vector<256x1xi32>
    %lt3A_11 = arith.cmpi slt, %add3A_9, %lt3A_10 : vector<256x1xi32>
    %jit3A = arith.constant 0.000000e+00 : f32
    %broadcast_in_dim3A = vector.shape_cast %lt3A_11 : vector<256x1xi1> to vector<256x1xi1>
    %broadcast_in_dim3A_12 = vector.broadcast %broadcast_in_dim3A : vector<256x1xi1> to vector<256x64xi1>
    %broadcast_in_dim3A_13 = vector.broadcast %jit3A : f32 to vector<256x64xf32>
    %select_n3A = arith.select %broadcast_in_dim3A_12, %max3A_6, %broadcast_in_dim3A_13 : vector<256x64xi1>, vector<256x64xf32>
    %eq3A = arith.constant 0 : i32
    %eq3A_14 = arith.cmpi eq, %arg0, %eq3A : i32
    %convert_element_type3A = arith.extui %eq3A_14 : i1 to i32
    %cond3A = arith.constant 0 : i32
    %cond3A_15 = arith.cmpi ne, %convert_element_type3A, %cond3A : i32
    scf.if %cond3A_15 {
      %swap3A = arith.constant 0 : index
      %swap3A_25 = arith.constant 0 : index
      %swap3A_26 = vector.load %arg8[%swap3A, %swap3A_25] : memref<256x64xf32, #tpu.memory_space<vmem>>, vector<256x64xf32>
      tpu.vector_store %arg8[%swap3A, %swap3A_25], %select_n3A {strides = array<i32>} : memref<256x64xf32, #tpu.memory_space<vmem>>, vector<256x64xf32>,
    } else {
    }
    %ne3A = arith.constant 0 : i32
    %ne3A_16 = arith.cmpi ne, %arg0, %ne3A : i32
    %convert_element_type3A_17 = arith.extui %ne3A_16 : i1 to i32
    %cond3A_18 = arith.constant 0 : i32
    %cond3A_19 = arith.cmpi ne, %convert_element_type3A_17, %cond3A_18 : i32
    scf.if %cond3A_19 {
      %get3A_25 = arith.constant 0 : index
      %get3A_26 = arith.constant 0 : index
      %get3A_27 = vector.load %arg8[%get3A_25, %get3A_26] : memref<256x64xf32, #tpu.memory_space<vmem>>, vector<256x64xf32>
      %add3A_28 = arith.addf %get3A_27, %select_n3A : vector<256x64xf32>
      %swap3A = arith.constant 0 : index
      %swap3A_29 = arith.constant 0 : index
      %swap3A_30 = vector.load %arg8[%swap3A, %swap3A_29] : memref<256x64xf32, #tpu.memory_space<vmem>>, vector<256x64xf32>
      tpu.vector_store %arg8[%swap3A, %swap3A_29], %add3A_28 {strides = array<i32>} : memref<256x64xf32, #tpu.memory_space<vmem>>, vector<256x64xf32>,
    } else {
    }
    %eq3A_20 = arith.constant 195 : i32
    %eq3A_21 = arith.cmpi eq, %arg0, %eq3A_20 : i32
    %convert_element_type3A_22 = arith.extui %eq3A_21 : i1 to i32
    %cond3A_23 = arith.constant 0 : i32
    %cond3A_24 = arith.cmpi ne, %convert_element_type3A_22, %cond3A_23 : i32
    scf.if %cond3A_24 {
      %get3A_25 = arith.constant 0 : index
      %get3A_26 = arith.constant 0 : index
      %get3A_27 = vector.load %arg8[%get3A_25, %get3A_26] : memref<256x64xf32, #tpu.memory_space<vmem>>, vector<256x64xf32>
      %reduce_sum3A = arith.constant dense<0.000000e+00> : vector<64xf32>
      %reduce_sum3A_28 = vector.multi_reduction <add>, %get3A_27, %reduce_sum3A [0] : vector<256x64xf32> to vector<64xf32>
      %broadcast_in_dim3A_29 = vector.shape_cast %reduce_sum3A_28 : vector<64xf32> to vector<1x64xf32>
      %mul3A_30 = arith.constant 2.000000e-05 : f32
      %mul3A_31 = vector.broadcast %mul3A_30 : f32 to vector<1x64xf32>
      %mul3A_32 = arith.mulf %broadcast_in_dim3A_29, %mul3A_31 : vector<1x64xf32>
      %get3A_33 = arith.constant 0 : index
      %get3A_34 = arith.constant 0 : index
      %get3A_35 = vector.load %arg3[%get3A_33, %get3A_34] : memref<64x64xf32, #tpu.memory_space<vmem>>, vector<64x64xf32>
      %dot_general3A = arith.constant dense<0.000000e+00> : vector<1x64xf32>
      %dot_general3A_36 = tpu.matmul %mul3A_32, %get3A_35, %dot_general3A {dimension_numbers = #tpu.dot_dimension_numbers<[1], [0], [0], [1], [0, 0, 1, 1], [], []>, transpose_lhs_hint = false} : vector<1x64xf32>, vector<64x64xf32>, vector<1x64xf32> -> vector<1x64xf32>
      %get3A_37 = arith.constant 0 : index
      %get3A_38 = arith.constant 0 : index
      %get3A_39 = vector.load %arg4[%get3A_37, %get3A_38] : memref<1x64xf32, #tpu.memory_space<vmem>>, vector<1x64xf32>
      %add3A_40 = arith.addf %dot_general3A_36, %get3A_39 : vector<1x64xf32>
      %max3A_41 = arith.constant 0.000000e+00 : f32
      %max3A_42 = vector.broadcast %max3A_41 : f32 to vector<1x64xf32>
      %max3A_43 = arith.maximumf %add3A_40, %max3A_42 : vector<1x64xf32>
      %get3A_44 = arith.constant 0 : index
      %get3A_45 = arith.constant 0 : index
      %get3A_46 = vector.load %arg5[%get3A_44, %get3A_45] : memref<64x128xf32, #tpu.memory_space<vmem>>, vector<64x128xf32>
      %dot_general3A_47 = arith.constant dense<0.000000e+00> : vector<1x128xf32>
      %dot_general3A_48 = tpu.matmul %max3A_43, %get3A_46, %dot_general3A_47 {dimension_numbers = #tpu.dot_dimension_numbers<[1], [0], [0], [1], [0, 0, 1, 1], [], []>, transpose_lhs_hint = false} : vector<1x64xf32>, vector<64x128xf32>, vector<1x128xf32> -> vector<1x128xf32>
      %get3A_49 = arith.constant 0 : index
      %get3A_50 = arith.constant 0 : index
      %get3A_51 = vector.load %arg6[%get3A_49, %get3A_50] : memref<1x128xf32, #tpu.memory_space<vmem>>, vector<1x128xf32>
      %add3A_52 = arith.addf %dot_general3A_48, %get3A_51 : vector<1x128xf32>
      %swap3A = arith.constant 0 : index
      %swap3A_53 = arith.constant 0 : index
      %swap3A_54 = vector.load %arg7[%swap3A, %swap3A_53] : memref<1x128xf32, #tpu.memory_space<vmem>>, vector<1x128xf32>
      tpu.vector_store %arg7[%swap3A, %swap3A_53], %add3A_52 {strides = array<i32>} : memref<1x128xf32, #tpu.memory_space<vmem>>, vector<1x128xf32>,
    } else {
    }
    return
  }
  func.func @transform_0(%arg0: i32) -> (i32, i32) {
    %c0_i32 = arith.constant 0 : i32
    %c0_i32_0 = arith.constant 0 : i32
    return %arg0, %c0_i32 : i32, i32
  }
  func.func @transform_1(%arg0: i32) -> (i32, i32) {
    %c0_i32 = arith.constant 0 : i32
    %c0_i32_0 = arith.constant 0 : i32
    return %arg0, %c0_i32 : i32, i32
  }
  func.func @transform_2(%arg0: i32) -> (i32, i32) {
    %c0_i32 = arith.constant 0 : i32
    %c0_i32_0 = arith.constant 0 : i32
    %c0_i32_1 = arith.constant 0 : i32
    return %c0_i32, %c0_i32_0 : i32, i32
  }
  func.func @transform_3(%arg0: i32) -> (i32, i32) {
    %c0_i32 = arith.constant 0 : i32
    %c0_i32_0 = arith.constant 0 : i32
    %c0_i32_1 = arith.constant 0 : i32
    return %c0_i32, %c0_i32_0 : i32, i32
  }
  func.func @transform_4(%arg0: i32) -> (i32, i32) {
    %c0_i32 = arith.constant 0 : i32
    %c0_i32_0 = arith.constant 0 : i32
    %c0_i32_1 = arith.constant 0 : i32
    return %c0_i32, %c0_i32_0 : i32, i32
  }
  func.func @transform_5(%arg0: i32) -> (i32, i32) {
    %c0_i32 = arith.constant 0 : i32
    %c0_i32_0 = arith.constant 0 : i32
    %c0_i32_1 = arith.constant 0 : i32
    return %c0_i32, %c0_i32_0 : i32, i32
  }
  func.func @transform_6(%arg0: i32) -> (i32, i32) {
    %c0_i32 = arith.constant 0 : i32
    %c0_i32_0 = arith.constant 0 : i32
    %c0_i32_1 = arith.constant 0 : i32
    return %c0_i32, %c0_i32_0 : i32, i32
  }
}

</mosaic_0001>

<sc_bundles>
// kernel: kernel.10.cloned.1.call-start
scs
__scs_entry_jumppad:
0x0: {  	(pc) =	sbr.rel $0x88, $3  }
0x1: {  	(tag) =	ssettag $0x0;
	lr =	simm.s32 $0x1  }
0x2: {  	[smem:$0x3F96] =	sst lr;
	_ =	strace $0xD0000000  }
0x3: {  	_ = 	snop  }
0x4: {  	_ = 	snop  }
0x5: {  	_ = 	snop  }
0x6: {  	_ = 	snop  }
0x7: {  	_ = 	snop  }
__scs_overlays_trampoline_lowered:
0x8: {  	[smem:$0x3FA5] =	sst s0  }
0x9: {  	[smem:$0x3FA6] =	sst s1  }
0xa: {  	[smem:$0x3FA7] =	sst s2  }
0xb: {  	[smem:$0x3FA8] =	sst s3  }
0xc: {  	[smem:$0x3FA9] =	sst s4  }
0xd: {  	[smem:$0x3FAA] =	sst s5  }
0xe: {  	[smem:$0x3FAB] =	sst s6  }
0xf: {  	[smem:$0x3FAC] =	sst s7  }
0x10: {  	[smem:$0x3FAD] =	sst s8  }
0x11: {  	[smem:$0x3FAE] =	sst s9;
	s0 =	simm.s32 @!p0 $0x0  }
0x12: {  	s1 =	sld [smem:$0x3F94];
	s0 =	simm.s32 @p0 $0x1  }
0x13: {  	[smem:$0x3FAF] =	sst s0;
	s0 =	simm.s32 @!p1 $0x0  }
0x14: {  	s2 =	sld [smem:$0x3F93];
	s0 =	simm.s32 @p1 $0x1  }
0x15: {  	[smem:$0x3FB0] =	sst s0;
	s0 =	simm.s32 @!p2 $0x0  }
0x16: {  	s3 =	sld [smem:$0x3FDB];
	s0 =	simm.s32 @p2 $0x1  }
0x17: {  	s4 =	simm.s32 $0x1BF5;
	[smem:$0x3FB2] =	sst s0  }
0x18: {  	s0 =	sld [smem:$0x3F95];
	_ =	swait.ge [sflag:s4], $0x0  }
0x19: {  	s7 =	sld [smem:$0x3F96]  }
0x1a: {  	s8 =	sadd.s32 $0xFFFFE003, lr  }
0x1b: {  	s9 =	sadd.s32 $0xFFFFFEF7, lr;
	s5 =	simm.s32 $0xFFFFFFFF;
	p2 =	slt.u32 s8, $0xFFFFF086  }
0x1c: {  	p1 =	slt.u32 s9, $0xF7A;
	s5 =	simm.s32 @!p2 $0x0  }
0x1d: {  	s5 =	simm.s32 @p1 $0x1;
	p0 =	seq.s32 s7, s2  }
0x1e: {  	s7 =	smul.u32 @!p0 $0xF7A, s2;
	p2 =	seq.s32 @!p0 s5, $0x0  }
0x1f: {  	s9 =	smul.u32 $0xF7A, s1;
	s8 =	simm.s32 @!p0 $0x1BF5;
	p2 =	por !p2, p0  }
0x20: {  	[sflag:s8] =	ssyncset.s32 @!p0 $0xFFFFF086;
	s6 =	sadd.s32 @!p0 s3, s7;
	s7 =	simm.s32 @!p0 $0x108  }
0x21: {  	s3 =	sadd.s32 s3, s9;
	s6 =	sadd.s32 @!p0 $0x88, s6;
	s7 =	simm.s32 @p2 $0x1082  }
0x22: {  	[simem:s7], [sflag:s8] =	dma.local @!p0 [hbm:s6], $0xF7A  }
0x23: {  	s9 =	sor.u32 $0xD0000000, s2;
	s6 =	simm.s32 $0x108;
	_ =	swait.ge @!p0 [sflag:s8], $0x0  }
0x24: {  	s3 =	sadd.s32 $0x88, s3;
	s6 =	simm.s32 @!p1 $0x1082;
	[sflag:s4] =	ssyncset.s32 $0xFFFFF086  }
0x25: {  	[simem:s6], [sflag:s4] =	dma.local [hbm:s3], $0xF7A  }
0x26: {  	[smem:$0x3F96] =	sst s1;
	(tag) =	ssettag s2;
	_ =	strace s9  }
0x27: {  	s1 =	sld [smem:$0x3FA6]  }
0x28: {  	s2 =	sld [smem:$0x3FA7]  }
0x29: {  	s4 =	sld [smem:$0x3FA9]  }
0x2a: {  	p0 =	seq.s32 s5, $0x0;
	s5 =	sld [smem:$0x3FAA]  }
0x2b: {  	s6 =	sld [smem:$0x3FAB]  }
0x2c: {  	s7 =	sld [smem:$0x3FAC]  }
0x2d: {  	s3 =	simm.s32 $0x108;
	s8 =	sld [smem:$0x3FAD]  }
0x2e: {  	s3 =	simm.s32 @!p0 $0x1082;
	s9 =	sld [smem:$0x3FAE]  }
0x2f: {  	lr =	sadd.s32 s0, s3;
	s0 =	sld [smem:$0x3FA5]  }
0x30: {  	s3 =	sld [smem:$0x3FA8]  }
0x31: {  	[smem:$0x3FB1] =	sst s10  }
0x32: {  	s10 =	sld [smem:$0x3FAF];
	_ =	sdelay $0x3  }
0x33: {  	p0 =	seq.s32 s10, $0x1;
	s10 =	sld [smem:$0x3FB1];
	_ =	sdelay $0x3  }
0x34: {  	[smem:$0x3FB1] =	sst s10  }
0x35: {  	s10 =	sld [smem:$0x3FB0];
	_ =	sdelay $0x3  }
0x36: {  	p1 =	seq.s32 s10, $0x1;
	s10 =	sld [smem:$0x3FB1];
	_ =	sdelay $0x3  }
0x37: {  	[smem:$0x3FB1] =	sst s10  }
0x38: {  	s10 =	sld [smem:$0x3FB2]  }
0x39: {  	_ = 	snop;
	(pc) =	sbr.ind lr, $3  }
0x3a: {  	_ = 	snop  }
0x3b: {  	_ = 	snop  }
0x3c: {  	p2 =	seq.s32 s10, $0x1;
	s10 =	sld [smem:$0x3FB1]  }
0x3d: {  	_ =	shalt  }
0x3e: {  	_ =	shalt  }
0x3f: {  	_ =	shalt  }
0x40: {  	_ =	shalt  }
0x41: {  	_ =	shalt  }
0x42: {  	_ =	shalt  }
0x43: {  	_ =	shalt  }
0x44: {  	_ =	shalt  }
0x45: {  	_ =	shalt  }
0x46: {  	_ =	shalt  }
0x47: {  	_ =	shalt  }
0x48: {  	_ =	shalt  }
0x49: {  	_ =	shalt  }
0x4a: {  	_ =	shalt  }
0x4b: {  	_ =	shalt  }
0x4c: {  	_ =	shalt  }
0x4d: {  	_ =	shalt  }
0x4e: {  	_ =	shalt  }
0x4f: {  	_ =	shalt  }
0x50: {  	_ =	shalt  }
0x51: {  	_ =	shalt  }
0x52: {  	_ =	shalt  }
0x53: {  	_ =	shalt  }
0x54: {  	_ =	shalt  }
0x55: {  	_ =	shalt  }
0x56: {  	_ =	shalt  }
0x57: {  	_ =	shalt  }
0x58: {  	_ =	shalt  }
0x59: {  	_ =	shalt  }
0x5a: {  	_ =	shalt  }
0x5b: {  	_ =	shalt  }
0x5c: {  	_ =	shalt  }
0x5d: {  	_ =	shalt  }
0x5e: {  	_ =	shalt  }
0x5f: {  	_ =	shalt  }
0x60: {  	_ =	shalt  }
0x61: {  	_ =	shalt  }
0x62: {  	_ =	shalt  }
0x63: {  	_ =	shalt  }
0x64: {  	_ =	shalt  }
0x65: {  	_ =	shalt  }
0x66: {  	_ =	shalt  }
0x67: {  	_ =	shalt  }
0x68: {  	_ =	shalt  }
0x69: {  	_ =	shalt  }
0x6a: {  	_ =	shalt  }
0x6b: {  	_ =	shalt  }
0x6c: {  	_ =	shalt  }
0x6d: {  	_ =	shalt  }
0x6e: {  	_ =	shalt  }
0x6f: {  	_ =	shalt  }
0x70: {  	_ =	shalt  }
0x71: {  	_ =	shalt  }
0x72: {  	_ =	shalt  }
0x73: {  	_ =	shalt  }
0x74: {  	_ =	shalt  }
0x75: {  	_ =	shalt  }
0x76: {  	_ =	shalt  }
0x77: {  	_ =	shalt  }
0x78: {  	_ =	shalt  }
0x79: {  	_ =	shalt  }
0x7a: {  	_ =	shalt  }
0x7b: {  	_ =	shalt  }
0x7c: {  	_ =	shalt  }
0x7d: {  	_ =	shalt  }
0x7e: {  	_ =	shalt  }
0x7f: {  	_ =	shalt  }
0x80: {  	_ =	shalt  }
0x81: {  	_ =	shalt  }
0x82: {  	_ =	shalt  }
0x83: {  	_ =	shalt  }
0x84: {  	_ =	shalt  }
0x85: {  	_ =	shalt  }
0x86: {  	_ =	shalt  }
0x87: {  	_ =	shalt  }
.Lfunc_end0:
.L_simem_size_0:
called_computation_lowered:
.L_overlay_start_0:
0x88: {  	s2 =	sld [smem:$0x3FD9]  }
0x89: {  	s3 =	sld [smem:$0x3FFE];
	_ =	sdelay $0x1  }
0x8a: {  	s1 =	srdreg.scid  }
0x8b: {  	s0 =	sand.u32 $0x1, s1  }
0x8c: {  	s16 =	sshll.u32 s0, $0xA;
	s2 =	sadd.s32 s3, s2  }
0x8d: {  	s2 =	sadd.s32 s2, s16  }
0x8e: {  	[smem:$0x3FBD] =	sst s2  }
0x8f: {  	_ = 	snop  }
0x90: {  	(tm) =	ssettm $0x1  }
0x91: {  	s17 =	sld [smem:$0x3FFB];
	_ =	sdelay $0x3  }
0x92: {  	_ =	strace s17  }
0x93: {  	s2 =	sld [smem:$0x3FFC];
	_ =	sdelay $0x3  }
0x94: {  	_ =	strace s2  }
0x95: {  	s2 =	sld [smem:$0x3FFD];
	_ =	sdelay $0x3  }
0x96: {  	_ =	strace s2  }
0x97: {  	_ =	strace $0x8FFFFFFF  }
0x98: {  	s18 =	sld [smem:$0x3FDB];
	_ =	sdelay $0x1  }
0x99: {  	s19 =	simm.s32 $_scs_section_size  }
0x9a: {  	s4 =	simm.s32 $_size__tile_overlayer_lowered;
	s5 =	simm.s32 $_tile_overlayer_lowered  }
0x9b: {  	s22 =	simm.s32 $0x1BFF;
	s21 =	sshll.u32 s5, $0x1;
	s2 =	sadd.s32 s19, s18  }
0x9c: {  	s6 =	simm.s32 $0x0;
	s20 =	sshll.u32 s4, $0x1;
	s4 =	sadd.s32 s21, s2  }
0x9d: {  	[timem:s6], [sflag:s22] =	dma.local [hbm:s4], s20  }
0x9e: {  	_ =	swait.ge [sflag:s22], s20  }
0x9f: {  	s3 =	ssub.s32 $0x0, s20;
	[sflag:s22] =	ssyncset.done $0x0  }
0xa0: {  	[sflag:s22] =	ssyncadd.s32 s3;
	_ =	sdelay $0x1  }
0xa1: {  	s23 =	simm.s32 $0x1B8B  }
0xa2: {  	_ =	swait.ge [sflag:s23], $0x1  }
0xa3: {  	[sflag:s23] =	ssyncset.done $0x0  }
0xa4: {  	s25 =	simm.s32 $0x1B8E;
	s24 =	sld [smem:$0x3FFE];
	[sflag:s23] =	ssyncadd.s32 $0xFFFFFFFF  }
0xa5: {  	s26 =	simm.s32 $execute0_lowered;
	[smem:$0x3FD2] =	sst s25  }
0xa6: {  	s4 =	sshll.u32 s26, $0x1;
	_ =	strace $0x80000046;
	[dreg:$0x1] =	wrdreg $0xFFFFFFFF  }
0xa7: {  	s28 =	simm.s32 $_size_execute0_lowered;
	s2 =	sadd.s32 s2, s4;
	[dreg:$0x0] =	wrdreg $0x0  }
0xa8: {  	s4 =	sshll.u32 s28, $0x1;
	[dreg:$0x2] =	wrdreg s2  }
0xa9: {  	[dreg:$0x3] =	wrdreg s4  }
0xaa: {  	[dreg:$0x4] =	wrdreg $0xC0  }
0xab: {  	_ =	task [dreg:s6], $0x5FFFF  }
0xac: {  	[dreg:$0x1] =	wrdreg $0xFFFFFFFF  }
0xad: {  	[dreg:$0x0] =	wrdreg $0x60  }
0xae: {  	[dreg:$0x2] =	wrdreg s24  }
0xaf: {  	[dreg:$0x3] =	wrdreg $0x9  }
0xb0: {  	_ =	task.clear_ibuf [dreg:s6], $0x4FFFF;
	_ =	strace $0x90000046  }
0xb1: {  	s29 =	simm.s32 $0x9;
	_ =	strace $0x80000048  }
0xb2: {  	_ =	swait.ge [sflag:s29], $0x1  }
0xb3: {  	[sflag:s29] =	ssyncadd.s32 $0xFFFFFFFF  }
0xb4: {  	_ =	strace $0x90000048  }
0xb5: {  	_ =	sfence  }
0xb6: {  	s30 =	sld [smem:$0x0];
	_ =	sdelay $0x2  }
0xb7: {  	s31 =	sshll.u32 s1, $0xD;
	s1 =	sshrl.u32 s1, $0x2  }
0xb8: {  	s3 =	sand.u32 $0x4000, s31;
	s1 =	sadd.s32 s1, s30  }
0xb9: {  	s0 =	sor.u32 s3, s0;
	s1 =	sshll.u32 s1, $0x11  }
0xba: {  	s0 =	sor.u32 s1, s0  }
0xbb: {  	s0 =	sadd.s32 $0x8F2B, s0  }
0xbc: {  	[sflag:s0] =	ssyncadd.remote.s32 $0x1  }
0xbd: {  	_ =	sfence.sel $0xFFFF  }
0xbe: {  	[dreg:$0x0] =	wrdreg $0xFFFFFFFF;
	(pc) =	sbr.abs _section_cstart, $3  }
0xbf: {  	[dreg:$0x1] =	wrdreg $0xFFFFFFFF  }
0xc0: {  	_ =	task.clear_ibuf [dreg:s6], $0x2FFFF;
	_ =	strace $0x9FFFFFFF  }
0xc1: {  	(tm) =	ssettm $0x7FFFFFFF  }
tec
execute0_lowered:
.L_overlay_start_1:
0x0: {  	(tag) =	ssettag $0x1  }
0x1: {  	s3 =	rddreg [dreg:$0x0]  }
0x2: {  	s0 =	rddreg [dreg:$0x1];
	s1 =	stileid.u32  }
0x3: {  	s4 =	srdreg.scid;
	s5 =	smul.u32 $0xC40, s1  }
0x4: {  	s2 =	simm.s32 $0x0;
	s4 =	sand.u32 $0x1, s4;
	s29 =	smul.u32 $0x6200, s1  }
0x5: {  	[smem:$0x7FF] =	sst s2;
	s6 =	smul.u32 $0x620, s4  }
0x6: {  	_ =	strace $0x80000047;
	s7 =	ssub.s32 $0x2, s4;
	s9 =	smul.u32 $0x3100, s4  }
0x7: {  	s8 =	sshrl.u32 s7, $0x1;
	s30 =	sadd.s32 s29, s3;
	s5 =	sadd.s32 s6, s5  }
0x8: {  	s31 =	ssub.s32 s7, s8;
	s7 =	simm.s32 $0x2;
	s5 =	sshrl.u32 s5, $0x3  }
0x9: {  	s8 =	simm.s32 $0x70;
	s4 =	smax.u32 s31, $0x1;
	s10 =	sadd.s32 s5, s3  }
0xa: {  	s3 =	sadd.s32 $0x3600, s3;
	s5 =	sadd.s32 s9, s30;
	s9 =	simm.s32 $0x1  }
0xb: {  	s5 =	sadd.s32 $0x5400, s5;
	s6 =	sadd.s32 $0x3A00, s10;
	s10 =	simm.s32 $0x0  }
.LBB2_1:
0xc: {  	s11 =	sadd.s32 $0x0, s6  }
0xd: {  	[tilespmem:s2], [sflag:$0x2] =	stream.linear.gather [hbm4b:s11+s2], $0x70, $0x38;
	[tilespmem:$0x1C70] =	vst v63  }
0xe: {  	_ =	swait.ge [sflag:s7], $0x70  }
0xf: {  	[sflag:s7] =	ssyncset.done $0x0  }
0x10: {  	[sflag:s7] =	ssyncadd.s32 $0xFFFFFF90  }
0x11: {  	[tilespmem:s8], [sflag:$0x1] =	stream.indirect.gather [hbm4b:s3+s8], $0x40, s2, s8, $0xb8;
	[tilespmem:$0x1C70] =	vst v63  }
0x12: {  	_ =	swait.ge [sflag:s9], $0x1C00  }
0x13: {  	[sflag:s9] =	ssyncset.done $0x0  }
0x14: {  	[sflag:s9] =	ssyncadd.s32 $0xFFFFE400  }
0x15: {  	[hbm4b:s5+s2] =	stream.linear.scatter [tilespmem:s8], [sflag:$0x2], $0x1C00, $0x38;
	[tilespmem:$0x1C70] =	vst v63  }
0x16: {  	s12 =	simm.s32 $0xE;
	_ =	swait.ge [sflag:s7], $0x1C00  }
0x17: {  	s13 =	simm.s32 $0x1C;
	s11 =	sadd.s32 $0x380, s5;
	[sflag:s7] =	ssyncset.done $0x0  }
.LBB2_2:
0x18: {  	s14 =	sadd.s32 s12, s6  }
0x19: {  	[sflag:s7] =	ssyncadd.s32 $0xFFFFE400;
	s12 =	smov.u32 s13;
	s15 =	sadd.s32 $0xE, s13  }
0x1a: {  	[tilespmem:s2], [sflag:$0x2] =	stream.linear.gather [hbm4b:s14+s2], $0x70, $0x38;
	[tilespmem:$0x1C70] =	vst v63  }
0x1b: {  	p0 =	sne.s32 s13, $0xB6;
	_ =	swait.ge [sflag:s7], $0x70  }
0x1c: {  	[sflag:s7] =	ssyncset.done $0x0  }
0x1d: {  	[sflag:s7] =	ssyncadd.s32 $0xFFFFFF90  }
0x1e: {  	[tilespmem:s8], [sflag:$0x1] =	stream.indirect.gather [hbm4b:s3+s8], $0x40, s2, s8, $0xb8;
	[tilespmem:$0x1C70] =	vst v63  }
0x1f: {  	_ =	swait.ge [sflag:s9], $0x1C00  }
.Ltmp0:
0x20: {  	[sflag:s9] =	ssyncset.done $0x0;
	(pc) =	sbr.rel @p0 .LBB2_2-.Ltmp0, $4  }
0x21: {  	[sflag:s9] =	ssyncadd.s32 $0xFFFFE400  }
0x22: {  	[hbm4b:s11+s2] =	stream.linear.scatter [tilespmem:s8], [sflag:$0x2], $0x1C00, $0x38;
	[tilespmem:$0x1C70] =	vst v63  }
0x23: {  	_ =	swait.ge [sflag:s7], $0x1C00  }
0x24: {  	s13 =	smov.u32 s15;
	s11 =	sadd.s32 $0x380, s11;
	[sflag:s7] =	ssyncset.done $0x0  }
0x25: {  	s12 =	sadd.s32 s12, s6;
	[sflag:s7] =	ssyncadd.s32 $0xFFFFE400  }
0x26: {  	[tilespmem:s2], [sflag:$0x2] =	stream.linear.gather [hbm4b:s12+s2], $0x70, $0x38;
	[tilespmem:$0x1C70] =	vst v63  }
0x27: {  	_ =	swait.ge [sflag:s7], $0x70  }
0x28: {  	[sflag:s7] =	ssyncset.done $0x0  }
0x29: {  	[sflag:s7] =	ssyncadd.s32 $0xFFFFFF90  }
0x2a: {  	[tilespmem:s8], [sflag:$0x1] =	stream.indirect.gather [hbm4b:s3+s8], $0x40, s2, s8, $0xb8;
	[tilespmem:$0x1C70] =	vst v63  }
0x2b: {  	s10 =	sadd.s32 $0x1, s10;
	_ =	swait.ge [sflag:s9], $0x1C00  }
0x2c: {  	p0 =	sne.s32 s10, s4;
	[sflag:s9] =	ssyncset.done $0x0  }
.Ltmp1:
0x2d: {  	[sflag:s9] =	ssyncadd.s32 $0xFFFFE400;
	(pc) =	sbr.rel @p0 .LBB2_1-.Ltmp1, $4  }
0x2e: {  	[hbm4b:s11+s2] =	stream.linear.scatter [tilespmem:s8], [sflag:$0x2], $0x1C00, $0x38;
	[tilespmem:$0x1C70] =	vst v63  }
0x2f: {  	_ =	swait.ge [sflag:s7], $0x1C00  }
0x30: {  	[sflag:s7] =	ssyncset.done $0x0  }
0x31: {  	[sflag:s7] =	ssyncadd.s32 $0xFFFFE400  }
0x32: {  	_ =	sfence.sel $0x180000  }
0x33: {  	[bflag:$0x0] =	sbarrier.arrive $0xFFFF  }
0x34: {  	p0 =	sne.s32 s1, $0x0;
	_ =	strace $0x90000047  }
0x35: {  	s0 =	sadd.s32 @!p0 $0x100000, s0;
	[bflag:$0x2] =	sbarrier.arrive $0xFFFF  }
0x36: {  	[sflag:s0] =	ssyncadd.tile.s32 @!p0 $0x1;
	_ =	shalt  }
.Lfunc_end2:
_tile_overlayer_lowered:
.L_overlay_start_2:
0x37: {  	(tag) =	ssettag $0x2  }
0x38: {  	s0 =	rddreg [dreg:$0x0];
	s2 =	stileid.u32  }
0x39: {  	s1 =	rddreg [dreg:$0x1];
	p0 =	sne.s32 s2, $0x0  }
0x3a: {  	s3 =	rddreg [dreg:$0x2];
	[bflag:$0x3] =	sbarrier.arrive $0xFFFF;
	s2 =	simm.s32 @!p0 $0x1C02  }
0x3b: {  	[timem:s3], [sflag:s2] =	dma.local @!p0 [hbm:s0], s1  }
0x3c: {  	s0 =	simm.s32 @!p0 $0x2  }
0x3d: {  	_ =	swait.ge @!p0 [sflag:s0], s1  }
0x3e: {  	s1 =	ssub.s32 @!p0 $0x0, s1;
	[sflag:s0] =	ssyncset.done @!p0 $0x0  }
0x3f: {  	[sflag:s0] =	ssyncadd.s32 @!p0 s1  }
0x40: {  	[bflag:$0x3] =	sbarrier.arrive $0xFFFF  }
0x41: {  	_ =	shalt  }

// kernel: kernel.13.cloned.1.call-start
scs
__scs_entry_jumppad:
0x0: {  	(pc) =	sbr.rel $0x88, $3  }
0x1: {  	(tag) =	ssettag $0x0;
	lr =	simm.s32 $0x1  }
0x2: {  	[smem:$0x3F96] =	sst lr;
	_ =	strace $0xD0000000  }
0x3: {  	_ = 	snop  }
0x4: {  	_ = 	snop  }
0x5: {  	_ = 	snop  }
0x6: {  	_ = 	snop  }
0x7: {  	_ = 	snop  }
__scs_overlays_trampoline_lowered:
0x8: {  	[smem:$0x3FA5] =	sst s0  }
0x9: {  	[smem:$0x3FA6] =	sst s1  }
0xa: {  	[smem:$0x3FA7] =	sst s2  }
0xb: {  	[smem:$0x3FA8] =	sst s3  }
0xc: {  	[smem:$0x3FA9] =	sst s4  }
0xd: {  	[smem:$0x3FAA] =	sst s5  }
0xe: {  	[smem:$0x3FAB] =	sst s6  }
0xf: {  	[smem:$0x3FAC] =	sst s7  }
0x10: {  	[smem:$0x3FAD] =	sst s8  }
0x11: {  	[smem:$0x3FAE] =	sst s9;
	s0 =	simm.s32 @!p0 $0x0  }
0x12: {  	s1 =	sld [smem:$0x3F94];
	s0 =	simm.s32 @p0 $0x1  }
0x13: {  	[smem:$0x3FAF] =	sst s0;
	s0 =	simm.s32 @!p1 $0x0  }
0x14: {  	s2 =	sld [smem:$0x3F93];
	s0 =	simm.s32 @p1 $0x1  }
0x15: {  	[smem:$0x3FB0] =	sst s0;
	s0 =	simm.s32 @!p2 $0x0  }
0x16: {  	s3 =	sld [smem:$0x3FDB];
	s0 =	simm.s32 @p2 $0x1  }
0x17: {  	s4 =	simm.s32 $0x1BF5;
	[smem:$0x3FB2] =	sst s0  }
0x18: {  	s0 =	sld [smem:$0x3F95];
	_ =	swait.ge [sflag:s4], $0x0  }
0x19: {  	s7 =	sld [smem:$0x3F96]  }
0x1a: {  	s8 =	sadd.s32 $0xFFFFE003, lr  }
0x1b: {  	s9 =	sadd.s32 $0xFFFFFEF7, lr;
	s5 =	simm.s32 $0xFFFFFFFF;
	p2 =	slt.u32 s8, $0xFFFFF086  }
0x1c: {  	p1 =	slt.u32 s9, $0xF7A;
	s5 =	simm.s32 @!p2 $0x0  }
0x1d: {  	s5 =	simm.s32 @p1 $0x1;
	p0 =	seq.s32 s7, s2  }
0x1e: {  	s7 =	smul.u32 @!p0 $0xF7A, s2;
	p2 =	seq.s32 @!p0 s5, $0x0  }
0x1f: {  	s9 =	smul.u32 $0xF7A, s1;
	s8 =	simm.s32 @!p0 $0x1BF5;
	p2 =	por !p2, p0  }
0x20: {  	[sflag:s8] =	ssyncset.s32 @!p0 $0xFFFFF086;
	s6 =	sadd.s32 @!p0 s3, s7;
	s7 =	simm.s32 @!p0 $0x108  }
0x21: {  	s3 =	sadd.s32 s3, s9;
	s6 =	sadd.s32 @!p0 $0x88, s6;
	s7 =	simm.s32 @p2 $0x1082  }
0x22: {  	[simem:s7], [sflag:s8] =	dma.local @!p0 [hbm:s6], $0xF7A  }
0x23: {  	s9 =	sor.u32 $0xD0000000, s2;
	s6 =	simm.s32 $0x108;
	_ =	swait.ge @!p0 [sflag:s8], $0x0  }
0x24: {  	s3 =	sadd.s32 $0x88, s3;
	s6 =	simm.s32 @!p1 $0x1082;
	[sflag:s4] =	ssyncset.s32 $0xFFFFF086  }
0x25: {  	[simem:s6], [sflag:s4] =	dma.local [hbm:s3], $0xF7A  }
0x26: {  	[smem:$0x3F96] =	sst s1;
	(tag) =	ssettag s2;
	_ =	strace s9  }
0x27: {  	s1 =	sld [smem:$0x3FA6]  }
0x28: {  	s2 =	sld [smem:$0x3FA7]  }
0x29: {  	s4 =	sld [smem:$0x3FA9]  }
0x2a: {  	p0 =	seq.s32 s5, $0x0;
	s5 =	sld [smem:$0x3FAA]  }
0x2b: {  	s6 =	sld [smem:$0x3FAB]  }
0x2c: {  	s7 =	sld [smem:$0x3FAC]  }
0x2d: {  	s3 =	simm.s32 $0x108;
	s8 =	sld [smem:$0x3FAD]  }
0x2e: {  	s3 =	simm.s32 @!p0 $0x1082;
	s9 =	sld [smem:$0x3FAE]  }
0x2f: {  	lr =	sadd.s32 s0, s3;
	s0 =	sld [smem:$0x3FA5]  }
0x30: {  	s3 =	sld [smem:$0x3FA8]  }
0x31: {  	[smem:$0x3FB1] =	sst s10  }
0x32: {  	s10 =	sld [smem:$0x3FAF];
	_ =	sdelay $0x3  }
0x33: {  	p0 =	seq.s32 s10, $0x1;
	s10 =	sld [smem:$0x3FB1];
	_ =	sdelay $0x3  }
0x34: {  	[smem:$0x3FB1] =	sst s10  }
0x35: {  	s10 =	sld [smem:$0x3FB0];
	_ =	sdelay $0x3  }
0x36: {  	p1 =	seq.s32 s10, $0x1;
	s10 =	sld [smem:$0x3FB1];
	_ =	sdelay $0x3  }
0x37: {  	[smem:$0x3FB1] =	sst s10  }
0x38: {  	s10 =	sld [smem:$0x3FB2]  }
0x39: {  	_ = 	snop;
	(pc) =	sbr.ind lr, $3  }
0x3a: {  	_ = 	snop  }
0x3b: {  	_ = 	snop  }
0x3c: {  	p2 =	seq.s32 s10, $0x1;
	s10 =	sld [smem:$0x3FB1]  }
0x3d: {  	_ =	shalt  }
0x3e: {  	_ =	shalt  }
0x3f: {  	_ =	shalt  }
0x40: {  	_ =	shalt  }
0x41: {  	_ =	shalt  }
0x42: {  	_ =	shalt  }
0x43: {  	_ =	shalt  }
0x44: {  	_ =	shalt  }
0x45: {  	_ =	shalt  }
0x46: {  	_ =	shalt  }
0x47: {  	_ =	shalt  }
0x48: {  	_ =	shalt  }
0x49: {  	_ =	shalt  }
0x4a: {  	_ =	shalt  }
0x4b: {  	_ =	shalt  }
0x4c: {  	_ =	shalt  }
0x4d: {  	_ =	shalt  }
0x4e: {  	_ =	shalt  }
0x4f: {  	_ =	shalt  }
0x50: {  	_ =	shalt  }
0x51: {  	_ =	shalt  }
0x52: {  	_ =	shalt  }
0x53: {  	_ =	shalt  }
0x54: {  	_ =	shalt  }
0x55: {  	_ =	shalt  }
0x56: {  	_ =	shalt  }
0x57: {  	_ =	shalt  }
0x58: {  	_ =	shalt  }
0x59: {  	_ =	shalt  }
0x5a: {  	_ =	shalt  }
0x5b: {  	_ =	shalt  }
0x5c: {  	_ =	shalt  }
0x5d: {  	_ =	shalt  }
0x5e: {  	_ =	shalt  }
0x5f: {  	_ =	shalt  }
0x60: {  	_ =	shalt  }
0x61: {  	_ =	shalt  }
0x62: {  	_ =	shalt  }
0x63: {  	_ =	shalt  }
0x64: {  	_ =	shalt  }
0x65: {  	_ =	shalt  }
0x66: {  	_ =	shalt  }
0x67: {  	_ =	shalt  }
0x68: {  	_ =	shalt  }
0x69: {  	_ =	shalt  }
0x6a: {  	_ =	shalt  }
0x6b: {  	_ =	shalt  }
0x6c: {  	_ =	shalt  }
0x6d: {  	_ =	shalt  }
0x6e: {  	_ =	shalt  }
0x6f: {  	_ =	shalt  }
0x70: {  	_ =	shalt  }
0x71: {  	_ =	shalt  }
0x72: {  	_ =	shalt  }
0x73: {  	_ =	shalt  }
0x74: {  	_ =	shalt  }
0x75: {  	_ =	shalt  }
0x76: {  	_ =	shalt  }
0x77: {  	_ =	shalt  }
0x78: {  	_ =	shalt  }
0x79: {  	_ =	shalt  }
0x7a: {  	_ =	shalt  }
0x7b: {  	_ =	shalt  }
0x7c: {  	_ =	shalt  }
0x7d: {  	_ =	shalt  }
0x7e: {  	_ =	shalt  }
0x7f: {  	_ =	shalt  }
0x80: {  	_ =	shalt  }
0x81: {  	_ =	shalt  }
0x82: {  	_ =	shalt  }
0x83: {  	_ =	shalt  }
0x84: {  	_ =	shalt  }
0x85: {  	_ =	shalt  }
0x86: {  	_ =	shalt  }
0x87: {  	_ =	shalt  }
.Lfunc_end0:
.L_simem_size_0:
called_computation.1_lowered:
.L_overlay_start_0:
0x88: {  	s2 =	sld [smem:$0x3FD9]  }
0x89: {  	s3 =	sld [smem:$0x3FFE];
	_ =	sdelay $0x1  }
0x8a: {  	s1 =	srdreg.scid  }
0x8b: {  	s0 =	sand.u32 $0x1, s1  }
0x8c: {  	s16 =	sshll.u32 s0, $0xA;
	s2 =	sadd.s32 s3, s2  }
0x8d: {  	s2 =	sadd.s32 s2, s16  }
0x8e: {  	[smem:$0x3FBD] =	sst s2  }
0x8f: {  	_ = 	snop  }
0x90: {  	(tm) =	ssettm $0x1  }
0x91: {  	s17 =	sld [smem:$0x3FFB];
	_ =	sdelay $0x3  }
0x92: {  	_ =	strace s17  }
0x93: {  	s2 =	sld [smem:$0x3FFC];
	_ =	sdelay $0x3  }
0x94: {  	_ =	strace s2  }
0x95: {  	s2 =	sld [smem:$0x3FFD];
	_ =	sdelay $0x3  }
0x96: {  	_ =	strace s2  }
0x97: {  	_ =	strace $0x8FFFFFFF  }
0x98: {  	s18 =	sld [smem:$0x3FDB];
	_ =	sdelay $0x1  }
0x99: {  	s19 =	simm.s32 $_scs_section_size  }
0x9a: {  	s4 =	simm.s32 $_size__tile_overlayer_lowered;
	s5 =	simm.s32 $_tile_overlayer_lowered  }
0x9b: {  	s22 =	simm.s32 $0x1BFF;
	s21 =	sshll.u32 s5, $0x1;
	s2 =	sadd.s32 s19, s18  }
0x9c: {  	s6 =	simm.s32 $0x0;
	s20 =	sshll.u32 s4, $0x1;
	s4 =	sadd.s32 s21, s2  }
0x9d: {  	[timem:s6], [sflag:s22] =	dma.local [hbm:s4], s20  }
0x9e: {  	_ =	swait.ge [sflag:s22], s20  }
0x9f: {  	s3 =	ssub.s32 $0x0, s20;
	[sflag:s22] =	ssyncset.done $0x0  }
0xa0: {  	[sflag:s22] =	ssyncadd.s32 s3;
	_ =	sdelay $0x1  }
0xa1: {  	s23 =	simm.s32 $0x1B8B  }
0xa2: {  	_ =	swait.ge [sflag:s23], $0x1  }
0xa3: {  	[sflag:s23] =	ssyncset.done $0x0  }
0xa4: {  	s25 =	simm.s32 $0x1B8E;
	s24 =	sld [smem:$0x3FFE];
	[sflag:s23] =	ssyncadd.s32 $0xFFFFFFFF  }
0xa5: {  	s26 =	simm.s32 $execute0_lowered;
	[smem:$0x3FD2] =	sst s25  }
0xa6: {  	s4 =	sshll.u32 s26, $0x1;
	_ =	strace $0x80000049;
	[dreg:$0x1] =	wrdreg $0xFFFFFFFF  }
0xa7: {  	s28 =	simm.s32 $_size_execute0_lowered;
	s2 =	sadd.s32 s2, s4;
	[dreg:$0x0] =	wrdreg $0x0  }
0xa8: {  	s4 =	sshll.u32 s28, $0x1;
	[dreg:$0x2] =	wrdreg s2  }
0xa9: {  	[dreg:$0x3] =	wrdreg s4  }
0xaa: {  	[dreg:$0x4] =	wrdreg $0xC0  }
0xab: {  	_ =	task [dreg:s6], $0x5FFFF  }
0xac: {  	[dreg:$0x1] =	wrdreg $0xFFFFFFFF  }
0xad: {  	[dreg:$0x0] =	wrdreg $0x60  }
0xae: {  	[dreg:$0x2] =	wrdreg s24  }
0xaf: {  	[dreg:$0x3] =	wrdreg $0x69800  }
0xb0: {  	[dreg:$0x4] =	wrdreg $0x9  }
0xb1: {  	_ =	task.clear_ibuf [dreg:s6], $0x5FFFF;
	_ =	strace $0x90000049  }
0xb2: {  	s29 =	simm.s32 $0x9;
	_ =	strace $0x8000004B  }
0xb3: {  	_ =	swait.ge [sflag:s29], $0x1  }
0xb4: {  	[sflag:s29] =	ssyncadd.s32 $0xFFFFFFFF  }
0xb5: {  	_ =	strace $0x9000004B  }
0xb6: {  	_ =	sfence  }
0xb7: {  	s30 =	sld [smem:$0x0];
	_ =	sdelay $0x2  }
0xb8: {  	s31 =	sshll.u32 s1, $0xD;
	s1 =	sshrl.u32 s1, $0x2  }
0xb9: {  	s3 =	sand.u32 $0x4000, s31;
	s1 =	sadd.s32 s1, s30  }
0xba: {  	s0 =	sor.u32 s3, s0;
	s1 =	sshll.u32 s1, $0x11  }
0xbb: {  	s0 =	sor.u32 s1, s0  }
0xbc: {  	s0 =	sadd.s32 $0x8F2B, s0  }
0xbd: {  	[sflag:s0] =	ssyncadd.remote.s32 $0x1  }
0xbe: {  	_ =	sfence.sel $0xFFFF  }
0xbf: {  	[dreg:$0x0] =	wrdreg $0xFFFFFFFF;
	(pc) =	sbr.abs _section_cstart, $3  }
0xc0: {  	[dreg:$0x1] =	wrdreg $0xFFFFFFFF  }
0xc1: {  	_ =	task.clear_ibuf [dreg:s6], $0x2FFFF;
	_ =	strace $0x9FFFFFFF  }
0xc2: {  	(tm) =	ssettm $0x7FFFFFFF  }
0xc3: {  	_ =	shalt  }
tec
execute0_lowered:
.L_overlay_start_1:
0x0: {  	(tag) =	ssettag $0x1  }
0x1: {  	s0 =	rddreg [dreg:$0x0]  }
0x2: {  	s1 =	rddreg [dreg:$0x1];
	s2 =	simm.s32 $0x0;
	s3 =	srdreg.scid  }
0x3: {  	s13 =	stileid.u32;
	s15 =	simm.s32 $0x900;
	s16 =	simm.s32 $0x980  }
0x4: {  	s17 =	simm.s32 $0x5;
	s19 =	simm.s32 $0x800;
	s20 =	simm.s32 $0x880  }
0x5: {  	s21 =	simm.s32 $0x2980;
	s22 =	simm.s32 $0x1;
	s23 =	simm.s32 $0x3  }
0x6: {  	s24 =	simm.s32 $0x840;
	s28 =	simm.s32 $0x4980;
	s29 =	simm.s32 $0x2  }
0x7: {  	s30 =	simm.s32 $0x4;
	s31 =	simm.s32 $0x940;
	s8 =	smul.u32 $0xC400, s13  }
0x8: {  	[smem:$0x7FF] =	sst s2;
	s3 =	sand.u32 $0x1, s3;
	s11 =	smul.u32 $0x3100, s13  }
0x9: {  	s4 =	sadd.s32 $0x3600, s0;
	s5 =	sadd.s32 $0x221600, s0;
	s26 =	smul.u32 $0x624, s13  }
0xa: {  	s6 =	sadd.s32 $0x80600, s0;
	s7 =	sadd.s32 $0x67C00, s0;
	s9 =	smul.u32 $0x31000, s3  }
0xb: {  	_ =	strace $0x8000004A;
	s10 =	smul.u32 $0x6200, s3;
	s3 =	ssub.s32 $0x2, s3  }
0xc: {  	s25 =	sshrl.u32 s3, $0x1;
	s12 =	sshrl.u32 s8, $0x3;
	v0 =	vmov s26;
	s26 =	simm.s32 $0x8C0  }
0xd: {  	s0 =	sadd.s32 s9, s0;
	s3 =	ssub.s32 s3, s25;
	s14 =	sadd.s32 s6, s12  }
0xe: {  	s12 =	sadd.s32 s7, s12;
	s25 =	simm.s32 $0x1980;
	[dreg:$0x3] =	wrdreg s14  }
0xf: {  	v1 =	vlaneseq.u32;
	[dreg:$0x4] =	wrdreg s12;
	s0 =	sadd.s32 s11, s0;
	s3 =	smax.u32 s3, $0x1  }
0x10: {  	v3 =	vimm.f32 $0.0e+00;
	vm0 =	vmmov $0xff;
	v4 =	vor.u32 $0x10, v1;
	s11 =	smul.u32 $0x620, s13;
	[dreg:$0x5] =	wrdreg s3;
	s0 =	sadd.s32 $0x99600, s0  }
0x11: {  	v5 =	vor.u32 $0x20, v1;
	v6 =	vor.u32 $0x30, v1;
	v2 =	vmov s10;
	s14 =	simm.s32 $0x40;
	[dreg:$0x6] =	wrdreg s0;
	s0 =	simm.s32 $0x0  }
.LBB2_1:
0x12: {  	s3 =	simm.s32 $0x0  }
.LBB2_2:
0x13: {  	p0 =	sne.s32 s3, $0x3F00  }
.Ltmp0:
0x14: {  	s9 =	sshra.s32 s3, $0x2;
	(pc) =	sbr.rel @p0 .LBB2_2-.Ltmp0, $4  }
0x15: {  	[tilespmem:s9+$0x980] =	vst v3  }
0x16: {  	[tilespmem:s9+$0x990] =	vst v3  }
0x17: {  	[tilespmem:s9+$0x9A0] =	vst v3  }
0x18: {  	s3 =	sadd.s32 $0x100, s3;
	[tilespmem:s9+$0x9B0] =	vst v3  }
0x19: {  	s3 =	simm.s32 $0x30;
	s9 =	simm.s32 $0x0;
	s18 =	simm.s32 $0x20  }
0x1a: {  	v7 =	vor.u32 s3, v1;
	v8 =	vor.u32 s9, v1;
	v10 =	vor.u32 s18, v1  }
0x1b: {  	s13 =	simm.s32 $0x10;
	vm2 =	vlt.u32 v7, $0x624;
	vm1 =	vlt.u32 v8, $0x624;
	v8 =	vadd.s32 v0, v8  }
0x1c: {  	v9 =	vadd.s32 v0, v7;
	v7 =	vor.u32 s13, v1;
	v8 =	vnsel vm1, $0x6200, v8  }
0x1d: {  	s3 =	simm.s32 $0x70;
	vm1 =	vlt.u32 v10, $0x624;
	v9 =	vnsel vm2, $0x6200, v9;
	[tilespmem:$0x900] =	vst v8;
	v8 =	vadd.s32 v0, v10  }
.LBB2_4:
0x1e: {  	p0 =	sne.s32 s3, $0x630;
	vm2 =	vlt.u32 v7, $0x624;
	v7 =	vadd.s32 v0, v7;
	v8 =	vnsel vm1, $0x6200, v8;
	[tilespmem:$0x930] =	vst v9  }
0x1f: {  	s9 =	sadd.s32 $0xFFFFFFD0, s3;
	v7 =	vnsel vm2, $0x6200, v7;
	[tilespmem:$0x920] =	vst v8  }
0x20: {  	[tilespmem:$0x910] =	vst v7;
	[spmem:s1] =	stream.indirect.scatter [tilespmem:s16], [sflag:$0x5], $0x40, s15, s14, $0xb8  }
.Ltmp1:
0x21: {  	v8 =	vor.u32 s3, v1;
	(pc) =	sbr.rel @p0 .LBB2_4-.Ltmp1, $4  }
0x22: {  	v7 =	vor.u32 s9, v1;
	vm2 =	vlt.u32 v8, $0x624;
	_ =	swait.ge [sflag:s17], $0x1000  }
0x23: {  	s10 =	sadd.s32 $0xFFFFFFF0, s3;
	s9 =	sadd.s32 $0xFFFFFFE0, s3;
	v9 =	vadd.s32 v0, v8;
	vm1 =	vlt.u32 v7, $0x624;
	v7 =	vadd.s32 v0, v7;
	[sflag:s17] =	ssyncset.done $0x0  }
0x24: {  	v10 =	vor.u32 s10, v1;
	v8 =	vnsel vm1, $0x6200, v7;
	v7 =	vor.u32 s9, v1;
	[sflag:s17] =	ssyncadd.s32 $0xFFFFF000  }
0x25: {  	s3 =	sadd.s32 $0x40, s3;
	v9 =	vnsel vm2, $0x6200, v9;
	vm1 =	vlt.u32 v10, $0x624;
	[tilespmem:$0x900] =	vst v8;
	v8 =	vadd.s32 v0, v10  }
0x26: {  	vm2 =	vlt.u32 v7, $0x624;
	v7 =	vadd.s32 v0, v7;
	v8 =	vnsel vm1, $0x6200, v8;
	[tilespmem:$0x930] =	vst v9  }
0x27: {  	v7 =	vnsel vm2, $0x6200, v7;
	[tilespmem:$0x920] =	vst v8  }
0x28: {  	[tilespmem:$0x910] =	vst v7  }
0x29: {  	[spmem:s1] =	stream.indirect.scatter [tilespmem:s16], [sflag:$0x5], $0x40, s15, s14, $0xb8;
	[tilespmem:$0x1F280] =	vst v63  }
0x2a: {  	_ =	swait.ge [sflag:s17], $0x1000  }
0x2b: {  	[sflag:s17] =	ssyncset.done $0x0  }
0x2c: {  	[sflag:s17] =	ssyncadd.s32 $0xFFFFF000  }
0x2d: {  	[bflag:$0x0] =	sbarrier.arrive $0xFFFF  }
0x2e: {  	s3 =	simm.s32 $0x0;
	s9 =	rddreg [dreg:$0x3]  }
0x2f: {  	[tilespmem:s3], [sflag:$0x5] =	stream.linear.gather [hbm4b:s9+s3], $0x400, $0x38;
	[tilespmem:$0x1F280] =	vst v63  }
0x30: {  	_ =	swait.ge [sflag:s17], $0x400  }
0x31: {  	[sflag:s17] =	ssyncset.done $0x0  }
0x32: {  	s10 =	simm.s32 $0x400;
	s18 =	rddreg [dreg:$0x4];
	[sflag:s17] =	ssyncadd.s32 $0xFFFFFC00  }
0x33: {  	[tilespmem:s10], [sflag:$0x5] =	stream.linear.gather [hbm4b:s18+s3], $0x400, $0x38;
	[tilespmem:$0x1F280] =	vst v63  }
0x34: {  	_ =	swait.ge [sflag:s17], $0x400  }
0x35: {  	[sflag:s17] =	ssyncset.done $0x0  }
0x36: {  	[sflag:s17] =	ssyncadd.s32 $0xFFFFFC00  }
0x37: {  	v7 =	vld [tilespmem:$0x0]  }
0x38: {  	v8 =	vld [tilespmem:$0x400]  }
0x39: {  	v61 =	vld [tilespmem:$0x10]  }
0x3a: {  	v10 =	vld [tilespmem:$0x410];
	_ =	sdelay $0x1  }
0x3b: {  	v12 =	vld [tilespmem:$0x20]  }
0x3c: {  	v63 =	vld [tilespmem:$0x430];
	vm1 =	vlt.s32 v7, $0xC350  }
0x3d: {  	[tilespmem:$0x880] =	vst v8;
	v11 =	vnsel vm1, $0x0, v7;
	v7 =	vsub.s32 v7, v2  }
0x3e: {  	[tilespmem:$0x890] =	vst v10;
	vm1 =	vlt.s32 v61, $0xC350;
	v7 =	vmin.u32 v7, $0x6200  }
0x3f: {  	v62 =	vld [tilespmem:$0x30];
	[tilespmem:$0x900] =	vst v7;
	v7 =	vnsel vm1, $0x0, v61  }
0x40: {  	[tilespmem:$0x810] =	vst v7;
	v7 =	vsub.s32 v61, v2  }
0x41: {  	[tilespmem:$0x8B0] =	vst v63;
	vm1 =	vlt.s32 v12, $0xC350;
	v7 =	vmin.u32 v7, $0x6200  }
0x42: {  	v8 =	vld [tilespmem:$0x420];
	[tilespmem:$0x910] =	vst v7;
	v7 =	vnsel vm1, $0x0, v12  }
0x43: {  	[tilespmem:$0x820] =	vst v7;
	v7 =	vsub.s32 v12, v2  }
0x44: {  	[tilespmem:$0x800] =	vst v11;
	vm1 =	vlt.s32 v62, $0xC350;
	v7 =	vmin.u32 v7, $0x6200  }
0x45: {  	[tilespmem:$0x920] =	vst v7;
	v7 =	vnsel vm1, $0x0, v62  }
0x46: {  	[tilespmem:$0x830] =	vst v7;
	v7 =	vsub.s32 v62, v2  }
0x47: {  	[tilespmem:$0x8A0] =	vst v8;
	v7 =	vmin.u32 v7, $0x6200  }
0x48: {  	[tilespmem:$0x930] =	vst v7  }
0x49: {  	[tilespmem:s16], [sflag:$0x1] =	stream.indirect.gather [hbm4b:s4+s14], $0x40, s19, s14, $0xb8;
	[tilespmem:$0x1F280] =	vst v63  }
0x4a: {  	_ = 	snop  }
0x4b: {  	[tilespmem:s21], [sflag:$0x3] =	stream.indirect.gather [hbm4b:s5+s14], $0x80, s20, s14, $0xb8;
	[tilespmem:$0x1F280] =	vst v63  }
.LBB2_6:
0x4c: {  	_ =	swait.ge [sflag:s22], $0x1000  }
0x4d: {  	[sflag:s22] =	ssyncset.done $0x0  }
0x4e: {  	[sflag:s22] =	ssyncadd.s32 $0xFFFFF000  }
0x4f: {  	_ =	swait.ge [sflag:s23], $0x2000  }
0x50: {  	s9 =	sshll.u32 s3, $0x7;
	[sflag:s23] =	ssyncset.done $0x0  }
0x51: {  	s9 =	sand.u32 $0x380, s9;
	[sflag:s23] =	ssyncadd.s32 $0xFFFFE000  }
0x52: {  	v7 =	vld [tilespmem:s9+$0x40]  }
0x53: {  	v8 =	vld [tilespmem:s9+$0x440];
	_ =	sdelay $0x3  }
0x54: {  	vm1 =	vlt.s32 v7, $0xC350  }
0x55: {  	[tilespmem:$0x8C0] =	vst v8;
	v9 =	vnsel vm1, $0x0, v7;
	v7 =	vsub.s32 v7, v2  }
0x56: {  	[tilespmem:$0x840] =	vst v9;
	v7 =	vmin.u32 v7, $0x6200  }
0x57: {  	[tilespmem:$0x940] =	vst v7  }
0x58: {  	v7 =	vld [tilespmem:s9+$0x50]  }
0x59: {  	v8 =	vld [tilespmem:s9+$0x450];
	_ =	sdelay $0x3  }
0x5a: {  	vm1 =	vlt.s32 v7, $0xC350  }
0x5b: {  	[tilespmem:$0x8D0] =	vst v8;
	v61 =	vnsel vm1, $0x0, v7;
	v7 =	vsub.s32 v7, v2  }
0x5c: {  	[tilespmem:$0x850] =	vst v61;
	v7 =	vmin.u32 v7, $0x6200  }
0x5d: {  	[tilespmem:$0x950] =	vst v7  }
0x5e: {  	v7 =	vld [tilespmem:s9+$0x60]  }
0x5f: {  	v8 =	vld [tilespmem:s9+$0x460];
	_ =	sdelay $0x3  }
0x60: {  	vm1 =	vlt.s32 v7, $0xC350  }
0x61: {  	[tilespmem:$0x8E0] =	vst v8;
	v62 =	vnsel vm1, $0x0, v7;
	v7 =	vsub.s32 v7, v2  }
0x62: {  	[tilespmem:$0x860] =	vst v62;
	v7 =	vmin.u32 v7, $0x6200  }
0x63: {  	[tilespmem:$0x960] =	vst v7  }
0x64: {  	v7 =	vld [tilespmem:s9+$0x70]  }
0x65: {  	v8 =	vld [tilespmem:s9+$0x470];
	_ =	sdelay $0x3  }
0x66: {  	vm1 =	vlt.s32 v7, $0xC350  }
0x67: {  	[tilespmem:$0x8F0] =	vst v8;
	v63 =	vnsel vm1, $0x0, v7;
	v7 =	vsub.s32 v7, v2  }
0x68: {  	[tilespmem:$0x870] =	vst v63;
	v7 =	vmin.u32 v7, $0x6200  }
0x69: {  	[tilespmem:$0x970] =	vst v7  }
0x6a: {  	[tilespmem:s25], [sflag:$0x2] =	stream.indirect.gather [hbm4b:s4+s14], $0x40, s24, s14, $0xb8;
	[tilespmem:$0x1F280] =	vst v63  }
0x6b: {  	s18 =	simm.s32 $0x0  }
0x6c: {  	[tilespmem:s28], [sflag:$0x4] =	stream.indirect.gather [hbm4b:s5+s14], $0x80, s26, s14, $0xb8;
	[tilespmem:$0x1F280] =	vst v63  }
0x6d: {  	s10 =	simm.s32 $0x100;
	s9 =	simm.s32 $0x29C0;
	v7 =	vld [tilespmem:s18+$0x980]  }
.LBB2_7:
0x6e: {  	p0 =	sne.s32 s10, $0x3F00;
	v8 =	vld [tilespmem:s9+$0xFFFFFFC0]  }
0x6f: {  	v9 =	vld [tilespmem:s9+$0x0];
	_ =	sdelay $0x3  }
0x70: {  	v7 =	vadd.f32 v8, v7;
	_ =	sdelay $0x1  }
0x71: {  	v7 =	vsub.f32 $0.0e+00, v7;
	_ =	sdelay $0x1  }
0x72: {  	v7 =	vmul.f32 $1.442695020e+00, v7;
	_ =	sdelay $0x1  }
0x73: {  	(erf) = vpow2.f32 v7;
	_ =	sdelay $0x8  }
0x74: {  	v7 =	vpop (erf)  }
0x75: {  	v7 =	vadd.f32 $1.000000000e+00, v7;
	_ =	sdelay $0x1  }
0x76: {  	(erf) = vrcp.f32 v7;
	_ =	sdelay $0x8  }
0x77: {  	v7 =	vpop (erf)  }
0x78: {  	v7 =	vmul.f32 v7, v9;
	_ =	sdelay $0x1  }
0x79: {  	[tilespmem:s18+$0x980] =	vst v7;
	v7 =	vld [tilespmem:s18+$0x990]  }
0x7a: {  	v8 =	vld [tilespmem:s9+$0xFFFFFFD0];
	_ =	sdelay $0x4  }
0x7b: {  	v7 =	vadd.f32 v8, v7;
	_ =	sdelay $0x1  }
0x7c: {  	v7 =	vsub.f32 $0.0e+00, v7;
	_ =	sdelay $0x1  }
0x7d: {  	v7 =	vmul.f32 $1.442695020e+00, v7;
	_ =	sdelay $0x1  }
0x7e: {  	(erf) = vpow2.f32 v7;
	_ =	sdelay $0x8  }
0x7f: {  	v7 =	vpop (erf)  }
0x80: {  	v7 =	vadd.f32 $1.000000000e+00, v7;
	_ =	sdelay $0x1  }
0x81: {  	(erf) = vrcp.f32 v7;
	_ =	sdelay $0x4  }
0x82: {  	v7 =	vld [tilespmem:s9+$0x10];
	_ =	sdelay $0x3  }
0x83: {  	v8 =	vpop (erf)  }
0x84: {  	v7 =	vmul.f32 v8, v7;
	_ =	sdelay $0x1  }
0x85: {  	[tilespmem:s18+$0x990] =	vst v7;
	v7 =	vld [tilespmem:s18+$0x9A0]  }
0x86: {  	v8 =	vld [tilespmem:s9+$0xFFFFFFE0];
	_ =	sdelay $0x4  }
0x87: {  	v7 =	vadd.f32 v8, v7;
	_ =	sdelay $0x1  }
0x88: {  	v7 =	vsub.f32 $0.0e+00, v7;
	_ =	sdelay $0x1  }
0x89: {  	v7 =	vmul.f32 $1.442695020e+00, v7;
	_ =	sdelay $0x1  }
0x8a: {  	(erf) = vpow2.f32 v7;
	_ =	sdelay $0x8  }
0x8b: {  	v7 =	vpop (erf)  }
0x8c: {  	v7 =	vadd.f32 $1.000000000e+00, v7;
	_ =	sdelay $0x1  }
0x8d: {  	(erf) = vrcp.f32 v7;
	_ =	sdelay $0x4  }
0x8e: {  	v7 =	vld [tilespmem:s9+$0x20];
	_ =	sdelay $0x3  }
0x8f: {  	v8 =	vpop (erf)  }
0x90: {  	v7 =	vmul.f32 v8, v7;
	_ =	sdelay $0x1  }
0x91: {  	[tilespmem:s18+$0x9A0] =	vst v7;
	v7 =	vld [tilespmem:s18+$0x9B0]  }
0x92: {  	v8 =	vld [tilespmem:s9+$0xFFFFFFF0]  }
0x93: {  	v9 =	vld [tilespmem:s9+$0x30];
	_ =	sdelay $0x3  }
0x94: {  	v7 =	vadd.f32 v8, v7;
	_ =	sdelay $0x1  }
0x95: {  	v7 =	vsub.f32 $0.0e+00, v7;
	_ =	sdelay $0x1  }
0x96: {  	v7 =	vmul.f32 $1.442695020e+00, v7;
	_ =	sdelay $0x1  }
0x97: {  	(erf) = vpow2.f32 v7;
	_ =	sdelay $0x8  }
0x98: {  	v7 =	vpop (erf)  }
0x99: {  	v7 =	vadd.f32 $1.000000000e+00, v7;
	_ =	sdelay $0x1  }
0x9a: {  	(erf) = vrcp.f32 v7;
	_ =	sdelay $0x7  }
.Ltmp2:
0x9b: {  	(pc) =	sbr.rel @p0 .LBB2_7-.Ltmp2, $4  }
0x9c: {  	v7 =	vpop (erf)  }
0x9d: {  	v8 =	vmul.f32 v7, v9  }
0x9e: {  	s12 =	sshra.s32 s10, $0x2  }
0x9f: {  	s10 =	sadd.s32 $0x100, s10;
	s9 =	sadd.s32 $0x80, s9;
	v7 =	vld [tilespmem:s12+$0x980];
	[tilespmem:s18+$0x9B0] =	vst v8;
	s18 =	smov.u32 s12  }
0xa0: {  	v8 =	vld [tilespmem:s9+$0xFFFFFFC0];
	_ =	sdelay $0x4  }
0xa1: {  	v7 =	vadd.f32 v8, v7;
	_ =	sdelay $0x1  }
0xa2: {  	v7 =	vsub.f32 $0.0e+00, v7;
	_ =	sdelay $0x1  }
0xa3: {  	v7 =	vmul.f32 $1.442695020e+00, v7;
	_ =	sdelay $0x1  }
0xa4: {  	(erf) = vpow2.f32 v7;
	_ =	sdelay $0x8  }
0xa5: {  	v7 =	vpop (erf)  }
0xa6: {  	v7 =	vadd.f32 $1.000000000e+00, v7;
	_ =	sdelay $0x1  }
0xa7: {  	(erf) = vrcp.f32 v7;
	_ =	sdelay $0x4  }
0xa8: {  	v7 =	vld [tilespmem:s9+$0x0];
	_ =	sdelay $0x3  }
0xa9: {  	v8 =	vpop (erf)  }
0xaa: {  	v7 =	vmul.f32 v8, v7;
	_ =	sdelay $0x1  }
0xab: {  	[tilespmem:s18+$0x980] =	vst v7;
	v7 =	vld [tilespmem:s18+$0x990]  }
0xac: {  	v8 =	vld [tilespmem:s9+$0xFFFFFFD0];
	_ =	sdelay $0x4  }
0xad: {  	v7 =	vadd.f32 v8, v7;
	_ =	sdelay $0x1  }
0xae: {  	v7 =	vsub.f32 $0.0e+00, v7;
	_ =	sdelay $0x1  }
0xaf: {  	v7 =	vmul.f32 $1.442695020e+00, v7;
	_ =	sdelay $0x1  }
0xb0: {  	(erf) = vpow2.f32 v7;
	_ =	sdelay $0x8  }
0xb1: {  	v7 =	vpop (erf)  }
0xb2: {  	v7 =	vadd.f32 $1.000000000e+00, v7;
	_ =	sdelay $0x1  }
0xb3: {  	(erf) = vrcp.f32 v7;
	_ =	sdelay $0x4  }
0xb4: {  	v7 =	vld [tilespmem:s9+$0x10];
	_ =	sdelay $0x3  }
0xb5: {  	v8 =	vpop (erf)  }
0xb6: {  	v7 =	vmul.f32 v8, v7;
	_ =	sdelay $0x1  }
0xb7: {  	[tilespmem:s18+$0x990] =	vst v7;
	v7 =	vld [tilespmem:s18+$0x9A0]  }
0xb8: {  	v8 =	vld [tilespmem:s9+$0xFFFFFFE0];
	_ =	sdelay $0x4  }
0xb9: {  	v7 =	vadd.f32 v8, v7;
	_ =	sdelay $0x1  }
0xba: {  	v7 =	vsub.f32 $0.0e+00, v7;
	_ =	sdelay $0x1  }
0xbb: {  	v7 =	vmul.f32 $1.442695020e+00, v7;
	_ =	sdelay $0x1  }
0xbc: {  	(erf) = vpow2.f32 v7;
	_ =	sdelay $0x8  }
0xbd: {  	v7 =	vpop (erf)  }
0xbe: {  	v7 =	vadd.f32 $1.000000000e+00, v7;
	_ =	sdelay $0x1  }
0xbf: {  	(erf) = vrcp.f32 v7;
	_ =	sdelay $0x4  }
0xc0: {  	v7 =	vld [tilespmem:s9+$0x20];
	_ =	sdelay $0x3  }
0xc1: {  	v8 =	vpop (erf)  }
0xc2: {  	v7 =	vmul.f32 v8, v7;
	_ =	sdelay $0x1  }
0xc3: {  	[tilespmem:s18+$0x9A0] =	vst v7;
	v7 =	vld [tilespmem:s18+$0x9B0]  }
0xc4: {  	v8 =	vld [tilespmem:s9+$0xFFFFFFF0];
	_ =	sdelay $0x4  }
0xc5: {  	v7 =	vadd.f32 v8, v7;
	_ =	sdelay $0x1  }
0xc6: {  	v7 =	vsub.f32 $0.0e+00, v7;
	_ =	sdelay $0x1  }
0xc7: {  	v7 =	vmul.f32 $1.442695020e+00, v7;
	_ =	sdelay $0x1  }
0xc8: {  	(erf) = vpow2.f32 v7;
	_ =	sdelay $0x8  }
0xc9: {  	v7 =	vpop (erf)  }
0xca: {  	v7 =	vadd.f32 $1.000000000e+00, v7;
	_ =	sdelay $0x1  }
0xcb: {  	(erf) = vrcp.f32 v7;
	_ =	sdelay $0x4  }
0xcc: {  	v7 =	vld [tilespmem:s9+$0x30];
	_ =	sdelay $0x3  }
0xcd: {  	v8 =	vpop (erf)  }
0xce: {  	v7 =	vmul.f32 v8, v7;
	_ =	sdelay $0x1  }
0xcf: {  	[tilespmem:s18+$0x9B0] =	vst v7  }
0xd0: {  	[spmem:s1] =	stream.indirect.scatter.add.f32 [tilespmem:s16], [sflag:$0x5], $0x40, s15, s14, $0xb8;
	[tilespmem:$0x1F280] =	vst v63  }
0xd1: {  	_ =	swait.ge [sflag:s17], $0x1000  }
0xd2: {  	s13 =	sshll.u32 s3, $0x1;
	[sflag:s17] =	ssyncset.done $0x0  }
0xd3: {  	s9 =	sadd.s32 $0x2, s13;
	[sflag:s17] =	ssyncadd.s32 $0xFFFFF000  }
0xd4: {  	s10 =	sand.u32 $0xE, s9;
	_ =	swait.ge [sflag:s29], $0x1000  }
0xd5: {  	p0 =	sne.s32 s10, $0x0;
	[sflag:s29] =	ssyncset.done $0x0  }
0xd6: {  	s9 =	sshll.u32 @!p0 s9, $0x6;
	[sflag:s29] =	ssyncadd.s32 $0xFFFFF000  }
0xd7: {  	s9 =	sadd.s32 @!p0 s8, s9;
	_ =	swait.ge [sflag:s30], $0x2000  }
0xd8: {  	s9 =	sshrl.u32 @!p0 s9, $0x3;
	[sflag:s30] =	ssyncset.done $0x0  }
0xd9: {  	s12 =	sadd.s32 @!p0 s6, s9;
	s18 =	simm.s32 @!p0 $0x0;
	[sflag:s30] =	ssyncadd.s32 $0xFFFFE000  }
0xda: {  	[tilespmem:s18], [sflag:$0x5] =	stream.linear.gather @!p0 [hbm4b:s12+s18], $0x400, $0x38;
	[tilespmem:$0x1F280] =	vst v63  }
0xdb: {  	s12 =	simm.s32 @!p0 $0x5  }
0xdc: {  	_ =	swait.ge @!p0 [sflag:s12], $0x400  }
0xdd: {  	[sflag:s12] =	ssyncset.done @!p0 $0x0  }
0xde: {  	s13 =	simm.s32 @!p0 $0x400;
	s9 =	sadd.s32 @!p0 s7, s9;
	[sflag:s12] =	ssyncadd.s32 @!p0 $0xFFFFFC00  }
0xdf: {  	[tilespmem:s13], [sflag:$0x5] =	stream.linear.gather @!p0 [hbm4b:s9+s18], $0x400, $0x38;
	[tilespmem:$0x1F280] =	vst v63  }
0xe0: {  	_ =	swait.ge @!p0 [sflag:s12], $0x400  }
0xe1: {  	[sflag:s12] =	ssyncset.done @!p0 $0x0  }
0xe2: {  	s18 =	sshll.u32 s10, $0x6;
	[sflag:s12] =	ssyncadd.s32 @!p0 $0xFFFFFC00  }
0xe3: {  	v7 =	vld [tilespmem:s18+$0x0]  }
0xe4: {  	v8 =	vld [tilespmem:s18+$0x400];
	_ =	sdelay $0x3  }
0xe5: {  	vm1 =	vlt.s32 v7, $0xC350  }
0xe6: {  	[tilespmem:$0x880] =	vst v8;
	v9 =	vnsel vm1, $0x0, v7;
	v7 =	vsub.s32 v7, v2  }
0xe7: {  	[tilespmem:$0x800] =	vst v9;
	v7 =	vmin.u32 v7, $0x6200  }
0xe8: {  	[tilespmem:$0x900] =	vst v7  }
0xe9: {  	v7 =	vld [tilespmem:s18+$0x10]  }
0xea: {  	v8 =	vld [tilespmem:s18+$0x410];
	_ =	sdelay $0x3  }
0xeb: {  	vm1 =	vlt.s32 v7, $0xC350  }
0xec: {  	[tilespmem:$0x890] =	vst v8;
	v61 =	vnsel vm1, $0x0, v7;
	v7 =	vsub.s32 v7, v2  }
0xed: {  	[tilespmem:$0x810] =	vst v61;
	v7 =	vmin.u32 v7, $0x6200  }
0xee: {  	[tilespmem:$0x910] =	vst v7  }
0xef: {  	v7 =	vld [tilespmem:s18+$0x20]  }
0xf0: {  	v8 =	vld [tilespmem:s18+$0x420];
	_ =	sdelay $0x3  }
0xf1: {  	vm1 =	vlt.s32 v7, $0xC350  }
0xf2: {  	[tilespmem:$0x8A0] =	vst v8;
	v62 =	vnsel vm1, $0x0, v7;
	v7 =	vsub.s32 v7, v2  }
0xf3: {  	[tilespmem:$0x820] =	vst v62;
	v7 =	vmin.u32 v7, $0x6200  }
0xf4: {  	[tilespmem:$0x920] =	vst v7  }
0xf5: {  	v7 =	vld [tilespmem:s18+$0x30]  }
0xf6: {  	v8 =	vld [tilespmem:s18+$0x430];
	_ =	sdelay $0x3  }
0xf7: {  	vm1 =	vlt.s32 v7, $0xC350  }
0xf8: {  	[tilespmem:$0x8B0] =	vst v8;
	v63 =	vnsel vm1, $0x0, v7;
	v7 =	vsub.s32 v7, v2  }
0xf9: {  	[tilespmem:$0x830] =	vst v63;
	v7 =	vmin.u32 v7, $0x6200  }
0xfa: {  	[tilespmem:$0x930] =	vst v7  }
0xfb: {  	[tilespmem:s16], [sflag:$0x1] =	stream.indirect.gather [hbm4b:s4+s14], $0x40, s19, s14, $0xb8;
	[tilespmem:$0x1F280] =	vst v63  }
0xfc: {  	s18 =	simm.s32 $0x0  }
0xfd: {  	[tilespmem:s21], [sflag:$0x3] =	stream.indirect.gather [hbm4b:s5+s14], $0x80, s20, s14, $0xb8;
	[tilespmem:$0x1F280] =	vst v63  }
0xfe: {  	s9 =	simm.s32 $0x49C0;
	s10 =	simm.s32 $0x100;
	v7 =	vld [tilespmem:s18+$0x1980]  }
.LBB2_9:
0xff: {  	p0 =	sne.s32 s10, $0x3F00;
	v8 =	vld [tilespmem:s9+$0xFFFFFFC0]  }
0x100: {  	v9 =	vld [tilespmem:s9+$0x0];
	_ =	sdelay $0x3  }
0x101: {  	v7 =	vadd.f32 v8, v7;
	_ =	sdelay $0x1  }
0x102: {  	v7 =	vsub.f32 $0.0e+00, v7;
	_ =	sdelay $0x1  }
0x103: {  	v7 =	vmul.f32 $1.442695020e+00, v7;
	_ =	sdelay $0x1  }
0x104: {  	(erf) = vpow2.f32 v7;
	_ =	sdelay $0x8  }
0x105: {  	v7 =	vpop (erf)  }
0x106: {  	v7 =	vadd.f32 $1.000000000e+00, v7;
	_ =	sdelay $0x1  }
0x107: {  	(erf) = vrcp.f32 v7;
	_ =	sdelay $0x8  }
0x108: {  	v7 =	vpop (erf)  }
0x109: {  	v7 =	vmul.f32 v7, v9;
	_ =	sdelay $0x1  }
0x10a: {  	[tilespmem:s18+$0x1980] =	vst v7;
	v7 =	vld [tilespmem:s18+$0x1990]  }
0x10b: {  	v8 =	vld [tilespmem:s9+$0xFFFFFFD0];
	_ =	sdelay $0x4  }
0x10c: {  	v7 =	vadd.f32 v8, v7;
	_ =	sdelay $0x1  }
0x10d: {  	v7 =	vsub.f32 $0.0e+00, v7;
	_ =	sdelay $0x1  }
0x10e: {  	v7 =	vmul.f32 $1.442695020e+00, v7;
	_ =	sdelay $0x1  }
0x10f: {  	(erf) = vpow2.f32 v7;
	_ =	sdelay $0x8  }
0x110: {  	v7 =	vpop (erf)  }
0x111: {  	v7 =	vadd.f32 $1.000000000e+00, v7;
	_ =	sdelay $0x1  }
0x112: {  	(erf) = vrcp.f32 v7;
	_ =	sdelay $0x4  }
0x113: {  	v7 =	vld [tilespmem:s9+$0x10];
	_ =	sdelay $0x3  }
0x114: {  	v8 =	vpop (erf)  }
0x115: {  	v7 =	vmul.f32 v8, v7;
	_ =	sdelay $0x1  }
0x116: {  	[tilespmem:s18+$0x1990] =	vst v7;
	v7 =	vld [tilespmem:s18+$0x19A0]  }
0x117: {  	v8 =	vld [tilespmem:s9+$0xFFFFFFE0];
	_ =	sdelay $0x4  }
0x118: {  	v7 =	vadd.f32 v8, v7;
	_ =	sdelay $0x1  }
0x119: {  	v7 =	vsub.f32 $0.0e+00, v7;
	_ =	sdelay $0x1  }
0x11a: {  	v7 =	vmul.f32 $1.442695020e+00, v7;
	_ =	sdelay $0x1  }
0x11b: {  	(erf) = vpow2.f32 v7;
	_ =	sdelay $0x8  }
0x11c: {  	v7 =	vpop (erf)  }
0x11d: {  	v7 =	vadd.f32 $1.000000000e+00, v7;
	_ =	sdelay $0x1  }
0x11e: {  	(erf) = vrcp.f32 v7;
	_ =	sdelay $0x4  }
0x11f: {  	v7 =	vld [tilespmem:s9+$0x20];
	_ =	sdelay $0x3  }
0x120: {  	v8 =	vpop (erf)  }
0x121: {  	v7 =	vmul.f32 v8, v7;
	_ =	sdelay $0x1  }
0x122: {  	[tilespmem:s18+$0x19A0] =	vst v7;
	v7 =	vld [tilespmem:s18+$0x19B0]  }
0x123: {  	v8 =	vld [tilespmem:s9+$0xFFFFFFF0]  }
0x124: {  	v9 =	vld [tilespmem:s9+$0x30];
	_ =	sdelay $0x3  }
0x125: {  	v7 =	vadd.f32 v8, v7;
	_ =	sdelay $0x1  }
0x126: {  	v7 =	vsub.f32 $0.0e+00, v7;
	_ =	sdelay $0x1  }
0x127: {  	v7 =	vmul.f32 $1.442695020e+00, v7;
	_ =	sdelay $0x1  }
0x128: {  	(erf) = vpow2.f32 v7;
	_ =	sdelay $0x8  }
0x129: {  	v7 =	vpop (erf)  }
0x12a: {  	v7 =	vadd.f32 $1.000000000e+00, v7;
	_ =	sdelay $0x1  }
0x12b: {  	(erf) = vrcp.f32 v7;
	_ =	sdelay $0x7  }
.Ltmp3:
0x12c: {  	(pc) =	sbr.rel @p0 .LBB2_9-.Ltmp3, $4  }
0x12d: {  	v7 =	vpop (erf)  }
0x12e: {  	v8 =	vmul.f32 v7, v9  }
0x12f: {  	s12 =	sshra.s32 s10, $0x2  }
0x130: {  	s10 =	sadd.s32 $0x100, s10;
	s9 =	sadd.s32 $0x80, s9;
	v7 =	vld [tilespmem:s12+$0x1980];
	[tilespmem:s18+$0x19B0] =	vst v8;
	s18 =	smov.u32 s12  }
0x131: {  	v8 =	vld [tilespmem:s9+$0xFFFFFFC0];
	_ =	sdelay $0x4  }
0x132: {  	v7 =	vadd.f32 v8, v7;
	_ =	sdelay $0x1  }
0x133: {  	v7 =	vsub.f32 $0.0e+00, v7;
	_ =	sdelay $0x1  }
0x134: {  	v7 =	vmul.f32 $1.442695020e+00, v7;
	_ =	sdelay $0x1  }
0x135: {  	(erf) = vpow2.f32 v7;
	_ =	sdelay $0x8  }
0x136: {  	v7 =	vpop (erf)  }
0x137: {  	v7 =	vadd.f32 $1.000000000e+00, v7;
	_ =	sdelay $0x1  }
0x138: {  	(erf) = vrcp.f32 v7;
	_ =	sdelay $0x4  }
0x139: {  	v7 =	vld [tilespmem:s9+$0x0];
	_ =	sdelay $0x3  }
0x13a: {  	v8 =	vpop (erf)  }
0x13b: {  	v7 =	vmul.f32 v8, v7;
	_ =	sdelay $0x1  }
0x13c: {  	[tilespmem:s18+$0x1980] =	vst v7;
	v7 =	vld [tilespmem:s18+$0x1990]  }
0x13d: {  	v8 =	vld [tilespmem:s9+$0xFFFFFFD0];
	_ =	sdelay $0x4  }
0x13e: {  	v7 =	vadd.f32 v8, v7;
	_ =	sdelay $0x1  }
0x13f: {  	v7 =	vsub.f32 $0.0e+00, v7;
	_ =	sdelay $0x1  }
0x140: {  	v7 =	vmul.f32 $1.442695020e+00, v7;
	_ =	sdelay $0x1  }
0x141: {  	(erf) = vpow2.f32 v7;
	_ =	sdelay $0x8  }
0x142: {  	v7 =	vpop (erf)  }
0x143: {  	v7 =	vadd.f32 $1.000000000e+00, v7;
	_ =	sdelay $0x1  }
0x144: {  	(erf) = vrcp.f32 v7;
	_ =	sdelay $0x4  }
0x145: {  	v7 =	vld [tilespmem:s9+$0x10];
	_ =	sdelay $0x3  }
0x146: {  	v8 =	vpop (erf)  }
0x147: {  	v7 =	vmul.f32 v8, v7;
	_ =	sdelay $0x1  }
0x148: {  	[tilespmem:s18+$0x1990] =	vst v7;
	v7 =	vld [tilespmem:s18+$0x19A0]  }
0x149: {  	v8 =	vld [tilespmem:s9+$0xFFFFFFE0];
	_ =	sdelay $0x4  }
0x14a: {  	v7 =	vadd.f32 v8, v7;
	_ =	sdelay $0x1  }
0x14b: {  	v7 =	vsub.f32 $0.0e+00, v7;
	_ =	sdelay $0x1  }
0x14c: {  	v7 =	vmul.f32 $1.442695020e+00, v7;
	_ =	sdelay $0x1  }
0x14d: {  	(erf) = vpow2.f32 v7;
	_ =	sdelay $0x8  }
0x14e: {  	v7 =	vpop (erf)  }
0x14f: {  	v7 =	vadd.f32 $1.000000000e+00, v7;
	_ =	sdelay $0x1  }
0x150: {  	(erf) = vrcp.f32 v7;
	_ =	sdelay $0x4  }
0x151: {  	v7 =	vld [tilespmem:s9+$0x20];
	_ =	sdelay $0x3  }
0x152: {  	v8 =	vpop (erf)  }
0x153: {  	v7 =	vmul.f32 v8, v7;
	_ =	sdelay $0x1  }
0x154: {  	[tilespmem:s18+$0x19A0] =	vst v7;
	v7 =	vld [tilespmem:s18+$0x19B0]  }
0x155: {  	v8 =	vld [tilespmem:s9+$0xFFFFFFF0];
	_ =	sdelay $0x4  }
0x156: {  	v7 =	vadd.f32 v8, v7;
	_ =	sdelay $0x1  }
0x157: {  	v7 =	vsub.f32 $0.0e+00, v7;
	_ =	sdelay $0x1  }
0x158: {  	v7 =	vmul.f32 $1.442695020e+00, v7;
	_ =	sdelay $0x1  }
0x159: {  	(erf) = vpow2.f32 v7;
	_ =	sdelay $0x8  }
0x15a: {  	v7 =	vpop (erf)  }
0x15b: {  	v7 =	vadd.f32 $1.000000000e+00, v7;
	_ =	sdelay $0x1  }
0x15c: {  	(erf) = vrcp.f32 v7;
	_ =	sdelay $0x4  }
0x15d: {  	v7 =	vld [tilespmem:s9+$0x30];
	_ =	sdelay $0x3  }
0x15e: {  	v8 =	vpop (erf)  }
0x15f: {  	s3 =	sadd.s32 $0x1, s3;
	v7 =	vmul.f32 v8, v7  }
0x160: {  	p0 =	sne.s32 s3, $0x188  }
.Ltmp4:
0x161: {  	[tilespmem:s18+$0x19B0] =	vst v7;
	(pc) =	sbr.rel @p0 .LBB2_6-.Ltmp4, $4  }
0x162: {  	[spmem:s1] =	stream.indirect.scatter.add.f32 [tilespmem:s25], [sflag:$0x5], $0x40, s31, s14, $0xb8;
	[tilespmem:$0x1F280] =	vst v63  }
0x163: {  	_ =	swait.ge [sflag:s17], $0x1000  }
0x164: {  	[sflag:s17] =	ssyncset.done $0x0  }
0x165: {  	[sflag:s17] =	ssyncadd.s32 $0xFFFFF000  }
0x166: {  	_ =	swait.ge [sflag:s22], $0x1000  }
0x167: {  	[sflag:s22] =	ssyncset.done $0x0  }
0x168: {  	[sflag:s22] =	ssyncadd.s32 $0xFFFFF000  }
0x169: {  	_ =	swait.ge [sflag:s23], $0x2000  }
0x16a: {  	[sflag:s23] =	ssyncset.done $0x0  }
0x16b: {  	s3 =	sadd.s32 $0x0, s11;
	[sflag:s23] =	ssyncadd.s32 $0xFFFFE000  }
0x16c: {  	v7 =	vadd.s32 s3, v1;
	[bflag:$0x0] =	sbarrier.arrive $0xFFFF  }
0x16d: {  	v8 =	vadd.s32 s3, v4;
	v9 =	vadd.s32 s3, v6;
	[tilespmem:$0x900] =	vst v7  }
0x16e: {  	v7 =	vnsel vm0, $0x6200, v9;
	[tilespmem:$0x910] =	vst v8  }
0x16f: {  	v8 =	vadd.s32 s3, v5;
	[tilespmem:$0x930] =	vst v7  }
0x170: {  	[tilespmem:$0x920] =	vst v8  }
0x171: {  	[tilespmem:s16], [sflag:$0x1] =	stream.indirect.gather [spmem:s1], $0x40, s15, s14, $0xb8;
	[tilespmem:$0x1F280] =	vst v63  }
0x172: {  	_ =	swait.ge [sflag:s22], $0x1000  }
0x173: {  	[sflag:s22] =	ssyncset.done $0x0  }
0x174: {  	s3 =	simm.s32 $0x38;
	s9 =	rddreg [dreg:$0x6];
	[sflag:s22] =	ssyncadd.s32 $0xFFFFF000  }
0x175: {  	[hbm4b:s9+s2] =	stream.linear.scatter [tilespmem:s16], [sflag:$0x5], $0xE00, $0x38;
	[tilespmem:$0x1F280] =	vst v63  }
.LBB2_12:
0x176: {  	p0 =	sne.s32 s3, $0x5E8;
	_ =	swait.ge [sflag:s17], $0xE00;
	s9 =	sadd.s32 $0x1C0, s9  }
0x177: {  	s10 =	sadd.s32 s3, s11;
	s3 =	sadd.s32 $0x38, s3;
	[sflag:s17] =	ssyncset.done $0x0  }
0x178: {  	v7 =	vadd.s32 s10, v1;
	v8 =	vadd.s32 s10, v4;
	v9 =	vadd.s32 s10, v6;
	[sflag:s17] =	ssyncadd.s32 $0xFFFFF200  }
0x179: {  	v9 =	vnsel vm0, $0x6200, v9;
	[tilespmem:$0x900] =	vst v7;
	v7 =	vadd.s32 s10, v5  }
0x17a: {  	[tilespmem:$0x910] =	vst v8  }
0x17b: {  	[tilespmem:$0x930] =	vst v9  }
0x17c: {  	[tilespmem:$0x920] =	vst v7  }
0x17d: {  	[tilespmem:s16], [sflag:$0x1] =	stream.indirect.gather [spmem:s1], $0x40, s15, s14, $0xb8;
	[tilespmem:$0x1F280] =	vst v63  }
.Ltmp5:
0x17e: {  	_ = 	snop;
	(pc) =	sbr.rel @p0 .LBB2_12-.Ltmp5, $4  }
0x17f: {  	_ =	swait.ge [sflag:s22], $0x1000  }
0x180: {  	[sflag:s22] =	ssyncset.done $0x0  }
0x181: {  	[sflag:s22] =	ssyncadd.s32 $0xFFFFF000  }
0x182: {  	[hbm4b:s9+s2] =	stream.linear.scatter [tilespmem:s16], [sflag:$0x5], $0xE00, $0x38;
	[tilespmem:$0x1F280] =	vst v63  }
0x183: {  	_ =	swait.ge [sflag:s17], $0xE00  }
0x184: {  	s0 =	sadd.s32 $0x1, s0;
	s3 =	rddreg [dreg:$0x5]  }
0x185: {  	p0 =	sne.s32 s0, s3  }
.Ltmp6:
0x186: {  	_ = 	snop;
	(pc) =	sbr.rel @p0 .LBB2_1-.Ltmp6, $3  }
0x187: {  	_ =	sdelay $0x1  }
0x188: {  	[sflag:s17] =	ssyncset.done $0x0  }
0x189: {  	[sflag:s17] =	ssyncadd.s32 $0xFFFFF200  }
0x18a: {  	_ =	sfence.sel $0x180000  }
0x18b: {  	[bflag:$0x0] =	sbarrier.arrive $0xFFFF  }
0x18c: {  	_ =	strace $0x9000004A  }
0x18d: {  	s0 =	stileid.u32;
	[bflag:$0x2] =	sbarrier.arrive $0xFFFF  }
0x18e: {  	p0 =	sne.s32 s0, $0x0;
	s0 =	rddreg [dreg:$0x2]  }
0x18f: {  	s0 =	sadd.s32 @!p0 $0x100000, s0  }
0x190: {  	[sflag:s0] =	ssyncadd.tile.s32 @!p0 $0x1;
	_ =	shalt  }
.Lfunc_end2:
_tile_overlayer_lowered:
.L_overlay_start_2:
0x191: {  	(tag) =	ssettag $0x2  }
0x192: {  	s0 =	rddreg [dreg:$0x0];
	s2 =	stileid.u32  }
0x193: {  	s1 =	rddreg [dreg:$0x1];
	p0 =	sne.s32 s2, $0x0  }
0x194: {  	s3 =	rddreg [dreg:$0x2];
	[bflag:$0x3] =	sbarrier.arrive $0xFFFF;
	s2 =	simm.s32 @!p0 $0x1C05  }
0x195: {  	[timem:s3], [sflag:s2] =	dma.local @!p0 [hbm:s0], s1  }
0x196: {  	s0 =	simm.s32 @!p0 $0x5  }
0x197: {  	_ =	swait.ge @!p0 [sflag:s0], s1  }
0x198: {  	s1 =	ssub.s32 @!p0 $0x0, s1;
	[sflag:s0] =	ssyncset.done @!p0 $0x0  }
0x199: {  	[sflag:s0] =	ssyncadd.s32 @!p0 s1  }
0x19a: {  	[bflag:$0x3] =	sbarrier.arrive $0xFFFF  }
0x19b: {  	_ =	shalt  }

// kernel: kernel.16.cloned.1.call-start
scs
__scs_entry_jumppad:
0x0: {  	(pc) =	sbr.rel $0x88, $3  }
0x1: {  	(tag) =	ssettag $0x0;
	lr =	simm.s32 $0x1  }
0x2: {  	[smem:$0x3F96] =	sst lr;
	_ =	strace $0xD0000000  }
0x3: {  	_ = 	snop  }
0x4: {  	_ = 	snop  }
0x5: {  	_ = 	snop  }
0x6: {  	_ = 	snop  }
0x7: {  	_ = 	snop  }
__scs_overlays_trampoline_lowered:
0x8: {  	[smem:$0x3FA5] =	sst s0  }
0x9: {  	[smem:$0x3FA6] =	sst s1  }
0xa: {  	[smem:$0x3FA7] =	sst s2  }
0xb: {  	[smem:$0x3FA8] =	sst s3  }
0xc: {  	[smem:$0x3FA9] =	sst s4  }
0xd: {  	[smem:$0x3FAA] =	sst s5  }
0xe: {  	[smem:$0x3FAB] =	sst s6  }
0xf: {  	[smem:$0x3FAC] =	sst s7  }
0x10: {  	[smem:$0x3FAD] =	sst s8  }
0x11: {  	[smem:$0x3FAE] =	sst s9;
	s0 =	simm.s32 @!p0 $0x0  }
0x12: {  	s1 =	sld [smem:$0x3F94];
	s0 =	simm.s32 @p0 $0x1  }
0x13: {  	[smem:$0x3FAF] =	sst s0;
	s0 =	simm.s32 @!p1 $0x0  }
0x14: {  	s2 =	sld [smem:$0x3F93];
	s0 =	simm.s32 @p1 $0x1  }
0x15: {  	[smem:$0x3FB0] =	sst s0;
	s0 =	simm.s32 @!p2 $0x0  }
0x16: {  	s3 =	sld [smem:$0x3FDB];
	s0 =	simm.s32 @p2 $0x1  }
0x17: {  	s4 =	simm.s32 $0x1BF5;
	[smem:$0x3FB2] =	sst s0  }
0x18: {  	s0 =	sld [smem:$0x3F95];
	_ =	swait.ge [sflag:s4], $0x0  }
0x19: {  	s7 =	sld [smem:$0x3F96]  }
0x1a: {  	s8 =	sadd.s32 $0xFFFFE003, lr  }
0x1b: {  	s9 =	sadd.s32 $0xFFFFFEF7, lr;
	s5 =	simm.s32 $0xFFFFFFFF;
	p2 =	slt.u32 s8, $0xFFFFF086  }
0x1c: {  	p1 =	slt.u32 s9, $0xF7A;
	s5 =	simm.s32 @!p2 $0x0  }
0x1d: {  	s5 =	simm.s32 @p1 $0x1;
	p0 =	seq.s32 s7, s2  }
0x1e: {  	s7 =	smul.u32 @!p0 $0xF7A, s2;
	p2 =	seq.s32 @!p0 s5, $0x0  }
0x1f: {  	s9 =	smul.u32 $0xF7A, s1;
	s8 =	simm.s32 @!p0 $0x1BF5;
	p2 =	por !p2, p0  }
0x20: {  	[sflag:s8] =	ssyncset.s32 @!p0 $0xFFFFF086;
	s6 =	sadd.s32 @!p0 s3, s7;
	s7 =	simm.s32 @!p0 $0x108  }
0x21: {  	s3 =	sadd.s32 s3, s9;
	s6 =	sadd.s32 @!p0 $0x88, s6;
	s7 =	simm.s32 @p2 $0x1082  }
0x22: {  	[simem:s7], [sflag:s8] =	dma.local @!p0 [hbm:s6], $0xF7A  }
0x23: {  	s9 =	sor.u32 $0xD0000000, s2;
	s6 =	simm.s32 $0x108;
	_ =	swait.ge @!p0 [sflag:s8], $0x0  }
0x24: {  	s3 =	sadd.s32 $0x88, s3;
	s6 =	simm.s32 @!p1 $0x1082;
	[sflag:s4] =	ssyncset.s32 $0xFFFFF086  }
0x25: {  	[simem:s6], [sflag:s4] =	dma.local [hbm:s3], $0xF7A  }
0x26: {  	[smem:$0x3F96] =	sst s1;
	(tag) =	ssettag s2;
	_ =	strace s9  }
0x27: {  	s1 =	sld [smem:$0x3FA6]  }
0x28: {  	s2 =	sld [smem:$0x3FA7]  }
0x29: {  	s4 =	sld [smem:$0x3FA9]  }
0x2a: {  	p0 =	seq.s32 s5, $0x0;
	s5 =	sld [smem:$0x3FAA]  }
0x2b: {  	s6 =	sld [smem:$0x3FAB]  }
0x2c: {  	s7 =	sld [smem:$0x3FAC]  }
0x2d: {  	s3 =	simm.s32 $0x108;
	s8 =	sld [smem:$0x3FAD]  }
0x2e: {  	s3 =	simm.s32 @!p0 $0x1082;
	s9 =	sld [smem:$0x3FAE]  }
0x2f: {  	lr =	sadd.s32 s0, s3;
	s0 =	sld [smem:$0x3FA5]  }
0x30: {  	s3 =	sld [smem:$0x3FA8]  }
0x31: {  	[smem:$0x3FB1] =	sst s10  }
0x32: {  	s10 =	sld [smem:$0x3FAF];
	_ =	sdelay $0x3  }
0x33: {  	p0 =	seq.s32 s10, $0x1;
	s10 =	sld [smem:$0x3FB1];
	_ =	sdelay $0x3  }
0x34: {  	[smem:$0x3FB1] =	sst s10  }
0x35: {  	s10 =	sld [smem:$0x3FB0];
	_ =	sdelay $0x3  }
0x36: {  	p1 =	seq.s32 s10, $0x1;
	s10 =	sld [smem:$0x3FB1];
	_ =	sdelay $0x3  }
0x37: {  	[smem:$0x3FB1] =	sst s10  }
0x38: {  	s10 =	sld [smem:$0x3FB2]  }
0x39: {  	_ = 	snop;
	(pc) =	sbr.ind lr, $3  }
0x3a: {  	_ = 	snop  }
0x3b: {  	_ = 	snop  }
0x3c: {  	p2 =	seq.s32 s10, $0x1;
	s10 =	sld [smem:$0x3FB1]  }
0x3d: {  	_ =	shalt  }
0x3e: {  	_ =	shalt  }
0x3f: {  	_ =	shalt  }
0x40: {  	_ =	shalt  }
0x41: {  	_ =	shalt  }
0x42: {  	_ =	shalt  }
0x43: {  	_ =	shalt  }
0x44: {  	_ =	shalt  }
0x45: {  	_ =	shalt  }
0x46: {  	_ =	shalt  }
0x47: {  	_ =	shalt  }
0x48: {  	_ =	shalt  }
0x49: {  	_ =	shalt  }
0x4a: {  	_ =	shalt  }
0x4b: {  	_ =	shalt  }
0x4c: {  	_ =	shalt  }
0x4d: {  	_ =	shalt  }
0x4e: {  	_ =	shalt  }
0x4f: {  	_ =	shalt  }
0x50: {  	_ =	shalt  }
0x51: {  	_ =	shalt  }
0x52: {  	_ =	shalt  }
0x53: {  	_ =	shalt  }
0x54: {  	_ =	shalt  }
0x55: {  	_ =	shalt  }
0x56: {  	_ =	shalt  }
0x57: {  	_ =	shalt  }
0x58: {  	_ =	shalt  }
0x59: {  	_ =	shalt  }
0x5a: {  	_ =	shalt  }
0x5b: {  	_ =	shalt  }
0x5c: {  	_ =	shalt  }
0x5d: {  	_ =	shalt  }
0x5e: {  	_ =	shalt  }
0x5f: {  	_ =	shalt  }
0x60: {  	_ =	shalt  }
0x61: {  	_ =	shalt  }
0x62: {  	_ =	shalt  }
0x63: {  	_ =	shalt  }
0x64: {  	_ =	shalt  }
0x65: {  	_ =	shalt  }
0x66: {  	_ =	shalt  }
0x67: {  	_ =	shalt  }
0x68: {  	_ =	shalt  }
0x69: {  	_ =	shalt  }
0x6a: {  	_ =	shalt  }
0x6b: {  	_ =	shalt  }
0x6c: {  	_ =	shalt  }
0x6d: {  	_ =	shalt  }
0x6e: {  	_ =	shalt  }
0x6f: {  	_ =	shalt  }
0x70: {  	_ =	shalt  }
0x71: {  	_ =	shalt  }
0x72: {  	_ =	shalt  }
0x73: {  	_ =	shalt  }
0x74: {  	_ =	shalt  }
0x75: {  	_ =	shalt  }
0x76: {  	_ =	shalt  }
0x77: {  	_ =	shalt  }
0x78: {  	_ =	shalt  }
0x79: {  	_ =	shalt  }
0x7a: {  	_ =	shalt  }
0x7b: {  	_ =	shalt  }
0x7c: {  	_ =	shalt  }
0x7d: {  	_ =	shalt  }
0x7e: {  	_ =	shalt  }
0x7f: {  	_ =	shalt  }
0x80: {  	_ =	shalt  }
0x81: {  	_ =	shalt  }
0x82: {  	_ =	shalt  }
0x83: {  	_ =	shalt  }
0x84: {  	_ =	shalt  }
0x85: {  	_ =	shalt  }
0x86: {  	_ =	shalt  }
0x87: {  	_ =	shalt  }
.Lfunc_end0:
.L_simem_size_0:
called_computation.2_lowered:
.L_overlay_start_0:
0x88: {  	s2 =	sld [smem:$0x3FD9]  }
0x89: {  	s3 =	sld [smem:$0x3FFE];
	_ =	sdelay $0x1  }
0x8a: {  	s1 =	srdreg.scid  }
0x8b: {  	s0 =	sand.u32 $0x1, s1  }
0x8c: {  	s16 =	sshll.u32 s0, $0xA;
	s2 =	sadd.s32 s3, s2  }
0x8d: {  	s2 =	sadd.s32 s2, s16  }
0x8e: {  	[smem:$0x3FBD] =	sst s2  }
0x8f: {  	_ = 	snop  }
0x90: {  	(tm) =	ssettm $0x1  }
0x91: {  	s17 =	sld [smem:$0x3FFB];
	_ =	sdelay $0x3  }
0x92: {  	_ =	strace s17  }
0x93: {  	s2 =	sld [smem:$0x3FFC];
	_ =	sdelay $0x3  }
0x94: {  	_ =	strace s2  }
0x95: {  	s2 =	sld [smem:$0x3FFD];
	_ =	sdelay $0x3  }
0x96: {  	_ =	strace s2  }
0x97: {  	_ =	strace $0x8FFFFFFF  }
0x98: {  	s18 =	sld [smem:$0x3FDB];
	_ =	sdelay $0x1  }
0x99: {  	s19 =	simm.s32 $_scs_section_size  }
0x9a: {  	s4 =	simm.s32 $_size__tile_overlayer_lowered;
	s5 =	simm.s32 $_tile_overlayer_lowered  }
0x9b: {  	s22 =	simm.s32 $0x1BFF;
	s21 =	sshll.u32 s5, $0x1;
	s2 =	sadd.s32 s19, s18  }
0x9c: {  	s6 =	simm.s32 $0x0;
	s20 =	sshll.u32 s4, $0x1;
	s4 =	sadd.s32 s21, s2  }
0x9d: {  	[timem:s6], [sflag:s22] =	dma.local [hbm:s4], s20  }
0x9e: {  	_ =	swait.ge [sflag:s22], s20  }
0x9f: {  	s3 =	ssub.s32 $0x0, s20;
	[sflag:s22] =	ssyncset.done $0x0  }
0xa0: {  	[sflag:s22] =	ssyncadd.s32 s3;
	_ =	sdelay $0x1  }
0xa1: {  	s23 =	simm.s32 $0x1B8B  }
0xa2: {  	_ =	swait.ge [sflag:s23], $0x1  }
0xa3: {  	[sflag:s23] =	ssyncset.done $0x0  }
0xa4: {  	s25 =	simm.s32 $0x1B8E;
	s24 =	sld [smem:$0x3FFE];
	[sflag:s23] =	ssyncadd.s32 $0xFFFFFFFF  }
0xa5: {  	s26 =	simm.s32 $execute0_lowered;
	[smem:$0x3FD2] =	sst s25  }
0xa6: {  	s4 =	sshll.u32 s26, $0x1;
	_ =	strace $0x8000004C;
	[dreg:$0x1] =	wrdreg $0xFFFFFFFF  }
0xa7: {  	s28 =	simm.s32 $_size_execute0_lowered;
	s2 =	sadd.s32 s2, s4;
	[dreg:$0x0] =	wrdreg $0x0  }
0xa8: {  	s4 =	sshll.u32 s28, $0x1;
	[dreg:$0x2] =	wrdreg s2  }
0xa9: {  	[dreg:$0x3] =	wrdreg s4  }
0xaa: {  	[dreg:$0x4] =	wrdreg $0xC0  }
0xab: {  	_ =	task [dreg:s6], $0x5FFFF  }
0xac: {  	[dreg:$0x1] =	wrdreg $0xFFFFFFFF  }
0xad: {  	[dreg:$0x0] =	wrdreg $0x60  }
0xae: {  	[dreg:$0x2] =	wrdreg s24  }
0xaf: {  	[dreg:$0x3] =	wrdreg $0x69800  }
0xb0: {  	[dreg:$0x4] =	wrdreg $0x9  }
0xb1: {  	_ =	task.clear_ibuf [dreg:s6], $0x5FFFF;
	_ =	strace $0x9000004C  }
0xb2: {  	s29 =	simm.s32 $0x9;
	_ =	strace $0x8000004E  }
0xb3: {  	_ =	swait.ge [sflag:s29], $0x1  }
0xb4: {  	[sflag:s29] =	ssyncadd.s32 $0xFFFFFFFF  }
0xb5: {  	_ =	strace $0x9000004E  }
0xb6: {  	_ =	sfence  }
0xb7: {  	s30 =	sld [smem:$0x0];
	_ =	sdelay $0x2  }
0xb8: {  	s31 =	sshll.u32 s1, $0xD;
	s1 =	sshrl.u32 s1, $0x2  }
0xb9: {  	s3 =	sand.u32 $0x4000, s31;
	s1 =	sadd.s32 s1, s30  }
0xba: {  	s0 =	sor.u32 s3, s0;
	s1 =	sshll.u32 s1, $0x11  }
0xbb: {  	s0 =	sor.u32 s1, s0  }
0xbc: {  	s0 =	sadd.s32 $0x8F2B, s0  }
0xbd: {  	[sflag:s0] =	ssyncadd.remote.s32 $0x1  }
0xbe: {  	_ =	sfence.sel $0xFFFF  }
0xbf: {  	[dreg:$0x0] =	wrdreg $0xFFFFFFFF;
	(pc) =	sbr.abs _section_cstart, $3  }
0xc0: {  	[dreg:$0x1] =	wrdreg $0xFFFFFFFF  }
0xc1: {  	_ =	task.clear_ibuf [dreg:s6], $0x2FFFF;
	_ =	strace $0x9FFFFFFF  }
0xc2: {  	(tm) =	ssettm $0x7FFFFFFF  }
0xc3: {  	_ =	shalt  }
tec
execute0_lowered:
.L_overlay_start_1:
0x0: {  	(tag) =	ssettag $0x1  }
0x1: {  	s0 =	rddreg [dreg:$0x0]  }
0x2: {  	s1 =	rddreg [dreg:$0x1];
	s2 =	simm.s32 $0x0;
	s3 =	srdreg.scid  }
0x3: {  	s13 =	stileid.u32;
	s15 =	simm.s32 $0x900;
	s16 =	simm.s32 $0x980  }
0x4: {  	s17 =	simm.s32 $0x5;
	s19 =	simm.s32 $0x800;
	s20 =	simm.s32 $0x880  }
0x5: {  	s21 =	simm.s32 $0x2980;
	s22 =	simm.s32 $0x1;
	s23 =	simm.s32 $0x3  }
0x6: {  	s24 =	simm.s32 $0x840;
	s28 =	simm.s32 $0x4980;
	s29 =	simm.s32 $0x2  }
0x7: {  	s30 =	simm.s32 $0x4;
	s31 =	simm.s32 $0x940;
	s8 =	smul.u32 $0xC400, s13  }
0x8: {  	[smem:$0x7FF] =	sst s2;
	s3 =	sand.u32 $0x1, s3;
	s11 =	smul.u32 $0x3100, s13  }
0x9: {  	s4 =	sadd.s32 $0x3600, s0;
	s5 =	sadd.s32 $0x3A9600, s0;
	s26 =	smul.u32 $0x624, s13  }
0xa: {  	s6 =	sadd.s32 $0x80600, s0;
	s7 =	sadd.s32 $0x67C00, s0;
	s9 =	smul.u32 $0x31000, s3  }
0xb: {  	_ =	strace $0x8000004D;
	s10 =	smul.u32 $0x6200, s3;
	s3 =	ssub.s32 $0x2, s3  }
0xc: {  	s25 =	sshrl.u32 s3, $0x1;
	s12 =	sshrl.u32 s8, $0x3;
	v0 =	vmov s26;
	s26 =	simm.s32 $0x8C0  }
0xd: {  	s0 =	sadd.s32 s9, s0;
	s3 =	ssub.s32 s3, s25;
	s14 =	sadd.s32 s6, s12  }
0xe: {  	s12 =	sadd.s32 s7, s12;
	s25 =	simm.s32 $0x1980;
	[dreg:$0x3] =	wrdreg s14  }
0xf: {  	v1 =	vlaneseq.u32;
	[dreg:$0x4] =	wrdreg s12;
	s0 =	sadd.s32 s11, s0;
	s3 =	smax.u32 s3, $0x1  }
0x10: {  	v3 =	vimm.f32 $0.0e+00;
	vm0 =	vmmov $0xff;
	v4 =	vor.u32 $0x10, v1;
	s11 =	smul.u32 $0x620, s13;
	[dreg:$0x5] =	wrdreg s3;
	s0 =	sadd.s32 $0x99600, s0  }
0x11: {  	v5 =	vor.u32 $0x20, v1;
	v6 =	vor.u32 $0x30, v1;
	v2 =	vmov s10;
	s14 =	simm.s32 $0x40;
	[dreg:$0x6] =	wrdreg s0;
	s0 =	simm.s32 $0x0  }
.LBB2_1:
0x12: {  	s3 =	simm.s32 $0x0  }
.LBB2_2:
0x13: {  	p0 =	sne.s32 s3, $0x3F00  }
.Ltmp0:
0x14: {  	s9 =	sshra.s32 s3, $0x2;
	(pc) =	sbr.rel @p0 .LBB2_2-.Ltmp0, $4  }
0x15: {  	[tilespmem:s9+$0x980] =	vst v3  }
0x16: {  	[tilespmem:s9+$0x990] =	vst v3  }
0x17: {  	[tilespmem:s9+$0x9A0] =	vst v3  }
0x18: {  	s3 =	sadd.s32 $0x100, s3;
	[tilespmem:s9+$0x9B0] =	vst v3  }
0x19: {  	s3 =	simm.s32 $0x30;
	s9 =	simm.s32 $0x0;
	s18 =	simm.s32 $0x20  }
0x1a: {  	v7 =	vor.u32 s3, v1;
	v8 =	vor.u32 s9, v1;
	v10 =	vor.u32 s18, v1  }
0x1b: {  	s13 =	simm.s32 $0x10;
	vm2 =	vlt.u32 v7, $0x624;
	vm1 =	vlt.u32 v8, $0x624;
	v8 =	vadd.s32 v0, v8  }
0x1c: {  	v9 =	vadd.s32 v0, v7;
	v7 =	vor.u32 s13, v1;
	v8 =	vnsel vm1, $0x6200, v8  }
0x1d: {  	s3 =	simm.s32 $0x70;
	vm1 =	vlt.u32 v10, $0x624;
	v9 =	vnsel vm2, $0x6200, v9;
	[tilespmem:$0x900] =	vst v8;
	v8 =	vadd.s32 v0, v10  }
.LBB2_4:
0x1e: {  	p0 =	sne.s32 s3, $0x630;
	vm2 =	vlt.u32 v7, $0x624;
	v7 =	vadd.s32 v0, v7;
	v8 =	vnsel vm1, $0x6200, v8;
	[tilespmem:$0x930] =	vst v9  }
0x1f: {  	s9 =	sadd.s32 $0xFFFFFFD0, s3;
	v7 =	vnsel vm2, $0x6200, v7;
	[tilespmem:$0x920] =	vst v8  }
0x20: {  	[tilespmem:$0x910] =	vst v7;
	[spmem:s1] =	stream.indirect.scatter [tilespmem:s16], [sflag:$0x5], $0x40, s15, s14, $0xb8  }
.Ltmp1:
0x21: {  	v8 =	vor.u32 s3, v1;
	(pc) =	sbr.rel @p0 .LBB2_4-.Ltmp1, $4  }
0x22: {  	v7 =	vor.u32 s9, v1;
	vm2 =	vlt.u32 v8, $0x624;
	_ =	swait.ge [sflag:s17], $0x1000  }
0x23: {  	s10 =	sadd.s32 $0xFFFFFFF0, s3;
	s9 =	sadd.s32 $0xFFFFFFE0, s3;
	v9 =	vadd.s32 v0, v8;
	vm1 =	vlt.u32 v7, $0x624;
	v7 =	vadd.s32 v0, v7;
	[sflag:s17] =	ssyncset.done $0x0  }
0x24: {  	v10 =	vor.u32 s10, v1;
	v8 =	vnsel vm1, $0x6200, v7;
	v7 =	vor.u32 s9, v1;
	[sflag:s17] =	ssyncadd.s32 $0xFFFFF000  }
0x25: {  	s3 =	sadd.s32 $0x40, s3;
	v9 =	vnsel vm2, $0x6200, v9;
	vm1 =	vlt.u32 v10, $0x624;
	[tilespmem:$0x900] =	vst v8;
	v8 =	vadd.s32 v0, v10  }
0x26: {  	vm2 =	vlt.u32 v7, $0x624;
	v7 =	vadd.s32 v0, v7;
	v8 =	vnsel vm1, $0x6200, v8;
	[tilespmem:$0x930] =	vst v9  }
0x27: {  	v7 =	vnsel vm2, $0x6200, v7;
	[tilespmem:$0x920] =	vst v8  }
0x28: {  	[tilespmem:$0x910] =	vst v7  }
0x29: {  	[spmem:s1] =	stream.indirect.scatter [tilespmem:s16], [sflag:$0x5], $0x40, s15, s14, $0xb8;
	[tilespmem:$0x1F280] =	vst v63  }
0x2a: {  	_ =	swait.ge [sflag:s17], $0x1000  }
0x2b: {  	[sflag:s17] =	ssyncset.done $0x0  }
0x2c: {  	[sflag:s17] =	ssyncadd.s32 $0xFFFFF000  }
0x2d: {  	[bflag:$0x0] =	sbarrier.arrive $0xFFFF  }
0x2e: {  	s3 =	simm.s32 $0x0;
	s9 =	rddreg [dreg:$0x3]  }
0x2f: {  	[tilespmem:s3], [sflag:$0x5] =	stream.linear.gather [hbm4b:s9+s3], $0x400, $0x38;
	[tilespmem:$0x1F280] =	vst v63  }
0x30: {  	_ =	swait.ge [sflag:s17], $0x400  }
0x31: {  	[sflag:s17] =	ssyncset.done $0x0  }
0x32: {  	s10 =	simm.s32 $0x400;
	s18 =	rddreg [dreg:$0x4];
	[sflag:s17] =	ssyncadd.s32 $0xFFFFFC00  }
0x33: {  	[tilespmem:s10], [sflag:$0x5] =	stream.linear.gather [hbm4b:s18+s3], $0x400, $0x38;
	[tilespmem:$0x1F280] =	vst v63  }
0x34: {  	_ =	swait.ge [sflag:s17], $0x400  }
0x35: {  	[sflag:s17] =	ssyncset.done $0x0  }
0x36: {  	[sflag:s17] =	ssyncadd.s32 $0xFFFFFC00  }
0x37: {  	v7 =	vld [tilespmem:$0x0]  }
0x38: {  	v8 =	vld [tilespmem:$0x400]  }
0x39: {  	v61 =	vld [tilespmem:$0x10]  }
0x3a: {  	v10 =	vld [tilespmem:$0x410];
	_ =	sdelay $0x1  }
0x3b: {  	v12 =	vld [tilespmem:$0x20]  }
0x3c: {  	v63 =	vld [tilespmem:$0x430];
	vm1 =	vlt.s32 v7, $0xC350  }
0x3d: {  	[tilespmem:$0x880] =	vst v8;
	v11 =	vnsel vm1, $0x0, v7;
	v7 =	vsub.s32 v7, v2  }
0x3e: {  	[tilespmem:$0x890] =	vst v10;
	vm1 =	vlt.s32 v61, $0xC350;
	v7 =	vmin.u32 v7, $0x6200  }
0x3f: {  	v62 =	vld [tilespmem:$0x30];
	[tilespmem:$0x900] =	vst v7;
	v7 =	vnsel vm1, $0x0, v61  }
0x40: {  	[tilespmem:$0x810] =	vst v7;
	v7 =	vsub.s32 v61, v2  }
0x41: {  	[tilespmem:$0x8B0] =	vst v63;
	vm1 =	vlt.s32 v12, $0xC350;
	v7 =	vmin.u32 v7, $0x6200  }
0x42: {  	v8 =	vld [tilespmem:$0x420];
	[tilespmem:$0x910] =	vst v7;
	v7 =	vnsel vm1, $0x0, v12  }
0x43: {  	[tilespmem:$0x820] =	vst v7;
	v7 =	vsub.s32 v12, v2  }
0x44: {  	[tilespmem:$0x800] =	vst v11;
	vm1 =	vlt.s32 v62, $0xC350;
	v7 =	vmin.u32 v7, $0x6200  }
0x45: {  	[tilespmem:$0x920] =	vst v7;
	v7 =	vnsel vm1, $0x0, v62  }
0x46: {  	[tilespmem:$0x830] =	vst v7;
	v7 =	vsub.s32 v62, v2  }
0x47: {  	[tilespmem:$0x8A0] =	vst v8;
	v7 =	vmin.u32 v7, $0x6200  }
0x48: {  	[tilespmem:$0x930] =	vst v7  }
0x49: {  	[tilespmem:s16], [sflag:$0x1] =	stream.indirect.gather [hbm4b:s4+s14], $0x40, s19, s14, $0xb8;
	[tilespmem:$0x1F280] =	vst v63  }
0x4a: {  	_ = 	snop  }
0x4b: {  	[tilespmem:s21], [sflag:$0x3] =	stream.indirect.gather [hbm4b:s5+s14], $0x80, s20, s14, $0xb8;
	[tilespmem:$0x1F280] =	vst v63  }
.LBB2_6:
0x4c: {  	_ =	swait.ge [sflag:s22], $0x1000  }
0x4d: {  	[sflag:s22] =	ssyncset.done $0x0  }
0x4e: {  	[sflag:s22] =	ssyncadd.s32 $0xFFFFF000  }
0x4f: {  	_ =	swait.ge [sflag:s23], $0x2000  }
0x50: {  	s9 =	sshll.u32 s3, $0x7;
	[sflag:s23] =	ssyncset.done $0x0  }
0x51: {  	s9 =	sand.u32 $0x380, s9;
	[sflag:s23] =	ssyncadd.s32 $0xFFFFE000  }
0x52: {  	v7 =	vld [tilespmem:s9+$0x40]  }
0x53: {  	v8 =	vld [tilespmem:s9+$0x440];
	_ =	sdelay $0x3  }
0x54: {  	vm1 =	vlt.s32 v7, $0xC350  }
0x55: {  	[tilespmem:$0x8C0] =	vst v8;
	v9 =	vnsel vm1, $0x0, v7;
	v7 =	vsub.s32 v7, v2  }
0x56: {  	[tilespmem:$0x840] =	vst v9;
	v7 =	vmin.u32 v7, $0x6200  }
0x57: {  	[tilespmem:$0x940] =	vst v7  }
0x58: {  	v7 =	vld [tilespmem:s9+$0x50]  }
0x59: {  	v8 =	vld [tilespmem:s9+$0x450];
	_ =	sdelay $0x3  }
0x5a: {  	vm1 =	vlt.s32 v7, $0xC350  }
0x5b: {  	[tilespmem:$0x8D0] =	vst v8;
	v61 =	vnsel vm1, $0x0, v7;
	v7 =	vsub.s32 v7, v2  }
0x5c: {  	[tilespmem:$0x850] =	vst v61;
	v7 =	vmin.u32 v7, $0x6200  }
0x5d: {  	[tilespmem:$0x950] =	vst v7  }
0x5e: {  	v7 =	vld [tilespmem:s9+$0x60]  }
0x5f: {  	v8 =	vld [tilespmem:s9+$0x460];
	_ =	sdelay $0x3  }
0x60: {  	vm1 =	vlt.s32 v7, $0xC350  }
0x61: {  	[tilespmem:$0x8E0] =	vst v8;
	v62 =	vnsel vm1, $0x0, v7;
	v7 =	vsub.s32 v7, v2  }
0x62: {  	[tilespmem:$0x860] =	vst v62;
	v7 =	vmin.u32 v7, $0x6200  }
0x63: {  	[tilespmem:$0x960] =	vst v7  }
0x64: {  	v7 =	vld [tilespmem:s9+$0x70]  }
0x65: {  	v8 =	vld [tilespmem:s9+$0x470];
	_ =	sdelay $0x3  }
0x66: {  	vm1 =	vlt.s32 v7, $0xC350  }
0x67: {  	[tilespmem:$0x8F0] =	vst v8;
	v63 =	vnsel vm1, $0x0, v7;
	v7 =	vsub.s32 v7, v2  }
0x68: {  	[tilespmem:$0x870] =	vst v63;
	v7 =	vmin.u32 v7, $0x6200  }
0x69: {  	[tilespmem:$0x970] =	vst v7  }
0x6a: {  	[tilespmem:s25], [sflag:$0x2] =	stream.indirect.gather [hbm4b:s4+s14], $0x40, s24, s14, $0xb8;
	[tilespmem:$0x1F280] =	vst v63  }
0x6b: {  	s18 =	simm.s32 $0x0  }
0x6c: {  	[tilespmem:s28], [sflag:$0x4] =	stream.indirect.gather [hbm4b:s5+s14], $0x80, s26, s14, $0xb8;
	[tilespmem:$0x1F280] =	vst v63  }
0x6d: {  	s10 =	simm.s32 $0x100;
	s9 =	simm.s32 $0x29C0;
	v7 =	vld [tilespmem:s18+$0x980]  }
.LBB2_7:
0x6e: {  	p0 =	sne.s32 s10, $0x3F00;
	v8 =	vld [tilespmem:s9+$0xFFFFFFC0]  }
0x6f: {  	v9 =	vld [tilespmem:s9+$0x0];
	_ =	sdelay $0x3  }
0x70: {  	v7 =	vadd.f32 v8, v7;
	_ =	sdelay $0x1  }
0x71: {  	v7 =	vsub.f32 $0.0e+00, v7;
	_ =	sdelay $0x1  }
0x72: {  	v7 =	vmul.f32 $1.442695020e+00, v7;
	_ =	sdelay $0x1  }
0x73: {  	(erf) = vpow2.f32 v7;
	_ =	sdelay $0x8  }
0x74: {  	v7 =	vpop (erf)  }
0x75: {  	v7 =	vadd.f32 $1.000000000e+00, v7;
	_ =	sdelay $0x1  }
0x76: {  	(erf) = vrcp.f32 v7;
	_ =	sdelay $0x8  }
0x77: {  	v7 =	vpop (erf)  }
0x78: {  	v7 =	vmul.f32 v7, v9;
	_ =	sdelay $0x1  }
0x79: {  	[tilespmem:s18+$0x980] =	vst v7;
	v7 =	vld [tilespmem:s18+$0x990]  }
0x7a: {  	v8 =	vld [tilespmem:s9+$0xFFFFFFD0];
	_ =	sdelay $0x4  }
0x7b: {  	v7 =	vadd.f32 v8, v7;
	_ =	sdelay $0x1  }
0x7c: {  	v7 =	vsub.f32 $0.0e+00, v7;
	_ =	sdelay $0x1  }
0x7d: {  	v7 =	vmul.f32 $1.442695020e+00, v7;
	_ =	sdelay $0x1  }
0x7e: {  	(erf) = vpow2.f32 v7;
	_ =	sdelay $0x8  }
0x7f: {  	v7 =	vpop (erf)  }
0x80: {  	v7 =	vadd.f32 $1.000000000e+00, v7;
	_ =	sdelay $0x1  }
0x81: {  	(erf) = vrcp.f32 v7;
	_ =	sdelay $0x4  }
0x82: {  	v7 =	vld [tilespmem:s9+$0x10];
	_ =	sdelay $0x3  }
0x83: {  	v8 =	vpop (erf)  }
0x84: {  	v7 =	vmul.f32 v8, v7;
	_ =	sdelay $0x1  }
0x85: {  	[tilespmem:s18+$0x990] =	vst v7;
	v7 =	vld [tilespmem:s18+$0x9A0]  }
0x86: {  	v8 =	vld [tilespmem:s9+$0xFFFFFFE0];
	_ =	sdelay $0x4  }
0x87: {  	v7 =	vadd.f32 v8, v7;
	_ =	sdelay $0x1  }
0x88: {  	v7 =	vsub.f32 $0.0e+00, v7;
	_ =	sdelay $0x1  }
0x89: {  	v7 =	vmul.f32 $1.442695020e+00, v7;
	_ =	sdelay $0x1  }
0x8a: {  	(erf) = vpow2.f32 v7;
	_ =	sdelay $0x8  }
0x8b: {  	v7 =	vpop (erf)  }
0x8c: {  	v7 =	vadd.f32 $1.000000000e+00, v7;
	_ =	sdelay $0x1  }
0x8d: {  	(erf) = vrcp.f32 v7;
	_ =	sdelay $0x4  }
0x8e: {  	v7 =	vld [tilespmem:s9+$0x20];
	_ =	sdelay $0x3  }
0x8f: {  	v8 =	vpop (erf)  }
0x90: {  	v7 =	vmul.f32 v8, v7;
	_ =	sdelay $0x1  }
0x91: {  	[tilespmem:s18+$0x9A0] =	vst v7;
	v7 =	vld [tilespmem:s18+$0x9B0]  }
0x92: {  	v8 =	vld [tilespmem:s9+$0xFFFFFFF0]  }
0x93: {  	v9 =	vld [tilespmem:s9+$0x30];
	_ =	sdelay $0x3  }
0x94: {  	v7 =	vadd.f32 v8, v7;
	_ =	sdelay $0x1  }
0x95: {  	v7 =	vsub.f32 $0.0e+00, v7;
	_ =	sdelay $0x1  }
0x96: {  	v7 =	vmul.f32 $1.442695020e+00, v7;
	_ =	sdelay $0x1  }
0x97: {  	(erf) = vpow2.f32 v7;
	_ =	sdelay $0x8  }
0x98: {  	v7 =	vpop (erf)  }
0x99: {  	v7 =	vadd.f32 $1.000000000e+00, v7;
	_ =	sdelay $0x1  }
0x9a: {  	(erf) = vrcp.f32 v7;
	_ =	sdelay $0x7  }
.Ltmp2:
0x9b: {  	(pc) =	sbr.rel @p0 .LBB2_7-.Ltmp2, $4  }
0x9c: {  	v7 =	vpop (erf)  }
0x9d: {  	v8 =	vmul.f32 v7, v9  }
0x9e: {  	s12 =	sshra.s32 s10, $0x2  }
0x9f: {  	s10 =	sadd.s32 $0x100, s10;
	s9 =	sadd.s32 $0x80, s9;
	v7 =	vld [tilespmem:s12+$0x980];
	[tilespmem:s18+$0x9B0] =	vst v8;
	s18 =	smov.u32 s12  }
0xa0: {  	v8 =	vld [tilespmem:s9+$0xFFFFFFC0];
	_ =	sdelay $0x4  }
0xa1: {  	v7 =	vadd.f32 v8, v7;
	_ =	sdelay $0x1  }
0xa2: {  	v7 =	vsub.f32 $0.0e+00, v7;
	_ =	sdelay $0x1  }
0xa3: {  	v7 =	vmul.f32 $1.442695020e+00, v7;
	_ =	sdelay $0x1  }
0xa4: {  	(erf) = vpow2.f32 v7;
	_ =	sdelay $0x8  }
0xa5: {  	v7 =	vpop (erf)  }
0xa6: {  	v7 =	vadd.f32 $1.000000000e+00, v7;
	_ =	sdelay $0x1  }
0xa7: {  	(erf) = vrcp.f32 v7;
	_ =	sdelay $0x4  }
0xa8: {  	v7 =	vld [tilespmem:s9+$0x0];
	_ =	sdelay $0x3  }
0xa9: {  	v8 =	vpop (erf)  }
0xaa: {  	v7 =	vmul.f32 v8, v7;
	_ =	sdelay $0x1  }
0xab: {  	[tilespmem:s18+$0x980] =	vst v7;
	v7 =	vld [tilespmem:s18+$0x990]  }
0xac: {  	v8 =	vld [tilespmem:s9+$0xFFFFFFD0];
	_ =	sdelay $0x4  }
0xad: {  	v7 =	vadd.f32 v8, v7;
	_ =	sdelay $0x1  }
0xae: {  	v7 =	vsub.f32 $0.0e+00, v7;
	_ =	sdelay $0x1  }
0xaf: {  	v7 =	vmul.f32 $1.442695020e+00, v7;
	_ =	sdelay $0x1  }
0xb0: {  	(erf) = vpow2.f32 v7;
	_ =	sdelay $0x8  }
0xb1: {  	v7 =	vpop (erf)  }
0xb2: {  	v7 =	vadd.f32 $1.000000000e+00, v7;
	_ =	sdelay $0x1  }
0xb3: {  	(erf) = vrcp.f32 v7;
	_ =	sdelay $0x4  }
0xb4: {  	v7 =	vld [tilespmem:s9+$0x10];
	_ =	sdelay $0x3  }
0xb5: {  	v8 =	vpop (erf)  }
0xb6: {  	v7 =	vmul.f32 v8, v7;
	_ =	sdelay $0x1  }
0xb7: {  	[tilespmem:s18+$0x990] =	vst v7;
	v7 =	vld [tilespmem:s18+$0x9A0]  }
0xb8: {  	v8 =	vld [tilespmem:s9+$0xFFFFFFE0];
	_ =	sdelay $0x4  }
0xb9: {  	v7 =	vadd.f32 v8, v7;
	_ =	sdelay $0x1  }
0xba: {  	v7 =	vsub.f32 $0.0e+00, v7;
	_ =	sdelay $0x1  }
0xbb: {  	v7 =	vmul.f32 $1.442695020e+00, v7;
	_ =	sdelay $0x1  }
0xbc: {  	(erf) = vpow2.f32 v7;
	_ =	sdelay $0x8  }
0xbd: {  	v7 =	vpop (erf)  }
0xbe: {  	v7 =	vadd.f32 $1.000000000e+00, v7;
	_ =	sdelay $0x1  }
0xbf: {  	(erf) = vrcp.f32 v7;
	_ =	sdelay $0x4  }
0xc0: {  	v7 =	vld [tilespmem:s9+$0x20];
	_ =	sdelay $0x3  }
0xc1: {  	v8 =	vpop (erf)  }
0xc2: {  	v7 =	vmul.f32 v8, v7;
	_ =	sdelay $0x1  }
0xc3: {  	[tilespmem:s18+$0x9A0] =	vst v7;
	v7 =	vld [tilespmem:s18+$0x9B0]  }
0xc4: {  	v8 =	vld [tilespmem:s9+$0xFFFFFFF0];
	_ =	sdelay $0x4  }
0xc5: {  	v7 =	vadd.f32 v8, v7;
	_ =	sdelay $0x1  }
0xc6: {  	v7 =	vsub.f32 $0.0e+00, v7;
	_ =	sdelay $0x1  }
0xc7: {  	v7 =	vmul.f32 $1.442695020e+00, v7;
	_ =	sdelay $0x1  }
0xc8: {  	(erf) = vpow2.f32 v7;
	_ =	sdelay $0x8  }
0xc9: {  	v7 =	vpop (erf)  }
0xca: {  	v7 =	vadd.f32 $1.000000000e+00, v7;
	_ =	sdelay $0x1  }
0xcb: {  	(erf) = vrcp.f32 v7;
	_ =	sdelay $0x4  }
0xcc: {  	v7 =	vld [tilespmem:s9+$0x30];
	_ =	sdelay $0x3  }
0xcd: {  	v8 =	vpop (erf)  }
0xce: {  	v7 =	vmul.f32 v8, v7;
	_ =	sdelay $0x1  }
0xcf: {  	[tilespmem:s18+$0x9B0] =	vst v7  }
0xd0: {  	[spmem:s1] =	stream.indirect.scatter.add.f32 [tilespmem:s16], [sflag:$0x5], $0x40, s15, s14, $0xb8;
	[tilespmem:$0x1F280] =	vst v63  }
0xd1: {  	_ =	swait.ge [sflag:s17], $0x1000  }
0xd2: {  	s13 =	sshll.u32 s3, $0x1;
	[sflag:s17] =	ssyncset.done $0x0  }
0xd3: {  	s9 =	sadd.s32 $0x2, s13;
	[sflag:s17] =	ssyncadd.s32 $0xFFFFF000  }
0xd4: {  	s10 =	sand.u32 $0xE, s9;
	_ =	swait.ge [sflag:s29], $0x1000  }
0xd5: {  	p0 =	sne.s32 s10, $0x0;
	[sflag:s29] =	ssyncset.done $0x0  }
0xd6: {  	s9 =	sshll.u32 @!p0 s9, $0x6;
	[sflag:s29] =	ssyncadd.s32 $0xFFFFF000  }
0xd7: {  	s9 =	sadd.s32 @!p0 s8, s9;
	_ =	swait.ge [sflag:s30], $0x2000  }
0xd8: {  	s9 =	sshrl.u32 @!p0 s9, $0x3;
	[sflag:s30] =	ssyncset.done $0x0  }
0xd9: {  	s12 =	sadd.s32 @!p0 s6, s9;
	s18 =	simm.s32 @!p0 $0x0;
	[sflag:s30] =	ssyncadd.s32 $0xFFFFE000  }
0xda: {  	[tilespmem:s18], [sflag:$0x5] =	stream.linear.gather @!p0 [hbm4b:s12+s18], $0x400, $0x38;
	[tilespmem:$0x1F280] =	vst v63  }
0xdb: {  	s12 =	simm.s32 @!p0 $0x5  }
0xdc: {  	_ =	swait.ge @!p0 [sflag:s12], $0x400  }
0xdd: {  	[sflag:s12] =	ssyncset.done @!p0 $0x0  }
0xde: {  	s13 =	simm.s32 @!p0 $0x400;
	s9 =	sadd.s32 @!p0 s7, s9;
	[sflag:s12] =	ssyncadd.s32 @!p0 $0xFFFFFC00  }
0xdf: {  	[tilespmem:s13], [sflag:$0x5] =	stream.linear.gather @!p0 [hbm4b:s9+s18], $0x400, $0x38;
	[tilespmem:$0x1F280] =	vst v63  }
0xe0: {  	_ =	swait.ge @!p0 [sflag:s12], $0x400  }
0xe1: {  	[sflag:s12] =	ssyncset.done @!p0 $0x0  }
0xe2: {  	s18 =	sshll.u32 s10, $0x6;
	[sflag:s12] =	ssyncadd.s32 @!p0 $0xFFFFFC00  }
0xe3: {  	v7 =	vld [tilespmem:s18+$0x0]  }
0xe4: {  	v8 =	vld [tilespmem:s18+$0x400];
	_ =	sdelay $0x3  }
0xe5: {  	vm1 =	vlt.s32 v7, $0xC350  }
0xe6: {  	[tilespmem:$0x880] =	vst v8;
	v9 =	vnsel vm1, $0x0, v7;
	v7 =	vsub.s32 v7, v2  }
0xe7: {  	[tilespmem:$0x800] =	vst v9;
	v7 =	vmin.u32 v7, $0x6200  }
0xe8: {  	[tilespmem:$0x900] =	vst v7  }
0xe9: {  	v7 =	vld [tilespmem:s18+$0x10]  }
0xea: {  	v8 =	vld [tilespmem:s18+$0x410];
	_ =	sdelay $0x3  }
0xeb: {  	vm1 =	vlt.s32 v7, $0xC350  }
0xec: {  	[tilespmem:$0x890] =	vst v8;
	v61 =	vnsel vm1, $0x0, v7;
	v7 =	vsub.s32 v7, v2  }
0xed: {  	[tilespmem:$0x810] =	vst v61;
	v7 =	vmin.u32 v7, $0x6200  }
0xee: {  	[tilespmem:$0x910] =	vst v7  }
0xef: {  	v7 =	vld [tilespmem:s18+$0x20]  }
0xf0: {  	v8 =	vld [tilespmem:s18+$0x420];
	_ =	sdelay $0x3  }
0xf1: {  	vm1 =	vlt.s32 v7, $0xC350  }
0xf2: {  	[tilespmem:$0x8A0] =	vst v8;
	v62 =	vnsel vm1, $0x0, v7;
	v7 =	vsub.s32 v7, v2  }
0xf3: {  	[tilespmem:$0x820] =	vst v62;
	v7 =	vmin.u32 v7, $0x6200  }
0xf4: {  	[tilespmem:$0x920] =	vst v7  }
0xf5: {  	v7 =	vld [tilespmem:s18+$0x30]  }
0xf6: {  	v8 =	vld [tilespmem:s18+$0x430];
	_ =	sdelay $0x3  }
0xf7: {  	vm1 =	vlt.s32 v7, $0xC350  }
0xf8: {  	[tilespmem:$0x8B0] =	vst v8;
	v63 =	vnsel vm1, $0x0, v7;
	v7 =	vsub.s32 v7, v2  }
0xf9: {  	[tilespmem:$0x830] =	vst v63;
	v7 =	vmin.u32 v7, $0x6200  }
0xfa: {  	[tilespmem:$0x930] =	vst v7  }
0xfb: {  	[tilespmem:s16], [sflag:$0x1] =	stream.indirect.gather [hbm4b:s4+s14], $0x40, s19, s14, $0xb8;
	[tilespmem:$0x1F280] =	vst v63  }
0xfc: {  	s18 =	simm.s32 $0x0  }
0xfd: {  	[tilespmem:s21], [sflag:$0x3] =	stream.indirect.gather [hbm4b:s5+s14], $0x80, s20, s14, $0xb8;
	[tilespmem:$0x1F280] =	vst v63  }
0xfe: {  	s9 =	simm.s32 $0x49C0;
	s10 =	simm.s32 $0x100;
	v7 =	vld [tilespmem:s18+$0x1980]  }
.LBB2_9:
0xff: {  	p0 =	sne.s32 s10, $0x3F00;
	v8 =	vld [tilespmem:s9+$0xFFFFFFC0]  }
0x100: {  	v9 =	vld [tilespmem:s9+$0x0];
	_ =	sdelay $0x3  }
0x101: {  	v7 =	vadd.f32 v8, v7;
	_ =	sdelay $0x1  }
0x102: {  	v7 =	vsub.f32 $0.0e+00, v7;
	_ =	sdelay $0x1  }
0x103: {  	v7 =	vmul.f32 $1.442695020e+00, v7;
	_ =	sdelay $0x1  }
0x104: {  	(erf) = vpow2.f32 v7;
	_ =	sdelay $0x8  }
0x105: {  	v7 =	vpop (erf)  }
0x106: {  	v7 =	vadd.f32 $1.000000000e+00, v7;
	_ =	sdelay $0x1  }
0x107: {  	(erf) = vrcp.f32 v7;
	_ =	sdelay $0x8  }
0x108: {  	v7 =	vpop (erf)  }
0x109: {  	v7 =	vmul.f32 v7, v9;
	_ =	sdelay $0x1  }
0x10a: {  	[tilespmem:s18+$0x1980] =	vst v7;
	v7 =	vld [tilespmem:s18+$0x1990]  }
0x10b: {  	v8 =	vld [tilespmem:s9+$0xFFFFFFD0];
	_ =	sdelay $0x4  }
0x10c: {  	v7 =	vadd.f32 v8, v7;
	_ =	sdelay $0x1  }
0x10d: {  	v7 =	vsub.f32 $0.0e+00, v7;
	_ =	sdelay $0x1  }
0x10e: {  	v7 =	vmul.f32 $1.442695020e+00, v7;
	_ =	sdelay $0x1  }
0x10f: {  	(erf) = vpow2.f32 v7;
	_ =	sdelay $0x8  }
0x110: {  	v7 =	vpop (erf)  }
0x111: {  	v7 =	vadd.f32 $1.000000000e+00, v7;
	_ =	sdelay $0x1  }
0x112: {  	(erf) = vrcp.f32 v7;
	_ =	sdelay $0x4  }
0x113: {  	v7 =	vld [tilespmem:s9+$0x10];
	_ =	sdelay $0x3  }
0x114: {  	v8 =	vpop (erf)  }
0x115: {  	v7 =	vmul.f32 v8, v7;
	_ =	sdelay $0x1  }
0x116: {  	[tilespmem:s18+$0x1990] =	vst v7;
	v7 =	vld [tilespmem:s18+$0x19A0]  }
0x117: {  	v8 =	vld [tilespmem:s9+$0xFFFFFFE0];
	_ =	sdelay $0x4  }
0x118: {  	v7 =	vadd.f32 v8, v7;
	_ =	sdelay $0x1  }
0x119: {  	v7 =	vsub.f32 $0.0e+00, v7;
	_ =	sdelay $0x1  }
0x11a: {  	v7 =	vmul.f32 $1.442695020e+00, v7;
	_ =	sdelay $0x1  }
0x11b: {  	(erf) = vpow2.f32 v7;
	_ =	sdelay $0x8  }
0x11c: {  	v7 =	vpop (erf)  }
0x11d: {  	v7 =	vadd.f32 $1.000000000e+00, v7;
	_ =	sdelay $0x1  }
0x11e: {  	(erf) = vrcp.f32 v7;
	_ =	sdelay $0x4  }
0x11f: {  	v7 =	vld [tilespmem:s9+$0x20];
	_ =	sdelay $0x3  }
0x120: {  	v8 =	vpop (erf)  }
0x121: {  	v7 =	vmul.f32 v8, v7;
	_ =	sdelay $0x1  }
0x122: {  	[tilespmem:s18+$0x19A0] =	vst v7;
	v7 =	vld [tilespmem:s18+$0x19B0]  }
0x123: {  	v8 =	vld [tilespmem:s9+$0xFFFFFFF0]  }
0x124: {  	v9 =	vld [tilespmem:s9+$0x30];
	_ =	sdelay $0x3  }
0x125: {  	v7 =	vadd.f32 v8, v7;
	_ =	sdelay $0x1  }
0x126: {  	v7 =	vsub.f32 $0.0e+00, v7;
	_ =	sdelay $0x1  }
0x127: {  	v7 =	vmul.f32 $1.442695020e+00, v7;
	_ =	sdelay $0x1  }
0x128: {  	(erf) = vpow2.f32 v7;
	_ =	sdelay $0x8  }
0x129: {  	v7 =	vpop (erf)  }
0x12a: {  	v7 =	vadd.f32 $1.000000000e+00, v7;
	_ =	sdelay $0x1  }
0x12b: {  	(erf) = vrcp.f32 v7;
	_ =	sdelay $0x7  }
.Ltmp3:
0x12c: {  	(pc) =	sbr.rel @p0 .LBB2_9-.Ltmp3, $4  }
0x12d: {  	v7 =	vpop (erf)  }
0x12e: {  	v8 =	vmul.f32 v7, v9  }
0x12f: {  	s12 =	sshra.s32 s10, $0x2  }
0x130: {  	s10 =	sadd.s32 $0x100, s10;
	s9 =	sadd.s32 $0x80, s9;
	v7 =	vld [tilespmem:s12+$0x1980];
	[tilespmem:s18+$0x19B0] =	vst v8;
	s18 =	smov.u32 s12  }
0x131: {  	v8 =	vld [tilespmem:s9+$0xFFFFFFC0];
	_ =	sdelay $0x4  }
0x132: {  	v7 =	vadd.f32 v8, v7;
	_ =	sdelay $0x1  }
0x133: {  	v7 =	vsub.f32 $0.0e+00, v7;
	_ =	sdelay $0x1  }
0x134: {  	v7 =	vmul.f32 $1.442695020e+00, v7;
	_ =	sdelay $0x1  }
0x135: {  	(erf) = vpow2.f32 v7;
	_ =	sdelay $0x8  }
0x136: {  	v7 =	vpop (erf)  }
0x137: {  	v7 =	vadd.f32 $1.000000000e+00, v7;
	_ =	sdelay $0x1  }
0x138: {  	(erf) = vrcp.f32 v7;
	_ =	sdelay $0x4  }
0x139: {  	v7 =	vld [tilespmem:s9+$0x0];
	_ =	sdelay $0x3  }
0x13a: {  	v8 =	vpop (erf)  }
0x13b: {  	v7 =	vmul.f32 v8, v7;
	_ =	sdelay $0x1  }
0x13c: {  	[tilespmem:s18+$0x1980] =	vst v7;
	v7 =	vld [tilespmem:s18+$0x1990]  }
0x13d: {  	v8 =	vld [tilespmem:s9+$0xFFFFFFD0];
	_ =	sdelay $0x4  }
0x13e: {  	v7 =	vadd.f32 v8, v7;
	_ =	sdelay $0x1  }
0x13f: {  	v7 =	vsub.f32 $0.0e+00, v7;
	_ =	sdelay $0x1  }
0x140: {  	v7 =	vmul.f32 $1.442695020e+00, v7;
	_ =	sdelay $0x1  }
0x141: {  	(erf) = vpow2.f32 v7;
	_ =	sdelay $0x8  }
0x142: {  	v7 =	vpop (erf)  }
0x143: {  	v7 =	vadd.f32 $1.000000000e+00, v7;
	_ =	sdelay $0x1  }
0x144: {  	(erf) = vrcp.f32 v7;
	_ =	sdelay $0x4  }
0x145: {  	v7 =	vld [tilespmem:s9+$0x10];
	_ =	sdelay $0x3  }
0x146: {  	v8 =	vpop (erf)  }
0x147: {  	v7 =	vmul.f32 v8, v7;
	_ =	sdelay $0x1  }
0x148: {  	[tilespmem:s18+$0x1990] =	vst v7;
	v7 =	vld [tilespmem:s18+$0x19A0]  }
0x149: {  	v8 =	vld [tilespmem:s9+$0xFFFFFFE0];
	_ =	sdelay $0x4  }
0x14a: {  	v7 =	vadd.f32 v8, v7;
	_ =	sdelay $0x1  }
0x14b: {  	v7 =	vsub.f32 $0.0e+00, v7;
	_ =	sdelay $0x1  }
0x14c: {  	v7 =	vmul.f32 $1.442695020e+00, v7;
	_ =	sdelay $0x1  }
0x14d: {  	(erf) = vpow2.f32 v7;
	_ =	sdelay $0x8  }
0x14e: {  	v7 =	vpop (erf)  }
0x14f: {  	v7 =	vadd.f32 $1.000000000e+00, v7;
	_ =	sdelay $0x1  }
0x150: {  	(erf) = vrcp.f32 v7;
	_ =	sdelay $0x4  }
0x151: {  	v7 =	vld [tilespmem:s9+$0x20];
	_ =	sdelay $0x3  }
0x152: {  	v8 =	vpop (erf)  }
0x153: {  	v7 =	vmul.f32 v8, v7;
	_ =	sdelay $0x1  }
0x154: {  	[tilespmem:s18+$0x19A0] =	vst v7;
	v7 =	vld [tilespmem:s18+$0x19B0]  }
0x155: {  	v8 =	vld [tilespmem:s9+$0xFFFFFFF0];
	_ =	sdelay $0x4  }
0x156: {  	v7 =	vadd.f32 v8, v7;
	_ =	sdelay $0x1  }
0x157: {  	v7 =	vsub.f32 $0.0e+00, v7;
	_ =	sdelay $0x1  }
0x158: {  	v7 =	vmul.f32 $1.442695020e+00, v7;
	_ =	sdelay $0x1  }
0x159: {  	(erf) = vpow2.f32 v7;
	_ =	sdelay $0x8  }
0x15a: {  	v7 =	vpop (erf)  }
0x15b: {  	v7 =	vadd.f32 $1.000000000e+00, v7;
	_ =	sdelay $0x1  }
0x15c: {  	(erf) = vrcp.f32 v7;
	_ =	sdelay $0x4  }
0x15d: {  	v7 =	vld [tilespmem:s9+$0x30];
	_ =	sdelay $0x3  }
0x15e: {  	v8 =	vpop (erf)  }
0x15f: {  	s3 =	sadd.s32 $0x1, s3;
	v7 =	vmul.f32 v8, v7  }
0x160: {  	p0 =	sne.s32 s3, $0x188  }
.Ltmp4:
0x161: {  	[tilespmem:s18+$0x19B0] =	vst v7;
	(pc) =	sbr.rel @p0 .LBB2_6-.Ltmp4, $4  }
0x162: {  	[spmem:s1] =	stream.indirect.scatter.add.f32 [tilespmem:s25], [sflag:$0x5], $0x40, s31, s14, $0xb8;
	[tilespmem:$0x1F280] =	vst v63  }
0x163: {  	_ =	swait.ge [sflag:s17], $0x1000  }
0x164: {  	[sflag:s17] =	ssyncset.done $0x0  }
0x165: {  	[sflag:s17] =	ssyncadd.s32 $0xFFFFF000  }
0x166: {  	_ =	swait.ge [sflag:s22], $0x1000  }
0x167: {  	[sflag:s22] =	ssyncset.done $0x0  }
0x168: {  	[sflag:s22] =	ssyncadd.s32 $0xFFFFF000  }
0x169: {  	_ =	swait.ge [sflag:s23], $0x2000  }
0x16a: {  	[sflag:s23] =	ssyncset.done $0x0  }
0x16b: {  	s3 =	sadd.s32 $0x0, s11;
	[sflag:s23] =	ssyncadd.s32 $0xFFFFE000  }
0x16c: {  	v7 =	vadd.s32 s3, v1;
	[bflag:$0x0] =	sbarrier.arrive $0xFFFF  }
0x16d: {  	v8 =	vadd.s32 s3, v4;
	v9 =	vadd.s32 s3, v6;
	[tilespmem:$0x900] =	vst v7  }
0x16e: {  	v7 =	vnsel vm0, $0x6200, v9;
	[tilespmem:$0x910] =	vst v8  }
0x16f: {  	v8 =	vadd.s32 s3, v5;
	[tilespmem:$0x930] =	vst v7  }
0x170: {  	[tilespmem:$0x920] =	vst v8  }
0x171: {  	[tilespmem:s16], [sflag:$0x1] =	stream.indirect.gather [spmem:s1], $0x40, s15, s14, $0xb8;
	[tilespmem:$0x1F280] =	vst v63  }
0x172: {  	_ =	swait.ge [sflag:s22], $0x1000  }
0x173: {  	[sflag:s22] =	ssyncset.done $0x0  }
0x174: {  	s3 =	simm.s32 $0x38;
	s9 =	rddreg [dreg:$0x6];
	[sflag:s22] =	ssyncadd.s32 $0xFFFFF000  }
0x175: {  	[hbm4b:s9+s2] =	stream.linear.scatter [tilespmem:s16], [sflag:$0x5], $0xE00, $0x38;
	[tilespmem:$0x1F280] =	vst v63  }
.LBB2_12:
0x176: {  	p0 =	sne.s32 s3, $0x5E8;
	_ =	swait.ge [sflag:s17], $0xE00;
	s9 =	sadd.s32 $0x1C0, s9  }
0x177: {  	s10 =	sadd.s32 s3, s11;
	s3 =	sadd.s32 $0x38, s3;
	[sflag:s17] =	ssyncset.done $0x0  }
0x178: {  	v7 =	vadd.s32 s10, v1;
	v8 =	vadd.s32 s10, v4;
	v9 =	vadd.s32 s10, v6;
	[sflag:s17] =	ssyncadd.s32 $0xFFFFF200  }
0x179: {  	v9 =	vnsel vm0, $0x6200, v9;
	[tilespmem:$0x900] =	vst v7;
	v7 =	vadd.s32 s10, v5  }
0x17a: {  	[tilespmem:$0x910] =	vst v8  }
0x17b: {  	[tilespmem:$0x930] =	vst v9  }
0x17c: {  	[tilespmem:$0x920] =	vst v7  }
0x17d: {  	[tilespmem:s16], [sflag:$0x1] =	stream.indirect.gather [spmem:s1], $0x40, s15, s14, $0xb8;
	[tilespmem:$0x1F280] =	vst v63  }
.Ltmp5:
0x17e: {  	_ = 	snop;
	(pc) =	sbr.rel @p0 .LBB2_12-.Ltmp5, $4  }
0x17f: {  	_ =	swait.ge [sflag:s22], $0x1000  }
0x180: {  	[sflag:s22] =	ssyncset.done $0x0  }
0x181: {  	[sflag:s22] =	ssyncadd.s32 $0xFFFFF000  }
0x182: {  	[hbm4b:s9+s2] =	stream.linear.scatter [tilespmem:s16], [sflag:$0x5], $0xE00, $0x38;
	[tilespmem:$0x1F280] =	vst v63  }
0x183: {  	_ =	swait.ge [sflag:s17], $0xE00  }
0x184: {  	s0 =	sadd.s32 $0x1, s0;
	s3 =	rddreg [dreg:$0x5]  }
0x185: {  	p0 =	sne.s32 s0, s3  }
.Ltmp6:
0x186: {  	_ = 	snop;
	(pc) =	sbr.rel @p0 .LBB2_1-.Ltmp6, $3  }
0x187: {  	_ =	sdelay $0x1  }
0x188: {  	[sflag:s17] =	ssyncset.done $0x0  }
0x189: {  	[sflag:s17] =	ssyncadd.s32 $0xFFFFF200  }
0x18a: {  	_ =	sfence.sel $0x180000  }
0x18b: {  	[bflag:$0x0] =	sbarrier.arrive $0xFFFF  }
0x18c: {  	_ =	strace $0x9000004D  }
0x18d: {  	s0 =	stileid.u32;
	[bflag:$0x2] =	sbarrier.arrive $0xFFFF  }
0x18e: {  	p0 =	sne.s32 s0, $0x0;
	s0 =	rddreg [dreg:$0x2]  }
0x18f: {  	s0 =	sadd.s32 @!p0 $0x100000, s0  }
0x190: {  	[sflag:s0] =	ssyncadd.tile.s32 @!p0 $0x1;
	_ =	shalt  }
.Lfunc_end2:
_tile_overlayer_lowered:
.L_overlay_start_2:
0x191: {  	(tag) =	ssettag $0x2  }
0x192: {  	s0 =	rddreg [dreg:$0x0];
	s2 =	stileid.u32  }
0x193: {  	s1 =	rddreg [dreg:$0x1];
	p0 =	sne.s32 s2, $0x0  }
0x194: {  	s3 =	rddreg [dreg:$0x2];
	[bflag:$0x3] =	sbarrier.arrive $0xFFFF;
	s2 =	simm.s32 @!p0 $0x1C05  }
0x195: {  	[timem:s3], [sflag:s2] =	dma.local @!p0 [hbm:s0], s1  }
0x196: {  	s0 =	simm.s32 @!p0 $0x5  }
0x197: {  	_ =	swait.ge @!p0 [sflag:s0], s1  }
0x198: {  	s1 =	ssub.s32 @!p0 $0x0, s1;
	[sflag:s0] =	ssyncset.done @!p0 $0x0  }
0x199: {  	[sflag:s0] =	ssyncadd.s32 @!p0 s1  }
0x19a: {  	[bflag:$0x3] =	sbarrier.arrive $0xFFFF  }
0x19b: {  	_ =	shalt  }

// kernel: kernel.19.cloned.1.call-start
scs
__scs_entry_jumppad:
0x0: {  	(pc) =	sbr.rel $0x88, $3  }
0x1: {  	(tag) =	ssettag $0x0;
	lr =	simm.s32 $0x1  }
0x2: {  	[smem:$0x3F96] =	sst lr;
	_ =	strace $0xD0000000  }
0x3: {  	_ = 	snop  }
0x4: {  	_ = 	snop  }
0x5: {  	_ = 	snop  }
0x6: {  	_ = 	snop  }
0x7: {  	_ = 	snop  }
__scs_overlays_trampoline_lowered:
0x8: {  	[smem:$0x3FA5] =	sst s0  }
0x9: {  	[smem:$0x3FA6] =	sst s1  }
0xa: {  	[smem:$0x3FA7] =	sst s2  }
0xb: {  	[smem:$0x3FA8] =	sst s3  }
0xc: {  	[smem:$0x3FA9] =	sst s4  }
0xd: {  	[smem:$0x3FAA] =	sst s5  }
0xe: {  	[smem:$0x3FAB] =	sst s6  }
0xf: {  	[smem:$0x3FAC] =	sst s7  }
0x10: {  	[smem:$0x3FAD] =	sst s8  }
0x11: {  	[smem:$0x3FAE] =	sst s9;
	s0 =	simm.s32 @!p0 $0x0  }
0x12: {  	s1 =	sld [smem:$0x3F94];
	s0 =	simm.s32 @p0 $0x1  }
0x13: {  	[smem:$0x3FAF] =	sst s0;
	s0 =	simm.s32 @!p1 $0x0  }
0x14: {  	s2 =	sld [smem:$0x3F93];
	s0 =	simm.s32 @p1 $0x1  }
0x15: {  	[smem:$0x3FB0] =	sst s0;
	s0 =	simm.s32 @!p2 $0x0  }
0x16: {  	s3 =	sld [smem:$0x3FDB];
	s0 =	simm.s32 @p2 $0x1  }
0x17: {  	s4 =	simm.s32 $0x1BF5;
	[smem:$0x3FB2] =	sst s0  }
0x18: {  	s0 =	sld [smem:$0x3F95];
	_ =	swait.ge [sflag:s4], $0x0  }
0x19: {  	s7 =	sld [smem:$0x3F96]  }
0x1a: {  	s8 =	sadd.s32 $0xFFFFE003, lr  }
0x1b: {  	s9 =	sadd.s32 $0xFFFFFEF7, lr;
	s5 =	simm.s32 $0xFFFFFFFF;
	p2 =	slt.u32 s8, $0xFFFFF086  }
0x1c: {  	p1 =	slt.u32 s9, $0xF7A;
	s5 =	simm.s32 @!p2 $0x0  }
0x1d: {  	s5 =	simm.s32 @p1 $0x1;
	p0 =	seq.s32 s7, s2  }
0x1e: {  	s7 =	smul.u32 @!p0 $0xF7A, s2;
	p2 =	seq.s32 @!p0 s5, $0x0  }
0x1f: {  	s9 =	smul.u32 $0xF7A, s1;
	s8 =	simm.s32 @!p0 $0x1BF5;
	p2 =	por !p2, p0  }
0x20: {  	[sflag:s8] =	ssyncset.s32 @!p0 $0xFFFFF086;
	s6 =	sadd.s32 @!p0 s3, s7;
	s7 =	simm.s32 @!p0 $0x108  }
0x21: {  	s3 =	sadd.s32 s3, s9;
	s6 =	sadd.s32 @!p0 $0x88, s6;
	s7 =	simm.s32 @p2 $0x1082  }
0x22: {  	[simem:s7], [sflag:s8] =	dma.local @!p0 [hbm:s6], $0xF7A  }
0x23: {  	s9 =	sor.u32 $0xD0000000, s2;
	s6 =	simm.s32 $0x108;
	_ =	swait.ge @!p0 [sflag:s8], $0x0  }
0x24: {  	s3 =	sadd.s32 $0x88, s3;
	s6 =	simm.s32 @!p1 $0x1082;
	[sflag:s4] =	ssyncset.s32 $0xFFFFF086  }
0x25: {  	[simem:s6], [sflag:s4] =	dma.local [hbm:s3], $0xF7A  }
0x26: {  	[smem:$0x3F96] =	sst s1;
	(tag) =	ssettag s2;
	_ =	strace s9  }
0x27: {  	s1 =	sld [smem:$0x3FA6]  }
0x28: {  	s2 =	sld [smem:$0x3FA7]  }
0x29: {  	s4 =	sld [smem:$0x3FA9]  }
0x2a: {  	p0 =	seq.s32 s5, $0x0;
	s5 =	sld [smem:$0x3FAA]  }
0x2b: {  	s6 =	sld [smem:$0x3FAB]  }
0x2c: {  	s7 =	sld [smem:$0x3FAC]  }
0x2d: {  	s3 =	simm.s32 $0x108;
	s8 =	sld [smem:$0x3FAD]  }
0x2e: {  	s3 =	simm.s32 @!p0 $0x1082;
	s9 =	sld [smem:$0x3FAE]  }
0x2f: {  	lr =	sadd.s32 s0, s3;
	s0 =	sld [smem:$0x3FA5]  }
0x30: {  	s3 =	sld [smem:$0x3FA8]  }
0x31: {  	[smem:$0x3FB1] =	sst s10  }
0x32: {  	s10 =	sld [smem:$0x3FAF];
	_ =	sdelay $0x3  }
0x33: {  	p0 =	seq.s32 s10, $0x1;
	s10 =	sld [smem:$0x3FB1];
	_ =	sdelay $0x3  }
0x34: {  	[smem:$0x3FB1] =	sst s10  }
0x35: {  	s10 =	sld [smem:$0x3FB0];
	_ =	sdelay $0x3  }
0x36: {  	p1 =	seq.s32 s10, $0x1;
	s10 =	sld [smem:$0x3FB1];
	_ =	sdelay $0x3  }
0x37: {  	[smem:$0x3FB1] =	sst s10  }
0x38: {  	s10 =	sld [smem:$0x3FB2]  }
0x39: {  	_ = 	snop;
	(pc) =	sbr.ind lr, $3  }
0x3a: {  	_ = 	snop  }
0x3b: {  	_ = 	snop  }
0x3c: {  	p2 =	seq.s32 s10, $0x1;
	s10 =	sld [smem:$0x3FB1]  }
0x3d: {  	_ =	shalt  }
0x3e: {  	_ =	shalt  }
0x3f: {  	_ =	shalt  }
0x40: {  	_ =	shalt  }
0x41: {  	_ =	shalt  }
0x42: {  	_ =	shalt  }
0x43: {  	_ =	shalt  }
0x44: {  	_ =	shalt  }
0x45: {  	_ =	shalt  }
0x46: {  	_ =	shalt  }
0x47: {  	_ =	shalt  }
0x48: {  	_ =	shalt  }
0x49: {  	_ =	shalt  }
0x4a: {  	_ =	shalt  }
0x4b: {  	_ =	shalt  }
0x4c: {  	_ =	shalt  }
0x4d: {  	_ =	shalt  }
0x4e: {  	_ =	shalt  }
0x4f: {  	_ =	shalt  }
0x50: {  	_ =	shalt  }
0x51: {  	_ =	shalt  }
0x52: {  	_ =	shalt  }
0x53: {  	_ =	shalt  }
0x54: {  	_ =	shalt  }
0x55: {  	_ =	shalt  }
0x56: {  	_ =	shalt  }
0x57: {  	_ =	shalt  }
0x58: {  	_ =	shalt  }
0x59: {  	_ =	shalt  }
0x5a: {  	_ =	shalt  }
0x5b: {  	_ =	shalt  }
0x5c: {  	_ =	shalt  }
0x5d: {  	_ =	shalt  }
0x5e: {  	_ =	shalt  }
0x5f: {  	_ =	shalt  }
0x60: {  	_ =	shalt  }
0x61: {  	_ =	shalt  }
0x62: {  	_ =	shalt  }
0x63: {  	_ =	shalt  }
0x64: {  	_ =	shalt  }
0x65: {  	_ =	shalt  }
0x66: {  	_ =	shalt  }
0x67: {  	_ =	shalt  }
0x68: {  	_ =	shalt  }
0x69: {  	_ =	shalt  }
0x6a: {  	_ =	shalt  }
0x6b: {  	_ =	shalt  }
0x6c: {  	_ =	shalt  }
0x6d: {  	_ =	shalt  }
0x6e: {  	_ =	shalt  }
0x6f: {  	_ =	shalt  }
0x70: {  	_ =	shalt  }
0x71: {  	_ =	shalt  }
0x72: {  	_ =	shalt  }
0x73: {  	_ =	shalt  }
0x74: {  	_ =	shalt  }
0x75: {  	_ =	shalt  }
0x76: {  	_ =	shalt  }
0x77: {  	_ =	shalt  }
0x78: {  	_ =	shalt  }
0x79: {  	_ =	shalt  }
0x7a: {  	_ =	shalt  }
0x7b: {  	_ =	shalt  }
0x7c: {  	_ =	shalt  }
0x7d: {  	_ =	shalt  }
0x7e: {  	_ =	shalt  }
0x7f: {  	_ =	shalt  }
0x80: {  	_ =	shalt  }
0x81: {  	_ =	shalt  }
0x82: {  	_ =	shalt  }
0x83: {  	_ =	shalt  }
0x84: {  	_ =	shalt  }
0x85: {  	_ =	shalt  }
0x86: {  	_ =	shalt  }
0x87: {  	_ =	shalt  }
.Lfunc_end0:
.L_simem_size_0:
called_computation.3_lowered:
.L_overlay_start_0:
0x88: {  	s2 =	sld [smem:$0x3FD9]  }
0x89: {  	s3 =	sld [smem:$0x3FFE];
	_ =	sdelay $0x1  }
0x8a: {  	s1 =	srdreg.scid  }
0x8b: {  	s0 =	sand.u32 $0x1, s1  }
0x8c: {  	s16 =	sshll.u32 s0, $0xA;
	s2 =	sadd.s32 s3, s2  }
0x8d: {  	s2 =	sadd.s32 s2, s16  }
0x8e: {  	[smem:$0x3FBD] =	sst s2  }
0x8f: {  	_ = 	snop  }
0x90: {  	(tm) =	ssettm $0x1  }
0x91: {  	s17 =	sld [smem:$0x3FFB];
	_ =	sdelay $0x3  }
0x92: {  	_ =	strace s17  }
0x93: {  	s2 =	sld [smem:$0x3FFC];
	_ =	sdelay $0x3  }
0x94: {  	_ =	strace s2  }
0x95: {  	s2 =	sld [smem:$0x3FFD];
	_ =	sdelay $0x3  }
0x96: {  	_ =	strace s2  }
0x97: {  	_ =	strace $0x8FFFFFFF  }
0x98: {  	s18 =	sld [smem:$0x3FDB];
	_ =	sdelay $0x1  }
0x99: {  	s19 =	simm.s32 $_scs_section_size  }
0x9a: {  	s4 =	simm.s32 $_size__tile_overlayer_lowered;
	s5 =	simm.s32 $_tile_overlayer_lowered  }
0x9b: {  	s22 =	simm.s32 $0x1BFF;
	s21 =	sshll.u32 s5, $0x1;
	s2 =	sadd.s32 s19, s18  }
0x9c: {  	s6 =	simm.s32 $0x0;
	s20 =	sshll.u32 s4, $0x1;
	s4 =	sadd.s32 s21, s2  }
0x9d: {  	[timem:s6], [sflag:s22] =	dma.local [hbm:s4], s20  }
0x9e: {  	_ =	swait.ge [sflag:s22], s20  }
0x9f: {  	s3 =	ssub.s32 $0x0, s20;
	[sflag:s22] =	ssyncset.done $0x0  }
0xa0: {  	[sflag:s22] =	ssyncadd.s32 s3;
	_ =	sdelay $0x1  }
0xa1: {  	s23 =	simm.s32 $0x1B8B  }
0xa2: {  	_ =	swait.ge [sflag:s23], $0x1  }
0xa3: {  	[sflag:s23] =	ssyncset.done $0x0  }
0xa4: {  	s25 =	simm.s32 $0x1B8E;
	s24 =	sld [smem:$0x3FFE];
	[sflag:s23] =	ssyncadd.s32 $0xFFFFFFFF  }
0xa5: {  	s26 =	simm.s32 $execute0_lowered;
	[smem:$0x3FD2] =	sst s25  }
0xa6: {  	s4 =	sshll.u32 s26, $0x1;
	_ =	strace $0x8000004F;
	[dreg:$0x1] =	wrdreg $0xFFFFFFFF  }
0xa7: {  	s28 =	simm.s32 $_size_execute0_lowered;
	s2 =	sadd.s32 s2, s4;
	[dreg:$0x0] =	wrdreg $0x0  }
0xa8: {  	s4 =	sshll.u32 s28, $0x1;
	[dreg:$0x2] =	wrdreg s2  }
0xa9: {  	[dreg:$0x3] =	wrdreg s4  }
0xaa: {  	[dreg:$0x4] =	wrdreg $0xC0  }
0xab: {  	_ =	task [dreg:s6], $0x5FFFF  }
0xac: {  	[dreg:$0x1] =	wrdreg $0xFFFFFFFF  }
0xad: {  	[dreg:$0x0] =	wrdreg $0x60  }
0xae: {  	[dreg:$0x2] =	wrdreg s24  }
0xaf: {  	[dreg:$0x3] =	wrdreg $0x69800  }
0xb0: {  	[dreg:$0x4] =	wrdreg $0x9  }
0xb1: {  	_ =	task.clear_ibuf [dreg:s6], $0x5FFFF;
	_ =	strace $0x9000004F  }
0xb2: {  	s29 =	simm.s32 $0x9;
	_ =	strace $0x80000051  }
0xb3: {  	_ =	swait.ge [sflag:s29], $0x1  }
0xb4: {  	[sflag:s29] =	ssyncadd.s32 $0xFFFFFFFF  }
0xb5: {  	_ =	strace $0x90000051  }
0xb6: {  	_ =	sfence  }
0xb7: {  	s30 =	sld [smem:$0x0];
	_ =	sdelay $0x2  }
0xb8: {  	s31 =	sshll.u32 s1, $0xD;
	s1 =	sshrl.u32 s1, $0x2  }
0xb9: {  	s3 =	sand.u32 $0x4000, s31;
	s1 =	sadd.s32 s1, s30  }
0xba: {  	s0 =	sor.u32 s3, s0;
	s1 =	sshll.u32 s1, $0x11  }
0xbb: {  	s0 =	sor.u32 s1, s0  }
0xbc: {  	s0 =	sadd.s32 $0x8F2B, s0  }
0xbd: {  	[sflag:s0] =	ssyncadd.remote.s32 $0x1  }
0xbe: {  	_ =	sfence.sel $0xFFFF  }
0xbf: {  	[dreg:$0x0] =	wrdreg $0xFFFFFFFF;
	(pc) =	sbr.abs _section_cstart, $3  }
0xc0: {  	[dreg:$0x1] =	wrdreg $0xFFFFFFFF  }
0xc1: {  	_ =	task.clear_ibuf [dreg:s6], $0x2FFFF;
	_ =	strace $0x9FFFFFFF  }
0xc2: {  	(tm) =	ssettm $0x7FFFFFFF  }
0xc3: {  	_ =	shalt  }
tec
execute0_lowered:
.L_overlay_start_1:
0x0: {  	(tag) =	ssettag $0x1  }
0x1: {  	s0 =	rddreg [dreg:$0x0]  }
0x2: {  	s1 =	rddreg [dreg:$0x1];
	s2 =	simm.s32 $0x0;
	s3 =	srdreg.scid  }
0x3: {  	s13 =	stileid.u32;
	s15 =	simm.s32 $0x900;
	s16 =	simm.s32 $0x980  }
0x4: {  	s17 =	simm.s32 $0x5;
	s19 =	simm.s32 $0x800;
	s20 =	simm.s32 $0x880  }
0x5: {  	s21 =	simm.s32 $0x2980;
	s22 =	simm.s32 $0x1;
	s23 =	simm.s32 $0x3  }
0x6: {  	s24 =	simm.s32 $0x840;
	s28 =	simm.s32 $0x4980;
	s29 =	simm.s32 $0x2  }
0x7: {  	s30 =	simm.s32 $0x4;
	s31 =	simm.s32 $0x940;
	s8 =	smul.u32 $0xC400, s13  }
0x8: {  	[smem:$0x7FF] =	sst s2;
	s3 =	sand.u32 $0x1, s3;
	s11 =	smul.u32 $0x3100, s13  }
0x9: {  	s4 =	sadd.s32 $0x3600, s0;
	s5 =	sadd.s32 $0x283600, s0;
	s26 =	smul.u32 $0x624, s13  }
0xa: {  	s6 =	sadd.s32 $0x80600, s0;
	s7 =	sadd.s32 $0x67C00, s0;
	s9 =	smul.u32 $0x31000, s3  }
0xb: {  	_ =	strace $0x80000050;
	s10 =	smul.u32 $0x6200, s3;
	s3 =	ssub.s32 $0x2, s3  }
0xc: {  	s25 =	sshrl.u32 s3, $0x1;
	s12 =	sshrl.u32 s8, $0x3;
	v0 =	vmov s26;
	s26 =	simm.s32 $0x8C0  }
0xd: {  	s0 =	sadd.s32 s9, s0;
	s3 =	ssub.s32 s3, s25;
	s14 =	sadd.s32 s6, s12  }
0xe: {  	s12 =	sadd.s32 s7, s12;
	s25 =	simm.s32 $0x1980;
	[dreg:$0x3] =	wrdreg s14  }
0xf: {  	v1 =	vlaneseq.u32;
	[dreg:$0x4] =	wrdreg s12;
	s0 =	sadd.s32 s11, s0;
	s3 =	smax.u32 s3, $0x1  }
0x10: {  	v3 =	vimm.f32 $0.0e+00;
	vm0 =	vmmov $0xff;
	v4 =	vor.u32 $0x10, v1;
	s11 =	smul.u32 $0x620, s13;
	[dreg:$0x5] =	wrdreg s3;
	s0 =	sadd.s32 $0x99000, s0  }
0x11: {  	v5 =	vor.u32 $0x20, v1;
	v6 =	vor.u32 $0x30, v1;
	v2 =	vmov s10;
	s14 =	simm.s32 $0x40;
	[dreg:$0x6] =	wrdreg s0;
	s0 =	simm.s32 $0x0  }
.LBB2_1:
0x12: {  	s3 =	simm.s32 $0x0  }
.LBB2_2:
0x13: {  	p0 =	sne.s32 s3, $0x3F00  }
.Ltmp0:
0x14: {  	s9 =	sshra.s32 s3, $0x2;
	(pc) =	sbr.rel @p0 .LBB2_2-.Ltmp0, $4  }
0x15: {  	[tilespmem:s9+$0x980] =	vst v3  }
0x16: {  	[tilespmem:s9+$0x990] =	vst v3  }
0x17: {  	[tilespmem:s9+$0x9A0] =	vst v3  }
0x18: {  	s3 =	sadd.s32 $0x100, s3;
	[tilespmem:s9+$0x9B0] =	vst v3  }
0x19: {  	s3 =	simm.s32 $0x30;
	s9 =	simm.s32 $0x0;
	s18 =	simm.s32 $0x20  }
0x1a: {  	v7 =	vor.u32 s3, v1;
	v8 =	vor.u32 s9, v1;
	v10 =	vor.u32 s18, v1  }
0x1b: {  	s13 =	simm.s32 $0x10;
	vm2 =	vlt.u32 v7, $0x624;
	vm1 =	vlt.u32 v8, $0x624;
	v8 =	vadd.s32 v0, v8  }
0x1c: {  	v9 =	vadd.s32 v0, v7;
	v7 =	vor.u32 s13, v1;
	v8 =	vnsel vm1, $0x6200, v8  }
0x1d: {  	s3 =	simm.s32 $0x70;
	vm1 =	vlt.u32 v10, $0x624;
	v9 =	vnsel vm2, $0x6200, v9;
	[tilespmem:$0x900] =	vst v8;
	v8 =	vadd.s32 v0, v10  }
.LBB2_4:
0x1e: {  	p0 =	sne.s32 s3, $0x630;
	vm2 =	vlt.u32 v7, $0x624;
	v7 =	vadd.s32 v0, v7;
	v8 =	vnsel vm1, $0x6200, v8;
	[tilespmem:$0x930] =	vst v9  }
0x1f: {  	s9 =	sadd.s32 $0xFFFFFFD0, s3;
	v7 =	vnsel vm2, $0x6200, v7;
	[tilespmem:$0x920] =	vst v8  }
0x20: {  	[tilespmem:$0x910] =	vst v7;
	[spmem:s1] =	stream.indirect.scatter [tilespmem:s16], [sflag:$0x5], $0x40, s15, s14, $0xb8  }
.Ltmp1:
0x21: {  	v8 =	vor.u32 s3, v1;
	(pc) =	sbr.rel @p0 .LBB2_4-.Ltmp1, $4  }
0x22: {  	v7 =	vor.u32 s9, v1;
	vm2 =	vlt.u32 v8, $0x624;
	_ =	swait.ge [sflag:s17], $0x1000  }
0x23: {  	s10 =	sadd.s32 $0xFFFFFFF0, s3;
	s9 =	sadd.s32 $0xFFFFFFE0, s3;
	v9 =	vadd.s32 v0, v8;
	vm1 =	vlt.u32 v7, $0x624;
	v7 =	vadd.s32 v0, v7;
	[sflag:s17] =	ssyncset.done $0x0  }
0x24: {  	v10 =	vor.u32 s10, v1;
	v8 =	vnsel vm1, $0x6200, v7;
	v7 =	vor.u32 s9, v1;
	[sflag:s17] =	ssyncadd.s32 $0xFFFFF000  }
0x25: {  	s3 =	sadd.s32 $0x40, s3;
	v9 =	vnsel vm2, $0x6200, v9;
	vm1 =	vlt.u32 v10, $0x624;
	[tilespmem:$0x900] =	vst v8;
	v8 =	vadd.s32 v0, v10  }
0x26: {  	vm2 =	vlt.u32 v7, $0x624;
	v7 =	vadd.s32 v0, v7;
	v8 =	vnsel vm1, $0x6200, v8;
	[tilespmem:$0x930] =	vst v9  }
0x27: {  	v7 =	vnsel vm2, $0x6200, v7;
	[tilespmem:$0x920] =	vst v8  }
0x28: {  	[tilespmem:$0x910] =	vst v7  }
0x29: {  	[spmem:s1] =	stream.indirect.scatter [tilespmem:s16], [sflag:$0x5], $0x40, s15, s14, $0xb8;
	[tilespmem:$0x1F280] =	vst v63  }
0x2a: {  	_ =	swait.ge [sflag:s17], $0x1000  }
0x2b: {  	[sflag:s17] =	ssyncset.done $0x0  }
0x2c: {  	[sflag:s17] =	ssyncadd.s32 $0xFFFFF000  }
0x2d: {  	[bflag:$0x0] =	sbarrier.arrive $0xFFFF  }
0x2e: {  	s3 =	simm.s32 $0x0;
	s9 =	rddreg [dreg:$0x3]  }
0x2f: {  	[tilespmem:s3], [sflag:$0x5] =	stream.linear.gather [hbm4b:s9+s3], $0x400, $0x38;
	[tilespmem:$0x1F280] =	vst v63  }
0x30: {  	_ =	swait.ge [sflag:s17], $0x400  }
0x31: {  	[sflag:s17] =	ssyncset.done $0x0  }
0x32: {  	s10 =	simm.s32 $0x400;
	s18 =	rddreg [dreg:$0x4];
	[sflag:s17] =	ssyncadd.s32 $0xFFFFFC00  }
0x33: {  	[tilespmem:s10], [sflag:$0x5] =	stream.linear.gather [hbm4b:s18+s3], $0x400, $0x38;
	[tilespmem:$0x1F280] =	vst v63  }
0x34: {  	_ =	swait.ge [sflag:s17], $0x400  }
0x35: {  	[sflag:s17] =	ssyncset.done $0x0  }
0x36: {  	[sflag:s17] =	ssyncadd.s32 $0xFFFFFC00  }
0x37: {  	v7 =	vld [tilespmem:$0x0]  }
0x38: {  	v8 =	vld [tilespmem:$0x400]  }
0x39: {  	v61 =	vld [tilespmem:$0x10]  }
0x3a: {  	v10 =	vld [tilespmem:$0x410];
	_ =	sdelay $0x1  }
0x3b: {  	v12 =	vld [tilespmem:$0x20]  }
0x3c: {  	v63 =	vld [tilespmem:$0x430];
	vm1 =	vlt.s32 v7, $0xC350  }
0x3d: {  	[tilespmem:$0x880] =	vst v8;
	v11 =	vnsel vm1, $0x0, v7;
	v7 =	vsub.s32 v7, v2  }
0x3e: {  	[tilespmem:$0x890] =	vst v10;
	vm1 =	vlt.s32 v61, $0xC350;
	v7 =	vmin.u32 v7, $0x6200  }
0x3f: {  	v62 =	vld [tilespmem:$0x30];
	[tilespmem:$0x900] =	vst v7;
	v7 =	vnsel vm1, $0x0, v61  }
0x40: {  	[tilespmem:$0x810] =	vst v7;
	v7 =	vsub.s32 v61, v2  }
0x41: {  	[tilespmem:$0x8B0] =	vst v63;
	vm1 =	vlt.s32 v12, $0xC350;
	v7 =	vmin.u32 v7, $0x6200  }
0x42: {  	v8 =	vld [tilespmem:$0x420];
	[tilespmem:$0x910] =	vst v7;
	v7 =	vnsel vm1, $0x0, v12  }
0x43: {  	[tilespmem:$0x820] =	vst v7;
	v7 =	vsub.s32 v12, v2  }
0x44: {  	[tilespmem:$0x800] =	vst v11;
	vm1 =	vlt.s32 v62, $0xC350;
	v7 =	vmin.u32 v7, $0x6200  }
0x45: {  	[tilespmem:$0x920] =	vst v7;
	v7 =	vnsel vm1, $0x0, v62  }
0x46: {  	[tilespmem:$0x830] =	vst v7;
	v7 =	vsub.s32 v62, v2  }
0x47: {  	[tilespmem:$0x8A0] =	vst v8;
	v7 =	vmin.u32 v7, $0x6200  }
0x48: {  	[tilespmem:$0x930] =	vst v7  }
0x49: {  	[tilespmem:s16], [sflag:$0x1] =	stream.indirect.gather [hbm4b:s4+s14], $0x40, s19, s14, $0xb8;
	[tilespmem:$0x1F280] =	vst v63  }
0x4a: {  	_ = 	snop  }
0x4b: {  	[tilespmem:s21], [sflag:$0x3] =	stream.indirect.gather [hbm4b:s5+s14], $0x80, s20, s14, $0xb8;
	[tilespmem:$0x1F280] =	vst v63  }
.LBB2_6:
0x4c: {  	_ =	swait.ge [sflag:s22], $0x1000  }
0x4d: {  	[sflag:s22] =	ssyncset.done $0x0  }
0x4e: {  	[sflag:s22] =	ssyncadd.s32 $0xFFFFF000  }
0x4f: {  	_ =	swait.ge [sflag:s23], $0x2000  }
0x50: {  	s9 =	sshll.u32 s3, $0x7;
	[sflag:s23] =	ssyncset.done $0x0  }
0x51: {  	s9 =	sand.u32 $0x380, s9;
	[sflag:s23] =	ssyncadd.s32 $0xFFFFE000  }
0x52: {  	v7 =	vld [tilespmem:s9+$0x40]  }
0x53: {  	v8 =	vld [tilespmem:s9+$0x440];
	_ =	sdelay $0x3  }
0x54: {  	vm1 =	vlt.s32 v7, $0xC350  }
0x55: {  	[tilespmem:$0x8C0] =	vst v8;
	v9 =	vnsel vm1, $0x0, v7;
	v7 =	vsub.s32 v7, v2  }
0x56: {  	[tilespmem:$0x840] =	vst v9;
	v7 =	vmin.u32 v7, $0x6200  }
0x57: {  	[tilespmem:$0x940] =	vst v7  }
0x58: {  	v7 =	vld [tilespmem:s9+$0x50]  }
0x59: {  	v8 =	vld [tilespmem:s9+$0x450];
	_ =	sdelay $0x3  }
0x5a: {  	vm1 =	vlt.s32 v7, $0xC350  }
0x5b: {  	[tilespmem:$0x8D0] =	vst v8;
	v61 =	vnsel vm1, $0x0, v7;
	v7 =	vsub.s32 v7, v2  }
0x5c: {  	[tilespmem:$0x850] =	vst v61;
	v7 =	vmin.u32 v7, $0x6200  }
0x5d: {  	[tilespmem:$0x950] =	vst v7  }
0x5e: {  	v7 =	vld [tilespmem:s9+$0x60]  }
0x5f: {  	v8 =	vld [tilespmem:s9+$0x460];
	_ =	sdelay $0x3  }
0x60: {  	vm1 =	vlt.s32 v7, $0xC350  }
0x61: {  	[tilespmem:$0x8E0] =	vst v8;
	v62 =	vnsel vm1, $0x0, v7;
	v7 =	vsub.s32 v7, v2  }
0x62: {  	[tilespmem:$0x860] =	vst v62;
	v7 =	vmin.u32 v7, $0x6200  }
0x63: {  	[tilespmem:$0x960] =	vst v7  }
0x64: {  	v7 =	vld [tilespmem:s9+$0x70]  }
0x65: {  	v8 =	vld [tilespmem:s9+$0x470];
	_ =	sdelay $0x3  }
0x66: {  	vm1 =	vlt.s32 v7, $0xC350  }
0x67: {  	[tilespmem:$0x8F0] =	vst v8;
	v63 =	vnsel vm1, $0x0, v7;
	v7 =	vsub.s32 v7, v2  }
0x68: {  	[tilespmem:$0x870] =	vst v63;
	v7 =	vmin.u32 v7, $0x6200  }
0x69: {  	[tilespmem:$0x970] =	vst v7  }
0x6a: {  	[tilespmem:s25], [sflag:$0x2] =	stream.indirect.gather [hbm4b:s4+s14], $0x40, s24, s14, $0xb8;
	[tilespmem:$0x1F280] =	vst v63  }
0x6b: {  	s18 =	simm.s32 $0x0  }
0x6c: {  	[tilespmem:s28], [sflag:$0x4] =	stream.indirect.gather [hbm4b:s5+s14], $0x80, s26, s14, $0xb8;
	[tilespmem:$0x1F280] =	vst v63  }
0x6d: {  	s10 =	simm.s32 $0x100;
	s9 =	simm.s32 $0x29C0;
	v7 =	vld [tilespmem:s18+$0x980]  }
.LBB2_7:
0x6e: {  	p0 =	sne.s32 s10, $0x3F00;
	v8 =	vld [tilespmem:s9+$0xFFFFFFC0]  }
0x6f: {  	v9 =	vld [tilespmem:s9+$0x0];
	_ =	sdelay $0x3  }
0x70: {  	v7 =	vadd.f32 v8, v7;
	_ =	sdelay $0x1  }
0x71: {  	v7 =	vsub.f32 $0.0e+00, v7;
	_ =	sdelay $0x1  }
0x72: {  	v7 =	vmul.f32 $1.442695020e+00, v7;
	_ =	sdelay $0x1  }
0x73: {  	(erf) = vpow2.f32 v7;
	_ =	sdelay $0x8  }
0x74: {  	v7 =	vpop (erf)  }
0x75: {  	v7 =	vadd.f32 $1.000000000e+00, v7;
	_ =	sdelay $0x1  }
0x76: {  	(erf) = vrcp.f32 v7;
	_ =	sdelay $0x8  }
0x77: {  	v7 =	vpop (erf)  }
0x78: {  	v7 =	vmul.f32 v7, v9;
	_ =	sdelay $0x1  }
0x79: {  	[tilespmem:s18+$0x980] =	vst v7;
	v7 =	vld [tilespmem:s18+$0x990]  }
0x7a: {  	v8 =	vld [tilespmem:s9+$0xFFFFFFD0];
	_ =	sdelay $0x4  }
0x7b: {  	v7 =	vadd.f32 v8, v7;
	_ =	sdelay $0x1  }
0x7c: {  	v7 =	vsub.f32 $0.0e+00, v7;
	_ =	sdelay $0x1  }
0x7d: {  	v7 =	vmul.f32 $1.442695020e+00, v7;
	_ =	sdelay $0x1  }
0x7e: {  	(erf) = vpow2.f32 v7;
	_ =	sdelay $0x8  }
0x7f: {  	v7 =	vpop (erf)  }
0x80: {  	v7 =	vadd.f32 $1.000000000e+00, v7;
	_ =	sdelay $0x1  }
0x81: {  	(erf) = vrcp.f32 v7;
	_ =	sdelay $0x4  }
0x82: {  	v7 =	vld [tilespmem:s9+$0x10];
	_ =	sdelay $0x3  }
0x83: {  	v8 =	vpop (erf)  }
0x84: {  	v7 =	vmul.f32 v8, v7;
	_ =	sdelay $0x1  }
0x85: {  	[tilespmem:s18+$0x990] =	vst v7;
	v7 =	vld [tilespmem:s18+$0x9A0]  }
0x86: {  	v8 =	vld [tilespmem:s9+$0xFFFFFFE0];
	_ =	sdelay $0x4  }
0x87: {  	v7 =	vadd.f32 v8, v7;
	_ =	sdelay $0x1  }
0x88: {  	v7 =	vsub.f32 $0.0e+00, v7;
	_ =	sdelay $0x1  }
0x89: {  	v7 =	vmul.f32 $1.442695020e+00, v7;
	_ =	sdelay $0x1  }
0x8a: {  	(erf) = vpow2.f32 v7;
	_ =	sdelay $0x8  }
0x8b: {  	v7 =	vpop (erf)  }
0x8c: {  	v7 =	vadd.f32 $1.000000000e+00, v7;
	_ =	sdelay $0x1  }
0x8d: {  	(erf) = vrcp.f32 v7;
	_ =	sdelay $0x4  }
0x8e: {  	v7 =	vld [tilespmem:s9+$0x20];
	_ =	sdelay $0x3  }
0x8f: {  	v8 =	vpop (erf)  }
0x90: {  	v7 =	vmul.f32 v8, v7;
	_ =	sdelay $0x1  }
0x91: {  	[tilespmem:s18+$0x9A0] =	vst v7;
	v7 =	vld [tilespmem:s18+$0x9B0]  }
0x92: {  	v8 =	vld [tilespmem:s9+$0xFFFFFFF0]  }
0x93: {  	v9 =	vld [tilespmem:s9+$0x30];
	_ =	sdelay $0x3  }
0x94: {  	v7 =	vadd.f32 v8, v7;
	_ =	sdelay $0x1  }
0x95: {  	v7 =	vsub.f32 $0.0e+00, v7;
	_ =	sdelay $0x1  }
0x96: {  	v7 =	vmul.f32 $1.442695020e+00, v7;
	_ =	sdelay $0x1  }
0x97: {  	(erf) = vpow2.f32 v7;
	_ =	sdelay $0x8  }
0x98: {  	v7 =	vpop (erf)  }
0x99: {  	v7 =	vadd.f32 $1.000000000e+00, v7;
	_ =	sdelay $0x1  }
0x9a: {  	(erf) = vrcp.f32 v7;
	_ =	sdelay $0x7  }
.Ltmp2:
0x9b: {  	(pc) =	sbr.rel @p0 .LBB2_7-.Ltmp2, $4  }
0x9c: {  	v7 =	vpop (erf)  }
0x9d: {  	v8 =	vmul.f32 v7, v9  }
0x9e: {  	s12 =	sshra.s32 s10, $0x2  }
0x9f: {  	s10 =	sadd.s32 $0x100, s10;
	s9 =	sadd.s32 $0x80, s9;
	v7 =	vld [tilespmem:s12+$0x980];
	[tilespmem:s18+$0x9B0] =	vst v8;
	s18 =	smov.u32 s12  }
0xa0: {  	v8 =	vld [tilespmem:s9+$0xFFFFFFC0];
	_ =	sdelay $0x4  }
0xa1: {  	v7 =	vadd.f32 v8, v7;
	_ =	sdelay $0x1  }
0xa2: {  	v7 =	vsub.f32 $0.0e+00, v7;
	_ =	sdelay $0x1  }
0xa3: {  	v7 =	vmul.f32 $1.442695020e+00, v7;
	_ =	sdelay $0x1  }
0xa4: {  	(erf) = vpow2.f32 v7;
	_ =	sdelay $0x8  }
0xa5: {  	v7 =	vpop (erf)  }
0xa6: {  	v7 =	vadd.f32 $1.000000000e+00, v7;
	_ =	sdelay $0x1  }
0xa7: {  	(erf) = vrcp.f32 v7;
	_ =	sdelay $0x4  }
0xa8: {  	v7 =	vld [tilespmem:s9+$0x0];
	_ =	sdelay $0x3  }
0xa9: {  	v8 =	vpop (erf)  }
0xaa: {  	v7 =	vmul.f32 v8, v7;
	_ =	sdelay $0x1  }
0xab: {  	[tilespmem:s18+$0x980] =	vst v7;
	v7 =	vld [tilespmem:s18+$0x990]  }
0xac: {  	v8 =	vld [tilespmem:s9+$0xFFFFFFD0];
	_ =	sdelay $0x4  }
0xad: {  	v7 =	vadd.f32 v8, v7;
	_ =	sdelay $0x1  }
0xae: {  	v7 =	vsub.f32 $0.0e+00, v7;
	_ =	sdelay $0x1  }
0xaf: {  	v7 =	vmul.f32 $1.442695020e+00, v7;
	_ =	sdelay $0x1  }
0xb0: {  	(erf) = vpow2.f32 v7;
	_ =	sdelay $0x8  }
0xb1: {  	v7 =	vpop (erf)  }
0xb2: {  	v7 =	vadd.f32 $1.000000000e+00, v7;
	_ =	sdelay $0x1  }
0xb3: {  	(erf) = vrcp.f32 v7;
	_ =	sdelay $0x4  }
0xb4: {  	v7 =	vld [tilespmem:s9+$0x10];
	_ =	sdelay $0x3  }
0xb5: {  	v8 =	vpop (erf)  }
0xb6: {  	v7 =	vmul.f32 v8, v7;
	_ =	sdelay $0x1  }
0xb7: {  	[tilespmem:s18+$0x990] =	vst v7;
	v7 =	vld [tilespmem:s18+$0x9A0]  }
0xb8: {  	v8 =	vld [tilespmem:s9+$0xFFFFFFE0];
	_ =	sdelay $0x4  }
0xb9: {  	v7 =	vadd.f32 v8, v7;
	_ =	sdelay $0x1  }
0xba: {  	v7 =	vsub.f32 $0.0e+00, v7;
	_ =	sdelay $0x1  }
0xbb: {  	v7 =	vmul.f32 $1.442695020e+00, v7;
	_ =	sdelay $0x1  }
0xbc: {  	(erf) = vpow2.f32 v7;
	_ =	sdelay $0x8  }
0xbd: {  	v7 =	vpop (erf)  }
0xbe: {  	v7 =	vadd.f32 $1.000000000e+00, v7;
	_ =	sdelay $0x1  }
0xbf: {  	(erf) = vrcp.f32 v7;
	_ =	sdelay $0x4  }
0xc0: {  	v7 =	vld [tilespmem:s9+$0x20];
	_ =	sdelay $0x3  }
0xc1: {  	v8 =	vpop (erf)  }
0xc2: {  	v7 =	vmul.f32 v8, v7;
	_ =	sdelay $0x1  }
0xc3: {  	[tilespmem:s18+$0x9A0] =	vst v7;
	v7 =	vld [tilespmem:s18+$0x9B0]  }
0xc4: {  	v8 =	vld [tilespmem:s9+$0xFFFFFFF0];
	_ =	sdelay $0x4  }
0xc5: {  	v7 =	vadd.f32 v8, v7;
	_ =	sdelay $0x1  }
0xc6: {  	v7 =	vsub.f32 $0.0e+00, v7;
	_ =	sdelay $0x1  }
0xc7: {  	v7 =	vmul.f32 $1.442695020e+00, v7;
	_ =	sdelay $0x1  }
0xc8: {  	(erf) = vpow2.f32 v7;
	_ =	sdelay $0x8  }
0xc9: {  	v7 =	vpop (erf)  }
0xca: {  	v7 =	vadd.f32 $1.000000000e+00, v7;
	_ =	sdelay $0x1  }
0xcb: {  	(erf) = vrcp.f32 v7;
	_ =	sdelay $0x4  }
0xcc: {  	v7 =	vld [tilespmem:s9+$0x30];
	_ =	sdelay $0x3  }
0xcd: {  	v8 =	vpop (erf)  }
0xce: {  	v7 =	vmul.f32 v8, v7;
	_ =	sdelay $0x1  }
0xcf: {  	[tilespmem:s18+$0x9B0] =	vst v7  }
0xd0: {  	[spmem:s1] =	stream.indirect.scatter.add.f32 [tilespmem:s16], [sflag:$0x5], $0x40, s15, s14, $0xb8;
	[tilespmem:$0x1F280] =	vst v63  }
0xd1: {  	_ =	swait.ge [sflag:s17], $0x1000  }
0xd2: {  	s13 =	sshll.u32 s3, $0x1;
	[sflag:s17] =	ssyncset.done $0x0  }
0xd3: {  	s9 =	sadd.s32 $0x2, s13;
	[sflag:s17] =	ssyncadd.s32 $0xFFFFF000  }
0xd4: {  	s10 =	sand.u32 $0xE, s9;
	_ =	swait.ge [sflag:s29], $0x1000  }
0xd5: {  	p0 =	sne.s32 s10, $0x0;
	[sflag:s29] =	ssyncset.done $0x0  }
0xd6: {  	s9 =	sshll.u32 @!p0 s9, $0x6;
	[sflag:s29] =	ssyncadd.s32 $0xFFFFF000  }
0xd7: {  	s9 =	sadd.s32 @!p0 s8, s9;
	_ =	swait.ge [sflag:s30], $0x2000  }
0xd8: {  	s9 =	sshrl.u32 @!p0 s9, $0x3;
	[sflag:s30] =	ssyncset.done $0x0  }
0xd9: {  	s12 =	sadd.s32 @!p0 s6, s9;
	s18 =	simm.s32 @!p0 $0x0;
	[sflag:s30] =	ssyncadd.s32 $0xFFFFE000  }
0xda: {  	[tilespmem:s18], [sflag:$0x5] =	stream.linear.gather @!p0 [hbm4b:s12+s18], $0x400, $0x38;
	[tilespmem:$0x1F280] =	vst v63  }
0xdb: {  	s12 =	simm.s32 @!p0 $0x5  }
0xdc: {  	_ =	swait.ge @!p0 [sflag:s12], $0x400  }
0xdd: {  	[sflag:s12] =	ssyncset.done @!p0 $0x0  }
0xde: {  	s13 =	simm.s32 @!p0 $0x400;
	s9 =	sadd.s32 @!p0 s7, s9;
	[sflag:s12] =	ssyncadd.s32 @!p0 $0xFFFFFC00  }
0xdf: {  	[tilespmem:s13], [sflag:$0x5] =	stream.linear.gather @!p0 [hbm4b:s9+s18], $0x400, $0x38;
	[tilespmem:$0x1F280] =	vst v63  }
0xe0: {  	_ =	swait.ge @!p0 [sflag:s12], $0x400  }
0xe1: {  	[sflag:s12] =	ssyncset.done @!p0 $0x0  }
0xe2: {  	s18 =	sshll.u32 s10, $0x6;
	[sflag:s12] =	ssyncadd.s32 @!p0 $0xFFFFFC00  }
0xe3: {  	v7 =	vld [tilespmem:s18+$0x0]  }
0xe4: {  	v8 =	vld [tilespmem:s18+$0x400];
	_ =	sdelay $0x3  }
0xe5: {  	vm1 =	vlt.s32 v7, $0xC350  }
0xe6: {  	[tilespmem:$0x880] =	vst v8;
	v9 =	vnsel vm1, $0x0, v7;
	v7 =	vsub.s32 v7, v2  }
0xe7: {  	[tilespmem:$0x800] =	vst v9;
	v7 =	vmin.u32 v7, $0x6200  }
0xe8: {  	[tilespmem:$0x900] =	vst v7  }
0xe9: {  	v7 =	vld [tilespmem:s18+$0x10]  }
0xea: {  	v8 =	vld [tilespmem:s18+$0x410];
	_ =	sdelay $0x3  }
0xeb: {  	vm1 =	vlt.s32 v7, $0xC350  }
0xec: {  	[tilespmem:$0x890] =	vst v8;
	v61 =	vnsel vm1, $0x0, v7;
	v7 =	vsub.s32 v7, v2  }
0xed: {  	[tilespmem:$0x810] =	vst v61;
	v7 =	vmin.u32 v7, $0x6200  }
0xee: {  	[tilespmem:$0x910] =	vst v7  }
0xef: {  	v7 =	vld [tilespmem:s18+$0x20]  }
0xf0: {  	v8 =	vld [tilespmem:s18+$0x420];
	_ =	sdelay $0x3  }
0xf1: {  	vm1 =	vlt.s32 v7, $0xC350  }
0xf2: {  	[tilespmem:$0x8A0] =	vst v8;
	v62 =	vnsel vm1, $0x0, v7;
	v7 =	vsub.s32 v7, v2  }
0xf3: {  	[tilespmem:$0x820] =	vst v62;
	v7 =	vmin.u32 v7, $0x6200  }
0xf4: {  	[tilespmem:$0x920] =	vst v7  }
0xf5: {  	v7 =	vld [tilespmem:s18+$0x30]  }
0xf6: {  	v8 =	vld [tilespmem:s18+$0x430];
	_ =	sdelay $0x3  }
0xf7: {  	vm1 =	vlt.s32 v7, $0xC350  }
0xf8: {  	[tilespmem:$0x8B0] =	vst v8;
	v63 =	vnsel vm1, $0x0, v7;
	v7 =	vsub.s32 v7, v2  }
0xf9: {  	[tilespmem:$0x830] =	vst v63;
	v7 =	vmin.u32 v7, $0x6200  }
0xfa: {  	[tilespmem:$0x930] =	vst v7  }
0xfb: {  	[tilespmem:s16], [sflag:$0x1] =	stream.indirect.gather [hbm4b:s4+s14], $0x40, s19, s14, $0xb8;
	[tilespmem:$0x1F280] =	vst v63  }
0xfc: {  	s18 =	simm.s32 $0x0  }
0xfd: {  	[tilespmem:s21], [sflag:$0x3] =	stream.indirect.gather [hbm4b:s5+s14], $0x80, s20, s14, $0xb8;
	[tilespmem:$0x1F280] =	vst v63  }
0xfe: {  	s9 =	simm.s32 $0x49C0;
	s10 =	simm.s32 $0x100;
	v7 =	vld [tilespmem:s18+$0x1980]  }
.LBB2_9:
0xff: {  	p0 =	sne.s32 s10, $0x3F00;
	v8 =	vld [tilespmem:s9+$0xFFFFFFC0]  }
0x100: {  	v9 =	vld [tilespmem:s9+$0x0];
	_ =	sdelay $0x3  }
0x101: {  	v7 =	vadd.f32 v8, v7;
	_ =	sdelay $0x1  }
0x102: {  	v7 =	vsub.f32 $0.0e+00, v7;
	_ =	sdelay $0x1  }
0x103: {  	v7 =	vmul.f32 $1.442695020e+00, v7;
	_ =	sdelay $0x1  }
0x104: {  	(erf) = vpow2.f32 v7;
	_ =	sdelay $0x8  }
0x105: {  	v7 =	vpop (erf)  }
0x106: {  	v7 =	vadd.f32 $1.000000000e+00, v7;
	_ =	sdelay $0x1  }
0x107: {  	(erf) = vrcp.f32 v7;
	_ =	sdelay $0x8  }
0x108: {  	v7 =	vpop (erf)  }
0x109: {  	v7 =	vmul.f32 v7, v9;
	_ =	sdelay $0x1  }
0x10a: {  	[tilespmem:s18+$0x1980] =	vst v7;
	v7 =	vld [tilespmem:s18+$0x1990]  }
0x10b: {  	v8 =	vld [tilespmem:s9+$0xFFFFFFD0];
	_ =	sdelay $0x4  }
0x10c: {  	v7 =	vadd.f32 v8, v7;
	_ =	sdelay $0x1  }
0x10d: {  	v7 =	vsub.f32 $0.0e+00, v7;
	_ =	sdelay $0x1  }
0x10e: {  	v7 =	vmul.f32 $1.442695020e+00, v7;
	_ =	sdelay $0x1  }
0x10f: {  	(erf) = vpow2.f32 v7;
	_ =	sdelay $0x8  }
0x110: {  	v7 =	vpop (erf)  }
0x111: {  	v7 =	vadd.f32 $1.000000000e+00, v7;
	_ =	sdelay $0x1  }
0x112: {  	(erf) = vrcp.f32 v7;
	_ =	sdelay $0x4  }
0x113: {  	v7 =	vld [tilespmem:s9+$0x10];
	_ =	sdelay $0x3  }
0x114: {  	v8 =	vpop (erf)  }
0x115: {  	v7 =	vmul.f32 v8, v7;
	_ =	sdelay $0x1  }
0x116: {  	[tilespmem:s18+$0x1990] =	vst v7;
	v7 =	vld [tilespmem:s18+$0x19A0]  }
0x117: {  	v8 =	vld [tilespmem:s9+$0xFFFFFFE0];
	_ =	sdelay $0x4  }
0x118: {  	v7 =	vadd.f32 v8, v7;
	_ =	sdelay $0x1  }
0x119: {  	v7 =	vsub.f32 $0.0e+00, v7;
	_ =	sdelay $0x1  }
0x11a: {  	v7 =	vmul.f32 $1.442695020e+00, v7;
	_ =	sdelay $0x1  }
0x11b: {  	(erf) = vpow2.f32 v7;
	_ =	sdelay $0x8  }
0x11c: {  	v7 =	vpop (erf)  }
0x11d: {  	v7 =	vadd.f32 $1.000000000e+00, v7;
	_ =	sdelay $0x1  }
0x11e: {  	(erf) = vrcp.f32 v7;
	_ =	sdelay $0x4  }
0x11f: {  	v7 =	vld [tilespmem:s9+$0x20];
	_ =	sdelay $0x3  }
0x120: {  	v8 =	vpop (erf)  }
0x121: {  	v7 =	vmul.f32 v8, v7;
	_ =	sdelay $0x1  }
0x122: {  	[tilespmem:s18+$0x19A0] =	vst v7;
	v7 =	vld [tilespmem:s18+$0x19B0]  }
0x123: {  	v8 =	vld [tilespmem:s9+$0xFFFFFFF0]  }
0x124: {  	v9 =	vld [tilespmem:s9+$0x30];
	_ =	sdelay $0x3  }
0x125: {  	v7 =	vadd.f32 v8, v7;
	_ =	sdelay $0x1  }
0x126: {  	v7 =	vsub.f32 $0.0e+00, v7;
	_ =	sdelay $0x1  }
0x127: {  	v7 =	vmul.f32 $1.442695020e+00, v7;
	_ =	sdelay $0x1  }
0x128: {  	(erf) = vpow2.f32 v7;
	_ =	sdelay $0x8  }
0x129: {  	v7 =	vpop (erf)  }
0x12a: {  	v7 =	vadd.f32 $1.000000000e+00, v7;
	_ =	sdelay $0x1  }
0x12b: {  	(erf) = vrcp.f32 v7;
	_ =	sdelay $0x7  }
.Ltmp3:
0x12c: {  	(pc) =	sbr.rel @p0 .LBB2_9-.Ltmp3, $4  }
0x12d: {  	v7 =	vpop (erf)  }
0x12e: {  	v8 =	vmul.f32 v7, v9  }
0x12f: {  	s12 =	sshra.s32 s10, $0x2  }
0x130: {  	s10 =	sadd.s32 $0x100, s10;
	s9 =	sadd.s32 $0x80, s9;
	v7 =	vld [tilespmem:s12+$0x1980];
	[tilespmem:s18+$0x19B0] =	vst v8;
	s18 =	smov.u32 s12  }
0x131: {  	v8 =	vld [tilespmem:s9+$0xFFFFFFC0];
	_ =	sdelay $0x4  }
0x132: {  	v7 =	vadd.f32 v8, v7;
	_ =	sdelay $0x1  }
0x133: {  	v7 =	vsub.f32 $0.0e+00, v7;
	_ =	sdelay $0x1  }
0x134: {  	v7 =	vmul.f32 $1.442695020e+00, v7;
	_ =	sdelay $0x1  }
0x135: {  	(erf) = vpow2.f32 v7;
	_ =	sdelay $0x8  }
0x136: {  	v7 =	vpop (erf)  }
0x137: {  	v7 =	vadd.f32 $1.000000000e+00, v7;
	_ =	sdelay $0x1  }
0x138: {  	(erf) = vrcp.f32 v7;
	_ =	sdelay $0x4  }
0x139: {  	v7 =	vld [tilespmem:s9+$0x0];
	_ =	sdelay $0x3  }
0x13a: {  	v8 =	vpop (erf)  }
0x13b: {  	v7 =	vmul.f32 v8, v7;
	_ =	sdelay $0x1  }
0x13c: {  	[tilespmem:s18+$0x1980] =	vst v7;
	v7 =	vld [tilespmem:s18+$0x1990]  }
0x13d: {  	v8 =	vld [tilespmem:s9+$0xFFFFFFD0];
	_ =	sdelay $0x4  }
0x13e: {  	v7 =	vadd.f32 v8, v7;
	_ =	sdelay $0x1  }
0x13f: {  	v7 =	vsub.f32 $0.0e+00, v7;
	_ =	sdelay $0x1  }
0x140: {  	v7 =	vmul.f32 $1.442695020e+00, v7;
	_ =	sdelay $0x1  }
0x141: {  	(erf) = vpow2.f32 v7;
	_ =	sdelay $0x8  }
0x142: {  	v7 =	vpop (erf)  }
0x143: {  	v7 =	vadd.f32 $1.000000000e+00, v7;
	_ =	sdelay $0x1  }
0x144: {  	(erf) = vrcp.f32 v7;
	_ =	sdelay $0x4  }
0x145: {  	v7 =	vld [tilespmem:s9+$0x10];
	_ =	sdelay $0x3  }
0x146: {  	v8 =	vpop (erf)  }
0x147: {  	v7 =	vmul.f32 v8, v7;
	_ =	sdelay $0x1  }
0x148: {  	[tilespmem:s18+$0x1990] =	vst v7;
	v7 =	vld [tilespmem:s18+$0x19A0]  }
0x149: {  	v8 =	vld [tilespmem:s9+$0xFFFFFFE0];
	_ =	sdelay $0x4  }
0x14a: {  	v7 =	vadd.f32 v8, v7;
	_ =	sdelay $0x1  }
0x14b: {  	v7 =	vsub.f32 $0.0e+00, v7;
	_ =	sdelay $0x1  }
0x14c: {  	v7 =	vmul.f32 $1.442695020e+00, v7;
	_ =	sdelay $0x1  }
0x14d: {  	(erf) = vpow2.f32 v7;
	_ =	sdelay $0x8  }
0x14e: {  	v7 =	vpop (erf)  }
0x14f: {  	v7 =	vadd.f32 $1.000000000e+00, v7;
	_ =	sdelay $0x1  }
0x150: {  	(erf) = vrcp.f32 v7;
	_ =	sdelay $0x4  }
0x151: {  	v7 =	vld [tilespmem:s9+$0x20];
	_ =	sdelay $0x3  }
0x152: {  	v8 =	vpop (erf)  }
0x153: {  	v7 =	vmul.f32 v8, v7;
	_ =	sdelay $0x1  }
0x154: {  	[tilespmem:s18+$0x19A0] =	vst v7;
	v7 =	vld [tilespmem:s18+$0x19B0]  }
0x155: {  	v8 =	vld [tilespmem:s9+$0xFFFFFFF0];
	_ =	sdelay $0x4  }
0x156: {  	v7 =	vadd.f32 v8, v7;
	_ =	sdelay $0x1  }
0x157: {  	v7 =	vsub.f32 $0.0e+00, v7;
	_ =	sdelay $0x1  }
0x158: {  	v7 =	vmul.f32 $1.442695020e+00, v7;
	_ =	sdelay $0x1  }
0x159: {  	(erf) = vpow2.f32 v7;
	_ =	sdelay $0x8  }
0x15a: {  	v7 =	vpop (erf)  }
0x15b: {  	v7 =	vadd.f32 $1.000000000e+00, v7;
	_ =	sdelay $0x1  }
0x15c: {  	(erf) = vrcp.f32 v7;
	_ =	sdelay $0x4  }
0x15d: {  	v7 =	vld [tilespmem:s9+$0x30];
	_ =	sdelay $0x3  }
0x15e: {  	v8 =	vpop (erf)  }
0x15f: {  	s3 =	sadd.s32 $0x1, s3;
	v7 =	vmul.f32 v8, v7  }
0x160: {  	p0 =	sne.s32 s3, $0x188  }
.Ltmp4:
0x161: {  	[tilespmem:s18+$0x19B0] =	vst v7;
	(pc) =	sbr.rel @p0 .LBB2_6-.Ltmp4, $4  }
0x162: {  	[spmem:s1] =	stream.indirect.scatter.add.f32 [tilespmem:s25], [sflag:$0x5], $0x40, s31, s14, $0xb8;
	[tilespmem:$0x1F280] =	vst v63  }
0x163: {  	_ =	swait.ge [sflag:s17], $0x1000  }
0x164: {  	[sflag:s17] =	ssyncset.done $0x0  }
0x165: {  	[sflag:s17] =	ssyncadd.s32 $0xFFFFF000  }
0x166: {  	_ =	swait.ge [sflag:s22], $0x1000  }
0x167: {  	[sflag:s22] =	ssyncset.done $0x0  }
0x168: {  	[sflag:s22] =	ssyncadd.s32 $0xFFFFF000  }
0x169: {  	_ =	swait.ge [sflag:s23], $0x2000  }
0x16a: {  	[sflag:s23] =	ssyncset.done $0x0  }
0x16b: {  	s3 =	sadd.s32 $0x0, s11;
	[sflag:s23] =	ssyncadd.s32 $0xFFFFE000  }
0x16c: {  	v7 =	vadd.s32 s3, v1;
	[bflag:$0x0] =	sbarrier.arrive $0xFFFF  }
0x16d: {  	v8 =	vadd.s32 s3, v4;
	v9 =	vadd.s32 s3, v6;
	[tilespmem:$0x900] =	vst v7  }
0x16e: {  	v7 =	vnsel vm0, $0x6200, v9;
	[tilespmem:$0x910] =	vst v8  }
0x16f: {  	v8 =	vadd.s32 s3, v5;
	[tilespmem:$0x930] =	vst v7  }
0x170: {  	[tilespmem:$0x920] =	vst v8  }
0x171: {  	[tilespmem:s16], [sflag:$0x1] =	stream.indirect.gather [spmem:s1], $0x40, s15, s14, $0xb8;
	[tilespmem:$0x1F280] =	vst v63  }
0x172: {  	_ =	swait.ge [sflag:s22], $0x1000  }
0x173: {  	[sflag:s22] =	ssyncset.done $0x0  }
0x174: {  	s3 =	simm.s32 $0x38;
	s9 =	rddreg [dreg:$0x6];
	[sflag:s22] =	ssyncadd.s32 $0xFFFFF000  }
0x175: {  	[hbm4b:s9+s2] =	stream.linear.scatter [tilespmem:s16], [sflag:$0x5], $0xE00, $0x38;
	[tilespmem:$0x1F280] =	vst v63  }
.LBB2_12:
0x176: {  	p0 =	sne.s32 s3, $0x5E8;
	_ =	swait.ge [sflag:s17], $0xE00;
	s9 =	sadd.s32 $0x1C0, s9  }
0x177: {  	s10 =	sadd.s32 s3, s11;
	s3 =	sadd.s32 $0x38, s3;
	[sflag:s17] =	ssyncset.done $0x0  }
0x178: {  	v7 =	vadd.s32 s10, v1;
	v8 =	vadd.s32 s10, v4;
	v9 =	vadd.s32 s10, v6;
	[sflag:s17] =	ssyncadd.s32 $0xFFFFF200  }
0x179: {  	v9 =	vnsel vm0, $0x6200, v9;
	[tilespmem:$0x900] =	vst v7;
	v7 =	vadd.s32 s10, v5  }
0x17a: {  	[tilespmem:$0x910] =	vst v8  }
0x17b: {  	[tilespmem:$0x930] =	vst v9  }
0x17c: {  	[tilespmem:$0x920] =	vst v7  }
0x17d: {  	[tilespmem:s16], [sflag:$0x1] =	stream.indirect.gather [spmem:s1], $0x40, s15, s14, $0xb8;
	[tilespmem:$0x1F280] =	vst v63  }
.Ltmp5:
0x17e: {  	_ = 	snop;
	(pc) =	sbr.rel @p0 .LBB2_12-.Ltmp5, $4  }
0x17f: {  	_ =	swait.ge [sflag:s22], $0x1000  }
0x180: {  	[sflag:s22] =	ssyncset.done $0x0  }
0x181: {  	[sflag:s22] =	ssyncadd.s32 $0xFFFFF000  }
0x182: {  	[hbm4b:s9+s2] =	stream.linear.scatter [tilespmem:s16], [sflag:$0x5], $0xE00, $0x38;
	[tilespmem:$0x1F280] =	vst v63  }
0x183: {  	_ =	swait.ge [sflag:s17], $0xE00  }
0x184: {  	s0 =	sadd.s32 $0x1, s0;
	s3 =	rddreg [dreg:$0x5]  }
0x185: {  	p0 =	sne.s32 s0, s3  }
.Ltmp6:
0x186: {  	_ = 	snop;
	(pc) =	sbr.rel @p0 .LBB2_1-.Ltmp6, $3  }
0x187: {  	_ =	sdelay $0x1  }
0x188: {  	[sflag:s17] =	ssyncset.done $0x0  }
0x189: {  	[sflag:s17] =	ssyncadd.s32 $0xFFFFF200  }
0x18a: {  	_ =	sfence.sel $0x180000  }
0x18b: {  	[bflag:$0x0] =	sbarrier.arrive $0xFFFF  }
0x18c: {  	_ =	strace $0x90000050  }
0x18d: {  	s0 =	stileid.u32;
	[bflag:$0x2] =	sbarrier.arrive $0xFFFF  }
0x18e: {  	p0 =	sne.s32 s0, $0x0;
	s0 =	rddreg [dreg:$0x2]  }
0x18f: {  	s0 =	sadd.s32 @!p0 $0x100000, s0  }
0x190: {  	[sflag:s0] =	ssyncadd.tile.s32 @!p0 $0x1;
	_ =	shalt  }
.Lfunc_end2:
_tile_overlayer_lowered:
.L_overlay_start_2:
0x191: {  	(tag) =	ssettag $0x2  }
0x192: {  	s0 =	rddreg [dreg:$0x0];
	s2 =	stileid.u32  }
0x193: {  	s1 =	rddreg [dreg:$0x1];
	p0 =	sne.s32 s2, $0x0  }
0x194: {  	s3 =	rddreg [dreg:$0x2];
	[bflag:$0x3] =	sbarrier.arrive $0xFFFF;
	s2 =	simm.s32 @!p0 $0x1C05  }
0x195: {  	[timem:s3], [sflag:s2] =	dma.local @!p0 [hbm:s0], s1  }
0x196: {  	s0 =	simm.s32 @!p0 $0x5  }
0x197: {  	_ =	swait.ge @!p0 [sflag:s0], s1  }
0x198: {  	s1 =	ssub.s32 @!p0 $0x0, s1;
	[sflag:s0] =	ssyncset.done @!p0 $0x0  }
0x199: {  	[sflag:s0] =	ssyncadd.s32 @!p0 s1  }
0x19a: {  	[bflag:$0x3] =	sbarrier.arrive $0xFFFF  }
0x19b: {  	_ =	shalt  }

</sc_bundles>
